<compile_context>
chip_gen: v7x
topology: tpu7x:2x2x1
jax: 0.10.2.dev20260603
libtpu: 0.0.44.dev20260713+nightly
codegen_flags: <defaults>
</compile_context>

<pallas_src>
import jax
import jax.numpy as jnp
from jax import lax
from jax.experimental import pallas as pl
from jax.experimental.pallas import tpu as pltpu
from jax.experimental.pallas import tpu_sc as plsc

NC = 2
NS = 16
L = 16
NW = NC * NS

BATCH = 16384
D = 32

BPW = BATCH // NW
CID = 2
NCHUNK = BPW // CID
WROW = 128


def _gmf_body(x_hbm, user_hbm, item_hbm, fcw_hbm, out_hbm,
              xs, xsh, uwin, iwin, wv, trans, res, sem0, sem1, sem2, sem3, sem4, sem5):
    wid = lax.axis_index("s") * NC + lax.axis_index("c")
    base = wid * BPW

    sid = lax.axis_index("s")
    pltpu.sync_copy(x_hbm.at[pl.ds(base * 2, BPW * 2)], xsh.at[sid])
    pltpu.sync_copy(xsh.at[sid], xs.at[pl.ds(0, BPW * 2)])
    pltpu.sync_copy(fcw_hbm.at[0], wv)

    lane = lax.iota(jnp.int32, L)
    lane17 = lane * 17
    w0 = wv[pl.ds(0, L)]
    w1 = wv[pl.ds(L, L)]

    def fire(c, buf, sem):
        for k in range(CID):
            uid = xs[(c * CID + k) * 2]
            iid = xs[(c * CID + k) * 2 + 1]
            uoff = pl.multiple_of((uid >> 7) << 7, 128)
            ioff = pl.multiple_of((iid >> 7) << 7, 128)
            row = (buf * CID + k) * D
            pltpu.async_copy(
                user_hbm.at[:, pl.ds(uoff, 128)],
                uwin.at[pl.ds(row, D), pl.ds(0, 128)], sem)
            pltpu.async_copy(
                item_hbm.at[:, pl.ds(ioff, 128)],
                iwin.at[pl.ds(row, D), pl.ds(0, 128)], sem)

    def drain(sem):
        for k in range(CID):
            pltpu.make_async_copy(
                user_hbm.at[:, pl.ds(0, 128)],
                uwin.at[pl.ds(k * D, D), pl.ds(0, 128)], sem).wait()
            pltpu.make_async_copy(
                item_hbm.at[:, pl.ds(0, 128)],
                iwin.at[pl.ds(k * D, D), pl.ds(0, 128)], sem).wait()

    def compute(c, buf):
        for k in range(CID):
            ul = xs[(c * CID + k) * 2] & 127
            il = xs[(c * CID + k) * 2 + 1] & 127
            rows0 = (buf * CID + k) * D + lane
            rows1 = rows0 + L
            u0 = plsc.load_gather(uwin, [rows0, lane * 0 + ul])
            u1 = plsc.load_gather(uwin, [rows1, lane * 0 + ul])
            i0 = plsc.load_gather(iwin, [rows0, lane * 0 + il])
            i1 = plsc.load_gather(iwin, [rows1, lane * 0 + il])
            s = u0 * i0 * w0 + u1 * i1 * w1
            trans[pl.ds(((c & 7) * CID + k) * 17, L)] = s

        @pl.when((c & 7) == 7)
        def _():
            acc = plsc.load_gather(trans, [lane17])
            for d in range(1, L):
                acc = acc + plsc.load_gather(trans, [lane17 + d])
            res[pl.ds((c >> 3) * L, L)] = 1.0 / (1.0 + jnp.exp(-acc))

    sems = (sem0, sem1, sem2, sem3, sem4, sem5)
    for m in range(5):
        fire(m, m, sems[m])

    def sextet(t, carry):
        c = 6 * t
        for j in range(6):
            fire(c + 5 + j, (5 + j) % 6, sems[(5 + j) % 6])
            drain(sems[j])
            compute(c + j, j)
        return carry

    nloop = (NCHUNK - 10) // 6
    lax.fori_loop(0, nloop, sextet, 0)
    cbase = nloop * 6
    for m in range(cbase, NCHUNK):
        if m + 5 < NCHUNK:
            fire(m + 5, (m + 5) % 6, sems[(m + 5) % 6])
        drain(sems[m % 6])
        compute(m, m % 6)

    pltpu.sync_copy(res, out_hbm.at[pl.ds(base, BPW)])


@jax.jit
def _gmf(x, user_t, item_t, fc_w):
    mesh = plsc.VectorSubcoreMesh(
        core_axis_name="c", subcore_axis_name="s", num_cores=NC, num_subcores=NS)
    fn = pl.kernel(
        _gmf_body,
        out_type=jax.ShapeDtypeStruct((BATCH,), jnp.float32),
        mesh=mesh,
        compiler_params=pltpu.CompilerParams(
            needs_layout_passes=False, use_tc_tiling_on_sc=True),
        scratch_types=[
            pltpu.SMEM((BPW * 2 + 2 * CID,), jnp.int32),
            pltpu.VMEM_SHARED((NS, BPW * 2), jnp.int32),
            pltpu.VMEM((6 * CID * D, WROW), jnp.float32),
            pltpu.VMEM((6 * CID * D, WROW), jnp.float32),
            pltpu.VMEM((D,), jnp.float32),
            pltpu.VMEM((L * 17,), jnp.float32),
            pltpu.VMEM((BPW,), jnp.float32),
            pltpu.SemaphoreType.DMA,
            pltpu.SemaphoreType.DMA,
            pltpu.SemaphoreType.DMA,
            pltpu.SemaphoreType.DMA,
            pltpu.SemaphoreType.DMA,
            pltpu.SemaphoreType.DMA,
        ],
    )
    return fn(x.reshape(BATCH * 2), user_t, item_t, fc_w)


def kernel(x, user_table, item_table, fc_w):
    out = _gmf(x, user_table.T, item_table.T, fc_w)
    return out.reshape(BATCH, 1)

# --- scband reference (transcript-rebuilt; emitter-appended) ---
"""Pipeline reference for scband-gmfmodel-52982716563513 (READ-ONLY COPY).

The authoritative reference and input builder live on the scoring server;
editing this copy changes nothing except your own understanding.
"""

import jax, jax.numpy as jnp
import numpy as np

N_USERS = 1000000
N_ITEMS = 1000000
EMBED_DIM = 32
BATCH = 16384


def setup_inputs(seed: int = 0) -> dict:
    key = jax.random.key(seed)
    k1, k2, k3, k4 = jax.random.split(key, 4)
    x = jax.random.randint(k1, (BATCH, 2), 0, N_USERS, dtype=jnp.int64 if jax.config.jax_enable_x64 else jnp.int32).astype(jnp.int32)
    user_table = jax.random.normal(k2, (N_USERS, EMBED_DIM), dtype=jnp.float32)
    item_table = jax.random.normal(k3, (N_ITEMS, EMBED_DIM), dtype=jnp.float32)
    # nn.Linear(embedding_dim, 1, bias=False): weight shape [1, embedding_dim]
    fc_w = jax.random.uniform(k4, (1, EMBED_DIM), dtype=jnp.float32, minval=-1.0 / np.sqrt(EMBED_DIM), maxval=1.0 / np.sqrt(EMBED_DIM))
    return {"x": x, "user_table": user_table, "item_table": item_table, "fc_w": fc_w}


def reference(x, user_table, item_table, fc_w):
    user_ids = x[:, 0]
    item_ids = x[:, 1]
    user_embedding = jnp.take(user_table, user_ids, axis=0)
    item_embedding = jnp.take(item_table, item_ids, axis=0)
    out = (user_embedding * item_embedding) @ fc_w.T
    out = jax.nn.sigmoid(out)
    return out

if __name__ == "__main__":
    import jax
    _d = setup_inputs()
    print(jax.jit(kernel)(*tuple(_d.values())))

</pallas_src>

<mosaic_0001>
#map = affine_map<(d0, d1) -> (0)>
#map1 = affine_map<(d0, d1) -> (0, 0)>
module attributes {stable_mosaic.version = 14 : i64} {
  func.func @_gmf_body(%arg0: i32, %arg1: i32, %arg2: memref<32768xi32, #tpu.memory_space<hbm>>, %arg3: memref<32x1000000xf32, #tpu.memory_space<hbm>>, %arg4: memref<32x1000000xf32, #tpu.memory_space<hbm>>, %arg5: memref<1x32xf32, #tpu.memory_space<hbm>>, %arg6: memref<16384xf32, #tpu.memory_space<hbm>>, %arg7: memref<1028xi32, #tpu.memory_space<smem>>, %arg8: memref<16x1024xi32, #tpu.memory_space<vmem_shared>>, %arg9: memref<384x128xf32, #tpu.memory_space<vmem>>, %arg10: memref<384x128xf32, #tpu.memory_space<vmem>>, %arg11: memref<32xf32, #tpu.memory_space<vmem>>, %arg12: memref<272xf32, #tpu.memory_space<vmem>>, %arg13: memref<512xf32, #tpu.memory_space<vmem>>, %arg14: memref<!tpu.dma_semaphore, #tpu.memory_space<semaphore_mem>>, %arg15: memref<!tpu.dma_semaphore, #tpu.memory_space<semaphore_mem>>, %arg16: memref<!tpu.dma_semaphore, #tpu.memory_space<semaphore_mem>>, %arg17: memref<!tpu.dma_semaphore, #tpu.memory_space<semaphore_mem>>, %arg18: memref<!tpu.dma_semaphore, #tpu.memory_space<semaphore_mem>>, %arg19: memref<!tpu.dma_semaphore, #tpu.memory_space<semaphore_mem>>) attributes {dimension_semantics = [#tpu.dimension_semantics<core_parallel>, #tpu.dimension_semantics<subcore_parallel>], iteration_bounds = array<i64: 2, 16>, scalar_prefetch = 0 : i64, scratch_operands = 13 : i64, tpu.core_type = #tpu.core_type<sc_vector_subcore>, window_params = [{transform_indices = #map}, {transform_indices = #map1}, {transform_indices = #map1}, {transform_indices = #map1}, {transform_indices = #map}]} {
    %mul3A = arith.constant 2 : i32
    %mul3A_0 = arith.muli %arg1, %mul3A : i32
    %add3A = arith.addi %mul3A_0, %arg0 : i32
    %mul3A_1 = arith.constant 512 : i32
    %mul3A_2 = arith.muli %add3A, %mul3A_1 : i32
    %mul3A_3 = arith.constant 2 : i32
    %mul3A_4 = arith.muli %mul3A_2, %mul3A_3 : i32
    "tpu.region"() ({
      %run_scoped3A_2321 = tpu.sem_alloc : memref<!tpu.dma_semaphore, #tpu.memory_space<semaphore_mem>>
      %dma_start3A_2322 = arith.constant 0 : i32
      %dma_start3A_2323 = tpu.memref_slice %arg8[%arg1, %dma_start3A_2322] : memref<16x1024xi32, #tpu.memory_space<vmem_shared>> -> memref<1x1024xi32, #tpu.memory_space<vmem_shared>>
      %dma_start3A_2324 = tpu.memref_squeeze %dma_start3A_2323 : memref<1x1024xi32, #tpu.memory_space<vmem_shared>> -> memref<1024xi32, #tpu.memory_space<vmem_shared>>
      %dma_start3A_2325 = tpu.memref_slice %arg2[%mul3A_4] : memref<32768xi32, #tpu.memory_space<hbm>> -> memref<1024xi32, #tpu.memory_space<hbm>>
      tpu.enqueue_dma source(%dma_start3A_2325 : memref<1024xi32, #tpu.memory_space<hbm>>) target(%dma_start3A_2324 : memref<1024xi32, #tpu.memory_space<vmem_shared>>) target_semaphore(%run_scoped3A_2321 : memref<!tpu.dma_semaphore, #tpu.memory_space<semaphore_mem>>)
      %dma_wait3A_2326 = arith.constant 0 : i32
      %dma_wait3A_2327 = tpu.memref_slice %arg8[%arg1, %dma_wait3A_2326] : memref<16x1024xi32, #tpu.memory_space<vmem_shared>> -> memref<1x1024xi32, #tpu.memory_space<vmem_shared>>
      %dma_wait3A_2328 = tpu.memref_squeeze %dma_wait3A_2327 : memref<1x1024xi32, #tpu.memory_space<vmem_shared>> -> memref<1024xi32, #tpu.memory_space<vmem_shared>>
      %dma_wait3A_2329 = tpu.memref_slice %arg2[%mul3A_4] : memref<32768xi32, #tpu.memory_space<hbm>> -> memref<1024xi32, #tpu.memory_space<hbm>>
      tpu.wait_dma2 semaphore(%run_scoped3A_2321 : memref<!tpu.dma_semaphore, #tpu.memory_space<semaphore_mem>>) src(%dma_wait3A_2329 : memref<1024xi32, #tpu.memory_space<hbm>>) dst(%dma_wait3A_2328 : memref<1024xi32, #tpu.memory_space<vmem_shared>>)
      tpu.yield
    }) : () -> ()
    "tpu.region"() ({
      %run_scoped3A_2321 = tpu.sem_alloc : memref<!tpu.dma_semaphore, #tpu.memory_space<semaphore_mem>>
      %dma_start3A_2322 = arith.constant 0 : i32
      %dma_start3A_2323 = tpu.memref_slice %arg7[%dma_start3A_2322] : memref<1028xi32, #tpu.memory_space<smem>> -> memref<1024xi32, #tpu.memory_space<smem>>
      %dma_start3A_2324 = arith.constant 0 : i32
      %dma_start3A_2325 = tpu.memref_slice %arg8[%arg1, %dma_start3A_2324] : memref<16x1024xi32, #tpu.memory_space<vmem_shared>> -> memref<1x1024xi32, #tpu.memory_space<vmem_shared>>
      %dma_start3A_2326 = tpu.memref_squeeze %dma_start3A_2325 : memref<1x1024xi32, #tpu.memory_space<vmem_shared>> -> memref<1024xi32, #tpu.memory_space<vmem_shared>>
      tpu.enqueue_dma source(%dma_start3A_2326 : memref<1024xi32, #tpu.memory_space<vmem_shared>>) target(%dma_start3A_2323 : memref<1024xi32, #tpu.memory_space<smem>>) target_semaphore(%run_scoped3A_2321 : memref<!tpu.dma_semaphore, #tpu.memory_space<semaphore_mem>>)
      %dma_wait3A_2327 = arith.constant 0 : i32
      %dma_wait3A_2328 = tpu.memref_slice %arg7[%dma_wait3A_2327] : memref<1028xi32, #tpu.memory_space<smem>> -> memref<1024xi32, #tpu.memory_space<smem>>
      %dma_wait3A_2329 = arith.constant 0 : i32
      %dma_wait3A_2330 = tpu.memref_slice %arg8[%arg1, %dma_wait3A_2329] : memref<16x1024xi32, #tpu.memory_space<vmem_shared>> -> memref<1x1024xi32, #tpu.memory_space<vmem_shared>>
      %dma_wait3A_2331 = tpu.memref_squeeze %dma_wait3A_2330 : memref<1x1024xi32, #tpu.memory_space<vmem_shared>> -> memref<1024xi32, #tpu.memory_space<vmem_shared>>
      tpu.wait_dma2 semaphore(%run_scoped3A_2321 : memref<!tpu.dma_semaphore, #tpu.memory_space<semaphore_mem>>) src(%dma_wait3A_2331 : memref<1024xi32, #tpu.memory_space<vmem_shared>>) dst(%dma_wait3A_2328 : memref<1024xi32, #tpu.memory_space<smem>>)
      tpu.yield
    }) : () -> ()
    %run_scoped3A = arith.constant 0 : i32
    "tpu.region"() ({
      %run_scoped3A_2321 = tpu.sem_alloc : memref<!tpu.dma_semaphore, #tpu.memory_space<semaphore_mem>>
      %dma_start3A_2322 = arith.constant 0 : i32
      %dma_start3A_2323 = tpu.memref_slice %arg5[%run_scoped3A, %dma_start3A_2322] : memref<1x32xf32, #tpu.memory_space<hbm>> -> memref<1x32xf32, #tpu.memory_space<hbm>>
      %dma_start3A_2324 = tpu.memref_squeeze %dma_start3A_2323 : memref<1x32xf32, #tpu.memory_space<hbm>> -> memref<32xf32, #tpu.memory_space<hbm>>
      %dma_start3A_2325 = arith.constant 0 : i32
      %dma_start3A_2326 = tpu.memref_slice %arg5[%run_scoped3A, %dma_start3A_2325] : memref<1x32xf32, #tpu.memory_space<hbm>> -> memref<1x32xf32, #tpu.memory_space<hbm>>
      %dma_start3A_2327 = tpu.memref_squeeze %dma_start3A_2326 : memref<1x32xf32, #tpu.memory_space<hbm>> -> memref<32xf32, #tpu.memory_space<hbm>>
      tpu.enqueue_dma source(%dma_start3A_2327 : memref<32xf32, #tpu.memory_space<hbm>>) target(%arg11 : memref<32xf32, #tpu.memory_space<vmem>>) target_semaphore(%run_scoped3A_2321 : memref<!tpu.dma_semaphore, #tpu.memory_space<semaphore_mem>>)
      %dma_wait3A_2328 = arith.constant 0 : i32
      %dma_wait3A_2329 = tpu.memref_slice %arg5[%run_scoped3A, %dma_wait3A_2328] : memref<1x32xf32, #tpu.memory_space<hbm>> -> memref<1x32xf32, #tpu.memory_space<hbm>>
      %dma_wait3A_2330 = tpu.memref_squeeze %dma_wait3A_2329 : memref<1x32xf32, #tpu.memory_space<hbm>> -> memref<32xf32, #tpu.memory_space<hbm>>
      %dma_wait3A_2331 = arith.constant 0 : i32
      %dma_wait3A_2332 = tpu.memref_slice %arg5[%run_scoped3A, %dma_wait3A_2331] : memref<1x32xf32, #tpu.memory_space<hbm>> -> memref<1x32xf32, #tpu.memory_space<hbm>>
      %dma_wait3A_2333 = tpu.memref_squeeze %dma_wait3A_2332 : memref<1x32xf32, #tpu.memory_space<hbm>> -> memref<32xf32, #tpu.memory_space<hbm>>
      tpu.wait_dma2 semaphore(%run_scoped3A_2321 : memref<!tpu.dma_semaphore, #tpu.memory_space<semaphore_mem>>) src(%dma_wait3A_2333 : memref<32xf32, #tpu.memory_space<hbm>>) dst(%arg11 : memref<32xf32, #tpu.memory_space<vmem>>)
      tpu.yield
    }) : () -> ()
    %iota3A = tpu.iota {dimensions = array<i32: 0>} : vector<16xi32>
    %mul3A_5 = arith.constant 17 : i32
    %mul3A_6 = vector.broadcast %mul3A_5 : i32 to vector<16xi32>
    %mul3A_7 = arith.muli %iota3A, %mul3A_6 : vector<16xi32>
    %get3A = arith.constant 0 : index
    %get3A_8 = tpu.vector_load %arg11[%get3A] {strides = array<i32>} : memref<32xf32, #tpu.memory_space<vmem>>, vector<16xf32>,
    %get3A_9 = arith.constant 16 : index
    %get3A_10 = tpu.vector_load %arg11[%get3A_9] {strides = array<i32>} : memref<32xf32, #tpu.memory_space<vmem>>, vector<16xf32>,
    %get3A_11 = arith.constant 0 : i32
    %get3A_12 = arith.index_cast %get3A_11 : i32 to index
    %get3A_13 = memref.load %arg7[%get3A_12] : memref<1028xi32, #tpu.memory_space<smem>>
    %get3A_14 = arith.constant 1 : i32
    %get3A_15 = arith.index_cast %get3A_14 : i32 to index
    %get3A_16 = memref.load %arg7[%get3A_15] : memref<1028xi32, #tpu.memory_space<smem>>
    %shift_right_arithmetic3A = arith.constant 7 : i32
    %shift_right_arithmetic3A_17 = arith.shrsi %get3A_13, %shift_right_arithmetic3A : i32
    %shift_left3A = arith.constant 7 : i32
    %shift_left3A_18 = arith.shli %shift_right_arithmetic3A_17, %shift_left3A : i32
    %multiple_of3A = tpu.assume_multiple %shift_left3A_18, 128 : i32
    %shift_right_arithmetic3A_19 = arith.constant 7 : i32
    %shift_right_arithmetic3A_20 = arith.shrsi %get3A_16, %shift_right_arithmetic3A_19 : i32
    %shift_left3A_21 = arith.constant 7 : i32
    %shift_left3A_22 = arith.shli %shift_right_arithmetic3A_20, %shift_left3A_21 : i32
    %multiple_of3A_23 = tpu.assume_multiple %shift_left3A_22, 128 : i32
    %dma_start3A = arith.constant 0 : i32
    %dma_start3A_24 = arith.constant 0 : i32
    %dma_start3A_25 = tpu.memref_slice %arg9[%dma_start3A, %dma_start3A_24] : memref<384x128xf32, #tpu.memory_space<vmem>> -> memref<32x128xf32, #tpu.memory_space<vmem>>
    %dma_start3A_26 = arith.constant 0 : i32
    %dma_start3A_27 = tpu.memref_slice %arg3[%dma_start3A_26, %multiple_of3A] : memref<32x1000000xf32, #tpu.memory_space<hbm>> -> memref<32x128xf32, #tpu.memory_space<hbm>>
    %dma_start3A_28 = arith.constant 0 : i32
    %dma_start3A_29 = arith.constant 0 : i32
    %dma_start3A_30 = tpu.memref_slice %arg9[%dma_start3A_28, %dma_start3A_29] : memref<384x128xf32, #tpu.memory_space<vmem>> -> memref<32x128xf32, #tpu.memory_space<vmem>>
    %dma_start3A_31 = arith.constant 0 : i32
    %dma_start3A_32 = tpu.memref_slice %arg3[%dma_start3A_31, %multiple_of3A] : memref<32x1000000xf32, #tpu.memory_space<hbm>> -> memref<32x128xf32, #tpu.memory_space<hbm>>
    tpu.enqueue_dma source(%dma_start3A_32 : memref<32x128xf32, #tpu.memory_space<hbm>>) target(%dma_start3A_30 : memref<32x128xf32, #tpu.memory_space<vmem>>) target_semaphore(%arg14 : memref<!tpu.dma_semaphore, #tpu.memory_space<semaphore_mem>>)
    %dma_start3A_33 = arith.constant 0 : i32
    %dma_start3A_34 = arith.constant 0 : i32
    %dma_start3A_35 = tpu.memref_slice %arg10[%dma_start3A_33, %dma_start3A_34] : memref<384x128xf32, #tpu.memory_space<vmem>> -> memref<32x128xf32, #tpu.memory_space<vmem>>
    %dma_start3A_36 = arith.constant 0 : i32
    %dma_start3A_37 = tpu.memref_slice %arg4[%dma_start3A_36, %multiple_of3A_23] : memref<32x1000000xf32, #tpu.memory_space<hbm>> -> memref<32x128xf32, #tpu.memory_space<hbm>>
    %dma_start3A_38 = arith.constant 0 : i32
    %dma_start3A_39 = arith.constant 0 : i32
    %dma_start3A_40 = tpu.memref_slice %arg10[%dma_start3A_38, %dma_start3A_39] : memref<384x128xf32, #tpu.memory_space<vmem>> -> memref<32x128xf32, #tpu.memory_space<vmem>>
    %dma_start3A_41 = arith.constant 0 : i32
    %dma_start3A_42 = tpu.memref_slice %arg4[%dma_start3A_41, %multiple_of3A_23] : memref<32x1000000xf32, #tpu.memory_space<hbm>> -> memref<32x128xf32, #tpu.memory_space<hbm>>
    tpu.enqueue_dma source(%dma_start3A_42 : memref<32x128xf32, #tpu.memory_space<hbm>>) target(%dma_start3A_40 : memref<32x128xf32, #tpu.memory_space<vmem>>) target_semaphore(%arg14 : memref<!tpu.dma_semaphore, #tpu.memory_space<semaphore_mem>>)
    %get3A_43 = arith.constant 2 : i32
    %get3A_44 = arith.index_cast %get3A_43 : i32 to index
    %get3A_45 = memref.load %arg7[%get3A_44] : memref<1028xi32, #tpu.memory_space<smem>>
    %get3A_46 = arith.constant 3 : i32
    %get3A_47 = arith.index_cast %get3A_46 : i32 to index
    %get3A_48 = memref.load %arg7[%get3A_47] : memref<1028xi32, #tpu.memory_space<smem>>
    %shift_right_arithmetic3A_49 = arith.constant 7 : i32
    %shift_right_arithmetic3A_50 = arith.shrsi %get3A_45, %shift_right_arithmetic3A_49 : i32
    %shift_left3A_51 = arith.constant 7 : i32
    %shift_left3A_52 = arith.shli %shift_right_arithmetic3A_50, %shift_left3A_51 : i32
    %multiple_of3A_53 = tpu.assume_multiple %shift_left3A_52, 128 : i32
    %shift_right_arithmetic3A_54 = arith.constant 7 : i32
    %shift_right_arithmetic3A_55 = arith.shrsi %get3A_48, %shift_right_arithmetic3A_54 : i32
    %shift_left3A_56 = arith.constant 7 : i32
    %shift_left3A_57 = arith.shli %shift_right_arithmetic3A_55, %shift_left3A_56 : i32
    %multiple_of3A_58 = tpu.assume_multiple %shift_left3A_57, 128 : i32
    %dma_start3A_59 = arith.constant 32 : i32
    %dma_start3A_60 = arith.constant 0 : i32
    %dma_start3A_61 = tpu.memref_slice %arg9[%dma_start3A_59, %dma_start3A_60] : memref<384x128xf32, #tpu.memory_space<vmem>> -> memref<32x128xf32, #tpu.memory_space<vmem>>
    %dma_start3A_62 = arith.constant 0 : i32
    %dma_start3A_63 = tpu.memref_slice %arg3[%dma_start3A_62, %multiple_of3A_53] : memref<32x1000000xf32, #tpu.memory_space<hbm>> -> memref<32x128xf32, #tpu.memory_space<hbm>>
    %dma_start3A_64 = arith.constant 32 : i32
    %dma_start3A_65 = arith.constant 0 : i32
    %dma_start3A_66 = tpu.memref_slice %arg9[%dma_start3A_64, %dma_start3A_65] : memref<384x128xf32, #tpu.memory_space<vmem>> -> memref<32x128xf32, #tpu.memory_space<vmem>>
    %dma_start3A_67 = arith.constant 0 : i32
    %dma_start3A_68 = tpu.memref_slice %arg3[%dma_start3A_67, %multiple_of3A_53] : memref<32x1000000xf32, #tpu.memory_space<hbm>> -> memref<32x128xf32, #tpu.memory_space<hbm>>
    tpu.enqueue_dma source(%dma_start3A_68 : memref<32x128xf32, #tpu.memory_space<hbm>>) target(%dma_start3A_66 : memref<32x128xf32, #tpu.memory_space<vmem>>) target_semaphore(%arg14 : memref<!tpu.dma_semaphore, #tpu.memory_space<semaphore_mem>>)
    %dma_start3A_69 = arith.constant 32 : i32
    %dma_start3A_70 = arith.constant 0 : i32
    %dma_start3A_71 = tpu.memref_slice %arg10[%dma_start3A_69, %dma_start3A_70] : memref<384x128xf32, #tpu.memory_space<vmem>> -> memref<32x128xf32, #tpu.memory_space<vmem>>
    %dma_start3A_72 = arith.constant 0 : i32
    %dma_start3A_73 = tpu.memref_slice %arg4[%dma_start3A_72, %multiple_of3A_58] : memref<32x1000000xf32, #tpu.memory_space<hbm>> -> memref<32x128xf32, #tpu.memory_space<hbm>>
    %dma_start3A_74 = arith.constant 32 : i32
    %dma_start3A_75 = arith.constant 0 : i32
    %dma_start3A_76 = tpu.memref_slice %arg10[%dma_start3A_74, %dma_start3A_75] : memref<384x128xf32, #tpu.memory_space<vmem>> -> memref<32x128xf32, #tpu.memory_space<vmem>>
    %dma_start3A_77 = arith.constant 0 : i32
    %dma_start3A_78 = tpu.memref_slice %arg4[%dma_start3A_77, %multiple_of3A_58] : memref<32x1000000xf32, #tpu.memory_space<hbm>> -> memref<32x128xf32, #tpu.memory_space<hbm>>
    tpu.enqueue_dma source(%dma_start3A_78 : memref<32x128xf32, #tpu.memory_space<hbm>>) target(%dma_start3A_76 : memref<32x128xf32, #tpu.memory_space<vmem>>) target_semaphore(%arg14 : memref<!tpu.dma_semaphore, #tpu.memory_space<semaphore_mem>>)
    %get3A_79 = arith.constant 4 : i32
    %get3A_80 = arith.index_cast %get3A_79 : i32 to index
    %get3A_81 = memref.load %arg7[%get3A_80] : memref<1028xi32, #tpu.memory_space<smem>>
    %get3A_82 = arith.constant 5 : i32
    %get3A_83 = arith.index_cast %get3A_82 : i32 to index
    %get3A_84 = memref.load %arg7[%get3A_83] : memref<1028xi32, #tpu.memory_space<smem>>
    %shift_right_arithmetic3A_85 = arith.constant 7 : i32
    %shift_right_arithmetic3A_86 = arith.shrsi %get3A_81, %shift_right_arithmetic3A_85 : i32
    %shift_left3A_87 = arith.constant 7 : i32
    %shift_left3A_88 = arith.shli %shift_right_arithmetic3A_86, %shift_left3A_87 : i32
    %multiple_of3A_89 = tpu.assume_multiple %shift_left3A_88, 128 : i32
    %shift_right_arithmetic3A_90 = arith.constant 7 : i32
    %shift_right_arithmetic3A_91 = arith.shrsi %get3A_84, %shift_right_arithmetic3A_90 : i32
    %shift_left3A_92 = arith.constant 7 : i32
    %shift_left3A_93 = arith.shli %shift_right_arithmetic3A_91, %shift_left3A_92 : i32
    %multiple_of3A_94 = tpu.assume_multiple %shift_left3A_93, 128 : i32
    %dma_start3A_95 = arith.constant 64 : i32
    %dma_start3A_96 = arith.constant 0 : i32
    %dma_start3A_97 = tpu.memref_slice %arg9[%dma_start3A_95, %dma_start3A_96] : memref<384x128xf32, #tpu.memory_space<vmem>> -> memref<32x128xf32, #tpu.memory_space<vmem>>
    %dma_start3A_98 = arith.constant 0 : i32
    %dma_start3A_99 = tpu.memref_slice %arg3[%dma_start3A_98, %multiple_of3A_89] : memref<32x1000000xf32, #tpu.memory_space<hbm>> -> memref<32x128xf32, #tpu.memory_space<hbm>>
    %dma_start3A_100 = arith.constant 64 : i32
    %dma_start3A_101 = arith.constant 0 : i32
    %dma_start3A_102 = tpu.memref_slice %arg9[%dma_start3A_100, %dma_start3A_101] : memref<384x128xf32, #tpu.memory_space<vmem>> -> memref<32x128xf32, #tpu.memory_space<vmem>>
    %dma_start3A_103 = arith.constant 0 : i32
    %dma_start3A_104 = tpu.memref_slice %arg3[%dma_start3A_103, %multiple_of3A_89] : memref<32x1000000xf32, #tpu.memory_space<hbm>> -> memref<32x128xf32, #tpu.memory_space<hbm>>
    tpu.enqueue_dma source(%dma_start3A_104 : memref<32x128xf32, #tpu.memory_space<hbm>>) target(%dma_start3A_102 : memref<32x128xf32, #tpu.memory_space<vmem>>) target_semaphore(%arg15 : memref<!tpu.dma_semaphore, #tpu.memory_space<semaphore_mem>>)
    %dma_start3A_105 = arith.constant 64 : i32
    %dma_start3A_106 = arith.constant 0 : i32
    %dma_start3A_107 = tpu.memref_slice %arg10[%dma_start3A_105, %dma_start3A_106] : memref<384x128xf32, #tpu.memory_space<vmem>> -> memref<32x128xf32, #tpu.memory_space<vmem>>
    %dma_start3A_108 = arith.constant 0 : i32
    %dma_start3A_109 = tpu.memref_slice %arg4[%dma_start3A_108, %multiple_of3A_94] : memref<32x1000000xf32, #tpu.memory_space<hbm>> -> memref<32x128xf32, #tpu.memory_space<hbm>>
    %dma_start3A_110 = arith.constant 64 : i32
    %dma_start3A_111 = arith.constant 0 : i32
    %dma_start3A_112 = tpu.memref_slice %arg10[%dma_start3A_110, %dma_start3A_111] : memref<384x128xf32, #tpu.memory_space<vmem>> -> memref<32x128xf32, #tpu.memory_space<vmem>>
    %dma_start3A_113 = arith.constant 0 : i32
    %dma_start3A_114 = tpu.memref_slice %arg4[%dma_start3A_113, %multiple_of3A_94] : memref<32x1000000xf32, #tpu.memory_space<hbm>> -> memref<32x128xf32, #tpu.memory_space<hbm>>
    tpu.enqueue_dma source(%dma_start3A_114 : memref<32x128xf32, #tpu.memory_space<hbm>>) target(%dma_start3A_112 : memref<32x128xf32, #tpu.memory_space<vmem>>) target_semaphore(%arg15 : memref<!tpu.dma_semaphore, #tpu.memory_space<semaphore_mem>>)
    %get3A_115 = arith.constant 6 : i32
    %get3A_116 = arith.index_cast %get3A_115 : i32 to index
    %get3A_117 = memref.load %arg7[%get3A_116] : memref<1028xi32, #tpu.memory_space<smem>>
    %get3A_118 = arith.constant 7 : i32
    %get3A_119 = arith.index_cast %get3A_118 : i32 to index
    %get3A_120 = memref.load %arg7[%get3A_119] : memref<1028xi32, #tpu.memory_space<smem>>
    %shift_right_arithmetic3A_121 = arith.constant 7 : i32
    %shift_right_arithmetic3A_122 = arith.shrsi %get3A_117, %shift_right_arithmetic3A_121 : i32
    %shift_left3A_123 = arith.constant 7 : i32
    %shift_left3A_124 = arith.shli %shift_right_arithmetic3A_122, %shift_left3A_123 : i32
    %multiple_of3A_125 = tpu.assume_multiple %shift_left3A_124, 128 : i32
    %shift_right_arithmetic3A_126 = arith.constant 7 : i32
    %shift_right_arithmetic3A_127 = arith.shrsi %get3A_120, %shift_right_arithmetic3A_126 : i32
    %shift_left3A_128 = arith.constant 7 : i32
    %shift_left3A_129 = arith.shli %shift_right_arithmetic3A_127, %shift_left3A_128 : i32
    %multiple_of3A_130 = tpu.assume_multiple %shift_left3A_129, 128 : i32
    %dma_start3A_131 = arith.constant 96 : i32
    %dma_start3A_132 = arith.constant 0 : i32
    %dma_start3A_133 = tpu.memref_slice %arg9[%dma_start3A_131, %dma_start3A_132] : memref<384x128xf32, #tpu.memory_space<vmem>> -> memref<32x128xf32, #tpu.memory_space<vmem>>
    %dma_start3A_134 = arith.constant 0 : i32
    %dma_start3A_135 = tpu.memref_slice %arg3[%dma_start3A_134, %multiple_of3A_125] : memref<32x1000000xf32, #tpu.memory_space<hbm>> -> memref<32x128xf32, #tpu.memory_space<hbm>>
    %dma_start3A_136 = arith.constant 96 : i32
    %dma_start3A_137 = arith.constant 0 : i32
    %dma_start3A_138 = tpu.memref_slice %arg9[%dma_start3A_136, %dma_start3A_137] : memref<384x128xf32, #tpu.memory_space<vmem>> -> memref<32x128xf32, #tpu.memory_space<vmem>>
    %dma_start3A_139 = arith.constant 0 : i32
    %dma_start3A_140 = tpu.memref_slice %arg3[%dma_start3A_139, %multiple_of3A_125] : memref<32x1000000xf32, #tpu.memory_space<hbm>> -> memref<32x128xf32, #tpu.memory_space<hbm>>
    tpu.enqueue_dma source(%dma_start3A_140 : memref<32x128xf32, #tpu.memory_space<hbm>>) target(%dma_start3A_138 : memref<32x128xf32, #tpu.memory_space<vmem>>) target_semaphore(%arg15 : memref<!tpu.dma_semaphore, #tpu.memory_space<semaphore_mem>>)
    %dma_start3A_141 = arith.constant 96 : i32
    %dma_start3A_142 = arith.constant 0 : i32
    %dma_start3A_143 = tpu.memref_slice %arg10[%dma_start3A_141, %dma_start3A_142] : memref<384x128xf32, #tpu.memory_space<vmem>> -> memref<32x128xf32, #tpu.memory_space<vmem>>
    %dma_start3A_144 = arith.constant 0 : i32
    %dma_start3A_145 = tpu.memref_slice %arg4[%dma_start3A_144, %multiple_of3A_130] : memref<32x1000000xf32, #tpu.memory_space<hbm>> -> memref<32x128xf32, #tpu.memory_space<hbm>>
    %dma_start3A_146 = arith.constant 96 : i32
    %dma_start3A_147 = arith.constant 0 : i32
    %dma_start3A_148 = tpu.memref_slice %arg10[%dma_start3A_146, %dma_start3A_147] : memref<384x128xf32, #tpu.memory_space<vmem>> -> memref<32x128xf32, #tpu.memory_space<vmem>>
    %dma_start3A_149 = arith.constant 0 : i32
    %dma_start3A_150 = tpu.memref_slice %arg4[%dma_start3A_149, %multiple_of3A_130] : memref<32x1000000xf32, #tpu.memory_space<hbm>> -> memref<32x128xf32, #tpu.memory_space<hbm>>
    tpu.enqueue_dma source(%dma_start3A_150 : memref<32x128xf32, #tpu.memory_space<hbm>>) target(%dma_start3A_148 : memref<32x128xf32, #tpu.memory_space<vmem>>) target_semaphore(%arg15 : memref<!tpu.dma_semaphore, #tpu.memory_space<semaphore_mem>>)
    %get3A_151 = arith.constant 8 : i32
    %get3A_152 = arith.index_cast %get3A_151 : i32 to index
    %get3A_153 = memref.load %arg7[%get3A_152] : memref<1028xi32, #tpu.memory_space<smem>>
    %get3A_154 = arith.constant 9 : i32
    %get3A_155 = arith.index_cast %get3A_154 : i32 to index
    %get3A_156 = memref.load %arg7[%get3A_155] : memref<1028xi32, #tpu.memory_space<smem>>
    %shift_right_arithmetic3A_157 = arith.constant 7 : i32
    %shift_right_arithmetic3A_158 = arith.shrsi %get3A_153, %shift_right_arithmetic3A_157 : i32
    %shift_left3A_159 = arith.constant 7 : i32
    %shift_left3A_160 = arith.shli %shift_right_arithmetic3A_158, %shift_left3A_159 : i32
    %multiple_of3A_161 = tpu.assume_multiple %shift_left3A_160, 128 : i32
    %shift_right_arithmetic3A_162 = arith.constant 7 : i32
    %shift_right_arithmetic3A_163 = arith.shrsi %get3A_156, %shift_right_arithmetic3A_162 : i32
    %shift_left3A_164 = arith.constant 7 : i32
    %shift_left3A_165 = arith.shli %shift_right_arithmetic3A_163, %shift_left3A_164 : i32
    %multiple_of3A_166 = tpu.assume_multiple %shift_left3A_165, 128 : i32
    %dma_start3A_167 = arith.constant 128 : i32
    %dma_start3A_168 = arith.constant 0 : i32
    %dma_start3A_169 = tpu.memref_slice %arg9[%dma_start3A_167, %dma_start3A_168] : memref<384x128xf32, #tpu.memory_space<vmem>> -> memref<32x128xf32, #tpu.memory_space<vmem>>
    %dma_start3A_170 = arith.constant 0 : i32
    %dma_start3A_171 = tpu.memref_slice %arg3[%dma_start3A_170, %multiple_of3A_161] : memref<32x1000000xf32, #tpu.memory_space<hbm>> -> memref<32x128xf32, #tpu.memory_space<hbm>>
    %dma_start3A_172 = arith.constant 128 : i32
    %dma_start3A_173 = arith.constant 0 : i32
    %dma_start3A_174 = tpu.memref_slice %arg9[%dma_start3A_172, %dma_start3A_173] : memref<384x128xf32, #tpu.memory_space<vmem>> -> memref<32x128xf32, #tpu.memory_space<vmem>>
    %dma_start3A_175 = arith.constant 0 : i32
    %dma_start3A_176 = tpu.memref_slice %arg3[%dma_start3A_175, %multiple_of3A_161] : memref<32x1000000xf32, #tpu.memory_space<hbm>> -> memref<32x128xf32, #tpu.memory_space<hbm>>
    tpu.enqueue_dma source(%dma_start3A_176 : memref<32x128xf32, #tpu.memory_space<hbm>>) target(%dma_start3A_174 : memref<32x128xf32, #tpu.memory_space<vmem>>) target_semaphore(%arg16 : memref<!tpu.dma_semaphore, #tpu.memory_space<semaphore_mem>>)
    %dma_start3A_177 = arith.constant 128 : i32
    %dma_start3A_178 = arith.constant 0 : i32
    %dma_start3A_179 = tpu.memref_slice %arg10[%dma_start3A_177, %dma_start3A_178] : memref<384x128xf32, #tpu.memory_space<vmem>> -> memref<32x128xf32, #tpu.memory_space<vmem>>
    %dma_start3A_180 = arith.constant 0 : i32
    %dma_start3A_181 = tpu.memref_slice %arg4[%dma_start3A_180, %multiple_of3A_166] : memref<32x1000000xf32, #tpu.memory_space<hbm>> -> memref<32x128xf32, #tpu.memory_space<hbm>>
    %dma_start3A_182 = arith.constant 128 : i32
    %dma_start3A_183 = arith.constant 0 : i32
    %dma_start3A_184 = tpu.memref_slice %arg10[%dma_start3A_182, %dma_start3A_183] : memref<384x128xf32, #tpu.memory_space<vmem>> -> memref<32x128xf32, #tpu.memory_space<vmem>>
    %dma_start3A_185 = arith.constant 0 : i32
    %dma_start3A_186 = tpu.memref_slice %arg4[%dma_start3A_185, %multiple_of3A_166] : memref<32x1000000xf32, #tpu.memory_space<hbm>> -> memref<32x128xf32, #tpu.memory_space<hbm>>
    tpu.enqueue_dma source(%dma_start3A_186 : memref<32x128xf32, #tpu.memory_space<hbm>>) target(%dma_start3A_184 : memref<32x128xf32, #tpu.memory_space<vmem>>) target_semaphore(%arg16 : memref<!tpu.dma_semaphore, #tpu.memory_space<semaphore_mem>>)
    %get3A_187 = arith.constant 10 : i32
    %get3A_188 = arith.index_cast %get3A_187 : i32 to index
    %get3A_189 = memref.load %arg7[%get3A_188] : memref<1028xi32, #tpu.memory_space<smem>>
    %get3A_190 = arith.constant 11 : i32
    %get3A_191 = arith.index_cast %get3A_190 : i32 to index
    %get3A_192 = memref.load %arg7[%get3A_191] : memref<1028xi32, #tpu.memory_space<smem>>
    %shift_right_arithmetic3A_193 = arith.constant 7 : i32
    %shift_right_arithmetic3A_194 = arith.shrsi %get3A_189, %shift_right_arithmetic3A_193 : i32
    %shift_left3A_195 = arith.constant 7 : i32
    %shift_left3A_196 = arith.shli %shift_right_arithmetic3A_194, %shift_left3A_195 : i32
    %multiple_of3A_197 = tpu.assume_multiple %shift_left3A_196, 128 : i32
    %shift_right_arithmetic3A_198 = arith.constant 7 : i32
    %shift_right_arithmetic3A_199 = arith.shrsi %get3A_192, %shift_right_arithmetic3A_198 : i32
    %shift_left3A_200 = arith.constant 7 : i32
    %shift_left3A_201 = arith.shli %shift_right_arithmetic3A_199, %shift_left3A_200 : i32
    %multiple_of3A_202 = tpu.assume_multiple %shift_left3A_201, 128 : i32
    %dma_start3A_203 = arith.constant 160 : i32
    %dma_start3A_204 = arith.constant 0 : i32
    %dma_start3A_205 = tpu.memref_slice %arg9[%dma_start3A_203, %dma_start3A_204] : memref<384x128xf32, #tpu.memory_space<vmem>> -> memref<32x128xf32, #tpu.memory_space<vmem>>
    %dma_start3A_206 = arith.constant 0 : i32
    %dma_start3A_207 = tpu.memref_slice %arg3[%dma_start3A_206, %multiple_of3A_197] : memref<32x1000000xf32, #tpu.memory_space<hbm>> -> memref<32x128xf32, #tpu.memory_space<hbm>>
    %dma_start3A_208 = arith.constant 160 : i32
    %dma_start3A_209 = arith.constant 0 : i32
    %dma_start3A_210 = tpu.memref_slice %arg9[%dma_start3A_208, %dma_start3A_209] : memref<384x128xf32, #tpu.memory_space<vmem>> -> memref<32x128xf32, #tpu.memory_space<vmem>>
    %dma_start3A_211 = arith.constant 0 : i32
    %dma_start3A_212 = tpu.memref_slice %arg3[%dma_start3A_211, %multiple_of3A_197] : memref<32x1000000xf32, #tpu.memory_space<hbm>> -> memref<32x128xf32, #tpu.memory_space<hbm>>
    tpu.enqueue_dma source(%dma_start3A_212 : memref<32x128xf32, #tpu.memory_space<hbm>>) target(%dma_start3A_210 : memref<32x128xf32, #tpu.memory_space<vmem>>) target_semaphore(%arg16 : memref<!tpu.dma_semaphore, #tpu.memory_space<semaphore_mem>>)
    %dma_start3A_213 = arith.constant 160 : i32
    %dma_start3A_214 = arith.constant 0 : i32
    %dma_start3A_215 = tpu.memref_slice %arg10[%dma_start3A_213, %dma_start3A_214] : memref<384x128xf32, #tpu.memory_space<vmem>> -> memref<32x128xf32, #tpu.memory_space<vmem>>
    %dma_start3A_216 = arith.constant 0 : i32
    %dma_start3A_217 = tpu.memref_slice %arg4[%dma_start3A_216, %multiple_of3A_202] : memref<32x1000000xf32, #tpu.memory_space<hbm>> -> memref<32x128xf32, #tpu.memory_space<hbm>>
    %dma_start3A_218 = arith.constant 160 : i32
    %dma_start3A_219 = arith.constant 0 : i32
    %dma_start3A_220 = tpu.memref_slice %arg10[%dma_start3A_218, %dma_start3A_219] : memref<384x128xf32, #tpu.memory_space<vmem>> -> memref<32x128xf32, #tpu.memory_space<vmem>>
    %dma_start3A_221 = arith.constant 0 : i32
    %dma_start3A_222 = tpu.memref_slice %arg4[%dma_start3A_221, %multiple_of3A_202] : memref<32x1000000xf32, #tpu.memory_space<hbm>> -> memref<32x128xf32, #tpu.memory_space<hbm>>
    tpu.enqueue_dma source(%dma_start3A_222 : memref<32x128xf32, #tpu.memory_space<hbm>>) target(%dma_start3A_220 : memref<32x128xf32, #tpu.memory_space<vmem>>) target_semaphore(%arg16 : memref<!tpu.dma_semaphore, #tpu.memory_space<semaphore_mem>>)
    %get3A_223 = arith.constant 12 : i32
    %get3A_224 = arith.index_cast %get3A_223 : i32 to index
    %get3A_225 = memref.load %arg7[%get3A_224] : memref<1028xi32, #tpu.memory_space<smem>>
    %get3A_226 = arith.constant 13 : i32
    %get3A_227 = arith.index_cast %get3A_226 : i32 to index
    %get3A_228 = memref.load %arg7[%get3A_227] : memref<1028xi32, #tpu.memory_space<smem>>
    %shift_right_arithmetic3A_229 = arith.constant 7 : i32
    %shift_right_arithmetic3A_230 = arith.shrsi %get3A_225, %shift_right_arithmetic3A_229 : i32
    %shift_left3A_231 = arith.constant 7 : i32
    %shift_left3A_232 = arith.shli %shift_right_arithmetic3A_230, %shift_left3A_231 : i32
    %multiple_of3A_233 = tpu.assume_multiple %shift_left3A_232, 128 : i32
    %shift_right_arithmetic3A_234 = arith.constant 7 : i32
    %shift_right_arithmetic3A_235 = arith.shrsi %get3A_228, %shift_right_arithmetic3A_234 : i32
    %shift_left3A_236 = arith.constant 7 : i32
    %shift_left3A_237 = arith.shli %shift_right_arithmetic3A_235, %shift_left3A_236 : i32
    %multiple_of3A_238 = tpu.assume_multiple %shift_left3A_237, 128 : i32
    %dma_start3A_239 = arith.constant 192 : i32
    %dma_start3A_240 = arith.constant 0 : i32
    %dma_start3A_241 = tpu.memref_slice %arg9[%dma_start3A_239, %dma_start3A_240] : memref<384x128xf32, #tpu.memory_space<vmem>> -> memref<32x128xf32, #tpu.memory_space<vmem>>
    %dma_start3A_242 = arith.constant 0 : i32
    %dma_start3A_243 = tpu.memref_slice %arg3[%dma_start3A_242, %multiple_of3A_233] : memref<32x1000000xf32, #tpu.memory_space<hbm>> -> memref<32x128xf32, #tpu.memory_space<hbm>>
    %dma_start3A_244 = arith.constant 192 : i32
    %dma_start3A_245 = arith.constant 0 : i32
    %dma_start3A_246 = tpu.memref_slice %arg9[%dma_start3A_244, %dma_start3A_245] : memref<384x128xf32, #tpu.memory_space<vmem>> -> memref<32x128xf32, #tpu.memory_space<vmem>>
    %dma_start3A_247 = arith.constant 0 : i32
    %dma_start3A_248 = tpu.memref_slice %arg3[%dma_start3A_247, %multiple_of3A_233] : memref<32x1000000xf32, #tpu.memory_space<hbm>> -> memref<32x128xf32, #tpu.memory_space<hbm>>
    tpu.enqueue_dma source(%dma_start3A_248 : memref<32x128xf32, #tpu.memory_space<hbm>>) target(%dma_start3A_246 : memref<32x128xf32, #tpu.memory_space<vmem>>) target_semaphore(%arg17 : memref<!tpu.dma_semaphore, #tpu.memory_space<semaphore_mem>>)
    %dma_start3A_249 = arith.constant 192 : i32
    %dma_start3A_250 = arith.constant 0 : i32
    %dma_start3A_251 = tpu.memref_slice %arg10[%dma_start3A_249, %dma_start3A_250] : memref<384x128xf32, #tpu.memory_space<vmem>> -> memref<32x128xf32, #tpu.memory_space<vmem>>
    %dma_start3A_252 = arith.constant 0 : i32
    %dma_start3A_253 = tpu.memref_slice %arg4[%dma_start3A_252, %multiple_of3A_238] : memref<32x1000000xf32, #tpu.memory_space<hbm>> -> memref<32x128xf32, #tpu.memory_space<hbm>>
    %dma_start3A_254 = arith.constant 192 : i32
    %dma_start3A_255 = arith.constant 0 : i32
    %dma_start3A_256 = tpu.memref_slice %arg10[%dma_start3A_254, %dma_start3A_255] : memref<384x128xf32, #tpu.memory_space<vmem>> -> memref<32x128xf32, #tpu.memory_space<vmem>>
    %dma_start3A_257 = arith.constant 0 : i32
    %dma_start3A_258 = tpu.memref_slice %arg4[%dma_start3A_257, %multiple_of3A_238] : memref<32x1000000xf32, #tpu.memory_space<hbm>> -> memref<32x128xf32, #tpu.memory_space<hbm>>
    tpu.enqueue_dma source(%dma_start3A_258 : memref<32x128xf32, #tpu.memory_space<hbm>>) target(%dma_start3A_256 : memref<32x128xf32, #tpu.memory_space<vmem>>) target_semaphore(%arg17 : memref<!tpu.dma_semaphore, #tpu.memory_space<semaphore_mem>>)
    %get3A_259 = arith.constant 14 : i32
    %get3A_260 = arith.index_cast %get3A_259 : i32 to index
    %get3A_261 = memref.load %arg7[%get3A_260] : memref<1028xi32, #tpu.memory_space<smem>>
    %get3A_262 = arith.constant 15 : i32
    %get3A_263 = arith.index_cast %get3A_262 : i32 to index
    %get3A_264 = memref.load %arg7[%get3A_263] : memref<1028xi32, #tpu.memory_space<smem>>
    %shift_right_arithmetic3A_265 = arith.constant 7 : i32
    %shift_right_arithmetic3A_266 = arith.shrsi %get3A_261, %shift_right_arithmetic3A_265 : i32
    %shift_left3A_267 = arith.constant 7 : i32
    %shift_left3A_268 = arith.shli %shift_right_arithmetic3A_266, %shift_left3A_267 : i32
    %multiple_of3A_269 = tpu.assume_multiple %shift_left3A_268, 128 : i32
    %shift_right_arithmetic3A_270 = arith.constant 7 : i32
    %shift_right_arithmetic3A_271 = arith.shrsi %get3A_264, %shift_right_arithmetic3A_270 : i32
    %shift_left3A_272 = arith.constant 7 : i32
    %shift_left3A_273 = arith.shli %shift_right_arithmetic3A_271, %shift_left3A_272 : i32
    %multiple_of3A_274 = tpu.assume_multiple %shift_left3A_273, 128 : i32
    %dma_start3A_275 = arith.constant 224 : i32
    %dma_start3A_276 = arith.constant 0 : i32
    %dma_start3A_277 = tpu.memref_slice %arg9[%dma_start3A_275, %dma_start3A_276] : memref<384x128xf32, #tpu.memory_space<vmem>> -> memref<32x128xf32, #tpu.memory_space<vmem>>
    %dma_start3A_278 = arith.constant 0 : i32
    %dma_start3A_279 = tpu.memref_slice %arg3[%dma_start3A_278, %multiple_of3A_269] : memref<32x1000000xf32, #tpu.memory_space<hbm>> -> memref<32x128xf32, #tpu.memory_space<hbm>>
    %dma_start3A_280 = arith.constant 224 : i32
    %dma_start3A_281 = arith.constant 0 : i32
    %dma_start3A_282 = tpu.memref_slice %arg9[%dma_start3A_280, %dma_start3A_281] : memref<384x128xf32, #tpu.memory_space<vmem>> -> memref<32x128xf32, #tpu.memory_space<vmem>>
    %dma_start3A_283 = arith.constant 0 : i32
    %dma_start3A_284 = tpu.memref_slice %arg3[%dma_start3A_283, %multiple_of3A_269] : memref<32x1000000xf32, #tpu.memory_space<hbm>> -> memref<32x128xf32, #tpu.memory_space<hbm>>
    tpu.enqueue_dma source(%dma_start3A_284 : memref<32x128xf32, #tpu.memory_space<hbm>>) target(%dma_start3A_282 : memref<32x128xf32, #tpu.memory_space<vmem>>) target_semaphore(%arg17 : memref<!tpu.dma_semaphore, #tpu.memory_space<semaphore_mem>>)
    %dma_start3A_285 = arith.constant 224 : i32
    %dma_start3A_286 = arith.constant 0 : i32
    %dma_start3A_287 = tpu.memref_slice %arg10[%dma_start3A_285, %dma_start3A_286] : memref<384x128xf32, #tpu.memory_space<vmem>> -> memref<32x128xf32, #tpu.memory_space<vmem>>
    %dma_start3A_288 = arith.constant 0 : i32
    %dma_start3A_289 = tpu.memref_slice %arg4[%dma_start3A_288, %multiple_of3A_274] : memref<32x1000000xf32, #tpu.memory_space<hbm>> -> memref<32x128xf32, #tpu.memory_space<hbm>>
    %dma_start3A_290 = arith.constant 224 : i32
    %dma_start3A_291 = arith.constant 0 : i32
    %dma_start3A_292 = tpu.memref_slice %arg10[%dma_start3A_290, %dma_start3A_291] : memref<384x128xf32, #tpu.memory_space<vmem>> -> memref<32x128xf32, #tpu.memory_space<vmem>>
    %dma_start3A_293 = arith.constant 0 : i32
    %dma_start3A_294 = tpu.memref_slice %arg4[%dma_start3A_293, %multiple_of3A_274] : memref<32x1000000xf32, #tpu.memory_space<hbm>> -> memref<32x128xf32, #tpu.memory_space<hbm>>
    tpu.enqueue_dma source(%dma_start3A_294 : memref<32x128xf32, #tpu.memory_space<hbm>>) target(%dma_start3A_292 : memref<32x128xf32, #tpu.memory_space<vmem>>) target_semaphore(%arg17 : memref<!tpu.dma_semaphore, #tpu.memory_space<semaphore_mem>>)
    %get3A_295 = arith.constant 16 : i32
    %get3A_296 = arith.index_cast %get3A_295 : i32 to index
    %get3A_297 = memref.load %arg7[%get3A_296] : memref<1028xi32, #tpu.memory_space<smem>>
    %get3A_298 = arith.constant 17 : i32
    %get3A_299 = arith.index_cast %get3A_298 : i32 to index
    %get3A_300 = memref.load %arg7[%get3A_299] : memref<1028xi32, #tpu.memory_space<smem>>
    %shift_right_arithmetic3A_301 = arith.constant 7 : i32
    %shift_right_arithmetic3A_302 = arith.shrsi %get3A_297, %shift_right_arithmetic3A_301 : i32
    %shift_left3A_303 = arith.constant 7 : i32
    %shift_left3A_304 = arith.shli %shift_right_arithmetic3A_302, %shift_left3A_303 : i32
    %multiple_of3A_305 = tpu.assume_multiple %shift_left3A_304, 128 : i32
    %shift_right_arithmetic3A_306 = arith.constant 7 : i32
    %shift_right_arithmetic3A_307 = arith.shrsi %get3A_300, %shift_right_arithmetic3A_306 : i32
    %shift_left3A_308 = arith.constant 7 : i32
    %shift_left3A_309 = arith.shli %shift_right_arithmetic3A_307, %shift_left3A_308 : i32
    %multiple_of3A_310 = tpu.assume_multiple %shift_left3A_309, 128 : i32
    %dma_start3A_311 = arith.constant 256 : i32
    %dma_start3A_312 = arith.constant 0 : i32
    %dma_start3A_313 = tpu.memref_slice %arg9[%dma_start3A_311, %dma_start3A_312] : memref<384x128xf32, #tpu.memory_space<vmem>> -> memref<32x128xf32, #tpu.memory_space<vmem>>
    %dma_start3A_314 = arith.constant 0 : i32
    %dma_start3A_315 = tpu.memref_slice %arg3[%dma_start3A_314, %multiple_of3A_305] : memref<32x1000000xf32, #tpu.memory_space<hbm>> -> memref<32x128xf32, #tpu.memory_space<hbm>>
    %dma_start3A_316 = arith.constant 256 : i32
    %dma_start3A_317 = arith.constant 0 : i32
    %dma_start3A_318 = tpu.memref_slice %arg9[%dma_start3A_316, %dma_start3A_317] : memref<384x128xf32, #tpu.memory_space<vmem>> -> memref<32x128xf32, #tpu.memory_space<vmem>>
    %dma_start3A_319 = arith.constant 0 : i32
    %dma_start3A_320 = tpu.memref_slice %arg3[%dma_start3A_319, %multiple_of3A_305] : memref<32x1000000xf32, #tpu.memory_space<hbm>> -> memref<32x128xf32, #tpu.memory_space<hbm>>
    tpu.enqueue_dma source(%dma_start3A_320 : memref<32x128xf32, #tpu.memory_space<hbm>>) target(%dma_start3A_318 : memref<32x128xf32, #tpu.memory_space<vmem>>) target_semaphore(%arg18 : memref<!tpu.dma_semaphore, #tpu.memory_space<semaphore_mem>>)
    %dma_start3A_321 = arith.constant 256 : i32
    %dma_start3A_322 = arith.constant 0 : i32
    %dma_start3A_323 = tpu.memref_slice %arg10[%dma_start3A_321, %dma_start3A_322] : memref<384x128xf32, #tpu.memory_space<vmem>> -> memref<32x128xf32, #tpu.memory_space<vmem>>
    %dma_start3A_324 = arith.constant 0 : i32
    %dma_start3A_325 = tpu.memref_slice %arg4[%dma_start3A_324, %multiple_of3A_310] : memref<32x1000000xf32, #tpu.memory_space<hbm>> -> memref<32x128xf32, #tpu.memory_space<hbm>>
    %dma_start3A_326 = arith.constant 256 : i32
    %dma_start3A_327 = arith.constant 0 : i32
    %dma_start3A_328 = tpu.memref_slice %arg10[%dma_start3A_326, %dma_start3A_327] : memref<384x128xf32, #tpu.memory_space<vmem>> -> memref<32x128xf32, #tpu.memory_space<vmem>>
    %dma_start3A_329 = arith.constant 0 : i32
    %dma_start3A_330 = tpu.memref_slice %arg4[%dma_start3A_329, %multiple_of3A_310] : memref<32x1000000xf32, #tpu.memory_space<hbm>> -> memref<32x128xf32, #tpu.memory_space<hbm>>
    tpu.enqueue_dma source(%dma_start3A_330 : memref<32x128xf32, #tpu.memory_space<hbm>>) target(%dma_start3A_328 : memref<32x128xf32, #tpu.memory_space<vmem>>) target_semaphore(%arg18 : memref<!tpu.dma_semaphore, #tpu.memory_space<semaphore_mem>>)
    %get3A_331 = arith.constant 18 : i32
    %get3A_332 = arith.index_cast %get3A_331 : i32 to index
    %get3A_333 = memref.load %arg7[%get3A_332] : memref<1028xi32, #tpu.memory_space<smem>>
    %get3A_334 = arith.constant 19 : i32
    %get3A_335 = arith.index_cast %get3A_334 : i32 to index
    %get3A_336 = memref.load %arg7[%get3A_335] : memref<1028xi32, #tpu.memory_space<smem>>
    %shift_right_arithmetic3A_337 = arith.constant 7 : i32
    %shift_right_arithmetic3A_338 = arith.shrsi %get3A_333, %shift_right_arithmetic3A_337 : i32
    %shift_left3A_339 = arith.constant 7 : i32
    %shift_left3A_340 = arith.shli %shift_right_arithmetic3A_338, %shift_left3A_339 : i32
    %multiple_of3A_341 = tpu.assume_multiple %shift_left3A_340, 128 : i32
    %shift_right_arithmetic3A_342 = arith.constant 7 : i32
    %shift_right_arithmetic3A_343 = arith.shrsi %get3A_336, %shift_right_arithmetic3A_342 : i32
    %shift_left3A_344 = arith.constant 7 : i32
    %shift_left3A_345 = arith.shli %shift_right_arithmetic3A_343, %shift_left3A_344 : i32
    %multiple_of3A_346 = tpu.assume_multiple %shift_left3A_345, 128 : i32
    %dma_start3A_347 = arith.constant 288 : i32
    %dma_start3A_348 = arith.constant 0 : i32
    %dma_start3A_349 = tpu.memref_slice %arg9[%dma_start3A_347, %dma_start3A_348] : memref<384x128xf32, #tpu.memory_space<vmem>> -> memref<32x128xf32, #tpu.memory_space<vmem>>
    %dma_start3A_350 = arith.constant 0 : i32
    %dma_start3A_351 = tpu.memref_slice %arg3[%dma_start3A_350, %multiple_of3A_341] : memref<32x1000000xf32, #tpu.memory_space<hbm>> -> memref<32x128xf32, #tpu.memory_space<hbm>>
    %dma_start3A_352 = arith.constant 288 : i32
    %dma_start3A_353 = arith.constant 0 : i32
    %dma_start3A_354 = tpu.memref_slice %arg9[%dma_start3A_352, %dma_start3A_353] : memref<384x128xf32, #tpu.memory_space<vmem>> -> memref<32x128xf32, #tpu.memory_space<vmem>>
    %dma_start3A_355 = arith.constant 0 : i32
    %dma_start3A_356 = tpu.memref_slice %arg3[%dma_start3A_355, %multiple_of3A_341] : memref<32x1000000xf32, #tpu.memory_space<hbm>> -> memref<32x128xf32, #tpu.memory_space<hbm>>
    tpu.enqueue_dma source(%dma_start3A_356 : memref<32x128xf32, #tpu.memory_space<hbm>>) target(%dma_start3A_354 : memref<32x128xf32, #tpu.memory_space<vmem>>) target_semaphore(%arg18 : memref<!tpu.dma_semaphore, #tpu.memory_space<semaphore_mem>>)
    %dma_start3A_357 = arith.constant 288 : i32
    %dma_start3A_358 = arith.constant 0 : i32
    %dma_start3A_359 = tpu.memref_slice %arg10[%dma_start3A_357, %dma_start3A_358] : memref<384x128xf32, #tpu.memory_space<vmem>> -> memref<32x128xf32, #tpu.memory_space<vmem>>
    %dma_start3A_360 = arith.constant 0 : i32
    %dma_start3A_361 = tpu.memref_slice %arg4[%dma_start3A_360, %multiple_of3A_346] : memref<32x1000000xf32, #tpu.memory_space<hbm>> -> memref<32x128xf32, #tpu.memory_space<hbm>>
    %dma_start3A_362 = arith.constant 288 : i32
    %dma_start3A_363 = arith.constant 0 : i32
    %dma_start3A_364 = tpu.memref_slice %arg10[%dma_start3A_362, %dma_start3A_363] : memref<384x128xf32, #tpu.memory_space<vmem>> -> memref<32x128xf32, #tpu.memory_space<vmem>>
    %dma_start3A_365 = arith.constant 0 : i32
    %dma_start3A_366 = tpu.memref_slice %arg4[%dma_start3A_365, %multiple_of3A_346] : memref<32x1000000xf32, #tpu.memory_space<hbm>> -> memref<32x128xf32, #tpu.memory_space<hbm>>
    tpu.enqueue_dma source(%dma_start3A_366 : memref<32x128xf32, #tpu.memory_space<hbm>>) target(%dma_start3A_364 : memref<32x128xf32, #tpu.memory_space<vmem>>) target_semaphore(%arg18 : memref<!tpu.dma_semaphore, #tpu.memory_space<semaphore_mem>>)
    %scan3A = arith.constant 0 : i32
    %scan3A_367 = arith.constant 0 : i32
    %scan3A_368 = arith.constant 41 : i32
    %scan3A_369 = arith.addi %scan3A_367, %scan3A_368 : i32
    %scan3A_370 = arith.constant 1 : i32
    scf.for %scan3A_2321 = %scan3A_367 to %scan3A_369 step %scan3A_370  : i32 {
      %mul3A_2322 = arith.constant 6 : i32
      %mul3A_2323 = arith.muli %mul3A_2322, %scan3A_2321 : i32
      %add3A_2324 = arith.constant 5 : i32
      %add3A_2325 = arith.addi %mul3A_2323, %add3A_2324 : i32
      %add3A_2326 = arith.constant 0 : i32
      %add3A_2327 = arith.addi %add3A_2325, %add3A_2326 : i32
      %mul3A_2328 = arith.constant 2 : i32
      %mul3A_2329 = arith.muli %add3A_2327, %mul3A_2328 : i32
      %add3A_2330 = arith.constant 0 : i32
      %add3A_2331 = arith.addi %mul3A_2329, %add3A_2330 : i32
      %mul3A_2332 = arith.constant 2 : i32
      %mul3A_2333 = arith.muli %add3A_2331, %mul3A_2332 : i32
      %get3A_2334 = arith.index_cast %mul3A_2333 : i32 to index
      %get3A_2335 = memref.load %arg7[%get3A_2334] : memref<1028xi32, #tpu.memory_space<smem>>
      %mul3A_2336 = arith.constant 2 : i32
      %mul3A_2337 = arith.muli %add3A_2327, %mul3A_2336 : i32
      %add3A_2338 = arith.constant 0 : i32
      %add3A_2339 = arith.addi %mul3A_2337, %add3A_2338 : i32
      %mul3A_2340 = arith.constant 2 : i32
      %mul3A_2341 = arith.muli %add3A_2339, %mul3A_2340 : i32
      %add3A_2342 = arith.constant 1 : i32
      %add3A_2343 = arith.addi %mul3A_2341, %add3A_2342 : i32
      %get3A_2344 = arith.index_cast %add3A_2343 : i32 to index
      %get3A_2345 = memref.load %arg7[%get3A_2344] : memref<1028xi32, #tpu.memory_space<smem>>
      %shift_right_arithmetic3A_2346 = arith.constant 7 : i32
      %shift_right_arithmetic3A_2347 = arith.shrsi %get3A_2335, %shift_right_arithmetic3A_2346 : i32
      %shift_left3A_2348 = arith.constant 7 : i32
      %shift_left3A_2349 = arith.shli %shift_right_arithmetic3A_2347, %shift_left3A_2348 : i32
      %multiple_of3A_2350 = tpu.assume_multiple %shift_left3A_2349, 128 : i32
      %shift_right_arithmetic3A_2351 = arith.constant 7 : i32
      %shift_right_arithmetic3A_2352 = arith.shrsi %get3A_2345, %shift_right_arithmetic3A_2351 : i32
      %shift_left3A_2353 = arith.constant 7 : i32
      %shift_left3A_2354 = arith.shli %shift_right_arithmetic3A_2352, %shift_left3A_2353 : i32
      %multiple_of3A_2355 = tpu.assume_multiple %shift_left3A_2354, 128 : i32
      %dma_start3A_2356 = arith.constant 320 : i32
      %dma_start3A_2357 = arith.constant 0 : i32
      %dma_start3A_2358 = tpu.memref_slice %arg9[%dma_start3A_2356, %dma_start3A_2357] : memref<384x128xf32, #tpu.memory_space<vmem>> -> memref<32x128xf32, #tpu.memory_space<vmem>>
      %dma_start3A_2359 = arith.constant 0 : i32
      %dma_start3A_2360 = tpu.memref_slice %arg3[%dma_start3A_2359, %multiple_of3A_2350] : memref<32x1000000xf32, #tpu.memory_space<hbm>> -> memref<32x128xf32, #tpu.memory_space<hbm>>
      %dma_start3A_2361 = arith.constant 320 : i32
      %dma_start3A_2362 = arith.constant 0 : i32
      %dma_start3A_2363 = tpu.memref_slice %arg9[%dma_start3A_2361, %dma_start3A_2362] : memref<384x128xf32, #tpu.memory_space<vmem>> -> memref<32x128xf32, #tpu.memory_space<vmem>>
      %dma_start3A_2364 = arith.constant 0 : i32
      %dma_start3A_2365 = tpu.memref_slice %arg3[%dma_start3A_2364, %multiple_of3A_2350] : memref<32x1000000xf32, #tpu.memory_space<hbm>> -> memref<32x128xf32, #tpu.memory_space<hbm>>
      tpu.enqueue_dma source(%dma_start3A_2365 : memref<32x128xf32, #tpu.memory_space<hbm>>) target(%dma_start3A_2363 : memref<32x128xf32, #tpu.memory_space<vmem>>) target_semaphore(%arg19 : memref<!tpu.dma_semaphore, #tpu.memory_space<semaphore_mem>>)
      %dma_start3A_2366 = arith.constant 320 : i32
      %dma_start3A_2367 = arith.constant 0 : i32
      %dma_start3A_2368 = tpu.memref_slice %arg10[%dma_start3A_2366, %dma_start3A_2367] : memref<384x128xf32, #tpu.memory_space<vmem>> -> memref<32x128xf32, #tpu.memory_space<vmem>>
      %dma_start3A_2369 = arith.constant 0 : i32
      %dma_start3A_2370 = tpu.memref_slice %arg4[%dma_start3A_2369, %multiple_of3A_2355] : memref<32x1000000xf32, #tpu.memory_space<hbm>> -> memref<32x128xf32, #tpu.memory_space<hbm>>
      %dma_start3A_2371 = arith.constant 320 : i32
      %dma_start3A_2372 = arith.constant 0 : i32
      %dma_start3A_2373 = tpu.memref_slice %arg10[%dma_start3A_2371, %dma_start3A_2372] : memref<384x128xf32, #tpu.memory_space<vmem>> -> memref<32x128xf32, #tpu.memory_space<vmem>>
      %dma_start3A_2374 = arith.constant 0 : i32
      %dma_start3A_2375 = tpu.memref_slice %arg4[%dma_start3A_2374, %multiple_of3A_2355] : memref<32x1000000xf32, #tpu.memory_space<hbm>> -> memref<32x128xf32, #tpu.memory_space<hbm>>
      tpu.enqueue_dma source(%dma_start3A_2375 : memref<32x128xf32, #tpu.memory_space<hbm>>) target(%dma_start3A_2373 : memref<32x128xf32, #tpu.memory_space<vmem>>) target_semaphore(%arg19 : memref<!tpu.dma_semaphore, #tpu.memory_space<semaphore_mem>>)
      %mul3A_2376 = arith.constant 2 : i32
      %mul3A_2377 = arith.muli %add3A_2327, %mul3A_2376 : i32
      %add3A_2378 = arith.constant 1 : i32
      %add3A_2379 = arith.addi %mul3A_2377, %add3A_2378 : i32
      %mul3A_2380 = arith.constant 2 : i32
      %mul3A_2381 = arith.muli %add3A_2379, %mul3A_2380 : i32
      %get3A_2382 = arith.index_cast %mul3A_2381 : i32 to index
      %get3A_2383 = memref.load %arg7[%get3A_2382] : memref<1028xi32, #tpu.memory_space<smem>>
      %mul3A_2384 = arith.constant 2 : i32
      %mul3A_2385 = arith.muli %add3A_2327, %mul3A_2384 : i32
      %add3A_2386 = arith.constant 1 : i32
      %add3A_2387 = arith.addi %mul3A_2385, %add3A_2386 : i32
      %mul3A_2388 = arith.constant 2 : i32
      %mul3A_2389 = arith.muli %add3A_2387, %mul3A_2388 : i32
      %add3A_2390 = arith.constant 1 : i32
      %add3A_2391 = arith.addi %mul3A_2389, %add3A_2390 : i32
      %get3A_2392 = arith.index_cast %add3A_2391 : i32 to index
      %get3A_2393 = memref.load %arg7[%get3A_2392] : memref<1028xi32, #tpu.memory_space<smem>>
      %shift_right_arithmetic3A_2394 = arith.constant 7 : i32
      %shift_right_arithmetic3A_2395 = arith.shrsi %get3A_2383, %shift_right_arithmetic3A_2394 : i32
      %shift_left3A_2396 = arith.constant 7 : i32
      %shift_left3A_2397 = arith.shli %shift_right_arithmetic3A_2395, %shift_left3A_2396 : i32
      %multiple_of3A_2398 = tpu.assume_multiple %shift_left3A_2397, 128 : i32
      %shift_right_arithmetic3A_2399 = arith.constant 7 : i32
      %shift_right_arithmetic3A_2400 = arith.shrsi %get3A_2393, %shift_right_arithmetic3A_2399 : i32
      %shift_left3A_2401 = arith.constant 7 : i32
      %shift_left3A_2402 = arith.shli %shift_right_arithmetic3A_2400, %shift_left3A_2401 : i32
      %multiple_of3A_2403 = tpu.assume_multiple %shift_left3A_2402, 128 : i32
      %dma_start3A_2404 = arith.constant 352 : i32
      %dma_start3A_2405 = arith.constant 0 : i32
      %dma_start3A_2406 = tpu.memref_slice %arg9[%dma_start3A_2404, %dma_start3A_2405] : memref<384x128xf32, #tpu.memory_space<vmem>> -> memref<32x128xf32, #tpu.memory_space<vmem>>
      %dma_start3A_2407 = arith.constant 0 : i32
      %dma_start3A_2408 = tpu.memref_slice %arg3[%dma_start3A_2407, %multiple_of3A_2398] : memref<32x1000000xf32, #tpu.memory_space<hbm>> -> memref<32x128xf32, #tpu.memory_space<hbm>>
      %dma_start3A_2409 = arith.constant 352 : i32
      %dma_start3A_2410 = arith.constant 0 : i32
      %dma_start3A_2411 = tpu.memref_slice %arg9[%dma_start3A_2409, %dma_start3A_2410] : memref<384x128xf32, #tpu.memory_space<vmem>> -> memref<32x128xf32, #tpu.memory_space<vmem>>
      %dma_start3A_2412 = arith.constant 0 : i32
      %dma_start3A_2413 = tpu.memref_slice %arg3[%dma_start3A_2412, %multiple_of3A_2398] : memref<32x1000000xf32, #tpu.memory_space<hbm>> -> memref<32x128xf32, #tpu.memory_space<hbm>>
      tpu.enqueue_dma source(%dma_start3A_2413 : memref<32x128xf32, #tpu.memory_space<hbm>>) target(%dma_start3A_2411 : memref<32x128xf32, #tpu.memory_space<vmem>>) target_semaphore(%arg19 : memref<!tpu.dma_semaphore, #tpu.memory_space<semaphore_mem>>)
      %dma_start3A_2414 = arith.constant 352 : i32
      %dma_start3A_2415 = arith.constant 0 : i32
      %dma_start3A_2416 = tpu.memref_slice %arg10[%dma_start3A_2414, %dma_start3A_2415] : memref<384x128xf32, #tpu.memory_space<vmem>> -> memref<32x128xf32, #tpu.memory_space<vmem>>
      %dma_start3A_2417 = arith.constant 0 : i32
      %dma_start3A_2418 = tpu.memref_slice %arg4[%dma_start3A_2417, %multiple_of3A_2403] : memref<32x1000000xf32, #tpu.memory_space<hbm>> -> memref<32x128xf32, #tpu.memory_space<hbm>>
      %dma_start3A_2419 = arith.constant 352 : i32
      %dma_start3A_2420 = arith.constant 0 : i32
      %dma_start3A_2421 = tpu.memref_slice %arg10[%dma_start3A_2419, %dma_start3A_2420] : memref<384x128xf32, #tpu.memory_space<vmem>> -> memref<32x128xf32, #tpu.memory_space<vmem>>
      %dma_start3A_2422 = arith.constant 0 : i32
      %dma_start3A_2423 = tpu.memref_slice %arg4[%dma_start3A_2422, %multiple_of3A_2403] : memref<32x1000000xf32, #tpu.memory_space<hbm>> -> memref<32x128xf32, #tpu.memory_space<hbm>>
      tpu.enqueue_dma source(%dma_start3A_2423 : memref<32x128xf32, #tpu.memory_space<hbm>>) target(%dma_start3A_2421 : memref<32x128xf32, #tpu.memory_space<vmem>>) target_semaphore(%arg19 : memref<!tpu.dma_semaphore, #tpu.memory_space<semaphore_mem>>)
      %dma_wait3A_2424 = arith.constant 0 : i32
      %dma_wait3A_2425 = arith.constant 0 : i32
      %dma_wait3A_2426 = tpu.memref_slice %arg9[%dma_wait3A_2424, %dma_wait3A_2425] : memref<384x128xf32, #tpu.memory_space<vmem>> -> memref<32x128xf32, #tpu.memory_space<vmem>>
      %dma_wait3A_2427 = arith.constant 0 : i32
      %dma_wait3A_2428 = arith.constant 0 : i32
      %dma_wait3A_2429 = tpu.memref_slice %arg3[%dma_wait3A_2427, %dma_wait3A_2428] : memref<32x1000000xf32, #tpu.memory_space<hbm>> -> memref<32x128xf32, #tpu.memory_space<hbm>>
      %dma_wait3A_2430 = arith.constant 0 : i32
      %dma_wait3A_2431 = arith.constant 0 : i32
      %dma_wait3A_2432 = tpu.memref_slice %arg9[%dma_wait3A_2430, %dma_wait3A_2431] : memref<384x128xf32, #tpu.memory_space<vmem>> -> memref<32x128xf32, #tpu.memory_space<vmem>>
      %dma_wait3A_2433 = arith.constant 0 : i32
      %dma_wait3A_2434 = arith.constant 0 : i32
      %dma_wait3A_2435 = tpu.memref_slice %arg3[%dma_wait3A_2433, %dma_wait3A_2434] : memref<32x1000000xf32, #tpu.memory_space<hbm>> -> memref<32x128xf32, #tpu.memory_space<hbm>>
      tpu.wait_dma2 semaphore(%arg14 : memref<!tpu.dma_semaphore, #tpu.memory_space<semaphore_mem>>) src(%dma_wait3A_2435 : memref<32x128xf32, #tpu.memory_space<hbm>>) dst(%dma_wait3A_2432 : memref<32x128xf32, #tpu.memory_space<vmem>>)
      %dma_wait3A_2436 = arith.constant 0 : i32
      %dma_wait3A_2437 = arith.constant 0 : i32
      %dma_wait3A_2438 = tpu.memref_slice %arg10[%dma_wait3A_2436, %dma_wait3A_2437] : memref<384x128xf32, #tpu.memory_space<vmem>> -> memref<32x128xf32, #tpu.memory_space<vmem>>
      %dma_wait3A_2439 = arith.constant 0 : i32
      %dma_wait3A_2440 = arith.constant 0 : i32
      %dma_wait3A_2441 = tpu.memref_slice %arg4[%dma_wait3A_2439, %dma_wait3A_2440] : memref<32x1000000xf32, #tpu.memory_space<hbm>> -> memref<32x128xf32, #tpu.memory_space<hbm>>
      %dma_wait3A_2442 = arith.constant 0 : i32
      %dma_wait3A_2443 = arith.constant 0 : i32
      %dma_wait3A_2444 = tpu.memref_slice %arg10[%dma_wait3A_2442, %dma_wait3A_2443] : memref<384x128xf32, #tpu.memory_space<vmem>> -> memref<32x128xf32, #tpu.memory_space<vmem>>
      %dma_wait3A_2445 = arith.constant 0 : i32
      %dma_wait3A_2446 = arith.constant 0 : i32
      %dma_wait3A_2447 = tpu.memref_slice %arg4[%dma_wait3A_2445, %dma_wait3A_2446] : memref<32x1000000xf32, #tpu.memory_space<hbm>> -> memref<32x128xf32, #tpu.memory_space<hbm>>
      tpu.wait_dma2 semaphore(%arg14 : memref<!tpu.dma_semaphore, #tpu.memory_space<semaphore_mem>>) src(%dma_wait3A_2447 : memref<32x128xf32, #tpu.memory_space<hbm>>) dst(%dma_wait3A_2444 : memref<32x128xf32, #tpu.memory_space<vmem>>)
      %dma_wait3A_2448 = arith.constant 32 : i32
      %dma_wait3A_2449 = arith.constant 0 : i32
      %dma_wait3A_2450 = tpu.memref_slice %arg9[%dma_wait3A_2448, %dma_wait3A_2449] : memref<384x128xf32, #tpu.memory_space<vmem>> -> memref<32x128xf32, #tpu.memory_space<vmem>>
      %dma_wait3A_2451 = arith.constant 0 : i32
      %dma_wait3A_2452 = arith.constant 0 : i32
      %dma_wait3A_2453 = tpu.memref_slice %arg3[%dma_wait3A_2451, %dma_wait3A_2452] : memref<32x1000000xf32, #tpu.memory_space<hbm>> -> memref<32x128xf32, #tpu.memory_space<hbm>>
      %dma_wait3A_2454 = arith.constant 32 : i32
      %dma_wait3A_2455 = arith.constant 0 : i32
      %dma_wait3A_2456 = tpu.memref_slice %arg9[%dma_wait3A_2454, %dma_wait3A_2455] : memref<384x128xf32, #tpu.memory_space<vmem>> -> memref<32x128xf32, #tpu.memory_space<vmem>>
      %dma_wait3A_2457 = arith.constant 0 : i32
      %dma_wait3A_2458 = arith.constant 0 : i32
      %dma_wait3A_2459 = tpu.memref_slice %arg3[%dma_wait3A_2457, %dma_wait3A_2458] : memref<32x1000000xf32, #tpu.memory_space<hbm>> -> memref<32x128xf32, #tpu.memory_space<hbm>>
      tpu.wait_dma2 semaphore(%arg14 : memref<!tpu.dma_semaphore, #tpu.memory_space<semaphore_mem>>) src(%dma_wait3A_2459 : memref<32x128xf32, #tpu.memory_space<hbm>>) dst(%dma_wait3A_2456 : memref<32x128xf32, #tpu.memory_space<vmem>>)
      %dma_wait3A_2460 = arith.constant 32 : i32
      %dma_wait3A_2461 = arith.constant 0 : i32
      %dma_wait3A_2462 = tpu.memref_slice %arg10[%dma_wait3A_2460, %dma_wait3A_2461] : memref<384x128xf32, #tpu.memory_space<vmem>> -> memref<32x128xf32, #tpu.memory_space<vmem>>
      %dma_wait3A_2463 = arith.constant 0 : i32
      %dma_wait3A_2464 = arith.constant 0 : i32
      %dma_wait3A_2465 = tpu.memref_slice %arg4[%dma_wait3A_2463, %dma_wait3A_2464] : memref<32x1000000xf32, #tpu.memory_space<hbm>> -> memref<32x128xf32, #tpu.memory_space<hbm>>
      %dma_wait3A_2466 = arith.constant 32 : i32
      %dma_wait3A_2467 = arith.constant 0 : i32
      %dma_wait3A_2468 = tpu.memref_slice %arg10[%dma_wait3A_2466, %dma_wait3A_2467] : memref<384x128xf32, #tpu.memory_space<vmem>> -> memref<32x128xf32, #tpu.memory_space<vmem>>
      %dma_wait3A_2469 = arith.constant 0 : i32
      %dma_wait3A_2470 = arith.constant 0 : i32
      %dma_wait3A_2471 = tpu.memref_slice %arg4[%dma_wait3A_2469, %dma_wait3A_2470] : memref<32x1000000xf32, #tpu.memory_space<hbm>> -> memref<32x128xf32, #tpu.memory_space<hbm>>
      tpu.wait_dma2 semaphore(%arg14 : memref<!tpu.dma_semaphore, #tpu.memory_space<semaphore_mem>>) src(%dma_wait3A_2471 : memref<32x128xf32, #tpu.memory_space<hbm>>) dst(%dma_wait3A_2468 : memref<32x128xf32, #tpu.memory_space<vmem>>)
      %add3A_2472 = arith.constant 0 : i32
      %add3A_2473 = arith.addi %mul3A_2323, %add3A_2472 : i32
      %mul3A_2474 = arith.constant 2 : i32
      %mul3A_2475 = arith.muli %add3A_2473, %mul3A_2474 : i32
      %add3A_2476 = arith.constant 0 : i32
      %add3A_2477 = arith.addi %mul3A_2475, %add3A_2476 : i32
      %mul3A_2478 = arith.constant 2 : i32
      %mul3A_2479 = arith.muli %add3A_2477, %mul3A_2478 : i32
      %get3A_2480 = arith.index_cast %mul3A_2479 : i32 to index
      %get3A_2481 = memref.load %arg7[%get3A_2480] : memref<1028xi32, #tpu.memory_space<smem>>
      %and3A_2482 = arith.constant 127 : i32
      %and3A_2483 = arith.andi %get3A_2481, %and3A_2482 : i32
      %mul3A_2484 = arith.constant 2 : i32
      %mul3A_2485 = arith.muli %add3A_2473, %mul3A_2484 : i32
      %add3A_2486 = arith.constant 0 : i32
      %add3A_2487 = arith.addi %mul3A_2485, %add3A_2486 : i32
      %mul3A_2488 = arith.constant 2 : i32
      %mul3A_2489 = arith.muli %add3A_2487, %mul3A_2488 : i32
      %add3A_2490 = arith.constant 1 : i32
      %add3A_2491 = arith.addi %mul3A_2489, %add3A_2490 : i32
      %get3A_2492 = arith.index_cast %add3A_2491 : i32 to index
      %get3A_2493 = memref.load %arg7[%get3A_2492] : memref<1028xi32, #tpu.memory_space<smem>>
      %and3A_2494 = arith.constant 127 : i32
      %and3A_2495 = arith.andi %get3A_2493, %and3A_2494 : i32
      %add3A_2496 = arith.constant 0 : i32
      %add3A_2497 = vector.broadcast %add3A_2496 : i32 to vector<16xi32>
      %add3A_2498 = arith.addi %add3A_2497, %iota3A : vector<16xi32>
      %add3A_2499 = arith.constant 16 : i32
      %add3A_2500 = vector.broadcast %add3A_2499 : i32 to vector<16xi32>
      %add3A_2501 = arith.addi %add3A_2498, %add3A_2500 : vector<16xi32>
      %mul3A_2502 = arith.constant 0 : i32
      %mul3A_2503 = vector.broadcast %mul3A_2502 : i32 to vector<16xi32>
      %mul3A_2504 = arith.muli %iota3A, %mul3A_2503 : vector<16xi32>
      %add3A_2505 = vector.broadcast %and3A_2483 : i32 to vector<16xi32>
      %add3A_2506 = arith.addi %mul3A_2504, %add3A_2505 : vector<16xi32>
      %gather3A_2507 = tpu.vector_load_idx %arg9[%add3A_2498, %add3A_2506] : memref<384x128xf32, #tpu.memory_space<vmem>>[vector<16xi32>, vector<16xi32>], vector<16xf32>,
      %mul3A_2508 = arith.constant 0 : i32
      %mul3A_2509 = vector.broadcast %mul3A_2508 : i32 to vector<16xi32>
      %mul3A_2510 = arith.muli %iota3A, %mul3A_2509 : vector<16xi32>
      %add3A_2511 = vector.broadcast %and3A_2483 : i32 to vector<16xi32>
      %add3A_2512 = arith.addi %mul3A_2510, %add3A_2511 : vector<16xi32>
      %gather3A_2513 = tpu.vector_load_idx %arg9[%add3A_2501, %add3A_2512] : memref<384x128xf32, #tpu.memory_space<vmem>>[vector<16xi32>, vector<16xi32>], vector<16xf32>,
      %mul3A_2514 = arith.constant 0 : i32
      %mul3A_2515 = vector.broadcast %mul3A_2514 : i32 to vector<16xi32>
      %mul3A_2516 = arith.muli %iota3A, %mul3A_2515 : vector<16xi32>
      %add3A_2517 = vector.broadcast %and3A_2495 : i32 to vector<16xi32>
      %add3A_2518 = arith.addi %mul3A_2516, %add3A_2517 : vector<16xi32>
      %gather3A_2519 = tpu.vector_load_idx %arg10[%add3A_2498, %add3A_2518] : memref<384x128xf32, #tpu.memory_space<vmem>>[vector<16xi32>, vector<16xi32>], vector<16xf32>,
      %mul3A_2520 = arith.constant 0 : i32
      %mul3A_2521 = vector.broadcast %mul3A_2520 : i32 to vector<16xi32>
      %mul3A_2522 = arith.muli %iota3A, %mul3A_2521 : vector<16xi32>
      %add3A_2523 = vector.broadcast %and3A_2495 : i32 to vector<16xi32>
      %add3A_2524 = arith.addi %mul3A_2522, %add3A_2523 : vector<16xi32>
      %gather3A_2525 = tpu.vector_load_idx %arg10[%add3A_2501, %add3A_2524] : memref<384x128xf32, #tpu.memory_space<vmem>>[vector<16xi32>, vector<16xi32>], vector<16xf32>,
      %mul3A_2526 = arith.mulf %gather3A_2507, %gather3A_2519 : vector<16xf32>
      %mul3A_2527 = arith.mulf %mul3A_2526, %get3A_8 : vector<16xf32>
      %mul3A_2528 = arith.mulf %gather3A_2513, %gather3A_2525 : vector<16xf32>
      %mul3A_2529 = arith.mulf %mul3A_2528, %get3A_10 : vector<16xf32>
      %add3A_2530 = arith.addf %mul3A_2527, %mul3A_2529 : vector<16xf32>
      %and3A_2531 = arith.constant 7 : i32
      %and3A_2532 = arith.andi %add3A_2473, %and3A_2531 : i32
      %mul3A_2533 = arith.constant 2 : i32
      %mul3A_2534 = arith.muli %and3A_2532, %mul3A_2533 : i32
      %add3A_2535 = arith.constant 0 : i32
      %add3A_2536 = arith.addi %mul3A_2534, %add3A_2535 : i32
      %mul3A_2537 = arith.constant 17 : i32
      %mul3A_2538 = arith.muli %add3A_2536, %mul3A_2537 : i32
      %swap3A_2539 = arith.index_cast %mul3A_2538 : i32 to index
      %swap3A_2540 = tpu.vector_load %arg12[%swap3A_2539] {strides = array<i32>} : memref<272xf32, #tpu.memory_space<vmem>>, vector<16xf32>,
      tpu.vector_store %arg12[%swap3A_2539], %add3A_2530 {strides = array<i32>} : memref<272xf32, #tpu.memory_space<vmem>>, vector<16xf32>,
      %mul3A_2541 = arith.constant 2 : i32
      %mul3A_2542 = arith.muli %add3A_2473, %mul3A_2541 : i32
      %add3A_2543 = arith.constant 1 : i32
      %add3A_2544 = arith.addi %mul3A_2542, %add3A_2543 : i32
      %mul3A_2545 = arith.constant 2 : i32
      %mul3A_2546 = arith.muli %add3A_2544, %mul3A_2545 : i32
      %get3A_2547 = arith.index_cast %mul3A_2546 : i32 to index
      %get3A_2548 = memref.load %arg7[%get3A_2547] : memref<1028xi32, #tpu.memory_space<smem>>
      %and3A_2549 = arith.constant 127 : i32
      %and3A_2550 = arith.andi %get3A_2548, %and3A_2549 : i32
      %mul3A_2551 = arith.constant 2 : i32
      %mul3A_2552 = arith.muli %add3A_2473, %mul3A_2551 : i32
      %add3A_2553 = arith.constant 1 : i32
      %add3A_2554 = arith.addi %mul3A_2552, %add3A_2553 : i32
      %mul3A_2555 = arith.constant 2 : i32
      %mul3A_2556 = arith.muli %add3A_2554, %mul3A_2555 : i32
      %add3A_2557 = arith.constant 1 : i32
      %add3A_2558 = arith.addi %mul3A_2556, %add3A_2557 : i32
      %get3A_2559 = arith.index_cast %add3A_2558 : i32 to index
      %get3A_2560 = memref.load %arg7[%get3A_2559] : memref<1028xi32, #tpu.memory_space<smem>>
      %and3A_2561 = arith.constant 127 : i32
      %and3A_2562 = arith.andi %get3A_2560, %and3A_2561 : i32
      %add3A_2563 = arith.constant 32 : i32
      %add3A_2564 = vector.broadcast %add3A_2563 : i32 to vector<16xi32>
      %add3A_2565 = arith.addi %add3A_2564, %iota3A : vector<16xi32>
      %add3A_2566 = arith.constant 16 : i32
      %add3A_2567 = vector.broadcast %add3A_2566 : i32 to vector<16xi32>
      %add3A_2568 = arith.addi %add3A_2565, %add3A_2567 : vector<16xi32>
      %mul3A_2569 = arith.constant 0 : i32
      %mul3A_2570 = vector.broadcast %mul3A_2569 : i32 to vector<16xi32>
      %mul3A_2571 = arith.muli %iota3A, %mul3A_2570 : vector<16xi32>
      %add3A_2572 = vector.broadcast %and3A_2550 : i32 to vector<16xi32>
      %add3A_2573 = arith.addi %mul3A_2571, %add3A_2572 : vector<16xi32>
      %gather3A_2574 = tpu.vector_load_idx %arg9[%add3A_2565, %add3A_2573] : memref<384x128xf32, #tpu.memory_space<vmem>>[vector<16xi32>, vector<16xi32>], vector<16xf32>,
      %mul3A_2575 = arith.constant 0 : i32
      %mul3A_2576 = vector.broadcast %mul3A_2575 : i32 to vector<16xi32>
      %mul3A_2577 = arith.muli %iota3A, %mul3A_2576 : vector<16xi32>
      %add3A_2578 = vector.broadcast %and3A_2550 : i32 to vector<16xi32>
      %add3A_2579 = arith.addi %mul3A_2577, %add3A_2578 : vector<16xi32>
      %gather3A_2580 = tpu.vector_load_idx %arg9[%add3A_2568, %add3A_2579] : memref<384x128xf32, #tpu.memory_space<vmem>>[vector<16xi32>, vector<16xi32>], vector<16xf32>,
      %mul3A_2581 = arith.constant 0 : i32
      %mul3A_2582 = vector.broadcast %mul3A_2581 : i32 to vector<16xi32>
      %mul3A_2583 = arith.muli %iota3A, %mul3A_2582 : vector<16xi32>
      %add3A_2584 = vector.broadcast %and3A_2562 : i32 to vector<16xi32>
      %add3A_2585 = arith.addi %mul3A_2583, %add3A_2584 : vector<16xi32>
      %gather3A_2586 = tpu.vector_load_idx %arg10[%add3A_2565, %add3A_2585] : memref<384x128xf32, #tpu.memory_space<vmem>>[vector<16xi32>, vector<16xi32>], vector<16xf32>,
      %mul3A_2587 = arith.constant 0 : i32
      %mul3A_2588 = vector.broadcast %mul3A_2587 : i32 to vector<16xi32>
      %mul3A_2589 = arith.muli %iota3A, %mul3A_2588 : vector<16xi32>
      %add3A_2590 = vector.broadcast %and3A_2562 : i32 to vector<16xi32>
      %add3A_2591 = arith.addi %mul3A_2589, %add3A_2590 : vector<16xi32>
      %gather3A_2592 = tpu.vector_load_idx %arg10[%add3A_2568, %add3A_2591] : memref<384x128xf32, #tpu.memory_space<vmem>>[vector<16xi32>, vector<16xi32>], vector<16xf32>,
      %mul3A_2593 = arith.mulf %gather3A_2574, %gather3A_2586 : vector<16xf32>
      %mul3A_2594 = arith.mulf %mul3A_2593, %get3A_8 : vector<16xf32>
      %mul3A_2595 = arith.mulf %gather3A_2580, %gather3A_2592 : vector<16xf32>
      %mul3A_2596 = arith.mulf %mul3A_2595, %get3A_10 : vector<16xf32>
      %add3A_2597 = arith.addf %mul3A_2594, %mul3A_2596 : vector<16xf32>
      %and3A_2598 = arith.constant 7 : i32
      %and3A_2599 = arith.andi %add3A_2473, %and3A_2598 : i32
      %mul3A_2600 = arith.constant 2 : i32
      %mul3A_2601 = arith.muli %and3A_2599, %mul3A_2600 : i32
      %add3A_2602 = arith.constant 1 : i32
      %add3A_2603 = arith.addi %mul3A_2601, %add3A_2602 : i32
      %mul3A_2604 = arith.constant 17 : i32
      %mul3A_2605 = arith.muli %add3A_2603, %mul3A_2604 : i32
      %swap3A_2606 = arith.index_cast %mul3A_2605 : i32 to index
      %swap3A_2607 = tpu.vector_load %arg12[%swap3A_2606] {strides = array<i32>} : memref<272xf32, #tpu.memory_space<vmem>>, vector<16xf32>,
      tpu.vector_store %arg12[%swap3A_2606], %add3A_2597 {strides = array<i32>} : memref<272xf32, #tpu.memory_space<vmem>>, vector<16xf32>,
      %and3A_2608 = arith.constant 7 : i32
      %and3A_2609 = arith.andi %add3A_2473, %and3A_2608 : i32
      %eq3A = arith.constant 7 : i32
      %eq3A_2610 = arith.cmpi eq, %and3A_2609, %eq3A : i32
      %convert_element_type3A = arith.extui %eq3A_2610 : i1 to i32
      %cond3A = arith.constant 0 : i32
      %cond3A_2611 = arith.cmpi ne, %convert_element_type3A, %cond3A : i32
      scf.if %cond3A_2611 {
        %gather3A_4067 = tpu.vector_load_idx %arg12[%mul3A_7] : memref<272xf32, #tpu.memory_space<vmem>>[vector<16xi32>], vector<16xf32>,
        %add3A_4068 = arith.constant 1 : i32
        %add3A_4069 = vector.broadcast %add3A_4068 : i32 to vector<16xi32>
        %add3A_4070 = arith.addi %mul3A_7, %add3A_4069 : vector<16xi32>
        %gather3A_4071 = tpu.vector_load_idx %arg12[%add3A_4070] : memref<272xf32, #tpu.memory_space<vmem>>[vector<16xi32>], vector<16xf32>,
        %add3A_4072 = arith.addf %gather3A_4067, %gather3A_4071 : vector<16xf32>
        %add3A_4073 = arith.constant 2 : i32
        %add3A_4074 = vector.broadcast %add3A_4073 : i32 to vector<16xi32>
        %add3A_4075 = arith.addi %mul3A_7, %add3A_4074 : vector<16xi32>
        %gather3A_4076 = tpu.vector_load_idx %arg12[%add3A_4075] : memref<272xf32, #tpu.memory_space<vmem>>[vector<16xi32>], vector<16xf32>,
        %add3A_4077 = arith.addf %add3A_4072, %gather3A_4076 : vector<16xf32>
        %add3A_4078 = arith.constant 3 : i32
        %add3A_4079 = vector.broadcast %add3A_4078 : i32 to vector<16xi32>
        %add3A_4080 = arith.addi %mul3A_7, %add3A_4079 : vector<16xi32>
        %gather3A_4081 = tpu.vector_load_idx %arg12[%add3A_4080] : memref<272xf32, #tpu.memory_space<vmem>>[vector<16xi32>], vector<16xf32>,
        %add3A_4082 = arith.addf %add3A_4077, %gather3A_4081 : vector<16xf32>
        %add3A_4083 = arith.constant 4 : i32
        %add3A_4084 = vector.broadcast %add3A_4083 : i32 to vector<16xi32>
        %add3A_4085 = arith.addi %mul3A_7, %add3A_4084 : vector<16xi32>
        %gather3A_4086 = tpu.vector_load_idx %arg12[%add3A_4085] : memref<272xf32, #tpu.memory_space<vmem>>[vector<16xi32>], vector<16xf32>,
        %add3A_4087 = arith.addf %add3A_4082, %gather3A_4086 : vector<16xf32>
        %add3A_4088 = arith.constant 5 : i32
        %add3A_4089 = vector.broadcast %add3A_4088 : i32 to vector<16xi32>
        %add3A_4090 = arith.addi %mul3A_7, %add3A_4089 : vector<16xi32>
        %gather3A_4091 = tpu.vector_load_idx %arg12[%add3A_4090] : memref<272xf32, #tpu.memory_space<vmem>>[vector<16xi32>], vector<16xf32>,
        %add3A_4092 = arith.addf %add3A_4087, %gather3A_4091 : vector<16xf32>
        %add3A_4093 = arith.constant 6 : i32
        %add3A_4094 = vector.broadcast %add3A_4093 : i32 to vector<16xi32>
        %add3A_4095 = arith.addi %mul3A_7, %add3A_4094 : vector<16xi32>
        %gather3A_4096 = tpu.vector_load_idx %arg12[%add3A_4095] : memref<272xf32, #tpu.memory_space<vmem>>[vector<16xi32>], vector<16xf32>,
        %add3A_4097 = arith.addf %add3A_4092, %gather3A_4096 : vector<16xf32>
        %add3A_4098 = arith.constant 7 : i32
        %add3A_4099 = vector.broadcast %add3A_4098 : i32 to vector<16xi32>
        %add3A_4100 = arith.addi %mul3A_7, %add3A_4099 : vector<16xi32>
        %gather3A_4101 = tpu.vector_load_idx %arg12[%add3A_4100] : memref<272xf32, #tpu.memory_space<vmem>>[vector<16xi32>], vector<16xf32>,
        %add3A_4102 = arith.addf %add3A_4097, %gather3A_4101 : vector<16xf32>
        %add3A_4103 = arith.constant 8 : i32
        %add3A_4104 = vector.broadcast %add3A_4103 : i32 to vector<16xi32>
        %add3A_4105 = arith.addi %mul3A_7, %add3A_4104 : vector<16xi32>
        %gather3A_4106 = tpu.vector_load_idx %arg12[%add3A_4105] : memref<272xf32, #tpu.memory_space<vmem>>[vector<16xi32>], vector<16xf32>,
        %add3A_4107 = arith.addf %add3A_4102, %gather3A_4106 : vector<16xf32>
        %add3A_4108 = arith.constant 9 : i32
        %add3A_4109 = vector.broadcast %add3A_4108 : i32 to vector<16xi32>
        %add3A_4110 = arith.addi %mul3A_7, %add3A_4109 : vector<16xi32>
        %gather3A_4111 = tpu.vector_load_idx %arg12[%add3A_4110] : memref<272xf32, #tpu.memory_space<vmem>>[vector<16xi32>], vector<16xf32>,
        %add3A_4112 = arith.addf %add3A_4107, %gather3A_4111 : vector<16xf32>
        %add3A_4113 = arith.constant 10 : i32
        %add3A_4114 = vector.broadcast %add3A_4113 : i32 to vector<16xi32>
        %add3A_4115 = arith.addi %mul3A_7, %add3A_4114 : vector<16xi32>
        %gather3A_4116 = tpu.vector_load_idx %arg12[%add3A_4115] : memref<272xf32, #tpu.memory_space<vmem>>[vector<16xi32>], vector<16xf32>,
        %add3A_4117 = arith.addf %add3A_4112, %gather3A_4116 : vector<16xf32>
        %add3A_4118 = arith.constant 11 : i32
        %add3A_4119 = vector.broadcast %add3A_4118 : i32 to vector<16xi32>
        %add3A_4120 = arith.addi %mul3A_7, %add3A_4119 : vector<16xi32>
        %gather3A_4121 = tpu.vector_load_idx %arg12[%add3A_4120] : memref<272xf32, #tpu.memory_space<vmem>>[vector<16xi32>], vector<16xf32>,
        %add3A_4122 = arith.addf %add3A_4117, %gather3A_4121 : vector<16xf32>
        %add3A_4123 = arith.constant 12 : i32
        %add3A_4124 = vector.broadcast %add3A_4123 : i32 to vector<16xi32>
        %add3A_4125 = arith.addi %mul3A_7, %add3A_4124 : vector<16xi32>
        %gather3A_4126 = tpu.vector_load_idx %arg12[%add3A_4125] : memref<272xf32, #tpu.memory_space<vmem>>[vector<16xi32>], vector<16xf32>,
        %add3A_4127 = arith.addf %add3A_4122, %gather3A_4126 : vector<16xf32>
        %add3A_4128 = arith.constant 13 : i32
        %add3A_4129 = vector.broadcast %add3A_4128 : i32 to vector<16xi32>
        %add3A_4130 = arith.addi %mul3A_7, %add3A_4129 : vector<16xi32>
        %gather3A_4131 = tpu.vector_load_idx %arg12[%add3A_4130] : memref<272xf32, #tpu.memory_space<vmem>>[vector<16xi32>], vector<16xf32>,
        %add3A_4132 = arith.addf %add3A_4127, %gather3A_4131 : vector<16xf32>
        %add3A_4133 = arith.constant 14 : i32
        %add3A_4134 = vector.broadcast %add3A_4133 : i32 to vector<16xi32>
        %add3A_4135 = arith.addi %mul3A_7, %add3A_4134 : vector<16xi32>
        %gather3A_4136 = tpu.vector_load_idx %arg12[%add3A_4135] : memref<272xf32, #tpu.memory_space<vmem>>[vector<16xi32>], vector<16xf32>,
        %add3A_4137 = arith.addf %add3A_4132, %gather3A_4136 : vector<16xf32>
        %add3A_4138 = arith.constant 15 : i32
        %add3A_4139 = vector.broadcast %add3A_4138 : i32 to vector<16xi32>
        %add3A_4140 = arith.addi %mul3A_7, %add3A_4139 : vector<16xi32>
        %gather3A_4141 = tpu.vector_load_idx %arg12[%add3A_4140] : memref<272xf32, #tpu.memory_space<vmem>>[vector<16xi32>], vector<16xf32>,
        %add3A_4142 = arith.addf %add3A_4137, %gather3A_4141 : vector<16xf32>
        %neg3A_4143 = arith.constant 0.000000e+00 : f32
        %neg3A_4144 = vector.broadcast %neg3A_4143 : f32 to vector<16xf32>
        %neg3A_4145 = arith.subf %neg3A_4144, %add3A_4142 : vector<16xf32>
        %exp3A_4146 = math.exp %neg3A_4145 : vector<16xf32>
        %add3A_4147 = arith.constant 1.000000e+00 : f32
        %add3A_4148 = vector.broadcast %add3A_4147 : f32 to vector<16xf32>
        %add3A_4149 = arith.addf %add3A_4148, %exp3A_4146 : vector<16xf32>
        %div3A_4150 = arith.constant 1.000000e+00 : f32
        %div3A_4151 = vector.broadcast %div3A_4150 : f32 to vector<16xf32>
        %div3A_4152 = arith.divf %div3A_4151, %add3A_4149 : vector<16xf32>
        %shift_right_arithmetic3A_4153 = arith.constant 3 : i32
        %shift_right_arithmetic3A_4154 = arith.shrsi %add3A_2473, %shift_right_arithmetic3A_4153 : i32
        %mul3A_4155 = arith.constant 16 : i32
        %mul3A_4156 = arith.muli %shift_right_arithmetic3A_4154, %mul3A_4155 : i32
        %swap3A_4157 = arith.index_cast %mul3A_4156 : i32 to index
        %swap3A_4158 = tpu.vector_load %arg13[%swap3A_4157] {strides = array<i32>} : memref<512xf32, #tpu.memory_space<vmem>>, vector<16xf32>,
        tpu.vector_store %arg13[%swap3A_4157], %div3A_4152 {strides = array<i32>} : memref<512xf32, #tpu.memory_space<vmem>>, vector<16xf32>,
      } else {
      }
      %add3A_2612 = arith.constant 5 : i32
      %add3A_2613 = arith.addi %mul3A_2323, %add3A_2612 : i32
      %add3A_2614 = arith.constant 1 : i32
      %add3A_2615 = arith.addi %add3A_2613, %add3A_2614 : i32
      %mul3A_2616 = arith.constant 2 : i32
      %mul3A_2617 = arith.muli %add3A_2615, %mul3A_2616 : i32
      %add3A_2618 = arith.constant 0 : i32
      %add3A_2619 = arith.addi %mul3A_2617, %add3A_2618 : i32
      %mul3A_2620 = arith.constant 2 : i32
      %mul3A_2621 = arith.muli %add3A_2619, %mul3A_2620 : i32
      %get3A_2622 = arith.index_cast %mul3A_2621 : i32 to index
      %get3A_2623 = memref.load %arg7[%get3A_2622] : memref<1028xi32, #tpu.memory_space<smem>>
      %mul3A_2624 = arith.constant 2 : i32
      %mul3A_2625 = arith.muli %add3A_2615, %mul3A_2624 : i32
      %add3A_2626 = arith.constant 0 : i32
      %add3A_2627 = arith.addi %mul3A_2625, %add3A_2626 : i32
      %mul3A_2628 = arith.constant 2 : i32
      %mul3A_2629 = arith.muli %add3A_2627, %mul3A_2628 : i32
      %add3A_2630 = arith.constant 1 : i32
      %add3A_2631 = arith.addi %mul3A_2629, %add3A_2630 : i32
      %get3A_2632 = arith.index_cast %add3A_2631 : i32 to index
      %get3A_2633 = memref.load %arg7[%get3A_2632] : memref<1028xi32, #tpu.memory_space<smem>>
      %shift_right_arithmetic3A_2634 = arith.constant 7 : i32
      %shift_right_arithmetic3A_2635 = arith.shrsi %get3A_2623, %shift_right_arithmetic3A_2634 : i32
      %shift_left3A_2636 = arith.constant 7 : i32
      %shift_left3A_2637 = arith.shli %shift_right_arithmetic3A_2635, %shift_left3A_2636 : i32
      %multiple_of3A_2638 = tpu.assume_multiple %shift_left3A_2637, 128 : i32
      %shift_right_arithmetic3A_2639 = arith.constant 7 : i32
      %shift_right_arithmetic3A_2640 = arith.shrsi %get3A_2633, %shift_right_arithmetic3A_2639 : i32
      %shift_left3A_2641 = arith.constant 7 : i32
      %shift_left3A_2642 = arith.shli %shift_right_arithmetic3A_2640, %shift_left3A_2641 : i32
      %multiple_of3A_2643 = tpu.assume_multiple %shift_left3A_2642, 128 : i32
      %dma_start3A_2644 = arith.constant 0 : i32
      %dma_start3A_2645 = arith.constant 0 : i32
      %dma_start3A_2646 = tpu.memref_slice %arg9[%dma_start3A_2644, %dma_start3A_2645] : memref<384x128xf32, #tpu.memory_space<vmem>> -> memref<32x128xf32, #tpu.memory_space<vmem>>
      %dma_start3A_2647 = arith.constant 0 : i32
      %dma_start3A_2648 = tpu.memref_slice %arg3[%dma_start3A_2647, %multiple_of3A_2638] : memref<32x1000000xf32, #tpu.memory_space<hbm>> -> memref<32x128xf32, #tpu.memory_space<hbm>>
      %dma_start3A_2649 = arith.constant 0 : i32
      %dma_start3A_2650 = arith.constant 0 : i32
      %dma_start3A_2651 = tpu.memref_slice %arg9[%dma_start3A_2649, %dma_start3A_2650] : memref<384x128xf32, #tpu.memory_space<vmem>> -> memref<32x128xf32, #tpu.memory_space<vmem>>
      %dma_start3A_2652 = arith.constant 0 : i32
      %dma_start3A_2653 = tpu.memref_slice %arg3[%dma_start3A_2652, %multiple_of3A_2638] : memref<32x1000000xf32, #tpu.memory_space<hbm>> -> memref<32x128xf32, #tpu.memory_space<hbm>>
      tpu.enqueue_dma source(%dma_start3A_2653 : memref<32x128xf32, #tpu.memory_space<hbm>>) target(%dma_start3A_2651 : memref<32x128xf32, #tpu.memory_space<vmem>>) target_semaphore(%arg14 : memref<!tpu.dma_semaphore, #tpu.memory_space<semaphore_mem>>)
      %dma_start3A_2654 = arith.constant 0 : i32
      %dma_start3A_2655 = arith.constant 0 : i32
      %dma_start3A_2656 = tpu.memref_slice %arg10[%dma_start3A_2654, %dma_start3A_2655] : memref<384x128xf32, #tpu.memory_space<vmem>> -> memref<32x128xf32, #tpu.memory_space<vmem>>
      %dma_start3A_2657 = arith.constant 0 : i32
      %dma_start3A_2658 = tpu.memref_slice %arg4[%dma_start3A_2657, %multiple_of3A_2643] : memref<32x1000000xf32, #tpu.memory_space<hbm>> -> memref<32x128xf32, #tpu.memory_space<hbm>>
      %dma_start3A_2659 = arith.constant 0 : i32
      %dma_start3A_2660 = arith.constant 0 : i32
      %dma_start3A_2661 = tpu.memref_slice %arg10[%dma_start3A_2659, %dma_start3A_2660] : memref<384x128xf32, #tpu.memory_space<vmem>> -> memref<32x128xf32, #tpu.memory_space<vmem>>
      %dma_start3A_2662 = arith.constant 0 : i32
      %dma_start3A_2663 = tpu.memref_slice %arg4[%dma_start3A_2662, %multiple_of3A_2643] : memref<32x1000000xf32, #tpu.memory_space<hbm>> -> memref<32x128xf32, #tpu.memory_space<hbm>>
      tpu.enqueue_dma source(%dma_start3A_2663 : memref<32x128xf32, #tpu.memory_space<hbm>>) target(%dma_start3A_2661 : memref<32x128xf32, #tpu.memory_space<vmem>>) target_semaphore(%arg14 : memref<!tpu.dma_semaphore, #tpu.memory_space<semaphore_mem>>)
      %mul3A_2664 = arith.constant 2 : i32
      %mul3A_2665 = arith.muli %add3A_2615, %mul3A_2664 : i32
      %add3A_2666 = arith.constant 1 : i32
      %add3A_2667 = arith.addi %mul3A_2665, %add3A_2666 : i32
      %mul3A_2668 = arith.constant 2 : i32
      %mul3A_2669 = arith.muli %add3A_2667, %mul3A_2668 : i32
      %get3A_2670 = arith.index_cast %mul3A_2669 : i32 to index
      %get3A_2671 = memref.load %arg7[%get3A_2670] : memref<1028xi32, #tpu.memory_space<smem>>
      %mul3A_2672 = arith.constant 2 : i32
      %mul3A_2673 = arith.muli %add3A_2615, %mul3A_2672 : i32
      %add3A_2674 = arith.constant 1 : i32
      %add3A_2675 = arith.addi %mul3A_2673, %add3A_2674 : i32
      %mul3A_2676 = arith.constant 2 : i32
      %mul3A_2677 = arith.muli %add3A_2675, %mul3A_2676 : i32
      %add3A_2678 = arith.constant 1 : i32
      %add3A_2679 = arith.addi %mul3A_2677, %add3A_2678 : i32
      %get3A_2680 = arith.index_cast %add3A_2679 : i32 to index
      %get3A_2681 = memref.load %arg7[%get3A_2680] : memref<1028xi32, #tpu.memory_space<smem>>
      %shift_right_arithmetic3A_2682 = arith.constant 7 : i32
      %shift_right_arithmetic3A_2683 = arith.shrsi %get3A_2671, %shift_right_arithmetic3A_2682 : i32
      %shift_left3A_2684 = arith.constant 7 : i32
      %shift_left3A_2685 = arith.shli %shift_right_arithmetic3A_2683, %shift_left3A_2684 : i32
      %multiple_of3A_2686 = tpu.assume_multiple %shift_left3A_2685, 128 : i32
      %shift_right_arithmetic3A_2687 = arith.constant 7 : i32
      %shift_right_arithmetic3A_2688 = arith.shrsi %get3A_2681, %shift_right_arithmetic3A_2687 : i32
      %shift_left3A_2689 = arith.constant 7 : i32
      %shift_left3A_2690 = arith.shli %shift_right_arithmetic3A_2688, %shift_left3A_2689 : i32
      %multiple_of3A_2691 = tpu.assume_multiple %shift_left3A_2690, 128 : i32
      %dma_start3A_2692 = arith.constant 32 : i32
      %dma_start3A_2693 = arith.constant 0 : i32
      %dma_start3A_2694 = tpu.memref_slice %arg9[%dma_start3A_2692, %dma_start3A_2693] : memref<384x128xf32, #tpu.memory_space<vmem>> -> memref<32x128xf32, #tpu.memory_space<vmem>>
      %dma_start3A_2695 = arith.constant 0 : i32
      %dma_start3A_2696 = tpu.memref_slice %arg3[%dma_start3A_2695, %multiple_of3A_2686] : memref<32x1000000xf32, #tpu.memory_space<hbm>> -> memref<32x128xf32, #tpu.memory_space<hbm>>
      %dma_start3A_2697 = arith.constant 32 : i32
      %dma_start3A_2698 = arith.constant 0 : i32
      %dma_start3A_2699 = tpu.memref_slice %arg9[%dma_start3A_2697, %dma_start3A_2698] : memref<384x128xf32, #tpu.memory_space<vmem>> -> memref<32x128xf32, #tpu.memory_space<vmem>>
      %dma_start3A_2700 = arith.constant 0 : i32
      %dma_start3A_2701 = tpu.memref_slice %arg3[%dma_start3A_2700, %multiple_of3A_2686] : memref<32x1000000xf32, #tpu.memory_space<hbm>> -> memref<32x128xf32, #tpu.memory_space<hbm>>
      tpu.enqueue_dma source(%dma_start3A_2701 : memref<32x128xf32, #tpu.memory_space<hbm>>) target(%dma_start3A_2699 : memref<32x128xf32, #tpu.memory_space<vmem>>) target_semaphore(%arg14 : memref<!tpu.dma_semaphore, #tpu.memory_space<semaphore_mem>>)
      %dma_start3A_2702 = arith.constant 32 : i32
      %dma_start3A_2703 = arith.constant 0 : i32
      %dma_start3A_2704 = tpu.memref_slice %arg10[%dma_start3A_2702, %dma_start3A_2703] : memref<384x128xf32, #tpu.memory_space<vmem>> -> memref<32x128xf32, #tpu.memory_space<vmem>>
      %dma_start3A_2705 = arith.constant 0 : i32
      %dma_start3A_2706 = tpu.memref_slice %arg4[%dma_start3A_2705, %multiple_of3A_2691] : memref<32x1000000xf32, #tpu.memory_space<hbm>> -> memref<32x128xf32, #tpu.memory_space<hbm>>
      %dma_start3A_2707 = arith.constant 32 : i32
      %dma_start3A_2708 = arith.constant 0 : i32
      %dma_start3A_2709 = tpu.memref_slice %arg10[%dma_start3A_2707, %dma_start3A_2708] : memref<384x128xf32, #tpu.memory_space<vmem>> -> memref<32x128xf32, #tpu.memory_space<vmem>>
      %dma_start3A_2710 = arith.constant 0 : i32
      %dma_start3A_2711 = tpu.memref_slice %arg4[%dma_start3A_2710, %multiple_of3A_2691] : memref<32x1000000xf32, #tpu.memory_space<hbm>> -> memref<32x128xf32, #tpu.memory_space<hbm>>
      tpu.enqueue_dma source(%dma_start3A_2711 : memref<32x128xf32, #tpu.memory_space<hbm>>) target(%dma_start3A_2709 : memref<32x128xf32, #tpu.memory_space<vmem>>) target_semaphore(%arg14 : memref<!tpu.dma_semaphore, #tpu.memory_space<semaphore_mem>>)
      %dma_wait3A_2712 = arith.constant 0 : i32
      %dma_wait3A_2713 = arith.constant 0 : i32
      %dma_wait3A_2714 = tpu.memref_slice %arg9[%dma_wait3A_2712, %dma_wait3A_2713] : memref<384x128xf32, #tpu.memory_space<vmem>> -> memref<32x128xf32, #tpu.memory_space<vmem>>
      %dma_wait3A_2715 = arith.constant 0 : i32
      %dma_wait3A_2716 = arith.constant 0 : i32
      %dma_wait3A_2717 = tpu.memref_slice %arg3[%dma_wait3A_2715, %dma_wait3A_2716] : memref<32x1000000xf32, #tpu.memory_space<hbm>> -> memref<32x128xf32, #tpu.memory_space<hbm>>
      %dma_wait3A_2718 = arith.constant 0 : i32
      %dma_wait3A_2719 = arith.constant 0 : i32
      %dma_wait3A_2720 = tpu.memref_slice %arg9[%dma_wait3A_2718, %dma_wait3A_2719] : memref<384x128xf32, #tpu.memory_space<vmem>> -> memref<32x128xf32, #tpu.memory_space<vmem>>
      %dma_wait3A_2721 = arith.constant 0 : i32
      %dma_wait3A_2722 = arith.constant 0 : i32
      %dma_wait3A_2723 = tpu.memref_slice %arg3[%dma_wait3A_2721, %dma_wait3A_2722] : memref<32x1000000xf32, #tpu.memory_space<hbm>> -> memref<32x128xf32, #tpu.memory_space<hbm>>
      tpu.wait_dma2 semaphore(%arg15 : memref<!tpu.dma_semaphore, #tpu.memory_space<semaphore_mem>>) src(%dma_wait3A_2723 : memref<32x128xf32, #tpu.memory_space<hbm>>) dst(%dma_wait3A_2720 : memref<32x128xf32, #tpu.memory_space<vmem>>)
      %dma_wait3A_2724 = arith.constant 0 : i32
      %dma_wait3A_2725 = arith.constant 0 : i32
      %dma_wait3A_2726 = tpu.memref_slice %arg10[%dma_wait3A_2724, %dma_wait3A_2725] : memref<384x128xf32, #tpu.memory_space<vmem>> -> memref<32x128xf32, #tpu.memory_space<vmem>>
      %dma_wait3A_2727 = arith.constant 0 : i32
      %dma_wait3A_2728 = arith.constant 0 : i32
      %dma_wait3A_2729 = tpu.memref_slice %arg4[%dma_wait3A_2727, %dma_wait3A_2728] : memref<32x1000000xf32, #tpu.memory_space<hbm>> -> memref<32x128xf32, #tpu.memory_space<hbm>>
      %dma_wait3A_2730 = arith.constant 0 : i32
      %dma_wait3A_2731 = arith.constant 0 : i32
      %dma_wait3A_2732 = tpu.memref_slice %arg10[%dma_wait3A_2730, %dma_wait3A_2731] : memref<384x128xf32, #tpu.memory_space<vmem>> -> memref<32x128xf32, #tpu.memory_space<vmem>>
      %dma_wait3A_2733 = arith.constant 0 : i32
      %dma_wait3A_2734 = arith.constant 0 : i32
      %dma_wait3A_2735 = tpu.memref_slice %arg4[%dma_wait3A_2733, %dma_wait3A_2734] : memref<32x1000000xf32, #tpu.memory_space<hbm>> -> memref<32x128xf32, #tpu.memory_space<hbm>>
      tpu.wait_dma2 semaphore(%arg15 : memref<!tpu.dma_semaphore, #tpu.memory_space<semaphore_mem>>) src(%dma_wait3A_2735 : memref<32x128xf32, #tpu.memory_space<hbm>>) dst(%dma_wait3A_2732 : memref<32x128xf32, #tpu.memory_space<vmem>>)
      %dma_wait3A_2736 = arith.constant 32 : i32
      %dma_wait3A_2737 = arith.constant 0 : i32
      %dma_wait3A_2738 = tpu.memref_slice %arg9[%dma_wait3A_2736, %dma_wait3A_2737] : memref<384x128xf32, #tpu.memory_space<vmem>> -> memref<32x128xf32, #tpu.memory_space<vmem>>
      %dma_wait3A_2739 = arith.constant 0 : i32
      %dma_wait3A_2740 = arith.constant 0 : i32
      %dma_wait3A_2741 = tpu.memref_slice %arg3[%dma_wait3A_2739, %dma_wait3A_2740] : memref<32x1000000xf32, #tpu.memory_space<hbm>> -> memref<32x128xf32, #tpu.memory_space<hbm>>
      %dma_wait3A_2742 = arith.constant 32 : i32
      %dma_wait3A_2743 = arith.constant 0 : i32
      %dma_wait3A_2744 = tpu.memref_slice %arg9[%dma_wait3A_2742, %dma_wait3A_2743] : memref<384x128xf32, #tpu.memory_space<vmem>> -> memref<32x128xf32, #tpu.memory_space<vmem>>
      %dma_wait3A_2745 = arith.constant 0 : i32
      %dma_wait3A_2746 = arith.constant 0 : i32
      %dma_wait3A_2747 = tpu.memref_slice %arg3[%dma_wait3A_2745, %dma_wait3A_2746] : memref<32x1000000xf32, #tpu.memory_space<hbm>> -> memref<32x128xf32, #tpu.memory_space<hbm>>
      tpu.wait_dma2 semaphore(%arg15 : memref<!tpu.dma_semaphore, #tpu.memory_space<semaphore_mem>>) src(%dma_wait3A_2747 : memref<32x128xf32, #tpu.memory_space<hbm>>) dst(%dma_wait3A_2744 : memref<32x128xf32, #tpu.memory_space<vmem>>)
      %dma_wait3A_2748 = arith.constant 32 : i32
      %dma_wait3A_2749 = arith.constant 0 : i32
      %dma_wait3A_2750 = tpu.memref_slice %arg10[%dma_wait3A_2748, %dma_wait3A_2749] : memref<384x128xf32, #tpu.memory_space<vmem>> -> memref<32x128xf32, #tpu.memory_space<vmem>>
      %dma_wait3A_2751 = arith.constant 0 : i32
      %dma_wait3A_2752 = arith.constant 0 : i32
      %dma_wait3A_2753 = tpu.memref_slice %arg4[%dma_wait3A_2751, %dma_wait3A_2752] : memref<32x1000000xf32, #tpu.memory_space<hbm>> -> memref<32x128xf32, #tpu.memory_space<hbm>>
      %dma_wait3A_2754 = arith.constant 32 : i32
      %dma_wait3A_2755 = arith.constant 0 : i32
      %dma_wait3A_2756 = tpu.memref_slice %arg10[%dma_wait3A_2754, %dma_wait3A_2755] : memref<384x128xf32, #tpu.memory_space<vmem>> -> memref<32x128xf32, #tpu.memory_space<vmem>>
      %dma_wait3A_2757 = arith.constant 0 : i32
      %dma_wait3A_2758 = arith.constant 0 : i32
      %dma_wait3A_2759 = tpu.memref_slice %arg4[%dma_wait3A_2757, %dma_wait3A_2758] : memref<32x1000000xf32, #tpu.memory_space<hbm>> -> memref<32x128xf32, #tpu.memory_space<hbm>>
      tpu.wait_dma2 semaphore(%arg15 : memref<!tpu.dma_semaphore, #tpu.memory_space<semaphore_mem>>) src(%dma_wait3A_2759 : memref<32x128xf32, #tpu.memory_space<hbm>>) dst(%dma_wait3A_2756 : memref<32x128xf32, #tpu.memory_space<vmem>>)
      %add3A_2760 = arith.constant 1 : i32
      %add3A_2761 = arith.addi %mul3A_2323, %add3A_2760 : i32
      %mul3A_2762 = arith.constant 2 : i32
      %mul3A_2763 = arith.muli %add3A_2761, %mul3A_2762 : i32
      %add3A_2764 = arith.constant 0 : i32
      %add3A_2765 = arith.addi %mul3A_2763, %add3A_2764 : i32
      %mul3A_2766 = arith.constant 2 : i32
      %mul3A_2767 = arith.muli %add3A_2765, %mul3A_2766 : i32
      %get3A_2768 = arith.index_cast %mul3A_2767 : i32 to index
      %get3A_2769 = memref.load %arg7[%get3A_2768] : memref<1028xi32, #tpu.memory_space<smem>>
      %and3A_2770 = arith.constant 127 : i32
      %and3A_2771 = arith.andi %get3A_2769, %and3A_2770 : i32
      %mul3A_2772 = arith.constant 2 : i32
      %mul3A_2773 = arith.muli %add3A_2761, %mul3A_2772 : i32
      %add3A_2774 = arith.constant 0 : i32
      %add3A_2775 = arith.addi %mul3A_2773, %add3A_2774 : i32
      %mul3A_2776 = arith.constant 2 : i32
      %mul3A_2777 = arith.muli %add3A_2775, %mul3A_2776 : i32
      %add3A_2778 = arith.constant 1 : i32
      %add3A_2779 = arith.addi %mul3A_2777, %add3A_2778 : i32
      %get3A_2780 = arith.index_cast %add3A_2779 : i32 to index
      %get3A_2781 = memref.load %arg7[%get3A_2780] : memref<1028xi32, #tpu.memory_space<smem>>
      %and3A_2782 = arith.constant 127 : i32
      %and3A_2783 = arith.andi %get3A_2781, %and3A_2782 : i32
      %add3A_2784 = arith.constant 64 : i32
      %add3A_2785 = vector.broadcast %add3A_2784 : i32 to vector<16xi32>
      %add3A_2786 = arith.addi %add3A_2785, %iota3A : vector<16xi32>
      %add3A_2787 = arith.constant 16 : i32
      %add3A_2788 = vector.broadcast %add3A_2787 : i32 to vector<16xi32>
      %add3A_2789 = arith.addi %add3A_2786, %add3A_2788 : vector<16xi32>
      %mul3A_2790 = arith.constant 0 : i32
      %mul3A_2791 = vector.broadcast %mul3A_2790 : i32 to vector<16xi32>
      %mul3A_2792 = arith.muli %iota3A, %mul3A_2791 : vector<16xi32>
      %add3A_2793 = vector.broadcast %and3A_2771 : i32 to vector<16xi32>
      %add3A_2794 = arith.addi %mul3A_2792, %add3A_2793 : vector<16xi32>
      %gather3A_2795 = tpu.vector_load_idx %arg9[%add3A_2786, %add3A_2794] : memref<384x128xf32, #tpu.memory_space<vmem>>[vector<16xi32>, vector<16xi32>], vector<16xf32>,
      %mul3A_2796 = arith.constant 0 : i32
      %mul3A_2797 = vector.broadcast %mul3A_2796 : i32 to vector<16xi32>
      %mul3A_2798 = arith.muli %iota3A, %mul3A_2797 : vector<16xi32>
      %add3A_2799 = vector.broadcast %and3A_2771 : i32 to vector<16xi32>
      %add3A_2800 = arith.addi %mul3A_2798, %add3A_2799 : vector<16xi32>
      %gather3A_2801 = tpu.vector_load_idx %arg9[%add3A_2789, %add3A_2800] : memref<384x128xf32, #tpu.memory_space<vmem>>[vector<16xi32>, vector<16xi32>], vector<16xf32>,
      %mul3A_2802 = arith.constant 0 : i32
      %mul3A_2803 = vector.broadcast %mul3A_2802 : i32 to vector<16xi32>
      %mul3A_2804 = arith.muli %iota3A, %mul3A_2803 : vector<16xi32>
      %add3A_2805 = vector.broadcast %and3A_2783 : i32 to vector<16xi32>
      %add3A_2806 = arith.addi %mul3A_2804, %add3A_2805 : vector<16xi32>
      %gather3A_2807 = tpu.vector_load_idx %arg10[%add3A_2786, %add3A_2806] : memref<384x128xf32, #tpu.memory_space<vmem>>[vector<16xi32>, vector<16xi32>], vector<16xf32>,
      %mul3A_2808 = arith.constant 0 : i32
      %mul3A_2809 = vector.broadcast %mul3A_2808 : i32 to vector<16xi32>
      %mul3A_2810 = arith.muli %iota3A, %mul3A_2809 : vector<16xi32>
      %add3A_2811 = vector.broadcast %and3A_2783 : i32 to vector<16xi32>
      %add3A_2812 = arith.addi %mul3A_2810, %add3A_2811 : vector<16xi32>
      %gather3A_2813 = tpu.vector_load_idx %arg10[%add3A_2789, %add3A_2812] : memref<384x128xf32, #tpu.memory_space<vmem>>[vector<16xi32>, vector<16xi32>], vector<16xf32>,
      %mul3A_2814 = arith.mulf %gather3A_2795, %gather3A_2807 : vector<16xf32>
      %mul3A_2815 = arith.mulf %mul3A_2814, %get3A_8 : vector<16xf32>
      %mul3A_2816 = arith.mulf %gather3A_2801, %gather3A_2813 : vector<16xf32>
      %mul3A_2817 = arith.mulf %mul3A_2816, %get3A_10 : vector<16xf32>
      %add3A_2818 = arith.addf %mul3A_2815, %mul3A_2817 : vector<16xf32>
      %and3A_2819 = arith.constant 7 : i32
      %and3A_2820 = arith.andi %add3A_2761, %and3A_2819 : i32
      %mul3A_2821 = arith.constant 2 : i32
      %mul3A_2822 = arith.muli %and3A_2820, %mul3A_2821 : i32
      %add3A_2823 = arith.constant 0 : i32
      %add3A_2824 = arith.addi %mul3A_2822, %add3A_2823 : i32
      %mul3A_2825 = arith.constant 17 : i32
      %mul3A_2826 = arith.muli %add3A_2824, %mul3A_2825 : i32
      %swap3A_2827 = arith.index_cast %mul3A_2826 : i32 to index
      %swap3A_2828 = tpu.vector_load %arg12[%swap3A_2827] {strides = array<i32>} : memref<272xf32, #tpu.memory_space<vmem>>, vector<16xf32>,
      tpu.vector_store %arg12[%swap3A_2827], %add3A_2818 {strides = array<i32>} : memref<272xf32, #tpu.memory_space<vmem>>, vector<16xf32>,
      %mul3A_2829 = arith.constant 2 : i32
      %mul3A_2830 = arith.muli %add3A_2761, %mul3A_2829 : i32
      %add3A_2831 = arith.constant 1 : i32
      %add3A_2832 = arith.addi %mul3A_2830, %add3A_2831 : i32
      %mul3A_2833 = arith.constant 2 : i32
      %mul3A_2834 = arith.muli %add3A_2832, %mul3A_2833 : i32
      %get3A_2835 = arith.index_cast %mul3A_2834 : i32 to index
      %get3A_2836 = memref.load %arg7[%get3A_2835] : memref<1028xi32, #tpu.memory_space<smem>>
      %and3A_2837 = arith.constant 127 : i32
      %and3A_2838 = arith.andi %get3A_2836, %and3A_2837 : i32
      %mul3A_2839 = arith.constant 2 : i32
      %mul3A_2840 = arith.muli %add3A_2761, %mul3A_2839 : i32
      %add3A_2841 = arith.constant 1 : i32
      %add3A_2842 = arith.addi %mul3A_2840, %add3A_2841 : i32
      %mul3A_2843 = arith.constant 2 : i32
      %mul3A_2844 = arith.muli %add3A_2842, %mul3A_2843 : i32
      %add3A_2845 = arith.constant 1 : i32
      %add3A_2846 = arith.addi %mul3A_2844, %add3A_2845 : i32
      %get3A_2847 = arith.index_cast %add3A_2846 : i32 to index
      %get3A_2848 = memref.load %arg7[%get3A_2847] : memref<1028xi32, #tpu.memory_space<smem>>
      %and3A_2849 = arith.constant 127 : i32
      %and3A_2850 = arith.andi %get3A_2848, %and3A_2849 : i32
      %add3A_2851 = arith.constant 96 : i32
      %add3A_2852 = vector.broadcast %add3A_2851 : i32 to vector<16xi32>
      %add3A_2853 = arith.addi %add3A_2852, %iota3A : vector<16xi32>
      %add3A_2854 = arith.constant 16 : i32
      %add3A_2855 = vector.broadcast %add3A_2854 : i32 to vector<16xi32>
      %add3A_2856 = arith.addi %add3A_2853, %add3A_2855 : vector<16xi32>
      %mul3A_2857 = arith.constant 0 : i32
      %mul3A_2858 = vector.broadcast %mul3A_2857 : i32 to vector<16xi32>
      %mul3A_2859 = arith.muli %iota3A, %mul3A_2858 : vector<16xi32>
      %add3A_2860 = vector.broadcast %and3A_2838 : i32 to vector<16xi32>
      %add3A_2861 = arith.addi %mul3A_2859, %add3A_2860 : vector<16xi32>
      %gather3A_2862 = tpu.vector_load_idx %arg9[%add3A_2853, %add3A_2861] : memref<384x128xf32, #tpu.memory_space<vmem>>[vector<16xi32>, vector<16xi32>], vector<16xf32>,
      %mul3A_2863 = arith.constant 0 : i32
      %mul3A_2864 = vector.broadcast %mul3A_2863 : i32 to vector<16xi32>
      %mul3A_2865 = arith.muli %iota3A, %mul3A_2864 : vector<16xi32>
      %add3A_2866 = vector.broadcast %and3A_2838 : i32 to vector<16xi32>
      %add3A_2867 = arith.addi %mul3A_2865, %add3A_2866 : vector<16xi32>
      %gather3A_2868 = tpu.vector_load_idx %arg9[%add3A_2856, %add3A_2867] : memref<384x128xf32, #tpu.memory_space<vmem>>[vector<16xi32>, vector<16xi32>], vector<16xf32>,
      %mul3A_2869 = arith.constant 0 : i32
      %mul3A_2870 = vector.broadcast %mul3A_2869 : i32 to vector<16xi32>
      %mul3A_2871 = arith.muli %iota3A, %mul3A_2870 : vector<16xi32>
      %add3A_2872 = vector.broadcast %and3A_2850 : i32 to vector<16xi32>
      %add3A_2873 = arith.addi %mul3A_2871, %add3A_2872 : vector<16xi32>
      %gather3A_2874 = tpu.vector_load_idx %arg10[%add3A_2853, %add3A_2873] : memref<384x128xf32, #tpu.memory_space<vmem>>[vector<16xi32>, vector<16xi32>], vector<16xf32>,
      %mul3A_2875 = arith.constant 0 : i32
      %mul3A_2876 = vector.broadcast %mul3A_2875 : i32 to vector<16xi32>
      %mul3A_2877 = arith.muli %iota3A, %mul3A_2876 : vector<16xi32>
      %add3A_2878 = vector.broadcast %and3A_2850 : i32 to vector<16xi32>
      %add3A_2879 = arith.addi %mul3A_2877, %add3A_2878 : vector<16xi32>
      %gather3A_2880 = tpu.vector_load_idx %arg10[%add3A_2856, %add3A_2879] : memref<384x128xf32, #tpu.memory_space<vmem>>[vector<16xi32>, vector<16xi32>], vector<16xf32>,
      %mul3A_2881 = arith.mulf %gather3A_2862, %gather3A_2874 : vector<16xf32>
      %mul3A_2882 = arith.mulf %mul3A_2881, %get3A_8 : vector<16xf32>
      %mul3A_2883 = arith.mulf %gather3A_2868, %gather3A_2880 : vector<16xf32>
      %mul3A_2884 = arith.mulf %mul3A_2883, %get3A_10 : vector<16xf32>
      %add3A_2885 = arith.addf %mul3A_2882, %mul3A_2884 : vector<16xf32>
      %and3A_2886 = arith.constant 7 : i32
      %and3A_2887 = arith.andi %add3A_2761, %and3A_2886 : i32
      %mul3A_2888 = arith.constant 2 : i32
      %mul3A_2889 = arith.muli %and3A_2887, %mul3A_2888 : i32
      %add3A_2890 = arith.constant 1 : i32
      %add3A_2891 = arith.addi %mul3A_2889, %add3A_2890 : i32
      %mul3A_2892 = arith.constant 17 : i32
      %mul3A_2893 = arith.muli %add3A_2891, %mul3A_2892 : i32
      %swap3A_2894 = arith.index_cast %mul3A_2893 : i32 to index
      %swap3A_2895 = tpu.vector_load %arg12[%swap3A_2894] {strides = array<i32>} : memref<272xf32, #tpu.memory_space<vmem>>, vector<16xf32>,
      tpu.vector_store %arg12[%swap3A_2894], %add3A_2885 {strides = array<i32>} : memref<272xf32, #tpu.memory_space<vmem>>, vector<16xf32>,
      %and3A_2896 = arith.constant 7 : i32
      %and3A_2897 = arith.andi %add3A_2761, %and3A_2896 : i32
      %eq3A_2898 = arith.constant 7 : i32
      %eq3A_2899 = arith.cmpi eq, %and3A_2897, %eq3A_2898 : i32
      %convert_element_type3A_2900 = arith.extui %eq3A_2899 : i1 to i32
      %cond3A_2901 = arith.constant 0 : i32
      %cond3A_2902 = arith.cmpi ne, %convert_element_type3A_2900, %cond3A_2901 : i32
      scf.if %cond3A_2902 {
        %gather3A_4067 = tpu.vector_load_idx %arg12[%mul3A_7] : memref<272xf32, #tpu.memory_space<vmem>>[vector<16xi32>], vector<16xf32>,
        %add3A_4068 = arith.constant 1 : i32
        %add3A_4069 = vector.broadcast %add3A_4068 : i32 to vector<16xi32>
        %add3A_4070 = arith.addi %mul3A_7, %add3A_4069 : vector<16xi32>
        %gather3A_4071 = tpu.vector_load_idx %arg12[%add3A_4070] : memref<272xf32, #tpu.memory_space<vmem>>[vector<16xi32>], vector<16xf32>,
        %add3A_4072 = arith.addf %gather3A_4067, %gather3A_4071 : vector<16xf32>
        %add3A_4073 = arith.constant 2 : i32
        %add3A_4074 = vector.broadcast %add3A_4073 : i32 to vector<16xi32>
        %add3A_4075 = arith.addi %mul3A_7, %add3A_4074 : vector<16xi32>
        %gather3A_4076 = tpu.vector_load_idx %arg12[%add3A_4075] : memref<272xf32, #tpu.memory_space<vmem>>[vector<16xi32>], vector<16xf32>,
        %add3A_4077 = arith.addf %add3A_4072, %gather3A_4076 : vector<16xf32>
        %add3A_4078 = arith.constant 3 : i32
        %add3A_4079 = vector.broadcast %add3A_4078 : i32 to vector<16xi32>
        %add3A_4080 = arith.addi %mul3A_7, %add3A_4079 : vector<16xi32>
        %gather3A_4081 = tpu.vector_load_idx %arg12[%add3A_4080] : memref<272xf32, #tpu.memory_space<vmem>>[vector<16xi32>], vector<16xf32>,
        %add3A_4082 = arith.addf %add3A_4077, %gather3A_4081 : vector<16xf32>
        %add3A_4083 = arith.constant 4 : i32
        %add3A_4084 = vector.broadcast %add3A_4083 : i32 to vector<16xi32>
        %add3A_4085 = arith.addi %mul3A_7, %add3A_4084 : vector<16xi32>
        %gather3A_4086 = tpu.vector_load_idx %arg12[%add3A_4085] : memref<272xf32, #tpu.memory_space<vmem>>[vector<16xi32>], vector<16xf32>,
        %add3A_4087 = arith.addf %add3A_4082, %gather3A_4086 : vector<16xf32>
        %add3A_4088 = arith.constant 5 : i32
        %add3A_4089 = vector.broadcast %add3A_4088 : i32 to vector<16xi32>
        %add3A_4090 = arith.addi %mul3A_7, %add3A_4089 : vector<16xi32>
        %gather3A_4091 = tpu.vector_load_idx %arg12[%add3A_4090] : memref<272xf32, #tpu.memory_space<vmem>>[vector<16xi32>], vector<16xf32>,
        %add3A_4092 = arith.addf %add3A_4087, %gather3A_4091 : vector<16xf32>
        %add3A_4093 = arith.constant 6 : i32
        %add3A_4094 = vector.broadcast %add3A_4093 : i32 to vector<16xi32>
        %add3A_4095 = arith.addi %mul3A_7, %add3A_4094 : vector<16xi32>
        %gather3A_4096 = tpu.vector_load_idx %arg12[%add3A_4095] : memref<272xf32, #tpu.memory_space<vmem>>[vector<16xi32>], vector<16xf32>,
        %add3A_4097 = arith.addf %add3A_4092, %gather3A_4096 : vector<16xf32>
        %add3A_4098 = arith.constant 7 : i32
        %add3A_4099 = vector.broadcast %add3A_4098 : i32 to vector<16xi32>
        %add3A_4100 = arith.addi %mul3A_7, %add3A_4099 : vector<16xi32>
        %gather3A_4101 = tpu.vector_load_idx %arg12[%add3A_4100] : memref<272xf32, #tpu.memory_space<vmem>>[vector<16xi32>], vector<16xf32>,
        %add3A_4102 = arith.addf %add3A_4097, %gather3A_4101 : vector<16xf32>
        %add3A_4103 = arith.constant 8 : i32
        %add3A_4104 = vector.broadcast %add3A_4103 : i32 to vector<16xi32>
        %add3A_4105 = arith.addi %mul3A_7, %add3A_4104 : vector<16xi32>
        %gather3A_4106 = tpu.vector_load_idx %arg12[%add3A_4105] : memref<272xf32, #tpu.memory_space<vmem>>[vector<16xi32>], vector<16xf32>,
        %add3A_4107 = arith.addf %add3A_4102, %gather3A_4106 : vector<16xf32>
        %add3A_4108 = arith.constant 9 : i32
        %add3A_4109 = vector.broadcast %add3A_4108 : i32 to vector<16xi32>
        %add3A_4110 = arith.addi %mul3A_7, %add3A_4109 : vector<16xi32>
        %gather3A_4111 = tpu.vector_load_idx %arg12[%add3A_4110] : memref<272xf32, #tpu.memory_space<vmem>>[vector<16xi32>], vector<16xf32>,
        %add3A_4112 = arith.addf %add3A_4107, %gather3A_4111 : vector<16xf32>
        %add3A_4113 = arith.constant 10 : i32
        %add3A_4114 = vector.broadcast %add3A_4113 : i32 to vector<16xi32>
        %add3A_4115 = arith.addi %mul3A_7, %add3A_4114 : vector<16xi32>
        %gather3A_4116 = tpu.vector_load_idx %arg12[%add3A_4115] : memref<272xf32, #tpu.memory_space<vmem>>[vector<16xi32>], vector<16xf32>,
        %add3A_4117 = arith.addf %add3A_4112, %gather3A_4116 : vector<16xf32>
        %add3A_4118 = arith.constant 11 : i32
        %add3A_4119 = vector.broadcast %add3A_4118 : i32 to vector<16xi32>
        %add3A_4120 = arith.addi %mul3A_7, %add3A_4119 : vector<16xi32>
        %gather3A_4121 = tpu.vector_load_idx %arg12[%add3A_4120] : memref<272xf32, #tpu.memory_space<vmem>>[vector<16xi32>], vector<16xf32>,
        %add3A_4122 = arith.addf %add3A_4117, %gather3A_4121 : vector<16xf32>
        %add3A_4123 = arith.constant 12 : i32
        %add3A_4124 = vector.broadcast %add3A_4123 : i32 to vector<16xi32>
        %add3A_4125 = arith.addi %mul3A_7, %add3A_4124 : vector<16xi32>
        %gather3A_4126 = tpu.vector_load_idx %arg12[%add3A_4125] : memref<272xf32, #tpu.memory_space<vmem>>[vector<16xi32>], vector<16xf32>,
        %add3A_4127 = arith.addf %add3A_4122, %gather3A_4126 : vector<16xf32>
        %add3A_4128 = arith.constant 13 : i32
        %add3A_4129 = vector.broadcast %add3A_4128 : i32 to vector<16xi32>
        %add3A_4130 = arith.addi %mul3A_7, %add3A_4129 : vector<16xi32>
        %gather3A_4131 = tpu.vector_load_idx %arg12[%add3A_4130] : memref<272xf32, #tpu.memory_space<vmem>>[vector<16xi32>], vector<16xf32>,
        %add3A_4132 = arith.addf %add3A_4127, %gather3A_4131 : vector<16xf32>
        %add3A_4133 = arith.constant 14 : i32
        %add3A_4134 = vector.broadcast %add3A_4133 : i32 to vector<16xi32>
        %add3A_4135 = arith.addi %mul3A_7, %add3A_4134 : vector<16xi32>
        %gather3A_4136 = tpu.vector_load_idx %arg12[%add3A_4135] : memref<272xf32, #tpu.memory_space<vmem>>[vector<16xi32>], vector<16xf32>,
        %add3A_4137 = arith.addf %add3A_4132, %gather3A_4136 : vector<16xf32>
        %add3A_4138 = arith.constant 15 : i32
        %add3A_4139 = vector.broadcast %add3A_4138 : i32 to vector<16xi32>
        %add3A_4140 = arith.addi %mul3A_7, %add3A_4139 : vector<16xi32>
        %gather3A_4141 = tpu.vector_load_idx %arg12[%add3A_4140] : memref<272xf32, #tpu.memory_space<vmem>>[vector<16xi32>], vector<16xf32>,
        %add3A_4142 = arith.addf %add3A_4137, %gather3A_4141 : vector<16xf32>
        %neg3A_4143 = arith.constant 0.000000e+00 : f32
        %neg3A_4144 = vector.broadcast %neg3A_4143 : f32 to vector<16xf32>
        %neg3A_4145 = arith.subf %neg3A_4144, %add3A_4142 : vector<16xf32>
        %exp3A_4146 = math.exp %neg3A_4145 : vector<16xf32>
        %add3A_4147 = arith.constant 1.000000e+00 : f32
        %add3A_4148 = vector.broadcast %add3A_4147 : f32 to vector<16xf32>
        %add3A_4149 = arith.addf %add3A_4148, %exp3A_4146 : vector<16xf32>
        %div3A_4150 = arith.constant 1.000000e+00 : f32
        %div3A_4151 = vector.broadcast %div3A_4150 : f32 to vector<16xf32>
        %div3A_4152 = arith.divf %div3A_4151, %add3A_4149 : vector<16xf32>
        %shift_right_arithmetic3A_4153 = arith.constant 3 : i32
        %shift_right_arithmetic3A_4154 = arith.shrsi %add3A_2761, %shift_right_arithmetic3A_4153 : i32
        %mul3A_4155 = arith.constant 16 : i32
        %mul3A_4156 = arith.muli %shift_right_arithmetic3A_4154, %mul3A_4155 : i32
        %swap3A_4157 = arith.index_cast %mul3A_4156 : i32 to index
        %swap3A_4158 = tpu.vector_load %arg13[%swap3A_4157] {strides = array<i32>} : memref<512xf32, #tpu.memory_space<vmem>>, vector<16xf32>,
        tpu.vector_store %arg13[%swap3A_4157], %div3A_4152 {strides = array<i32>} : memref<512xf32, #tpu.memory_space<vmem>>, vector<16xf32>,
      } else {
      }
      %add3A_2903 = arith.constant 5 : i32
      %add3A_2904 = arith.addi %mul3A_2323, %add3A_2903 : i32
      %add3A_2905 = arith.constant 2 : i32
      %add3A_2906 = arith.addi %add3A_2904, %add3A_2905 : i32
      %mul3A_2907 = arith.constant 2 : i32
      %mul3A_2908 = arith.muli %add3A_2906, %mul3A_2907 : i32
      %add3A_2909 = arith.constant 0 : i32
      %add3A_2910 = arith.addi %mul3A_2908, %add3A_2909 : i32
      %mul3A_2911 = arith.constant 2 : i32
      %mul3A_2912 = arith.muli %add3A_2910, %mul3A_2911 : i32
      %get3A_2913 = arith.index_cast %mul3A_2912 : i32 to index
      %get3A_2914 = memref.load %arg7[%get3A_2913] : memref<1028xi32, #tpu.memory_space<smem>>
      %mul3A_2915 = arith.constant 2 : i32
      %mul3A_2916 = arith.muli %add3A_2906, %mul3A_2915 : i32
      %add3A_2917 = arith.constant 0 : i32
      %add3A_2918 = arith.addi %mul3A_2916, %add3A_2917 : i32
      %mul3A_2919 = arith.constant 2 : i32
      %mul3A_2920 = arith.muli %add3A_2918, %mul3A_2919 : i32
      %add3A_2921 = arith.constant 1 : i32
      %add3A_2922 = arith.addi %mul3A_2920, %add3A_2921 : i32
      %get3A_2923 = arith.index_cast %add3A_2922 : i32 to index
      %get3A_2924 = memref.load %arg7[%get3A_2923] : memref<1028xi32, #tpu.memory_space<smem>>
      %shift_right_arithmetic3A_2925 = arith.constant 7 : i32
      %shift_right_arithmetic3A_2926 = arith.shrsi %get3A_2914, %shift_right_arithmetic3A_2925 : i32
      %shift_left3A_2927 = arith.constant 7 : i32
      %shift_left3A_2928 = arith.shli %shift_right_arithmetic3A_2926, %shift_left3A_2927 : i32
      %multiple_of3A_2929 = tpu.assume_multiple %shift_left3A_2928, 128 : i32
      %shift_right_arithmetic3A_2930 = arith.constant 7 : i32
      %shift_right_arithmetic3A_2931 = arith.shrsi %get3A_2924, %shift_right_arithmetic3A_2930 : i32
      %shift_left3A_2932 = arith.constant 7 : i32
      %shift_left3A_2933 = arith.shli %shift_right_arithmetic3A_2931, %shift_left3A_2932 : i32
      %multiple_of3A_2934 = tpu.assume_multiple %shift_left3A_2933, 128 : i32
      %dma_start3A_2935 = arith.constant 64 : i32
      %dma_start3A_2936 = arith.constant 0 : i32
      %dma_start3A_2937 = tpu.memref_slice %arg9[%dma_start3A_2935, %dma_start3A_2936] : memref<384x128xf32, #tpu.memory_space<vmem>> -> memref<32x128xf32, #tpu.memory_space<vmem>>
      %dma_start3A_2938 = arith.constant 0 : i32
      %dma_start3A_2939 = tpu.memref_slice %arg3[%dma_start3A_2938, %multiple_of3A_2929] : memref<32x1000000xf32, #tpu.memory_space<hbm>> -> memref<32x128xf32, #tpu.memory_space<hbm>>
      %dma_start3A_2940 = arith.constant 64 : i32
      %dma_start3A_2941 = arith.constant 0 : i32
      %dma_start3A_2942 = tpu.memref_slice %arg9[%dma_start3A_2940, %dma_start3A_2941] : memref<384x128xf32, #tpu.memory_space<vmem>> -> memref<32x128xf32, #tpu.memory_space<vmem>>
      %dma_start3A_2943 = arith.constant 0 : i32
      %dma_start3A_2944 = tpu.memref_slice %arg3[%dma_start3A_2943, %multiple_of3A_2929] : memref<32x1000000xf32, #tpu.memory_space<hbm>> -> memref<32x128xf32, #tpu.memory_space<hbm>>
      tpu.enqueue_dma source(%dma_start3A_2944 : memref<32x128xf32, #tpu.memory_space<hbm>>) target(%dma_start3A_2942 : memref<32x128xf32, #tpu.memory_space<vmem>>) target_semaphore(%arg15 : memref<!tpu.dma_semaphore, #tpu.memory_space<semaphore_mem>>)
      %dma_start3A_2945 = arith.constant 64 : i32
      %dma_start3A_2946 = arith.constant 0 : i32
      %dma_start3A_2947 = tpu.memref_slice %arg10[%dma_start3A_2945, %dma_start3A_2946] : memref<384x128xf32, #tpu.memory_space<vmem>> -> memref<32x128xf32, #tpu.memory_space<vmem>>
      %dma_start3A_2948 = arith.constant 0 : i32
      %dma_start3A_2949 = tpu.memref_slice %arg4[%dma_start3A_2948, %multiple_of3A_2934] : memref<32x1000000xf32, #tpu.memory_space<hbm>> -> memref<32x128xf32, #tpu.memory_space<hbm>>
      %dma_start3A_2950 = arith.constant 64 : i32
      %dma_start3A_2951 = arith.constant 0 : i32
      %dma_start3A_2952 = tpu.memref_slice %arg10[%dma_start3A_2950, %dma_start3A_2951] : memref<384x128xf32, #tpu.memory_space<vmem>> -> memref<32x128xf32, #tpu.memory_space<vmem>>
      %dma_start3A_2953 = arith.constant 0 : i32
      %dma_start3A_2954 = tpu.memref_slice %arg4[%dma_start3A_2953, %multiple_of3A_2934] : memref<32x1000000xf32, #tpu.memory_space<hbm>> -> memref<32x128xf32, #tpu.memory_space<hbm>>
      tpu.enqueue_dma source(%dma_start3A_2954 : memref<32x128xf32, #tpu.memory_space<hbm>>) target(%dma_start3A_2952 : memref<32x128xf32, #tpu.memory_space<vmem>>) target_semaphore(%arg15 : memref<!tpu.dma_semaphore, #tpu.memory_space<semaphore_mem>>)
      %mul3A_2955 = arith.constant 2 : i32
      %mul3A_2956 = arith.muli %add3A_2906, %mul3A_2955 : i32
      %add3A_2957 = arith.constant 1 : i32
      %add3A_2958 = arith.addi %mul3A_2956, %add3A_2957 : i32
      %mul3A_2959 = arith.constant 2 : i32
      %mul3A_2960 = arith.muli %add3A_2958, %mul3A_2959 : i32
      %get3A_2961 = arith.index_cast %mul3A_2960 : i32 to index
      %get3A_2962 = memref.load %arg7[%get3A_2961] : memref<1028xi32, #tpu.memory_space<smem>>
      %mul3A_2963 = arith.constant 2 : i32
      %mul3A_2964 = arith.muli %add3A_2906, %mul3A_2963 : i32
      %add3A_2965 = arith.constant 1 : i32
      %add3A_2966 = arith.addi %mul3A_2964, %add3A_2965 : i32
      %mul3A_2967 = arith.constant 2 : i32
      %mul3A_2968 = arith.muli %add3A_2966, %mul3A_2967 : i32
      %add3A_2969 = arith.constant 1 : i32
      %add3A_2970 = arith.addi %mul3A_2968, %add3A_2969 : i32
      %get3A_2971 = arith.index_cast %add3A_2970 : i32 to index
      %get3A_2972 = memref.load %arg7[%get3A_2971] : memref<1028xi32, #tpu.memory_space<smem>>
      %shift_right_arithmetic3A_2973 = arith.constant 7 : i32
      %shift_right_arithmetic3A_2974 = arith.shrsi %get3A_2962, %shift_right_arithmetic3A_2973 : i32
      %shift_left3A_2975 = arith.constant 7 : i32
      %shift_left3A_2976 = arith.shli %shift_right_arithmetic3A_2974, %shift_left3A_2975 : i32
      %multiple_of3A_2977 = tpu.assume_multiple %shift_left3A_2976, 128 : i32
      %shift_right_arithmetic3A_2978 = arith.constant 7 : i32
      %shift_right_arithmetic3A_2979 = arith.shrsi %get3A_2972, %shift_right_arithmetic3A_2978 : i32
      %shift_left3A_2980 = arith.constant 7 : i32
      %shift_left3A_2981 = arith.shli %shift_right_arithmetic3A_2979, %shift_left3A_2980 : i32
      %multiple_of3A_2982 = tpu.assume_multiple %shift_left3A_2981, 128 : i32
      %dma_start3A_2983 = arith.constant 96 : i32
      %dma_start3A_2984 = arith.constant 0 : i32
      %dma_start3A_2985 = tpu.memref_slice %arg9[%dma_start3A_2983, %dma_start3A_2984] : memref<384x128xf32, #tpu.memory_space<vmem>> -> memref<32x128xf32, #tpu.memory_space<vmem>>
      %dma_start3A_2986 = arith.constant 0 : i32
      %dma_start3A_2987 = tpu.memref_slice %arg3[%dma_start3A_2986, %multiple_of3A_2977] : memref<32x1000000xf32, #tpu.memory_space<hbm>> -> memref<32x128xf32, #tpu.memory_space<hbm>>
      %dma_start3A_2988 = arith.constant 96 : i32
      %dma_start3A_2989 = arith.constant 0 : i32
      %dma_start3A_2990 = tpu.memref_slice %arg9[%dma_start3A_2988, %dma_start3A_2989] : memref<384x128xf32, #tpu.memory_space<vmem>> -> memref<32x128xf32, #tpu.memory_space<vmem>>
      %dma_start3A_2991 = arith.constant 0 : i32
      %dma_start3A_2992 = tpu.memref_slice %arg3[%dma_start3A_2991, %multiple_of3A_2977] : memref<32x1000000xf32, #tpu.memory_space<hbm>> -> memref<32x128xf32, #tpu.memory_space<hbm>>
      tpu.enqueue_dma source(%dma_start3A_2992 : memref<32x128xf32, #tpu.memory_space<hbm>>) target(%dma_start3A_2990 : memref<32x128xf32, #tpu.memory_space<vmem>>) target_semaphore(%arg15 : memref<!tpu.dma_semaphore, #tpu.memory_space<semaphore_mem>>)
      %dma_start3A_2993 = arith.constant 96 : i32
      %dma_start3A_2994 = arith.constant 0 : i32
      %dma_start3A_2995 = tpu.memref_slice %arg10[%dma_start3A_2993, %dma_start3A_2994] : memref<384x128xf32, #tpu.memory_space<vmem>> -> memref<32x128xf32, #tpu.memory_space<vmem>>
      %dma_start3A_2996 = arith.constant 0 : i32
      %dma_start3A_2997 = tpu.memref_slice %arg4[%dma_start3A_2996, %multiple_of3A_2982] : memref<32x1000000xf32, #tpu.memory_space<hbm>> -> memref<32x128xf32, #tpu.memory_space<hbm>>
      %dma_start3A_2998 = arith.constant 96 : i32
      %dma_start3A_2999 = arith.constant 0 : i32
      %dma_start3A_3000 = tpu.memref_slice %arg10[%dma_start3A_2998, %dma_start3A_2999] : memref<384x128xf32, #tpu.memory_space<vmem>> -> memref<32x128xf32, #tpu.memory_space<vmem>>
      %dma_start3A_3001 = arith.constant 0 : i32
      %dma_start3A_3002 = tpu.memref_slice %arg4[%dma_start3A_3001, %multiple_of3A_2982] : memref<32x1000000xf32, #tpu.memory_space<hbm>> -> memref<32x128xf32, #tpu.memory_space<hbm>>
      tpu.enqueue_dma source(%dma_start3A_3002 : memref<32x128xf32, #tpu.memory_space<hbm>>) target(%dma_start3A_3000 : memref<32x128xf32, #tpu.memory_space<vmem>>) target_semaphore(%arg15 : memref<!tpu.dma_semaphore, #tpu.memory_space<semaphore_mem>>)
      %dma_wait3A_3003 = arith.constant 0 : i32
      %dma_wait3A_3004 = arith.constant 0 : i32
      %dma_wait3A_3005 = tpu.memref_slice %arg9[%dma_wait3A_3003, %dma_wait3A_3004] : memref<384x128xf32, #tpu.memory_space<vmem>> -> memref<32x128xf32, #tpu.memory_space<vmem>>
      %dma_wait3A_3006 = arith.constant 0 : i32
      %dma_wait3A_3007 = arith.constant 0 : i32
      %dma_wait3A_3008 = tpu.memref_slice %arg3[%dma_wait3A_3006, %dma_wait3A_3007] : memref<32x1000000xf32, #tpu.memory_space<hbm>> -> memref<32x128xf32, #tpu.memory_space<hbm>>
      %dma_wait3A_3009 = arith.constant 0 : i32
      %dma_wait3A_3010 = arith.constant 0 : i32
      %dma_wait3A_3011 = tpu.memref_slice %arg9[%dma_wait3A_3009, %dma_wait3A_3010] : memref<384x128xf32, #tpu.memory_space<vmem>> -> memref<32x128xf32, #tpu.memory_space<vmem>>
      %dma_wait3A_3012 = arith.constant 0 : i32
      %dma_wait3A_3013 = arith.constant 0 : i32
      %dma_wait3A_3014 = tpu.memref_slice %arg3[%dma_wait3A_3012, %dma_wait3A_3013] : memref<32x1000000xf32, #tpu.memory_space<hbm>> -> memref<32x128xf32, #tpu.memory_space<hbm>>
      tpu.wait_dma2 semaphore(%arg16 : memref<!tpu.dma_semaphore, #tpu.memory_space<semaphore_mem>>) src(%dma_wait3A_3014 : memref<32x128xf32, #tpu.memory_space<hbm>>) dst(%dma_wait3A_3011 : memref<32x128xf32, #tpu.memory_space<vmem>>)
      %dma_wait3A_3015 = arith.constant 0 : i32
      %dma_wait3A_3016 = arith.constant 0 : i32
      %dma_wait3A_3017 = tpu.memref_slice %arg10[%dma_wait3A_3015, %dma_wait3A_3016] : memref<384x128xf32, #tpu.memory_space<vmem>> -> memref<32x128xf32, #tpu.memory_space<vmem>>
      %dma_wait3A_3018 = arith.constant 0 : i32
      %dma_wait3A_3019 = arith.constant 0 : i32
      %dma_wait3A_3020 = tpu.memref_slice %arg4[%dma_wait3A_3018, %dma_wait3A_3019] : memref<32x1000000xf32, #tpu.memory_space<hbm>> -> memref<32x128xf32, #tpu.memory_space<hbm>>
      %dma_wait3A_3021 = arith.constant 0 : i32
      %dma_wait3A_3022 = arith.constant 0 : i32
      %dma_wait3A_3023 = tpu.memref_slice %arg10[%dma_wait3A_3021, %dma_wait3A_3022] : memref<384x128xf32, #tpu.memory_space<vmem>> -> memref<32x128xf32, #tpu.memory_space<vmem>>
      %dma_wait3A_3024 = arith.constant 0 : i32
      %dma_wait3A_3025 = arith.constant 0 : i32
      %dma_wait3A_3026 = tpu.memref_slice %arg4[%dma_wait3A_3024, %dma_wait3A_3025] : memref<32x1000000xf32, #tpu.memory_space<hbm>> -> memref<32x128xf32, #tpu.memory_space<hbm>>
      tpu.wait_dma2 semaphore(%arg16 : memref<!tpu.dma_semaphore, #tpu.memory_space<semaphore_mem>>) src(%dma_wait3A_3026 : memref<32x128xf32, #tpu.memory_space<hbm>>) dst(%dma_wait3A_3023 : memref<32x128xf32, #tpu.memory_space<vmem>>)
      %dma_wait3A_3027 = arith.constant 32 : i32
      %dma_wait3A_3028 = arith.constant 0 : i32
      %dma_wait3A_3029 = tpu.memref_slice %arg9[%dma_wait3A_3027, %dma_wait3A_3028] : memref<384x128xf32, #tpu.memory_space<vmem>> -> memref<32x128xf32, #tpu.memory_space<vmem>>
      %dma_wait3A_3030 = arith.constant 0 : i32
      %dma_wait3A_3031 = arith.constant 0 : i32
      %dma_wait3A_3032 = tpu.memref_slice %arg3[%dma_wait3A_3030, %dma_wait3A_3031] : memref<32x1000000xf32, #tpu.memory_space<hbm>> -> memref<32x128xf32, #tpu.memory_space<hbm>>
      %dma_wait3A_3033 = arith.constant 32 : i32
      %dma_wait3A_3034 = arith.constant 0 : i32
      %dma_wait3A_3035 = tpu.memref_slice %arg9[%dma_wait3A_3033, %dma_wait3A_3034] : memref<384x128xf32, #tpu.memory_space<vmem>> -> memref<32x128xf32, #tpu.memory_space<vmem>>
      %dma_wait3A_3036 = arith.constant 0 : i32
      %dma_wait3A_3037 = arith.constant 0 : i32
      %dma_wait3A_3038 = tpu.memref_slice %arg3[%dma_wait3A_3036, %dma_wait3A_3037] : memref<32x1000000xf32, #tpu.memory_space<hbm>> -> memref<32x128xf32, #tpu.memory_space<hbm>>
      tpu.wait_dma2 semaphore(%arg16 : memref<!tpu.dma_semaphore, #tpu.memory_space<semaphore_mem>>) src(%dma_wait3A_3038 : memref<32x128xf32, #tpu.memory_space<hbm>>) dst(%dma_wait3A_3035 : memref<32x128xf32, #tpu.memory_space<vmem>>)
      %dma_wait3A_3039 = arith.constant 32 : i32
      %dma_wait3A_3040 = arith.constant 0 : i32
      %dma_wait3A_3041 = tpu.memref_slice %arg10[%dma_wait3A_3039, %dma_wait3A_3040] : memref<384x128xf32, #tpu.memory_space<vmem>> -> memref<32x128xf32, #tpu.memory_space<vmem>>
      %dma_wait3A_3042 = arith.constant 0 : i32
      %dma_wait3A_3043 = arith.constant 0 : i32
      %dma_wait3A_3044 = tpu.memref_slice %arg4[%dma_wait3A_3042, %dma_wait3A_3043] : memref<32x1000000xf32, #tpu.memory_space<hbm>> -> memref<32x128xf32, #tpu.memory_space<hbm>>
      %dma_wait3A_3045 = arith.constant 32 : i32
      %dma_wait3A_3046 = arith.constant 0 : i32
      %dma_wait3A_3047 = tpu.memref_slice %arg10[%dma_wait3A_3045, %dma_wait3A_3046] : memref<384x128xf32, #tpu.memory_space<vmem>> -> memref<32x128xf32, #tpu.memory_space<vmem>>
      %dma_wait3A_3048 = arith.constant 0 : i32
      %dma_wait3A_3049 = arith.constant 0 : i32
      %dma_wait3A_3050 = tpu.memref_slice %arg4[%dma_wait3A_3048, %dma_wait3A_3049] : memref<32x1000000xf32, #tpu.memory_space<hbm>> -> memref<32x128xf32, #tpu.memory_space<hbm>>
      tpu.wait_dma2 semaphore(%arg16 : memref<!tpu.dma_semaphore, #tpu.memory_space<semaphore_mem>>) src(%dma_wait3A_3050 : memref<32x128xf32, #tpu.memory_space<hbm>>) dst(%dma_wait3A_3047 : memref<32x128xf32, #tpu.memory_space<vmem>>)
      %add3A_3051 = arith.constant 2 : i32
      %add3A_3052 = arith.addi %mul3A_2323, %add3A_3051 : i32
      %mul3A_3053 = arith.constant 2 : i32
      %mul3A_3054 = arith.muli %add3A_3052, %mul3A_3053 : i32
      %add3A_3055 = arith.constant 0 : i32
      %add3A_3056 = arith.addi %mul3A_3054, %add3A_3055 : i32
      %mul3A_3057 = arith.constant 2 : i32
      %mul3A_3058 = arith.muli %add3A_3056, %mul3A_3057 : i32
      %get3A_3059 = arith.index_cast %mul3A_3058 : i32 to index
      %get3A_3060 = memref.load %arg7[%get3A_3059] : memref<1028xi32, #tpu.memory_space<smem>>
      %and3A_3061 = arith.constant 127 : i32
      %and3A_3062 = arith.andi %get3A_3060, %and3A_3061 : i32
      %mul3A_3063 = arith.constant 2 : i32
      %mul3A_3064 = arith.muli %add3A_3052, %mul3A_3063 : i32
      %add3A_3065 = arith.constant 0 : i32
      %add3A_3066 = arith.addi %mul3A_3064, %add3A_3065 : i32
      %mul3A_3067 = arith.constant 2 : i32
      %mul3A_3068 = arith.muli %add3A_3066, %mul3A_3067 : i32
      %add3A_3069 = arith.constant 1 : i32
      %add3A_3070 = arith.addi %mul3A_3068, %add3A_3069 : i32
      %get3A_3071 = arith.index_cast %add3A_3070 : i32 to index
      %get3A_3072 = memref.load %arg7[%get3A_3071] : memref<1028xi32, #tpu.memory_space<smem>>
      %and3A_3073 = arith.constant 127 : i32
      %and3A_3074 = arith.andi %get3A_3072, %and3A_3073 : i32
      %add3A_3075 = arith.constant 128 : i32
      %add3A_3076 = vector.broadcast %add3A_3075 : i32 to vector<16xi32>
      %add3A_3077 = arith.addi %add3A_3076, %iota3A : vector<16xi32>
      %add3A_3078 = arith.constant 16 : i32
      %add3A_3079 = vector.broadcast %add3A_3078 : i32 to vector<16xi32>
      %add3A_3080 = arith.addi %add3A_3077, %add3A_3079 : vector<16xi32>
      %mul3A_3081 = arith.constant 0 : i32
      %mul3A_3082 = vector.broadcast %mul3A_3081 : i32 to vector<16xi32>
      %mul3A_3083 = arith.muli %iota3A, %mul3A_3082 : vector<16xi32>
      %add3A_3084 = vector.broadcast %and3A_3062 : i32 to vector<16xi32>
      %add3A_3085 = arith.addi %mul3A_3083, %add3A_3084 : vector<16xi32>
      %gather3A_3086 = tpu.vector_load_idx %arg9[%add3A_3077, %add3A_3085] : memref<384x128xf32, #tpu.memory_space<vmem>>[vector<16xi32>, vector<16xi32>], vector<16xf32>,
      %mul3A_3087 = arith.constant 0 : i32
      %mul3A_3088 = vector.broadcast %mul3A_3087 : i32 to vector<16xi32>
      %mul3A_3089 = arith.muli %iota3A, %mul3A_3088 : vector<16xi32>
      %add3A_3090 = vector.broadcast %and3A_3062 : i32 to vector<16xi32>
      %add3A_3091 = arith.addi %mul3A_3089, %add3A_3090 : vector<16xi32>
      %gather3A_3092 = tpu.vector_load_idx %arg9[%add3A_3080, %add3A_3091] : memref<384x128xf32, #tpu.memory_space<vmem>>[vector<16xi32>, vector<16xi32>], vector<16xf32>,
      %mul3A_3093 = arith.constant 0 : i32
      %mul3A_3094 = vector.broadcast %mul3A_3093 : i32 to vector<16xi32>
      %mul3A_3095 = arith.muli %iota3A, %mul3A_3094 : vector<16xi32>
      %add3A_3096 = vector.broadcast %and3A_3074 : i32 to vector<16xi32>
      %add3A_3097 = arith.addi %mul3A_3095, %add3A_3096 : vector<16xi32>
      %gather3A_3098 = tpu.vector_load_idx %arg10[%add3A_3077, %add3A_3097] : memref<384x128xf32, #tpu.memory_space<vmem>>[vector<16xi32>, vector<16xi32>], vector<16xf32>,
      %mul3A_3099 = arith.constant 0 : i32
      %mul3A_3100 = vector.broadcast %mul3A_3099 : i32 to vector<16xi32>
      %mul3A_3101 = arith.muli %iota3A, %mul3A_3100 : vector<16xi32>
      %add3A_3102 = vector.broadcast %and3A_3074 : i32 to vector<16xi32>
      %add3A_3103 = arith.addi %mul3A_3101, %add3A_3102 : vector<16xi32>
      %gather3A_3104 = tpu.vector_load_idx %arg10[%add3A_3080, %add3A_3103] : memref<384x128xf32, #tpu.memory_space<vmem>>[vector<16xi32>, vector<16xi32>], vector<16xf32>,
      %mul3A_3105 = arith.mulf %gather3A_3086, %gather3A_3098 : vector<16xf32>
      %mul3A_3106 = arith.mulf %mul3A_3105, %get3A_8 : vector<16xf32>
      %mul3A_3107 = arith.mulf %gather3A_3092, %gather3A_3104 : vector<16xf32>
      %mul3A_3108 = arith.mulf %mul3A_3107, %get3A_10 : vector<16xf32>
      %add3A_3109 = arith.addf %mul3A_3106, %mul3A_3108 : vector<16xf32>
      %and3A_3110 = arith.constant 7 : i32
      %and3A_3111 = arith.andi %add3A_3052, %and3A_3110 : i32
      %mul3A_3112 = arith.constant 2 : i32
      %mul3A_3113 = arith.muli %and3A_3111, %mul3A_3112 : i32
      %add3A_3114 = arith.constant 0 : i32
      %add3A_3115 = arith.addi %mul3A_3113, %add3A_3114 : i32
      %mul3A_3116 = arith.constant 17 : i32
      %mul3A_3117 = arith.muli %add3A_3115, %mul3A_3116 : i32
      %swap3A_3118 = arith.index_cast %mul3A_3117 : i32 to index
      %swap3A_3119 = tpu.vector_load %arg12[%swap3A_3118] {strides = array<i32>} : memref<272xf32, #tpu.memory_space<vmem>>, vector<16xf32>,
      tpu.vector_store %arg12[%swap3A_3118], %add3A_3109 {strides = array<i32>} : memref<272xf32, #tpu.memory_space<vmem>>, vector<16xf32>,
      %mul3A_3120 = arith.constant 2 : i32
      %mul3A_3121 = arith.muli %add3A_3052, %mul3A_3120 : i32
      %add3A_3122 = arith.constant 1 : i32
      %add3A_3123 = arith.addi %mul3A_3121, %add3A_3122 : i32
      %mul3A_3124 = arith.constant 2 : i32
      %mul3A_3125 = arith.muli %add3A_3123, %mul3A_3124 : i32
      %get3A_3126 = arith.index_cast %mul3A_3125 : i32 to index
      %get3A_3127 = memref.load %arg7[%get3A_3126] : memref<1028xi32, #tpu.memory_space<smem>>
      %and3A_3128 = arith.constant 127 : i32
      %and3A_3129 = arith.andi %get3A_3127, %and3A_3128 : i32
      %mul3A_3130 = arith.constant 2 : i32
      %mul3A_3131 = arith.muli %add3A_3052, %mul3A_3130 : i32
      %add3A_3132 = arith.constant 1 : i32
      %add3A_3133 = arith.addi %mul3A_3131, %add3A_3132 : i32
      %mul3A_3134 = arith.constant 2 : i32
      %mul3A_3135 = arith.muli %add3A_3133, %mul3A_3134 : i32
      %add3A_3136 = arith.constant 1 : i32
      %add3A_3137 = arith.addi %mul3A_3135, %add3A_3136 : i32
      %get3A_3138 = arith.index_cast %add3A_3137 : i32 to index
      %get3A_3139 = memref.load %arg7[%get3A_3138] : memref<1028xi32, #tpu.memory_space<smem>>
      %and3A_3140 = arith.constant 127 : i32
      %and3A_3141 = arith.andi %get3A_3139, %and3A_3140 : i32
      %add3A_3142 = arith.constant 160 : i32
      %add3A_3143 = vector.broadcast %add3A_3142 : i32 to vector<16xi32>
      %add3A_3144 = arith.addi %add3A_3143, %iota3A : vector<16xi32>
      %add3A_3145 = arith.constant 16 : i32
      %add3A_3146 = vector.broadcast %add3A_3145 : i32 to vector<16xi32>
      %add3A_3147 = arith.addi %add3A_3144, %add3A_3146 : vector<16xi32>
      %mul3A_3148 = arith.constant 0 : i32
      %mul3A_3149 = vector.broadcast %mul3A_3148 : i32 to vector<16xi32>
      %mul3A_3150 = arith.muli %iota3A, %mul3A_3149 : vector<16xi32>
      %add3A_3151 = vector.broadcast %and3A_3129 : i32 to vector<16xi32>
      %add3A_3152 = arith.addi %mul3A_3150, %add3A_3151 : vector<16xi32>
      %gather3A_3153 = tpu.vector_load_idx %arg9[%add3A_3144, %add3A_3152] : memref<384x128xf32, #tpu.memory_space<vmem>>[vector<16xi32>, vector<16xi32>], vector<16xf32>,
      %mul3A_3154 = arith.constant 0 : i32
      %mul3A_3155 = vector.broadcast %mul3A_3154 : i32 to vector<16xi32>
      %mul3A_3156 = arith.muli %iota3A, %mul3A_3155 : vector<16xi32>
      %add3A_3157 = vector.broadcast %and3A_3129 : i32 to vector<16xi32>
      %add3A_3158 = arith.addi %mul3A_3156, %add3A_3157 : vector<16xi32>
      %gather3A_3159 = tpu.vector_load_idx %arg9[%add3A_3147, %add3A_3158] : memref<384x128xf32, #tpu.memory_space<vmem>>[vector<16xi32>, vector<16xi32>], vector<16xf32>,
      %mul3A_3160 = arith.constant 0 : i32
      %mul3A_3161 = vector.broadcast %mul3A_3160 : i32 to vector<16xi32>
      %mul3A_3162 = arith.muli %iota3A, %mul3A_3161 : vector<16xi32>
      %add3A_3163 = vector.broadcast %and3A_3141 : i32 to vector<16xi32>
      %add3A_3164 = arith.addi %mul3A_3162, %add3A_3163 : vector<16xi32>
      %gather3A_3165 = tpu.vector_load_idx %arg10[%add3A_3144, %add3A_3164] : memref<384x128xf32, #tpu.memory_space<vmem>>[vector<16xi32>, vector<16xi32>], vector<16xf32>,
      %mul3A_3166 = arith.constant 0 : i32
      %mul3A_3167 = vector.broadcast %mul3A_3166 : i32 to vector<16xi32>
      %mul3A_3168 = arith.muli %iota3A, %mul3A_3167 : vector<16xi32>
      %add3A_3169 = vector.broadcast %and3A_3141 : i32 to vector<16xi32>
      %add3A_3170 = arith.addi %mul3A_3168, %add3A_3169 : vector<16xi32>
      %gather3A_3171 = tpu.vector_load_idx %arg10[%add3A_3147, %add3A_3170] : memref<384x128xf32, #tpu.memory_space<vmem>>[vector<16xi32>, vector<16xi32>], vector<16xf32>,
      %mul3A_3172 = arith.mulf %gather3A_3153, %gather3A_3165 : vector<16xf32>
      %mul3A_3173 = arith.mulf %mul3A_3172, %get3A_8 : vector<16xf32>
      %mul3A_3174 = arith.mulf %gather3A_3159, %gather3A_3171 : vector<16xf32>
      %mul3A_3175 = arith.mulf %mul3A_3174, %get3A_10 : vector<16xf32>
      %add3A_3176 = arith.addf %mul3A_3173, %mul3A_3175 : vector<16xf32>
      %and3A_3177 = arith.constant 7 : i32
      %and3A_3178 = arith.andi %add3A_3052, %and3A_3177 : i32
      %mul3A_3179 = arith.constant 2 : i32
      %mul3A_3180 = arith.muli %and3A_3178, %mul3A_3179 : i32
      %add3A_3181 = arith.constant 1 : i32
      %add3A_3182 = arith.addi %mul3A_3180, %add3A_3181 : i32
      %mul3A_3183 = arith.constant 17 : i32
      %mul3A_3184 = arith.muli %add3A_3182, %mul3A_3183 : i32
      %swap3A_3185 = arith.index_cast %mul3A_3184 : i32 to index
      %swap3A_3186 = tpu.vector_load %arg12[%swap3A_3185] {strides = array<i32>} : memref<272xf32, #tpu.memory_space<vmem>>, vector<16xf32>,
      tpu.vector_store %arg12[%swap3A_3185], %add3A_3176 {strides = array<i32>} : memref<272xf32, #tpu.memory_space<vmem>>, vector<16xf32>,
      %and3A_3187 = arith.constant 7 : i32
      %and3A_3188 = arith.andi %add3A_3052, %and3A_3187 : i32
      %eq3A_3189 = arith.constant 7 : i32
      %eq3A_3190 = arith.cmpi eq, %and3A_3188, %eq3A_3189 : i32
      %convert_element_type3A_3191 = arith.extui %eq3A_3190 : i1 to i32
      %cond3A_3192 = arith.constant 0 : i32
      %cond3A_3193 = arith.cmpi ne, %convert_element_type3A_3191, %cond3A_3192 : i32
      scf.if %cond3A_3193 {
        %gather3A_4067 = tpu.vector_load_idx %arg12[%mul3A_7] : memref<272xf32, #tpu.memory_space<vmem>>[vector<16xi32>], vector<16xf32>,
        %add3A_4068 = arith.constant 1 : i32
        %add3A_4069 = vector.broadcast %add3A_4068 : i32 to vector<16xi32>
        %add3A_4070 = arith.addi %mul3A_7, %add3A_4069 : vector<16xi32>
        %gather3A_4071 = tpu.vector_load_idx %arg12[%add3A_4070] : memref<272xf32, #tpu.memory_space<vmem>>[vector<16xi32>], vector<16xf32>,
        %add3A_4072 = arith.addf %gather3A_4067, %gather3A_4071 : vector<16xf32>
        %add3A_4073 = arith.constant 2 : i32
        %add3A_4074 = vector.broadcast %add3A_4073 : i32 to vector<16xi32>
        %add3A_4075 = arith.addi %mul3A_7, %add3A_4074 : vector<16xi32>
        %gather3A_4076 = tpu.vector_load_idx %arg12[%add3A_4075] : memref<272xf32, #tpu.memory_space<vmem>>[vector<16xi32>], vector<16xf32>,
        %add3A_4077 = arith.addf %add3A_4072, %gather3A_4076 : vector<16xf32>
        %add3A_4078 = arith.constant 3 : i32
        %add3A_4079 = vector.broadcast %add3A_4078 : i32 to vector<16xi32>
        %add3A_4080 = arith.addi %mul3A_7, %add3A_4079 : vector<16xi32>
        %gather3A_4081 = tpu.vector_load_idx %arg12[%add3A_4080] : memref<272xf32, #tpu.memory_space<vmem>>[vector<16xi32>], vector<16xf32>,
        %add3A_4082 = arith.addf %add3A_4077, %gather3A_4081 : vector<16xf32>
        %add3A_4083 = arith.constant 4 : i32
        %add3A_4084 = vector.broadcast %add3A_4083 : i32 to vector<16xi32>
        %add3A_4085 = arith.addi %mul3A_7, %add3A_4084 : vector<16xi32>
        %gather3A_4086 = tpu.vector_load_idx %arg12[%add3A_4085] : memref<272xf32, #tpu.memory_space<vmem>>[vector<16xi32>], vector<16xf32>,
        %add3A_4087 = arith.addf %add3A_4082, %gather3A_4086 : vector<16xf32>
        %add3A_4088 = arith.constant 5 : i32
        %add3A_4089 = vector.broadcast %add3A_4088 : i32 to vector<16xi32>
        %add3A_4090 = arith.addi %mul3A_7, %add3A_4089 : vector<16xi32>
        %gather3A_4091 = tpu.vector_load_idx %arg12[%add3A_4090] : memref<272xf32, #tpu.memory_space<vmem>>[vector<16xi32>], vector<16xf32>,
        %add3A_4092 = arith.addf %add3A_4087, %gather3A_4091 : vector<16xf32>
        %add3A_4093 = arith.constant 6 : i32
        %add3A_4094 = vector.broadcast %add3A_4093 : i32 to vector<16xi32>
        %add3A_4095 = arith.addi %mul3A_7, %add3A_4094 : vector<16xi32>
        %gather3A_4096 = tpu.vector_load_idx %arg12[%add3A_4095] : memref<272xf32, #tpu.memory_space<vmem>>[vector<16xi32>], vector<16xf32>,
        %add3A_4097 = arith.addf %add3A_4092, %gather3A_4096 : vector<16xf32>
        %add3A_4098 = arith.constant 7 : i32
        %add3A_4099 = vector.broadcast %add3A_4098 : i32 to vector<16xi32>
        %add3A_4100 = arith.addi %mul3A_7, %add3A_4099 : vector<16xi32>
        %gather3A_4101 = tpu.vector_load_idx %arg12[%add3A_4100] : memref<272xf32, #tpu.memory_space<vmem>>[vector<16xi32>], vector<16xf32>,
        %add3A_4102 = arith.addf %add3A_4097, %gather3A_4101 : vector<16xf32>
        %add3A_4103 = arith.constant 8 : i32
        %add3A_4104 = vector.broadcast %add3A_4103 : i32 to vector<16xi32>
        %add3A_4105 = arith.addi %mul3A_7, %add3A_4104 : vector<16xi32>
        %gather3A_4106 = tpu.vector_load_idx %arg12[%add3A_4105] : memref<272xf32, #tpu.memory_space<vmem>>[vector<16xi32>], vector<16xf32>,
        %add3A_4107 = arith.addf %add3A_4102, %gather3A_4106 : vector<16xf32>
        %add3A_4108 = arith.constant 9 : i32
        %add3A_4109 = vector.broadcast %add3A_4108 : i32 to vector<16xi32>
        %add3A_4110 = arith.addi %mul3A_7, %add3A_4109 : vector<16xi32>
        %gather3A_4111 = tpu.vector_load_idx %arg12[%add3A_4110] : memref<272xf32, #tpu.memory_space<vmem>>[vector<16xi32>], vector<16xf32>,
        %add3A_4112 = arith.addf %add3A_4107, %gather3A_4111 : vector<16xf32>
        %add3A_4113 = arith.constant 10 : i32
        %add3A_4114 = vector.broadcast %add3A_4113 : i32 to vector<16xi32>
        %add3A_4115 = arith.addi %mul3A_7, %add3A_4114 : vector<16xi32>
        %gather3A_4116 = tpu.vector_load_idx %arg12[%add3A_4115] : memref<272xf32, #tpu.memory_space<vmem>>[vector<16xi32>], vector<16xf32>,
        %add3A_4117 = arith.addf %add3A_4112, %gather3A_4116 : vector<16xf32>
        %add3A_4118 = arith.constant 11 : i32
        %add3A_4119 = vector.broadcast %add3A_4118 : i32 to vector<16xi32>
        %add3A_4120 = arith.addi %mul3A_7, %add3A_4119 : vector<16xi32>
        %gather3A_4121 = tpu.vector_load_idx %arg12[%add3A_4120] : memref<272xf32, #tpu.memory_space<vmem>>[vector<16xi32>], vector<16xf32>,
        %add3A_4122 = arith.addf %add3A_4117, %gather3A_4121 : vector<16xf32>
        %add3A_4123 = arith.constant 12 : i32
        %add3A_4124 = vector.broadcast %add3A_4123 : i32 to vector<16xi32>
        %add3A_4125 = arith.addi %mul3A_7, %add3A_4124 : vector<16xi32>
        %gather3A_4126 = tpu.vector_load_idx %arg12[%add3A_4125] : memref<272xf32, #tpu.memory_space<vmem>>[vector<16xi32>], vector<16xf32>,
        %add3A_4127 = arith.addf %add3A_4122, %gather3A_4126 : vector<16xf32>
        %add3A_4128 = arith.constant 13 : i32
        %add3A_4129 = vector.broadcast %add3A_4128 : i32 to vector<16xi32>
        %add3A_4130 = arith.addi %mul3A_7, %add3A_4129 : vector<16xi32>
        %gather3A_4131 = tpu.vector_load_idx %arg12[%add3A_4130] : memref<272xf32, #tpu.memory_space<vmem>>[vector<16xi32>], vector<16xf32>,
        %add3A_4132 = arith.addf %add3A_4127, %gather3A_4131 : vector<16xf32>
        %add3A_4133 = arith.constant 14 : i32
        %add3A_4134 = vector.broadcast %add3A_4133 : i32 to vector<16xi32>
        %add3A_4135 = arith.addi %mul3A_7, %add3A_4134 : vector<16xi32>
        %gather3A_4136 = tpu.vector_load_idx %arg12[%add3A_4135] : memref<272xf32, #tpu.memory_space<vmem>>[vector<16xi32>], vector<16xf32>,
        %add3A_4137 = arith.addf %add3A_4132, %gather3A_4136 : vector<16xf32>
        %add3A_4138 = arith.constant 15 : i32
        %add3A_4139 = vector.broadcast %add3A_4138 : i32 to vector<16xi32>
        %add3A_4140 = arith.addi %mul3A_7, %add3A_4139 : vector<16xi32>
        %gather3A_4141 = tpu.vector_load_idx %arg12[%add3A_4140] : memref<272xf32, #tpu.memory_space<vmem>>[vector<16xi32>], vector<16xf32>,
        %add3A_4142 = arith.addf %add3A_4137, %gather3A_4141 : vector<16xf32>
        %neg3A_4143 = arith.constant 0.000000e+00 : f32
        %neg3A_4144 = vector.broadcast %neg3A_4143 : f32 to vector<16xf32>
        %neg3A_4145 = arith.subf %neg3A_4144, %add3A_4142 : vector<16xf32>
        %exp3A_4146 = math.exp %neg3A_4145 : vector<16xf32>
        %add3A_4147 = arith.constant 1.000000e+00 : f32
        %add3A_4148 = vector.broadcast %add3A_4147 : f32 to vector<16xf32>
        %add3A_4149 = arith.addf %add3A_4148, %exp3A_4146 : vector<16xf32>
        %div3A_4150 = arith.constant 1.000000e+00 : f32
        %div3A_4151 = vector.broadcast %div3A_4150 : f32 to vector<16xf32>
        %div3A_4152 = arith.divf %div3A_4151, %add3A_4149 : vector<16xf32>
        %shift_right_arithmetic3A_4153 = arith.constant 3 : i32
        %shift_right_arithmetic3A_4154 = arith.shrsi %add3A_3052, %shift_right_arithmetic3A_4153 : i32
        %mul3A_4155 = arith.constant 16 : i32
        %mul3A_4156 = arith.muli %shift_right_arithmetic3A_4154, %mul3A_4155 : i32
        %swap3A_4157 = arith.index_cast %mul3A_4156 : i32 to index
        %swap3A_4158 = tpu.vector_load %arg13[%swap3A_4157] {strides = array<i32>} : memref<512xf32, #tpu.memory_space<vmem>>, vector<16xf32>,
        tpu.vector_store %arg13[%swap3A_4157], %div3A_4152 {strides = array<i32>} : memref<512xf32, #tpu.memory_space<vmem>>, vector<16xf32>,
      } else {
      }
      %add3A_3194 = arith.constant 5 : i32
      %add3A_3195 = arith.addi %mul3A_2323, %add3A_3194 : i32
      %add3A_3196 = arith.constant 3 : i32
      %add3A_3197 = arith.addi %add3A_3195, %add3A_3196 : i32
      %mul3A_3198 = arith.constant 2 : i32
      %mul3A_3199 = arith.muli %add3A_3197, %mul3A_3198 : i32
      %add3A_3200 = arith.constant 0 : i32
      %add3A_3201 = arith.addi %mul3A_3199, %add3A_3200 : i32
      %mul3A_3202 = arith.constant 2 : i32
      %mul3A_3203 = arith.muli %add3A_3201, %mul3A_3202 : i32
      %get3A_3204 = arith.index_cast %mul3A_3203 : i32 to index
      %get3A_3205 = memref.load %arg7[%get3A_3204] : memref<1028xi32, #tpu.memory_space<smem>>
      %mul3A_3206 = arith.constant 2 : i32
      %mul3A_3207 = arith.muli %add3A_3197, %mul3A_3206 : i32
      %add3A_3208 = arith.constant 0 : i32
      %add3A_3209 = arith.addi %mul3A_3207, %add3A_3208 : i32
      %mul3A_3210 = arith.constant 2 : i32
      %mul3A_3211 = arith.muli %add3A_3209, %mul3A_3210 : i32
      %add3A_3212 = arith.constant 1 : i32
      %add3A_3213 = arith.addi %mul3A_3211, %add3A_3212 : i32
      %get3A_3214 = arith.index_cast %add3A_3213 : i32 to index
      %get3A_3215 = memref.load %arg7[%get3A_3214] : memref<1028xi32, #tpu.memory_space<smem>>
      %shift_right_arithmetic3A_3216 = arith.constant 7 : i32
      %shift_right_arithmetic3A_3217 = arith.shrsi %get3A_3205, %shift_right_arithmetic3A_3216 : i32
      %shift_left3A_3218 = arith.constant 7 : i32
      %shift_left3A_3219 = arith.shli %shift_right_arithmetic3A_3217, %shift_left3A_3218 : i32
      %multiple_of3A_3220 = tpu.assume_multiple %shift_left3A_3219, 128 : i32
      %shift_right_arithmetic3A_3221 = arith.constant 7 : i32
      %shift_right_arithmetic3A_3222 = arith.shrsi %get3A_3215, %shift_right_arithmetic3A_3221 : i32
      %shift_left3A_3223 = arith.constant 7 : i32
      %shift_left3A_3224 = arith.shli %shift_right_arithmetic3A_3222, %shift_left3A_3223 : i32
      %multiple_of3A_3225 = tpu.assume_multiple %shift_left3A_3224, 128 : i32
      %dma_start3A_3226 = arith.constant 128 : i32
      %dma_start3A_3227 = arith.constant 0 : i32
      %dma_start3A_3228 = tpu.memref_slice %arg9[%dma_start3A_3226, %dma_start3A_3227] : memref<384x128xf32, #tpu.memory_space<vmem>> -> memref<32x128xf32, #tpu.memory_space<vmem>>
      %dma_start3A_3229 = arith.constant 0 : i32
      %dma_start3A_3230 = tpu.memref_slice %arg3[%dma_start3A_3229, %multiple_of3A_3220] : memref<32x1000000xf32, #tpu.memory_space<hbm>> -> memref<32x128xf32, #tpu.memory_space<hbm>>
      %dma_start3A_3231 = arith.constant 128 : i32
      %dma_start3A_3232 = arith.constant 0 : i32
      %dma_start3A_3233 = tpu.memref_slice %arg9[%dma_start3A_3231, %dma_start3A_3232] : memref<384x128xf32, #tpu.memory_space<vmem>> -> memref<32x128xf32, #tpu.memory_space<vmem>>
      %dma_start3A_3234 = arith.constant 0 : i32
      %dma_start3A_3235 = tpu.memref_slice %arg3[%dma_start3A_3234, %multiple_of3A_3220] : memref<32x1000000xf32, #tpu.memory_space<hbm>> -> memref<32x128xf32, #tpu.memory_space<hbm>>
      tpu.enqueue_dma source(%dma_start3A_3235 : memref<32x128xf32, #tpu.memory_space<hbm>>) target(%dma_start3A_3233 : memref<32x128xf32, #tpu.memory_space<vmem>>) target_semaphore(%arg16 : memref<!tpu.dma_semaphore, #tpu.memory_space<semaphore_mem>>)
      %dma_start3A_3236 = arith.constant 128 : i32
      %dma_start3A_3237 = arith.constant 0 : i32
      %dma_start3A_3238 = tpu.memref_slice %arg10[%dma_start3A_3236, %dma_start3A_3237] : memref<384x128xf32, #tpu.memory_space<vmem>> -> memref<32x128xf32, #tpu.memory_space<vmem>>
      %dma_start3A_3239 = arith.constant 0 : i32
      %dma_start3A_3240 = tpu.memref_slice %arg4[%dma_start3A_3239, %multiple_of3A_3225] : memref<32x1000000xf32, #tpu.memory_space<hbm>> -> memref<32x128xf32, #tpu.memory_space<hbm>>
      %dma_start3A_3241 = arith.constant 128 : i32
      %dma_start3A_3242 = arith.constant 0 : i32
      %dma_start3A_3243 = tpu.memref_slice %arg10[%dma_start3A_3241, %dma_start3A_3242] : memref<384x128xf32, #tpu.memory_space<vmem>> -> memref<32x128xf32, #tpu.memory_space<vmem>>
      %dma_start3A_3244 = arith.constant 0 : i32
      %dma_start3A_3245 = tpu.memref_slice %arg4[%dma_start3A_3244, %multiple_of3A_3225] : memref<32x1000000xf32, #tpu.memory_space<hbm>> -> memref<32x128xf32, #tpu.memory_space<hbm>>
      tpu.enqueue_dma source(%dma_start3A_3245 : memref<32x128xf32, #tpu.memory_space<hbm>>) target(%dma_start3A_3243 : memref<32x128xf32, #tpu.memory_space<vmem>>) target_semaphore(%arg16 : memref<!tpu.dma_semaphore, #tpu.memory_space<semaphore_mem>>)
      %mul3A_3246 = arith.constant 2 : i32
      %mul3A_3247 = arith.muli %add3A_3197, %mul3A_3246 : i32
      %add3A_3248 = arith.constant 1 : i32
      %add3A_3249 = arith.addi %mul3A_3247, %add3A_3248 : i32
      %mul3A_3250 = arith.constant 2 : i32
      %mul3A_3251 = arith.muli %add3A_3249, %mul3A_3250 : i32
      %get3A_3252 = arith.index_cast %mul3A_3251 : i32 to index
      %get3A_3253 = memref.load %arg7[%get3A_3252] : memref<1028xi32, #tpu.memory_space<smem>>
      %mul3A_3254 = arith.constant 2 : i32
      %mul3A_3255 = arith.muli %add3A_3197, %mul3A_3254 : i32
      %add3A_3256 = arith.constant 1 : i32
      %add3A_3257 = arith.addi %mul3A_3255, %add3A_3256 : i32
      %mul3A_3258 = arith.constant 2 : i32
      %mul3A_3259 = arith.muli %add3A_3257, %mul3A_3258 : i32
      %add3A_3260 = arith.constant 1 : i32
      %add3A_3261 = arith.addi %mul3A_3259, %add3A_3260 : i32
      %get3A_3262 = arith.index_cast %add3A_3261 : i32 to index
      %get3A_3263 = memref.load %arg7[%get3A_3262] : memref<1028xi32, #tpu.memory_space<smem>>
      %shift_right_arithmetic3A_3264 = arith.constant 7 : i32
      %shift_right_arithmetic3A_3265 = arith.shrsi %get3A_3253, %shift_right_arithmetic3A_3264 : i32
      %shift_left3A_3266 = arith.constant 7 : i32
      %shift_left3A_3267 = arith.shli %shift_right_arithmetic3A_3265, %shift_left3A_3266 : i32
      %multiple_of3A_3268 = tpu.assume_multiple %shift_left3A_3267, 128 : i32
      %shift_right_arithmetic3A_3269 = arith.constant 7 : i32
      %shift_right_arithmetic3A_3270 = arith.shrsi %get3A_3263, %shift_right_arithmetic3A_3269 : i32
      %shift_left3A_3271 = arith.constant 7 : i32
      %shift_left3A_3272 = arith.shli %shift_right_arithmetic3A_3270, %shift_left3A_3271 : i32
      %multiple_of3A_3273 = tpu.assume_multiple %shift_left3A_3272, 128 : i32
      %dma_start3A_3274 = arith.constant 160 : i32
      %dma_start3A_3275 = arith.constant 0 : i32
      %dma_start3A_3276 = tpu.memref_slice %arg9[%dma_start3A_3274, %dma_start3A_3275] : memref<384x128xf32, #tpu.memory_space<vmem>> -> memref<32x128xf32, #tpu.memory_space<vmem>>
      %dma_start3A_3277 = arith.constant 0 : i32
      %dma_start3A_3278 = tpu.memref_slice %arg3[%dma_start3A_3277, %multiple_of3A_3268] : memref<32x1000000xf32, #tpu.memory_space<hbm>> -> memref<32x128xf32, #tpu.memory_space<hbm>>
      %dma_start3A_3279 = arith.constant 160 : i32
      %dma_start3A_3280 = arith.constant 0 : i32
      %dma_start3A_3281 = tpu.memref_slice %arg9[%dma_start3A_3279, %dma_start3A_3280] : memref<384x128xf32, #tpu.memory_space<vmem>> -> memref<32x128xf32, #tpu.memory_space<vmem>>
      %dma_start3A_3282 = arith.constant 0 : i32
      %dma_start3A_3283 = tpu.memref_slice %arg3[%dma_start3A_3282, %multiple_of3A_3268] : memref<32x1000000xf32, #tpu.memory_space<hbm>> -> memref<32x128xf32, #tpu.memory_space<hbm>>
      tpu.enqueue_dma source(%dma_start3A_3283 : memref<32x128xf32, #tpu.memory_space<hbm>>) target(%dma_start3A_3281 : memref<32x128xf32, #tpu.memory_space<vmem>>) target_semaphore(%arg16 : memref<!tpu.dma_semaphore, #tpu.memory_space<semaphore_mem>>)
      %dma_start3A_3284 = arith.constant 160 : i32
      %dma_start3A_3285 = arith.constant 0 : i32
      %dma_start3A_3286 = tpu.memref_slice %arg10[%dma_start3A_3284, %dma_start3A_3285] : memref<384x128xf32, #tpu.memory_space<vmem>> -> memref<32x128xf32, #tpu.memory_space<vmem>>
      %dma_start3A_3287 = arith.constant 0 : i32
      %dma_start3A_3288 = tpu.memref_slice %arg4[%dma_start3A_3287, %multiple_of3A_3273] : memref<32x1000000xf32, #tpu.memory_space<hbm>> -> memref<32x128xf32, #tpu.memory_space<hbm>>
      %dma_start3A_3289 = arith.constant 160 : i32
      %dma_start3A_3290 = arith.constant 0 : i32
      %dma_start3A_3291 = tpu.memref_slice %arg10[%dma_start3A_3289, %dma_start3A_3290] : memref<384x128xf32, #tpu.memory_space<vmem>> -> memref<32x128xf32, #tpu.memory_space<vmem>>
      %dma_start3A_3292 = arith.constant 0 : i32
      %dma_start3A_3293 = tpu.memref_slice %arg4[%dma_start3A_3292, %multiple_of3A_3273] : memref<32x1000000xf32, #tpu.memory_space<hbm>> -> memref<32x128xf32, #tpu.memory_space<hbm>>
      tpu.enqueue_dma source(%dma_start3A_3293 : memref<32x128xf32, #tpu.memory_space<hbm>>) target(%dma_start3A_3291 : memref<32x128xf32, #tpu.memory_space<vmem>>) target_semaphore(%arg16 : memref<!tpu.dma_semaphore, #tpu.memory_space<semaphore_mem>>)
      %dma_wait3A_3294 = arith.constant 0 : i32
      %dma_wait3A_3295 = arith.constant 0 : i32
      %dma_wait3A_3296 = tpu.memref_slice %arg9[%dma_wait3A_3294, %dma_wait3A_3295] : memref<384x128xf32, #tpu.memory_space<vmem>> -> memref<32x128xf32, #tpu.memory_space<vmem>>
      %dma_wait3A_3297 = arith.constant 0 : i32
      %dma_wait3A_3298 = arith.constant 0 : i32
      %dma_wait3A_3299 = tpu.memref_slice %arg3[%dma_wait3A_3297, %dma_wait3A_3298] : memref<32x1000000xf32, #tpu.memory_space<hbm>> -> memref<32x128xf32, #tpu.memory_space<hbm>>
      %dma_wait3A_3300 = arith.constant 0 : i32
      %dma_wait3A_3301 = arith.constant 0 : i32
      %dma_wait3A_3302 = tpu.memref_slice %arg9[%dma_wait3A_3300, %dma_wait3A_3301] : memref<384x128xf32, #tpu.memory_space<vmem>> -> memref<32x128xf32, #tpu.memory_space<vmem>>
      %dma_wait3A_3303 = arith.constant 0 : i32
      %dma_wait3A_3304 = arith.constant 0 : i32
      %dma_wait3A_3305 = tpu.memref_slice %arg3[%dma_wait3A_3303, %dma_wait3A_3304] : memref<32x1000000xf32, #tpu.memory_space<hbm>> -> memref<32x128xf32, #tpu.memory_space<hbm>>
      tpu.wait_dma2 semaphore(%arg17 : memref<!tpu.dma_semaphore, #tpu.memory_space<semaphore_mem>>) src(%dma_wait3A_3305 : memref<32x128xf32, #tpu.memory_space<hbm>>) dst(%dma_wait3A_3302 : memref<32x128xf32, #tpu.memory_space<vmem>>)
      %dma_wait3A_3306 = arith.constant 0 : i32
      %dma_wait3A_3307 = arith.constant 0 : i32
      %dma_wait3A_3308 = tpu.memref_slice %arg10[%dma_wait3A_3306, %dma_wait3A_3307] : memref<384x128xf32, #tpu.memory_space<vmem>> -> memref<32x128xf32, #tpu.memory_space<vmem>>
      %dma_wait3A_3309 = arith.constant 0 : i32
      %dma_wait3A_3310 = arith.constant 0 : i32
      %dma_wait3A_3311 = tpu.memref_slice %arg4[%dma_wait3A_3309, %dma_wait3A_3310] : memref<32x1000000xf32, #tpu.memory_space<hbm>> -> memref<32x128xf32, #tpu.memory_space<hbm>>
      %dma_wait3A_3312 = arith.constant 0 : i32
      %dma_wait3A_3313 = arith.constant 0 : i32
      %dma_wait3A_3314 = tpu.memref_slice %arg10[%dma_wait3A_3312, %dma_wait3A_3313] : memref<384x128xf32, #tpu.memory_space<vmem>> -> memref<32x128xf32, #tpu.memory_space<vmem>>
      %dma_wait3A_3315 = arith.constant 0 : i32
      %dma_wait3A_3316 = arith.constant 0 : i32
      %dma_wait3A_3317 = tpu.memref_slice %arg4[%dma_wait3A_3315, %dma_wait3A_3316] : memref<32x1000000xf32, #tpu.memory_space<hbm>> -> memref<32x128xf32, #tpu.memory_space<hbm>>
      tpu.wait_dma2 semaphore(%arg17 : memref<!tpu.dma_semaphore, #tpu.memory_space<semaphore_mem>>) src(%dma_wait3A_3317 : memref<32x128xf32, #tpu.memory_space<hbm>>) dst(%dma_wait3A_3314 : memref<32x128xf32, #tpu.memory_space<vmem>>)
      %dma_wait3A_3318 = arith.constant 32 : i32
      %dma_wait3A_3319 = arith.constant 0 : i32
      %dma_wait3A_3320 = tpu.memref_slice %arg9[%dma_wait3A_3318, %dma_wait3A_3319] : memref<384x128xf32, #tpu.memory_space<vmem>> -> memref<32x128xf32, #tpu.memory_space<vmem>>
      %dma_wait3A_3321 = arith.constant 0 : i32
      %dma_wait3A_3322 = arith.constant 0 : i32
      %dma_wait3A_3323 = tpu.memref_slice %arg3[%dma_wait3A_3321, %dma_wait3A_3322] : memref<32x1000000xf32, #tpu.memory_space<hbm>> -> memref<32x128xf32, #tpu.memory_space<hbm>>
      %dma_wait3A_3324 = arith.constant 32 : i32
      %dma_wait3A_3325 = arith.constant 0 : i32
      %dma_wait3A_3326 = tpu.memref_slice %arg9[%dma_wait3A_3324, %dma_wait3A_3325] : memref<384x128xf32, #tpu.memory_space<vmem>> -> memref<32x128xf32, #tpu.memory_space<vmem>>
      %dma_wait3A_3327 = arith.constant 0 : i32
      %dma_wait3A_3328 = arith.constant 0 : i32
      %dma_wait3A_3329 = tpu.memref_slice %arg3[%dma_wait3A_3327, %dma_wait3A_3328] : memref<32x1000000xf32, #tpu.memory_space<hbm>> -> memref<32x128xf32, #tpu.memory_space<hbm>>
      tpu.wait_dma2 semaphore(%arg17 : memref<!tpu.dma_semaphore, #tpu.memory_space<semaphore_mem>>) src(%dma_wait3A_3329 : memref<32x128xf32, #tpu.memory_space<hbm>>) dst(%dma_wait3A_3326 : memref<32x128xf32, #tpu.memory_space<vmem>>)
      %dma_wait3A_3330 = arith.constant 32 : i32
      %dma_wait3A_3331 = arith.constant 0 : i32
      %dma_wait3A_3332 = tpu.memref_slice %arg10[%dma_wait3A_3330, %dma_wait3A_3331] : memref<384x128xf32, #tpu.memory_space<vmem>> -> memref<32x128xf32, #tpu.memory_space<vmem>>
      %dma_wait3A_3333 = arith.constant 0 : i32
      %dma_wait3A_3334 = arith.constant 0 : i32
      %dma_wait3A_3335 = tpu.memref_slice %arg4[%dma_wait3A_3333, %dma_wait3A_3334] : memref<32x1000000xf32, #tpu.memory_space<hbm>> -> memref<32x128xf32, #tpu.memory_space<hbm>>
      %dma_wait3A_3336 = arith.constant 32 : i32
      %dma_wait3A_3337 = arith.constant 0 : i32
      %dma_wait3A_3338 = tpu.memref_slice %arg10[%dma_wait3A_3336, %dma_wait3A_3337] : memref<384x128xf32, #tpu.memory_space<vmem>> -> memref<32x128xf32, #tpu.memory_space<vmem>>
      %dma_wait3A_3339 = arith.constant 0 : i32
      %dma_wait3A_3340 = arith.constant 0 : i32
      %dma_wait3A_3341 = tpu.memref_slice %arg4[%dma_wait3A_3339, %dma_wait3A_3340] : memref<32x1000000xf32, #tpu.memory_space<hbm>> -> memref<32x128xf32, #tpu.memory_space<hbm>>
      tpu.wait_dma2 semaphore(%arg17 : memref<!tpu.dma_semaphore, #tpu.memory_space<semaphore_mem>>) src(%dma_wait3A_3341 : memref<32x128xf32, #tpu.memory_space<hbm>>) dst(%dma_wait3A_3338 : memref<32x128xf32, #tpu.memory_space<vmem>>)
      %add3A_3342 = arith.constant 3 : i32
      %add3A_3343 = arith.addi %mul3A_2323, %add3A_3342 : i32
      %mul3A_3344 = arith.constant 2 : i32
      %mul3A_3345 = arith.muli %add3A_3343, %mul3A_3344 : i32
      %add3A_3346 = arith.constant 0 : i32
      %add3A_3347 = arith.addi %mul3A_3345, %add3A_3346 : i32
      %mul3A_3348 = arith.constant 2 : i32
      %mul3A_3349 = arith.muli %add3A_3347, %mul3A_3348 : i32
      %get3A_3350 = arith.index_cast %mul3A_3349 : i32 to index
      %get3A_3351 = memref.load %arg7[%get3A_3350] : memref<1028xi32, #tpu.memory_space<smem>>
      %and3A_3352 = arith.constant 127 : i32
      %and3A_3353 = arith.andi %get3A_3351, %and3A_3352 : i32
      %mul3A_3354 = arith.constant 2 : i32
      %mul3A_3355 = arith.muli %add3A_3343, %mul3A_3354 : i32
      %add3A_3356 = arith.constant 0 : i32
      %add3A_3357 = arith.addi %mul3A_3355, %add3A_3356 : i32
      %mul3A_3358 = arith.constant 2 : i32
      %mul3A_3359 = arith.muli %add3A_3357, %mul3A_3358 : i32
      %add3A_3360 = arith.constant 1 : i32
      %add3A_3361 = arith.addi %mul3A_3359, %add3A_3360 : i32
      %get3A_3362 = arith.index_cast %add3A_3361 : i32 to index
      %get3A_3363 = memref.load %arg7[%get3A_3362] : memref<1028xi32, #tpu.memory_space<smem>>
      %and3A_3364 = arith.constant 127 : i32
      %and3A_3365 = arith.andi %get3A_3363, %and3A_3364 : i32
      %add3A_3366 = arith.constant 192 : i32
      %add3A_3367 = vector.broadcast %add3A_3366 : i32 to vector<16xi32>
      %add3A_3368 = arith.addi %add3A_3367, %iota3A : vector<16xi32>
      %add3A_3369 = arith.constant 16 : i32
      %add3A_3370 = vector.broadcast %add3A_3369 : i32 to vector<16xi32>
      %add3A_3371 = arith.addi %add3A_3368, %add3A_3370 : vector<16xi32>
      %mul3A_3372 = arith.constant 0 : i32
      %mul3A_3373 = vector.broadcast %mul3A_3372 : i32 to vector<16xi32>
      %mul3A_3374 = arith.muli %iota3A, %mul3A_3373 : vector<16xi32>
      %add3A_3375 = vector.broadcast %and3A_3353 : i32 to vector<16xi32>
      %add3A_3376 = arith.addi %mul3A_3374, %add3A_3375 : vector<16xi32>
      %gather3A_3377 = tpu.vector_load_idx %arg9[%add3A_3368, %add3A_3376] : memref<384x128xf32, #tpu.memory_space<vmem>>[vector<16xi32>, vector<16xi32>], vector<16xf32>,
      %mul3A_3378 = arith.constant 0 : i32
      %mul3A_3379 = vector.broadcast %mul3A_3378 : i32 to vector<16xi32>
      %mul3A_3380 = arith.muli %iota3A, %mul3A_3379 : vector<16xi32>
      %add3A_3381 = vector.broadcast %and3A_3353 : i32 to vector<16xi32>
      %add3A_3382 = arith.addi %mul3A_3380, %add3A_3381 : vector<16xi32>
      %gather3A_3383 = tpu.vector_load_idx %arg9[%add3A_3371, %add3A_3382] : memref<384x128xf32, #tpu.memory_space<vmem>>[vector<16xi32>, vector<16xi32>], vector<16xf32>,
      %mul3A_3384 = arith.constant 0 : i32
      %mul3A_3385 = vector.broadcast %mul3A_3384 : i32 to vector<16xi32>
      %mul3A_3386 = arith.muli %iota3A, %mul3A_3385 : vector<16xi32>
      %add3A_3387 = vector.broadcast %and3A_3365 : i32 to vector<16xi32>
      %add3A_3388 = arith.addi %mul3A_3386, %add3A_3387 : vector<16xi32>
      %gather3A_3389 = tpu.vector_load_idx %arg10[%add3A_3368, %add3A_3388] : memref<384x128xf32, #tpu.memory_space<vmem>>[vector<16xi32>, vector<16xi32>], vector<16xf32>,
      %mul3A_3390 = arith.constant 0 : i32
      %mul3A_3391 = vector.broadcast %mul3A_3390 : i32 to vector<16xi32>
      %mul3A_3392 = arith.muli %iota3A, %mul3A_3391 : vector<16xi32>
      %add3A_3393 = vector.broadcast %and3A_3365 : i32 to vector<16xi32>
      %add3A_3394 = arith.addi %mul3A_3392, %add3A_3393 : vector<16xi32>
      %gather3A_3395 = tpu.vector_load_idx %arg10[%add3A_3371, %add3A_3394] : memref<384x128xf32, #tpu.memory_space<vmem>>[vector<16xi32>, vector<16xi32>], vector<16xf32>,
      %mul3A_3396 = arith.mulf %gather3A_3377, %gather3A_3389 : vector<16xf32>
      %mul3A_3397 = arith.mulf %mul3A_3396, %get3A_8 : vector<16xf32>
      %mul3A_3398 = arith.mulf %gather3A_3383, %gather3A_3395 : vector<16xf32>
      %mul3A_3399 = arith.mulf %mul3A_3398, %get3A_10 : vector<16xf32>
      %add3A_3400 = arith.addf %mul3A_3397, %mul3A_3399 : vector<16xf32>
      %and3A_3401 = arith.constant 7 : i32
      %and3A_3402 = arith.andi %add3A_3343, %and3A_3401 : i32
      %mul3A_3403 = arith.constant 2 : i32
      %mul3A_3404 = arith.muli %and3A_3402, %mul3A_3403 : i32
      %add3A_3405 = arith.constant 0 : i32
      %add3A_3406 = arith.addi %mul3A_3404, %add3A_3405 : i32
      %mul3A_3407 = arith.constant 17 : i32
      %mul3A_3408 = arith.muli %add3A_3406, %mul3A_3407 : i32
      %swap3A_3409 = arith.index_cast %mul3A_3408 : i32 to index
      %swap3A_3410 = tpu.vector_load %arg12[%swap3A_3409] {strides = array<i32>} : memref<272xf32, #tpu.memory_space<vmem>>, vector<16xf32>,
      tpu.vector_store %arg12[%swap3A_3409], %add3A_3400 {strides = array<i32>} : memref<272xf32, #tpu.memory_space<vmem>>, vector<16xf32>,
      %mul3A_3411 = arith.constant 2 : i32
      %mul3A_3412 = arith.muli %add3A_3343, %mul3A_3411 : i32
      %add3A_3413 = arith.constant 1 : i32
      %add3A_3414 = arith.addi %mul3A_3412, %add3A_3413 : i32
      %mul3A_3415 = arith.constant 2 : i32
      %mul3A_3416 = arith.muli %add3A_3414, %mul3A_3415 : i32
      %get3A_3417 = arith.index_cast %mul3A_3416 : i32 to index
      %get3A_3418 = memref.load %arg7[%get3A_3417] : memref<1028xi32, #tpu.memory_space<smem>>
      %and3A_3419 = arith.constant 127 : i32
      %and3A_3420 = arith.andi %get3A_3418, %and3A_3419 : i32
      %mul3A_3421 = arith.constant 2 : i32
      %mul3A_3422 = arith.muli %add3A_3343, %mul3A_3421 : i32
      %add3A_3423 = arith.constant 1 : i32
      %add3A_3424 = arith.addi %mul3A_3422, %add3A_3423 : i32
      %mul3A_3425 = arith.constant 2 : i32
      %mul3A_3426 = arith.muli %add3A_3424, %mul3A_3425 : i32
      %add3A_3427 = arith.constant 1 : i32
      %add3A_3428 = arith.addi %mul3A_3426, %add3A_3427 : i32
      %get3A_3429 = arith.index_cast %add3A_3428 : i32 to index
      %get3A_3430 = memref.load %arg7[%get3A_3429] : memref<1028xi32, #tpu.memory_space<smem>>
      %and3A_3431 = arith.constant 127 : i32
      %and3A_3432 = arith.andi %get3A_3430, %and3A_3431 : i32
      %add3A_3433 = arith.constant 224 : i32
      %add3A_3434 = vector.broadcast %add3A_3433 : i32 to vector<16xi32>
      %add3A_3435 = arith.addi %add3A_3434, %iota3A : vector<16xi32>
      %add3A_3436 = arith.constant 16 : i32
      %add3A_3437 = vector.broadcast %add3A_3436 : i32 to vector<16xi32>
      %add3A_3438 = arith.addi %add3A_3435, %add3A_3437 : vector<16xi32>
      %mul3A_3439 = arith.constant 0 : i32
      %mul3A_3440 = vector.broadcast %mul3A_3439 : i32 to vector<16xi32>
      %mul3A_3441 = arith.muli %iota3A, %mul3A_3440 : vector<16xi32>
      %add3A_3442 = vector.broadcast %and3A_3420 : i32 to vector<16xi32>
      %add3A_3443 = arith.addi %mul3A_3441, %add3A_3442 : vector<16xi32>
      %gather3A_3444 = tpu.vector_load_idx %arg9[%add3A_3435, %add3A_3443] : memref<384x128xf32, #tpu.memory_space<vmem>>[vector<16xi32>, vector<16xi32>], vector<16xf32>,
      %mul3A_3445 = arith.constant 0 : i32
      %mul3A_3446 = vector.broadcast %mul3A_3445 : i32 to vector<16xi32>
      %mul3A_3447 = arith.muli %iota3A, %mul3A_3446 : vector<16xi32>
      %add3A_3448 = vector.broadcast %and3A_3420 : i32 to vector<16xi32>
      %add3A_3449 = arith.addi %mul3A_3447, %add3A_3448 : vector<16xi32>
      %gather3A_3450 = tpu.vector_load_idx %arg9[%add3A_3438, %add3A_3449] : memref<384x128xf32, #tpu.memory_space<vmem>>[vector<16xi32>, vector<16xi32>], vector<16xf32>,
      %mul3A_3451 = arith.constant 0 : i32
      %mul3A_3452 = vector.broadcast %mul3A_3451 : i32 to vector<16xi32>
      %mul3A_3453 = arith.muli %iota3A, %mul3A_3452 : vector<16xi32>
      %add3A_3454 = vector.broadcast %and3A_3432 : i32 to vector<16xi32>
      %add3A_3455 = arith.addi %mul3A_3453, %add3A_3454 : vector<16xi32>
      %gather3A_3456 = tpu.vector_load_idx %arg10[%add3A_3435, %add3A_3455] : memref<384x128xf32, #tpu.memory_space<vmem>>[vector<16xi32>, vector<16xi32>], vector<16xf32>,
      %mul3A_3457 = arith.constant 0 : i32
      %mul3A_3458 = vector.broadcast %mul3A_3457 : i32 to vector<16xi32>
      %mul3A_3459 = arith.muli %iota3A, %mul3A_3458 : vector<16xi32>
      %add3A_3460 = vector.broadcast %and3A_3432 : i32 to vector<16xi32>
      %add3A_3461 = arith.addi %mul3A_3459, %add3A_3460 : vector<16xi32>
      %gather3A_3462 = tpu.vector_load_idx %arg10[%add3A_3438, %add3A_3461] : memref<384x128xf32, #tpu.memory_space<vmem>>[vector<16xi32>, vector<16xi32>], vector<16xf32>,
      %mul3A_3463 = arith.mulf %gather3A_3444, %gather3A_3456 : vector<16xf32>
      %mul3A_3464 = arith.mulf %mul3A_3463, %get3A_8 : vector<16xf32>
      %mul3A_3465 = arith.mulf %gather3A_3450, %gather3A_3462 : vector<16xf32>
      %mul3A_3466 = arith.mulf %mul3A_3465, %get3A_10 : vector<16xf32>
      %add3A_3467 = arith.addf %mul3A_3464, %mul3A_3466 : vector<16xf32>
      %and3A_3468 = arith.constant 7 : i32
      %and3A_3469 = arith.andi %add3A_3343, %and3A_3468 : i32
      %mul3A_3470 = arith.constant 2 : i32
      %mul3A_3471 = arith.muli %and3A_3469, %mul3A_3470 : i32
      %add3A_3472 = arith.constant 1 : i32
      %add3A_3473 = arith.addi %mul3A_3471, %add3A_3472 : i32
      %mul3A_3474 = arith.constant 17 : i32
      %mul3A_3475 = arith.muli %add3A_3473, %mul3A_3474 : i32
      %swap3A_3476 = arith.index_cast %mul3A_3475 : i32 to index
      %swap3A_3477 = tpu.vector_load %arg12[%swap3A_3476] {strides = array<i32>} : memref<272xf32, #tpu.memory_space<vmem>>, vector<16xf32>,
      tpu.vector_store %arg12[%swap3A_3476], %add3A_3467 {strides = array<i32>} : memref<272xf32, #tpu.memory_space<vmem>>, vector<16xf32>,
      %and3A_3478 = arith.constant 7 : i32
      %and3A_3479 = arith.andi %add3A_3343, %and3A_3478 : i32
      %eq3A_3480 = arith.constant 7 : i32
      %eq3A_3481 = arith.cmpi eq, %and3A_3479, %eq3A_3480 : i32
      %convert_element_type3A_3482 = arith.extui %eq3A_3481 : i1 to i32
      %cond3A_3483 = arith.constant 0 : i32
      %cond3A_3484 = arith.cmpi ne, %convert_element_type3A_3482, %cond3A_3483 : i32
      scf.if %cond3A_3484 {
        %gather3A_4067 = tpu.vector_load_idx %arg12[%mul3A_7] : memref<272xf32, #tpu.memory_space<vmem>>[vector<16xi32>], vector<16xf32>,
        %add3A_4068 = arith.constant 1 : i32
        %add3A_4069 = vector.broadcast %add3A_4068 : i32 to vector<16xi32>
        %add3A_4070 = arith.addi %mul3A_7, %add3A_4069 : vector<16xi32>
        %gather3A_4071 = tpu.vector_load_idx %arg12[%add3A_4070] : memref<272xf32, #tpu.memory_space<vmem>>[vector<16xi32>], vector<16xf32>,
        %add3A_4072 = arith.addf %gather3A_4067, %gather3A_4071 : vector<16xf32>
        %add3A_4073 = arith.constant 2 : i32
        %add3A_4074 = vector.broadcast %add3A_4073 : i32 to vector<16xi32>
        %add3A_4075 = arith.addi %mul3A_7, %add3A_4074 : vector<16xi32>
        %gather3A_4076 = tpu.vector_load_idx %arg12[%add3A_4075] : memref<272xf32, #tpu.memory_space<vmem>>[vector<16xi32>], vector<16xf32>,
        %add3A_4077 = arith.addf %add3A_4072, %gather3A_4076 : vector<16xf32>
        %add3A_4078 = arith.constant 3 : i32
        %add3A_4079 = vector.broadcast %add3A_4078 : i32 to vector<16xi32>
        %add3A_4080 = arith.addi %mul3A_7, %add3A_4079 : vector<16xi32>
        %gather3A_4081 = tpu.vector_load_idx %arg12[%add3A_4080] : memref<272xf32, #tpu.memory_space<vmem>>[vector<16xi32>], vector<16xf32>,
        %add3A_4082 = arith.addf %add3A_4077, %gather3A_4081 : vector<16xf32>
        %add3A_4083 = arith.constant 4 : i32
        %add3A_4084 = vector.broadcast %add3A_4083 : i32 to vector<16xi32>
        %add3A_4085 = arith.addi %mul3A_7, %add3A_4084 : vector<16xi32>
        %gather3A_4086 = tpu.vector_load_idx %arg12[%add3A_4085] : memref<272xf32, #tpu.memory_space<vmem>>[vector<16xi32>], vector<16xf32>,
        %add3A_4087 = arith.addf %add3A_4082, %gather3A_4086 : vector<16xf32>
        %add3A_4088 = arith.constant 5 : i32
        %add3A_4089 = vector.broadcast %add3A_4088 : i32 to vector<16xi32>
        %add3A_4090 = arith.addi %mul3A_7, %add3A_4089 : vector<16xi32>
        %gather3A_4091 = tpu.vector_load_idx %arg12[%add3A_4090] : memref<272xf32, #tpu.memory_space<vmem>>[vector<16xi32>], vector<16xf32>,
        %add3A_4092 = arith.addf %add3A_4087, %gather3A_4091 : vector<16xf32>
        %add3A_4093 = arith.constant 6 : i32
        %add3A_4094 = vector.broadcast %add3A_4093 : i32 to vector<16xi32>
        %add3A_4095 = arith.addi %mul3A_7, %add3A_4094 : vector<16xi32>
        %gather3A_4096 = tpu.vector_load_idx %arg12[%add3A_4095] : memref<272xf32, #tpu.memory_space<vmem>>[vector<16xi32>], vector<16xf32>,
        %add3A_4097 = arith.addf %add3A_4092, %gather3A_4096 : vector<16xf32>
        %add3A_4098 = arith.constant 7 : i32
        %add3A_4099 = vector.broadcast %add3A_4098 : i32 to vector<16xi32>
        %add3A_4100 = arith.addi %mul3A_7, %add3A_4099 : vector<16xi32>
        %gather3A_4101 = tpu.vector_load_idx %arg12[%add3A_4100] : memref<272xf32, #tpu.memory_space<vmem>>[vector<16xi32>], vector<16xf32>,
        %add3A_4102 = arith.addf %add3A_4097, %gather3A_4101 : vector<16xf32>
        %add3A_4103 = arith.constant 8 : i32
        %add3A_4104 = vector.broadcast %add3A_4103 : i32 to vector<16xi32>
        %add3A_4105 = arith.addi %mul3A_7, %add3A_4104 : vector<16xi32>
        %gather3A_4106 = tpu.vector_load_idx %arg12[%add3A_4105] : memref<272xf32, #tpu.memory_space<vmem>>[vector<16xi32>], vector<16xf32>,
        %add3A_4107 = arith.addf %add3A_4102, %gather3A_4106 : vector<16xf32>
        %add3A_4108 = arith.constant 9 : i32
        %add3A_4109 = vector.broadcast %add3A_4108 : i32 to vector<16xi32>
        %add3A_4110 = arith.addi %mul3A_7, %add3A_4109 : vector<16xi32>
        %gather3A_4111 = tpu.vector_load_idx %arg12[%add3A_4110] : memref<272xf32, #tpu.memory_space<vmem>>[vector<16xi32>], vector<16xf32>,
        %add3A_4112 = arith.addf %add3A_4107, %gather3A_4111 : vector<16xf32>
        %add3A_4113 = arith.constant 10 : i32
        %add3A_4114 = vector.broadcast %add3A_4113 : i32 to vector<16xi32>
        %add3A_4115 = arith.addi %mul3A_7, %add3A_4114 : vector<16xi32>
        %gather3A_4116 = tpu.vector_load_idx %arg12[%add3A_4115] : memref<272xf32, #tpu.memory_space<vmem>>[vector<16xi32>], vector<16xf32>,
        %add3A_4117 = arith.addf %add3A_4112, %gather3A_4116 : vector<16xf32>
        %add3A_4118 = arith.constant 11 : i32
        %add3A_4119 = vector.broadcast %add3A_4118 : i32 to vector<16xi32>
        %add3A_4120 = arith.addi %mul3A_7, %add3A_4119 : vector<16xi32>
        %gather3A_4121 = tpu.vector_load_idx %arg12[%add3A_4120] : memref<272xf32, #tpu.memory_space<vmem>>[vector<16xi32>], vector<16xf32>,
        %add3A_4122 = arith.addf %add3A_4117, %gather3A_4121 : vector<16xf32>
        %add3A_4123 = arith.constant 12 : i32
        %add3A_4124 = vector.broadcast %add3A_4123 : i32 to vector<16xi32>
        %add3A_4125 = arith.addi %mul3A_7, %add3A_4124 : vector<16xi32>
        %gather3A_4126 = tpu.vector_load_idx %arg12[%add3A_4125] : memref<272xf32, #tpu.memory_space<vmem>>[vector<16xi32>], vector<16xf32>,
        %add3A_4127 = arith.addf %add3A_4122, %gather3A_4126 : vector<16xf32>
        %add3A_4128 = arith.constant 13 : i32
        %add3A_4129 = vector.broadcast %add3A_4128 : i32 to vector<16xi32>
        %add3A_4130 = arith.addi %mul3A_7, %add3A_4129 : vector<16xi32>
        %gather3A_4131 = tpu.vector_load_idx %arg12[%add3A_4130] : memref<272xf32, #tpu.memory_space<vmem>>[vector<16xi32>], vector<16xf32>,
        %add3A_4132 = arith.addf %add3A_4127, %gather3A_4131 : vector<16xf32>
        %add3A_4133 = arith.constant 14 : i32
        %add3A_4134 = vector.broadcast %add3A_4133 : i32 to vector<16xi32>
        %add3A_4135 = arith.addi %mul3A_7, %add3A_4134 : vector<16xi32>
        %gather3A_4136 = tpu.vector_load_idx %arg12[%add3A_4135] : memref<272xf32, #tpu.memory_space<vmem>>[vector<16xi32>], vector<16xf32>,
        %add3A_4137 = arith.addf %add3A_4132, %gather3A_4136 : vector<16xf32>
        %add3A_4138 = arith.constant 15 : i32
        %add3A_4139 = vector.broadcast %add3A_4138 : i32 to vector<16xi32>
        %add3A_4140 = arith.addi %mul3A_7, %add3A_4139 : vector<16xi32>
        %gather3A_4141 = tpu.vector_load_idx %arg12[%add3A_4140] : memref<272xf32, #tpu.memory_space<vmem>>[vector<16xi32>], vector<16xf32>,
        %add3A_4142 = arith.addf %add3A_4137, %gather3A_4141 : vector<16xf32>
        %neg3A_4143 = arith.constant 0.000000e+00 : f32
        %neg3A_4144 = vector.broadcast %neg3A_4143 : f32 to vector<16xf32>
        %neg3A_4145 = arith.subf %neg3A_4144, %add3A_4142 : vector<16xf32>
        %exp3A_4146 = math.exp %neg3A_4145 : vector<16xf32>
        %add3A_4147 = arith.constant 1.000000e+00 : f32
        %add3A_4148 = vector.broadcast %add3A_4147 : f32 to vector<16xf32>
        %add3A_4149 = arith.addf %add3A_4148, %exp3A_4146 : vector<16xf32>
        %div3A_4150 = arith.constant 1.000000e+00 : f32
        %div3A_4151 = vector.broadcast %div3A_4150 : f32 to vector<16xf32>
        %div3A_4152 = arith.divf %div3A_4151, %add3A_4149 : vector<16xf32>
        %shift_right_arithmetic3A_4153 = arith.constant 3 : i32
        %shift_right_arithmetic3A_4154 = arith.shrsi %add3A_3343, %shift_right_arithmetic3A_4153 : i32
        %mul3A_4155 = arith.constant 16 : i32
        %mul3A_4156 = arith.muli %shift_right_arithmetic3A_4154, %mul3A_4155 : i32
        %swap3A_4157 = arith.index_cast %mul3A_4156 : i32 to index
        %swap3A_4158 = tpu.vector_load %arg13[%swap3A_4157] {strides = array<i32>} : memref<512xf32, #tpu.memory_space<vmem>>, vector<16xf32>,
        tpu.vector_store %arg13[%swap3A_4157], %div3A_4152 {strides = array<i32>} : memref<512xf32, #tpu.memory_space<vmem>>, vector<16xf32>,
      } else {
      }
      %add3A_3485 = arith.constant 5 : i32
      %add3A_3486 = arith.addi %mul3A_2323, %add3A_3485 : i32
      %add3A_3487 = arith.constant 4 : i32
      %add3A_3488 = arith.addi %add3A_3486, %add3A_3487 : i32
      %mul3A_3489 = arith.constant 2 : i32
      %mul3A_3490 = arith.muli %add3A_3488, %mul3A_3489 : i32
      %add3A_3491 = arith.constant 0 : i32
      %add3A_3492 = arith.addi %mul3A_3490, %add3A_3491 : i32
      %mul3A_3493 = arith.constant 2 : i32
      %mul3A_3494 = arith.muli %add3A_3492, %mul3A_3493 : i32
      %get3A_3495 = arith.index_cast %mul3A_3494 : i32 to index
      %get3A_3496 = memref.load %arg7[%get3A_3495] : memref<1028xi32, #tpu.memory_space<smem>>
      %mul3A_3497 = arith.constant 2 : i32
      %mul3A_3498 = arith.muli %add3A_3488, %mul3A_3497 : i32
      %add3A_3499 = arith.constant 0 : i32
      %add3A_3500 = arith.addi %mul3A_3498, %add3A_3499 : i32
      %mul3A_3501 = arith.constant 2 : i32
      %mul3A_3502 = arith.muli %add3A_3500, %mul3A_3501 : i32
      %add3A_3503 = arith.constant 1 : i32
      %add3A_3504 = arith.addi %mul3A_3502, %add3A_3503 : i32
      %get3A_3505 = arith.index_cast %add3A_3504 : i32 to index
      %get3A_3506 = memref.load %arg7[%get3A_3505] : memref<1028xi32, #tpu.memory_space<smem>>
      %shift_right_arithmetic3A_3507 = arith.constant 7 : i32
      %shift_right_arithmetic3A_3508 = arith.shrsi %get3A_3496, %shift_right_arithmetic3A_3507 : i32
      %shift_left3A_3509 = arith.constant 7 : i32
      %shift_left3A_3510 = arith.shli %shift_right_arithmetic3A_3508, %shift_left3A_3509 : i32
      %multiple_of3A_3511 = tpu.assume_multiple %shift_left3A_3510, 128 : i32
      %shift_right_arithmetic3A_3512 = arith.constant 7 : i32
      %shift_right_arithmetic3A_3513 = arith.shrsi %get3A_3506, %shift_right_arithmetic3A_3512 : i32
      %shift_left3A_3514 = arith.constant 7 : i32
      %shift_left3A_3515 = arith.shli %shift_right_arithmetic3A_3513, %shift_left3A_3514 : i32
      %multiple_of3A_3516 = tpu.assume_multiple %shift_left3A_3515, 128 : i32
      %dma_start3A_3517 = arith.constant 192 : i32
      %dma_start3A_3518 = arith.constant 0 : i32
      %dma_start3A_3519 = tpu.memref_slice %arg9[%dma_start3A_3517, %dma_start3A_3518] : memref<384x128xf32, #tpu.memory_space<vmem>> -> memref<32x128xf32, #tpu.memory_space<vmem>>
      %dma_start3A_3520 = arith.constant 0 : i32
      %dma_start3A_3521 = tpu.memref_slice %arg3[%dma_start3A_3520, %multiple_of3A_3511] : memref<32x1000000xf32, #tpu.memory_space<hbm>> -> memref<32x128xf32, #tpu.memory_space<hbm>>
      %dma_start3A_3522 = arith.constant 192 : i32
      %dma_start3A_3523 = arith.constant 0 : i32
      %dma_start3A_3524 = tpu.memref_slice %arg9[%dma_start3A_3522, %dma_start3A_3523] : memref<384x128xf32, #tpu.memory_space<vmem>> -> memref<32x128xf32, #tpu.memory_space<vmem>>
      %dma_start3A_3525 = arith.constant 0 : i32
      %dma_start3A_3526 = tpu.memref_slice %arg3[%dma_start3A_3525, %multiple_of3A_3511] : memref<32x1000000xf32, #tpu.memory_space<hbm>> -> memref<32x128xf32, #tpu.memory_space<hbm>>
      tpu.enqueue_dma source(%dma_start3A_3526 : memref<32x128xf32, #tpu.memory_space<hbm>>) target(%dma_start3A_3524 : memref<32x128xf32, #tpu.memory_space<vmem>>) target_semaphore(%arg17 : memref<!tpu.dma_semaphore, #tpu.memory_space<semaphore_mem>>)
      %dma_start3A_3527 = arith.constant 192 : i32
      %dma_start3A_3528 = arith.constant 0 : i32
      %dma_start3A_3529 = tpu.memref_slice %arg10[%dma_start3A_3527, %dma_start3A_3528] : memref<384x128xf32, #tpu.memory_space<vmem>> -> memref<32x128xf32, #tpu.memory_space<vmem>>
      %dma_start3A_3530 = arith.constant 0 : i32
      %dma_start3A_3531 = tpu.memref_slice %arg4[%dma_start3A_3530, %multiple_of3A_3516] : memref<32x1000000xf32, #tpu.memory_space<hbm>> -> memref<32x128xf32, #tpu.memory_space<hbm>>
      %dma_start3A_3532 = arith.constant 192 : i32
      %dma_start3A_3533 = arith.constant 0 : i32
      %dma_start3A_3534 = tpu.memref_slice %arg10[%dma_start3A_3532, %dma_start3A_3533] : memref<384x128xf32, #tpu.memory_space<vmem>> -> memref<32x128xf32, #tpu.memory_space<vmem>>
      %dma_start3A_3535 = arith.constant 0 : i32
      %dma_start3A_3536 = tpu.memref_slice %arg4[%dma_start3A_3535, %multiple_of3A_3516] : memref<32x1000000xf32, #tpu.memory_space<hbm>> -> memref<32x128xf32, #tpu.memory_space<hbm>>
      tpu.enqueue_dma source(%dma_start3A_3536 : memref<32x128xf32, #tpu.memory_space<hbm>>) target(%dma_start3A_3534 : memref<32x128xf32, #tpu.memory_space<vmem>>) target_semaphore(%arg17 : memref<!tpu.dma_semaphore, #tpu.memory_space<semaphore_mem>>)
      %mul3A_3537 = arith.constant 2 : i32
      %mul3A_3538 = arith.muli %add3A_3488, %mul3A_3537 : i32
      %add3A_3539 = arith.constant 1 : i32
      %add3A_3540 = arith.addi %mul3A_3538, %add3A_3539 : i32
      %mul3A_3541 = arith.constant 2 : i32
      %mul3A_3542 = arith.muli %add3A_3540, %mul3A_3541 : i32
      %get3A_3543 = arith.index_cast %mul3A_3542 : i32 to index
      %get3A_3544 = memref.load %arg7[%get3A_3543] : memref<1028xi32, #tpu.memory_space<smem>>
      %mul3A_3545 = arith.constant 2 : i32
      %mul3A_3546 = arith.muli %add3A_3488, %mul3A_3545 : i32
      %add3A_3547 = arith.constant 1 : i32
      %add3A_3548 = arith.addi %mul3A_3546, %add3A_3547 : i32
      %mul3A_3549 = arith.constant 2 : i32
      %mul3A_3550 = arith.muli %add3A_3548, %mul3A_3549 : i32
      %add3A_3551 = arith.constant 1 : i32
      %add3A_3552 = arith.addi %mul3A_3550, %add3A_3551 : i32
      %get3A_3553 = arith.index_cast %add3A_3552 : i32 to index
      %get3A_3554 = memref.load %arg7[%get3A_3553] : memref<1028xi32, #tpu.memory_space<smem>>
      %shift_right_arithmetic3A_3555 = arith.constant 7 : i32
      %shift_right_arithmetic3A_3556 = arith.shrsi %get3A_3544, %shift_right_arithmetic3A_3555 : i32
      %shift_left3A_3557 = arith.constant 7 : i32
      %shift_left3A_3558 = arith.shli %shift_right_arithmetic3A_3556, %shift_left3A_3557 : i32
      %multiple_of3A_3559 = tpu.assume_multiple %shift_left3A_3558, 128 : i32
      %shift_right_arithmetic3A_3560 = arith.constant 7 : i32
      %shift_right_arithmetic3A_3561 = arith.shrsi %get3A_3554, %shift_right_arithmetic3A_3560 : i32
      %shift_left3A_3562 = arith.constant 7 : i32
      %shift_left3A_3563 = arith.shli %shift_right_arithmetic3A_3561, %shift_left3A_3562 : i32
      %multiple_of3A_3564 = tpu.assume_multiple %shift_left3A_3563, 128 : i32
      %dma_start3A_3565 = arith.constant 224 : i32
      %dma_start3A_3566 = arith.constant 0 : i32
      %dma_start3A_3567 = tpu.memref_slice %arg9[%dma_start3A_3565, %dma_start3A_3566] : memref<384x128xf32, #tpu.memory_space<vmem>> -> memref<32x128xf32, #tpu.memory_space<vmem>>
      %dma_start3A_3568 = arith.constant 0 : i32
      %dma_start3A_3569 = tpu.memref_slice %arg3[%dma_start3A_3568, %multiple_of3A_3559] : memref<32x1000000xf32, #tpu.memory_space<hbm>> -> memref<32x128xf32, #tpu.memory_space<hbm>>
      %dma_start3A_3570 = arith.constant 224 : i32
      %dma_start3A_3571 = arith.constant 0 : i32
      %dma_start3A_3572 = tpu.memref_slice %arg9[%dma_start3A_3570, %dma_start3A_3571] : memref<384x128xf32, #tpu.memory_space<vmem>> -> memref<32x128xf32, #tpu.memory_space<vmem>>
      %dma_start3A_3573 = arith.constant 0 : i32
      %dma_start3A_3574 = tpu.memref_slice %arg3[%dma_start3A_3573, %multiple_of3A_3559] : memref<32x1000000xf32, #tpu.memory_space<hbm>> -> memref<32x128xf32, #tpu.memory_space<hbm>>
      tpu.enqueue_dma source(%dma_start3A_3574 : memref<32x128xf32, #tpu.memory_space<hbm>>) target(%dma_start3A_3572 : memref<32x128xf32, #tpu.memory_space<vmem>>) target_semaphore(%arg17 : memref<!tpu.dma_semaphore, #tpu.memory_space<semaphore_mem>>)
      %dma_start3A_3575 = arith.constant 224 : i32
      %dma_start3A_3576 = arith.constant 0 : i32
      %dma_start3A_3577 = tpu.memref_slice %arg10[%dma_start3A_3575, %dma_start3A_3576] : memref<384x128xf32, #tpu.memory_space<vmem>> -> memref<32x128xf32, #tpu.memory_space<vmem>>
      %dma_start3A_3578 = arith.constant 0 : i32
      %dma_start3A_3579 = tpu.memref_slice %arg4[%dma_start3A_3578, %multiple_of3A_3564] : memref<32x1000000xf32, #tpu.memory_space<hbm>> -> memref<32x128xf32, #tpu.memory_space<hbm>>
      %dma_start3A_3580 = arith.constant 224 : i32
      %dma_start3A_3581 = arith.constant 0 : i32
      %dma_start3A_3582 = tpu.memref_slice %arg10[%dma_start3A_3580, %dma_start3A_3581] : memref<384x128xf32, #tpu.memory_space<vmem>> -> memref<32x128xf32, #tpu.memory_space<vmem>>
      %dma_start3A_3583 = arith.constant 0 : i32
      %dma_start3A_3584 = tpu.memref_slice %arg4[%dma_start3A_3583, %multiple_of3A_3564] : memref<32x1000000xf32, #tpu.memory_space<hbm>> -> memref<32x128xf32, #tpu.memory_space<hbm>>
      tpu.enqueue_dma source(%dma_start3A_3584 : memref<32x128xf32, #tpu.memory_space<hbm>>) target(%dma_start3A_3582 : memref<32x128xf32, #tpu.memory_space<vmem>>) target_semaphore(%arg17 : memref<!tpu.dma_semaphore, #tpu.memory_space<semaphore_mem>>)
      %dma_wait3A_3585 = arith.constant 0 : i32
      %dma_wait3A_3586 = arith.constant 0 : i32
      %dma_wait3A_3587 = tpu.memref_slice %arg9[%dma_wait3A_3585, %dma_wait3A_3586] : memref<384x128xf32, #tpu.memory_space<vmem>> -> memref<32x128xf32, #tpu.memory_space<vmem>>
      %dma_wait3A_3588 = arith.constant 0 : i32
      %dma_wait3A_3589 = arith.constant 0 : i32
      %dma_wait3A_3590 = tpu.memref_slice %arg3[%dma_wait3A_3588, %dma_wait3A_3589] : memref<32x1000000xf32, #tpu.memory_space<hbm>> -> memref<32x128xf32, #tpu.memory_space<hbm>>
      %dma_wait3A_3591 = arith.constant 0 : i32
      %dma_wait3A_3592 = arith.constant 0 : i32
      %dma_wait3A_3593 = tpu.memref_slice %arg9[%dma_wait3A_3591, %dma_wait3A_3592] : memref<384x128xf32, #tpu.memory_space<vmem>> -> memref<32x128xf32, #tpu.memory_space<vmem>>
      %dma_wait3A_3594 = arith.constant 0 : i32
      %dma_wait3A_3595 = arith.constant 0 : i32
      %dma_wait3A_3596 = tpu.memref_slice %arg3[%dma_wait3A_3594, %dma_wait3A_3595] : memref<32x1000000xf32, #tpu.memory_space<hbm>> -> memref<32x128xf32, #tpu.memory_space<hbm>>
      tpu.wait_dma2 semaphore(%arg18 : memref<!tpu.dma_semaphore, #tpu.memory_space<semaphore_mem>>) src(%dma_wait3A_3596 : memref<32x128xf32, #tpu.memory_space<hbm>>) dst(%dma_wait3A_3593 : memref<32x128xf32, #tpu.memory_space<vmem>>)
      %dma_wait3A_3597 = arith.constant 0 : i32
      %dma_wait3A_3598 = arith.constant 0 : i32
      %dma_wait3A_3599 = tpu.memref_slice %arg10[%dma_wait3A_3597, %dma_wait3A_3598] : memref<384x128xf32, #tpu.memory_space<vmem>> -> memref<32x128xf32, #tpu.memory_space<vmem>>
      %dma_wait3A_3600 = arith.constant 0 : i32
      %dma_wait3A_3601 = arith.constant 0 : i32
      %dma_wait3A_3602 = tpu.memref_slice %arg4[%dma_wait3A_3600, %dma_wait3A_3601] : memref<32x1000000xf32, #tpu.memory_space<hbm>> -> memref<32x128xf32, #tpu.memory_space<hbm>>
      %dma_wait3A_3603 = arith.constant 0 : i32
      %dma_wait3A_3604 = arith.constant 0 : i32
      %dma_wait3A_3605 = tpu.memref_slice %arg10[%dma_wait3A_3603, %dma_wait3A_3604] : memref<384x128xf32, #tpu.memory_space<vmem>> -> memref<32x128xf32, #tpu.memory_space<vmem>>
      %dma_wait3A_3606 = arith.constant 0 : i32
      %dma_wait3A_3607 = arith.constant 0 : i32
      %dma_wait3A_3608 = tpu.memref_slice %arg4[%dma_wait3A_3606, %dma_wait3A_3607] : memref<32x1000000xf32, #tpu.memory_space<hbm>> -> memref<32x128xf32, #tpu.memory_space<hbm>>
      tpu.wait_dma2 semaphore(%arg18 : memref<!tpu.dma_semaphore, #tpu.memory_space<semaphore_mem>>) src(%dma_wait3A_3608 : memref<32x128xf32, #tpu.memory_space<hbm>>) dst(%dma_wait3A_3605 : memref<32x128xf32, #tpu.memory_space<vmem>>)
      %dma_wait3A_3609 = arith.constant 32 : i32
      %dma_wait3A_3610 = arith.constant 0 : i32
      %dma_wait3A_3611 = tpu.memref_slice %arg9[%dma_wait3A_3609, %dma_wait3A_3610] : memref<384x128xf32, #tpu.memory_space<vmem>> -> memref<32x128xf32, #tpu.memory_space<vmem>>
      %dma_wait3A_3612 = arith.constant 0 : i32
      %dma_wait3A_3613 = arith.constant 0 : i32
      %dma_wait3A_3614 = tpu.memref_slice %arg3[%dma_wait3A_3612, %dma_wait3A_3613] : memref<32x1000000xf32, #tpu.memory_space<hbm>> -> memref<32x128xf32, #tpu.memory_space<hbm>>
      %dma_wait3A_3615 = arith.constant 32 : i32
      %dma_wait3A_3616 = arith.constant 0 : i32
      %dma_wait3A_3617 = tpu.memref_slice %arg9[%dma_wait3A_3615, %dma_wait3A_3616] : memref<384x128xf32, #tpu.memory_space<vmem>> -> memref<32x128xf32, #tpu.memory_space<vmem>>
      %dma_wait3A_3618 = arith.constant 0 : i32
      %dma_wait3A_3619 = arith.constant 0 : i32
      %dma_wait3A_3620 = tpu.memref_slice %arg3[%dma_wait3A_3618, %dma_wait3A_3619] : memref<32x1000000xf32, #tpu.memory_space<hbm>> -> memref<32x128xf32, #tpu.memory_space<hbm>>
      tpu.wait_dma2 semaphore(%arg18 : memref<!tpu.dma_semaphore, #tpu.memory_space<semaphore_mem>>) src(%dma_wait3A_3620 : memref<32x128xf32, #tpu.memory_space<hbm>>) dst(%dma_wait3A_3617 : memref<32x128xf32, #tpu.memory_space<vmem>>)
      %dma_wait3A_3621 = arith.constant 32 : i32
      %dma_wait3A_3622 = arith.constant 0 : i32
      %dma_wait3A_3623 = tpu.memref_slice %arg10[%dma_wait3A_3621, %dma_wait3A_3622] : memref<384x128xf32, #tpu.memory_space<vmem>> -> memref<32x128xf32, #tpu.memory_space<vmem>>
      %dma_wait3A_3624 = arith.constant 0 : i32
      %dma_wait3A_3625 = arith.constant 0 : i32
      %dma_wait3A_3626 = tpu.memref_slice %arg4[%dma_wait3A_3624, %dma_wait3A_3625] : memref<32x1000000xf32, #tpu.memory_space<hbm>> -> memref<32x128xf32, #tpu.memory_space<hbm>>
      %dma_wait3A_3627 = arith.constant 32 : i32
      %dma_wait3A_3628 = arith.constant 0 : i32
      %dma_wait3A_3629 = tpu.memref_slice %arg10[%dma_wait3A_3627, %dma_wait3A_3628] : memref<384x128xf32, #tpu.memory_space<vmem>> -> memref<32x128xf32, #tpu.memory_space<vmem>>
      %dma_wait3A_3630 = arith.constant 0 : i32
      %dma_wait3A_3631 = arith.constant 0 : i32
      %dma_wait3A_3632 = tpu.memref_slice %arg4[%dma_wait3A_3630, %dma_wait3A_3631] : memref<32x1000000xf32, #tpu.memory_space<hbm>> -> memref<32x128xf32, #tpu.memory_space<hbm>>
      tpu.wait_dma2 semaphore(%arg18 : memref<!tpu.dma_semaphore, #tpu.memory_space<semaphore_mem>>) src(%dma_wait3A_3632 : memref<32x128xf32, #tpu.memory_space<hbm>>) dst(%dma_wait3A_3629 : memref<32x128xf32, #tpu.memory_space<vmem>>)
      %add3A_3633 = arith.constant 4 : i32
      %add3A_3634 = arith.addi %mul3A_2323, %add3A_3633 : i32
      %mul3A_3635 = arith.constant 2 : i32
      %mul3A_3636 = arith.muli %add3A_3634, %mul3A_3635 : i32
      %add3A_3637 = arith.constant 0 : i32
      %add3A_3638 = arith.addi %mul3A_3636, %add3A_3637 : i32
      %mul3A_3639 = arith.constant 2 : i32
      %mul3A_3640 = arith.muli %add3A_3638, %mul3A_3639 : i32
      %get3A_3641 = arith.index_cast %mul3A_3640 : i32 to index
      %get3A_3642 = memref.load %arg7[%get3A_3641] : memref<1028xi32, #tpu.memory_space<smem>>
      %and3A_3643 = arith.constant 127 : i32
      %and3A_3644 = arith.andi %get3A_3642, %and3A_3643 : i32
      %mul3A_3645 = arith.constant 2 : i32
      %mul3A_3646 = arith.muli %add3A_3634, %mul3A_3645 : i32
      %add3A_3647 = arith.constant 0 : i32
      %add3A_3648 = arith.addi %mul3A_3646, %add3A_3647 : i32
      %mul3A_3649 = arith.constant 2 : i32
      %mul3A_3650 = arith.muli %add3A_3648, %mul3A_3649 : i32
      %add3A_3651 = arith.constant 1 : i32
      %add3A_3652 = arith.addi %mul3A_3650, %add3A_3651 : i32
      %get3A_3653 = arith.index_cast %add3A_3652 : i32 to index
      %get3A_3654 = memref.load %arg7[%get3A_3653] : memref<1028xi32, #tpu.memory_space<smem>>
      %and3A_3655 = arith.constant 127 : i32
      %and3A_3656 = arith.andi %get3A_3654, %and3A_3655 : i32
      %add3A_3657 = arith.constant 256 : i32
      %add3A_3658 = vector.broadcast %add3A_3657 : i32 to vector<16xi32>
      %add3A_3659 = arith.addi %add3A_3658, %iota3A : vector<16xi32>
      %add3A_3660 = arith.constant 16 : i32
      %add3A_3661 = vector.broadcast %add3A_3660 : i32 to vector<16xi32>
      %add3A_3662 = arith.addi %add3A_3659, %add3A_3661 : vector<16xi32>
      %mul3A_3663 = arith.constant 0 : i32
      %mul3A_3664 = vector.broadcast %mul3A_3663 : i32 to vector<16xi32>
      %mul3A_3665 = arith.muli %iota3A, %mul3A_3664 : vector<16xi32>
      %add3A_3666 = vector.broadcast %and3A_3644 : i32 to vector<16xi32>
      %add3A_3667 = arith.addi %mul3A_3665, %add3A_3666 : vector<16xi32>
      %gather3A_3668 = tpu.vector_load_idx %arg9[%add3A_3659, %add3A_3667] : memref<384x128xf32, #tpu.memory_space<vmem>>[vector<16xi32>, vector<16xi32>], vector<16xf32>,
      %mul3A_3669 = arith.constant 0 : i32
      %mul3A_3670 = vector.broadcast %mul3A_3669 : i32 to vector<16xi32>
      %mul3A_3671 = arith.muli %iota3A, %mul3A_3670 : vector<16xi32>
      %add3A_3672 = vector.broadcast %and3A_3644 : i32 to vector<16xi32>
      %add3A_3673 = arith.addi %mul3A_3671, %add3A_3672 : vector<16xi32>
      %gather3A_3674 = tpu.vector_load_idx %arg9[%add3A_3662, %add3A_3673] : memref<384x128xf32, #tpu.memory_space<vmem>>[vector<16xi32>, vector<16xi32>], vector<16xf32>,
      %mul3A_3675 = arith.constant 0 : i32
      %mul3A_3676 = vector.broadcast %mul3A_3675 : i32 to vector<16xi32>
      %mul3A_3677 = arith.muli %iota3A, %mul3A_3676 : vector<16xi32>
      %add3A_3678 = vector.broadcast %and3A_3656 : i32 to vector<16xi32>
      %add3A_3679 = arith.addi %mul3A_3677, %add3A_3678 : vector<16xi32>
      %gather3A_3680 = tpu.vector_load_idx %arg10[%add3A_3659, %add3A_3679] : memref<384x128xf32, #tpu.memory_space<vmem>>[vector<16xi32>, vector<16xi32>], vector<16xf32>,
      %mul3A_3681 = arith.constant 0 : i32
      %mul3A_3682 = vector.broadcast %mul3A_3681 : i32 to vector<16xi32>
      %mul3A_3683 = arith.muli %iota3A, %mul3A_3682 : vector<16xi32>
      %add3A_3684 = vector.broadcast %and3A_3656 : i32 to vector<16xi32>
      %add3A_3685 = arith.addi %mul3A_3683, %add3A_3684 : vector<16xi32>
      %gather3A_3686 = tpu.vector_load_idx %arg10[%add3A_3662, %add3A_3685] : memref<384x128xf32, #tpu.memory_space<vmem>>[vector<16xi32>, vector<16xi32>], vector<16xf32>,
      %mul3A_3687 = arith.mulf %gather3A_3668, %gather3A_3680 : vector<16xf32>
      %mul3A_3688 = arith.mulf %mul3A_3687, %get3A_8 : vector<16xf32>
      %mul3A_3689 = arith.mulf %gather3A_3674, %gather3A_3686 : vector<16xf32>
      %mul3A_3690 = arith.mulf %mul3A_3689, %get3A_10 : vector<16xf32>
      %add3A_3691 = arith.addf %mul3A_3688, %mul3A_3690 : vector<16xf32>
      %and3A_3692 = arith.constant 7 : i32
      %and3A_3693 = arith.andi %add3A_3634, %and3A_3692 : i32
      %mul3A_3694 = arith.constant 2 : i32
      %mul3A_3695 = arith.muli %and3A_3693, %mul3A_3694 : i32
      %add3A_3696 = arith.constant 0 : i32
      %add3A_3697 = arith.addi %mul3A_3695, %add3A_3696 : i32
      %mul3A_3698 = arith.constant 17 : i32
      %mul3A_3699 = arith.muli %add3A_3697, %mul3A_3698 : i32
      %swap3A_3700 = arith.index_cast %mul3A_3699 : i32 to index
      %swap3A_3701 = tpu.vector_load %arg12[%swap3A_3700] {strides = array<i32>} : memref<272xf32, #tpu.memory_space<vmem>>, vector<16xf32>,
      tpu.vector_store %arg12[%swap3A_3700], %add3A_3691 {strides = array<i32>} : memref<272xf32, #tpu.memory_space<vmem>>, vector<16xf32>,
      %mul3A_3702 = arith.constant 2 : i32
      %mul3A_3703 = arith.muli %add3A_3634, %mul3A_3702 : i32
      %add3A_3704 = arith.constant 1 : i32
      %add3A_3705 = arith.addi %mul3A_3703, %add3A_3704 : i32
      %mul3A_3706 = arith.constant 2 : i32
      %mul3A_3707 = arith.muli %add3A_3705, %mul3A_3706 : i32
      %get3A_3708 = arith.index_cast %mul3A_3707 : i32 to index
      %get3A_3709 = memref.load %arg7[%get3A_3708] : memref<1028xi32, #tpu.memory_space<smem>>
      %and3A_3710 = arith.constant 127 : i32
      %and3A_3711 = arith.andi %get3A_3709, %and3A_3710 : i32
      %mul3A_3712 = arith.constant 2 : i32
      %mul3A_3713 = arith.muli %add3A_3634, %mul3A_3712 : i32
      %add3A_3714 = arith.constant 1 : i32
      %add3A_3715 = arith.addi %mul3A_3713, %add3A_3714 : i32
      %mul3A_3716 = arith.constant 2 : i32
      %mul3A_3717 = arith.muli %add3A_3715, %mul3A_3716 : i32
      %add3A_3718 = arith.constant 1 : i32
      %add3A_3719 = arith.addi %mul3A_3717, %add3A_3718 : i32
      %get3A_3720 = arith.index_cast %add3A_3719 : i32 to index
      %get3A_3721 = memref.load %arg7[%get3A_3720] : memref<1028xi32, #tpu.memory_space<smem>>
      %and3A_3722 = arith.constant 127 : i32
      %and3A_3723 = arith.andi %get3A_3721, %and3A_3722 : i32
      %add3A_3724 = arith.constant 288 : i32
      %add3A_3725 = vector.broadcast %add3A_3724 : i32 to vector<16xi32>
      %add3A_3726 = arith.addi %add3A_3725, %iota3A : vector<16xi32>
      %add3A_3727 = arith.constant 16 : i32
      %add3A_3728 = vector.broadcast %add3A_3727 : i32 to vector<16xi32>
      %add3A_3729 = arith.addi %add3A_3726, %add3A_3728 : vector<16xi32>
      %mul3A_3730 = arith.constant 0 : i32
      %mul3A_3731 = vector.broadcast %mul3A_3730 : i32 to vector<16xi32>
      %mul3A_3732 = arith.muli %iota3A, %mul3A_3731 : vector<16xi32>
      %add3A_3733 = vector.broadcast %and3A_3711 : i32 to vector<16xi32>
      %add3A_3734 = arith.addi %mul3A_3732, %add3A_3733 : vector<16xi32>
      %gather3A_3735 = tpu.vector_load_idx %arg9[%add3A_3726, %add3A_3734] : memref<384x128xf32, #tpu.memory_space<vmem>>[vector<16xi32>, vector<16xi32>], vector<16xf32>,
      %mul3A_3736 = arith.constant 0 : i32
      %mul3A_3737 = vector.broadcast %mul3A_3736 : i32 to vector<16xi32>
      %mul3A_3738 = arith.muli %iota3A, %mul3A_3737 : vector<16xi32>
      %add3A_3739 = vector.broadcast %and3A_3711 : i32 to vector<16xi32>
      %add3A_3740 = arith.addi %mul3A_3738, %add3A_3739 : vector<16xi32>
      %gather3A_3741 = tpu.vector_load_idx %arg9[%add3A_3729, %add3A_3740] : memref<384x128xf32, #tpu.memory_space<vmem>>[vector<16xi32>, vector<16xi32>], vector<16xf32>,
      %mul3A_3742 = arith.constant 0 : i32
      %mul3A_3743 = vector.broadcast %mul3A_3742 : i32 to vector<16xi32>
      %mul3A_3744 = arith.muli %iota3A, %mul3A_3743 : vector<16xi32>
      %add3A_3745 = vector.broadcast %and3A_3723 : i32 to vector<16xi32>
      %add3A_3746 = arith.addi %mul3A_3744, %add3A_3745 : vector<16xi32>
      %gather3A_3747 = tpu.vector_load_idx %arg10[%add3A_3726, %add3A_3746] : memref<384x128xf32, #tpu.memory_space<vmem>>[vector<16xi32>, vector<16xi32>], vector<16xf32>,
      %mul3A_3748 = arith.constant 0 : i32
      %mul3A_3749 = vector.broadcast %mul3A_3748 : i32 to vector<16xi32>
      %mul3A_3750 = arith.muli %iota3A, %mul3A_3749 : vector<16xi32>
      %add3A_3751 = vector.broadcast %and3A_3723 : i32 to vector<16xi32>
      %add3A_3752 = arith.addi %mul3A_3750, %add3A_3751 : vector<16xi32>
      %gather3A_3753 = tpu.vector_load_idx %arg10[%add3A_3729, %add3A_3752] : memref<384x128xf32, #tpu.memory_space<vmem>>[vector<16xi32>, vector<16xi32>], vector<16xf32>,
      %mul3A_3754 = arith.mulf %gather3A_3735, %gather3A_3747 : vector<16xf32>
      %mul3A_3755 = arith.mulf %mul3A_3754, %get3A_8 : vector<16xf32>
      %mul3A_3756 = arith.mulf %gather3A_3741, %gather3A_3753 : vector<16xf32>
      %mul3A_3757 = arith.mulf %mul3A_3756, %get3A_10 : vector<16xf32>
      %add3A_3758 = arith.addf %mul3A_3755, %mul3A_3757 : vector<16xf32>
      %and3A_3759 = arith.constant 7 : i32
      %and3A_3760 = arith.andi %add3A_3634, %and3A_3759 : i32
      %mul3A_3761 = arith.constant 2 : i32
      %mul3A_3762 = arith.muli %and3A_3760, %mul3A_3761 : i32
      %add3A_3763 = arith.constant 1 : i32
      %add3A_3764 = arith.addi %mul3A_3762, %add3A_3763 : i32
      %mul3A_3765 = arith.constant 17 : i32
      %mul3A_3766 = arith.muli %add3A_3764, %mul3A_3765 : i32
      %swap3A_3767 = arith.index_cast %mul3A_3766 : i32 to index
      %swap3A_3768 = tpu.vector_load %arg12[%swap3A_3767] {strides = array<i32>} : memref<272xf32, #tpu.memory_space<vmem>>, vector<16xf32>,
      tpu.vector_store %arg12[%swap3A_3767], %add3A_3758 {strides = array<i32>} : memref<272xf32, #tpu.memory_space<vmem>>, vector<16xf32>,
      %and3A_3769 = arith.constant 7 : i32
      %and3A_3770 = arith.andi %add3A_3634, %and3A_3769 : i32
      %eq3A_3771 = arith.constant 7 : i32
      %eq3A_3772 = arith.cmpi eq, %and3A_3770, %eq3A_3771 : i32
      %convert_element_type3A_3773 = arith.extui %eq3A_3772 : i1 to i32
      %cond3A_3774 = arith.constant 0 : i32
      %cond3A_3775 = arith.cmpi ne, %convert_element_type3A_3773, %cond3A_3774 : i32
      scf.if %cond3A_3775 {
        %gather3A_4067 = tpu.vector_load_idx %arg12[%mul3A_7] : memref<272xf32, #tpu.memory_space<vmem>>[vector<16xi32>], vector<16xf32>,
        %add3A_4068 = arith.constant 1 : i32
        %add3A_4069 = vector.broadcast %add3A_4068 : i32 to vector<16xi32>
        %add3A_4070 = arith.addi %mul3A_7, %add3A_4069 : vector<16xi32>
        %gather3A_4071 = tpu.vector_load_idx %arg12[%add3A_4070] : memref<272xf32, #tpu.memory_space<vmem>>[vector<16xi32>], vector<16xf32>,
        %add3A_4072 = arith.addf %gather3A_4067, %gather3A_4071 : vector<16xf32>
        %add3A_4073 = arith.constant 2 : i32
        %add3A_4074 = vector.broadcast %add3A_4073 : i32 to vector<16xi32>
        %add3A_4075 = arith.addi %mul3A_7, %add3A_4074 : vector<16xi32>
        %gather3A_4076 = tpu.vector_load_idx %arg12[%add3A_4075] : memref<272xf32, #tpu.memory_space<vmem>>[vector<16xi32>], vector<16xf32>,
        %add3A_4077 = arith.addf %add3A_4072, %gather3A_4076 : vector<16xf32>
        %add3A_4078 = arith.constant 3 : i32
        %add3A_4079 = vector.broadcast %add3A_4078 : i32 to vector<16xi32>
        %add3A_4080 = arith.addi %mul3A_7, %add3A_4079 : vector<16xi32>
        %gather3A_4081 = tpu.vector_load_idx %arg12[%add3A_4080] : memref<272xf32, #tpu.memory_space<vmem>>[vector<16xi32>], vector<16xf32>,
        %add3A_4082 = arith.addf %add3A_4077, %gather3A_4081 : vector<16xf32>
        %add3A_4083 = arith.constant 4 : i32
        %add3A_4084 = vector.broadcast %add3A_4083 : i32 to vector<16xi32>
        %add3A_4085 = arith.addi %mul3A_7, %add3A_4084 : vector<16xi32>
        %gather3A_4086 = tpu.vector_load_idx %arg12[%add3A_4085] : memref<272xf32, #tpu.memory_space<vmem>>[vector<16xi32>], vector<16xf32>,
        %add3A_4087 = arith.addf %add3A_4082, %gather3A_4086 : vector<16xf32>
        %add3A_4088 = arith.constant 5 : i32
        %add3A_4089 = vector.broadcast %add3A_4088 : i32 to vector<16xi32>
        %add3A_4090 = arith.addi %mul3A_7, %add3A_4089 : vector<16xi32>
        %gather3A_4091 = tpu.vector_load_idx %arg12[%add3A_4090] : memref<272xf32, #tpu.memory_space<vmem>>[vector<16xi32>], vector<16xf32>,
        %add3A_4092 = arith.addf %add3A_4087, %gather3A_4091 : vector<16xf32>
        %add3A_4093 = arith.constant 6 : i32
        %add3A_4094 = vector.broadcast %add3A_4093 : i32 to vector<16xi32>
        %add3A_4095 = arith.addi %mul3A_7, %add3A_4094 : vector<16xi32>
        %gather3A_4096 = tpu.vector_load_idx %arg12[%add3A_4095] : memref<272xf32, #tpu.memory_space<vmem>>[vector<16xi32>], vector<16xf32>,
        %add3A_4097 = arith.addf %add3A_4092, %gather3A_4096 : vector<16xf32>
        %add3A_4098 = arith.constant 7 : i32
        %add3A_4099 = vector.broadcast %add3A_4098 : i32 to vector<16xi32>
        %add3A_4100 = arith.addi %mul3A_7, %add3A_4099 : vector<16xi32>
        %gather3A_4101 = tpu.vector_load_idx %arg12[%add3A_4100] : memref<272xf32, #tpu.memory_space<vmem>>[vector<16xi32>], vector<16xf32>,
        %add3A_4102 = arith.addf %add3A_4097, %gather3A_4101 : vector<16xf32>
        %add3A_4103 = arith.constant 8 : i32
        %add3A_4104 = vector.broadcast %add3A_4103 : i32 to vector<16xi32>
        %add3A_4105 = arith.addi %mul3A_7, %add3A_4104 : vector<16xi32>
        %gather3A_4106 = tpu.vector_load_idx %arg12[%add3A_4105] : memref<272xf32, #tpu.memory_space<vmem>>[vector<16xi32>], vector<16xf32>,
        %add3A_4107 = arith.addf %add3A_4102, %gather3A_4106 : vector<16xf32>
        %add3A_4108 = arith.constant 9 : i32
        %add3A_4109 = vector.broadcast %add3A_4108 : i32 to vector<16xi32>
        %add3A_4110 = arith.addi %mul3A_7, %add3A_4109 : vector<16xi32>
        %gather3A_4111 = tpu.vector_load_idx %arg12[%add3A_4110] : memref<272xf32, #tpu.memory_space<vmem>>[vector<16xi32>], vector<16xf32>,
        %add3A_4112 = arith.addf %add3A_4107, %gather3A_4111 : vector<16xf32>
        %add3A_4113 = arith.constant 10 : i32
        %add3A_4114 = vector.broadcast %add3A_4113 : i32 to vector<16xi32>
        %add3A_4115 = arith.addi %mul3A_7, %add3A_4114 : vector<16xi32>
        %gather3A_4116 = tpu.vector_load_idx %arg12[%add3A_4115] : memref<272xf32, #tpu.memory_space<vmem>>[vector<16xi32>], vector<16xf32>,
        %add3A_4117 = arith.addf %add3A_4112, %gather3A_4116 : vector<16xf32>
        %add3A_4118 = arith.constant 11 : i32
        %add3A_4119 = vector.broadcast %add3A_4118 : i32 to vector<16xi32>
        %add3A_4120 = arith.addi %mul3A_7, %add3A_4119 : vector<16xi32>
        %gather3A_4121 = tpu.vector_load_idx %arg12[%add3A_4120] : memref<272xf32, #tpu.memory_space<vmem>>[vector<16xi32>], vector<16xf32>,
        %add3A_4122 = arith.addf %add3A_4117, %gather3A_4121 : vector<16xf32>
        %add3A_4123 = arith.constant 12 : i32
        %add3A_4124 = vector.broadcast %add3A_4123 : i32 to vector<16xi32>
        %add3A_4125 = arith.addi %mul3A_7, %add3A_4124 : vector<16xi32>
        %gather3A_4126 = tpu.vector_load_idx %arg12[%add3A_4125] : memref<272xf32, #tpu.memory_space<vmem>>[vector<16xi32>], vector<16xf32>,
        %add3A_4127 = arith.addf %add3A_4122, %gather3A_4126 : vector<16xf32>
        %add3A_4128 = arith.constant 13 : i32
        %add3A_4129 = vector.broadcast %add3A_4128 : i32 to vector<16xi32>
        %add3A_4130 = arith.addi %mul3A_7, %add3A_4129 : vector<16xi32>
        %gather3A_4131 = tpu.vector_load_idx %arg12[%add3A_4130] : memref<272xf32, #tpu.memory_space<vmem>>[vector<16xi32>], vector<16xf32>,
        %add3A_4132 = arith.addf %add3A_4127, %gather3A_4131 : vector<16xf32>
        %add3A_4133 = arith.constant 14 : i32
        %add3A_4134 = vector.broadcast %add3A_4133 : i32 to vector<16xi32>
        %add3A_4135 = arith.addi %mul3A_7, %add3A_4134 : vector<16xi32>
        %gather3A_4136 = tpu.vector_load_idx %arg12[%add3A_4135] : memref<272xf32, #tpu.memory_space<vmem>>[vector<16xi32>], vector<16xf32>,
        %add3A_4137 = arith.addf %add3A_4132, %gather3A_4136 : vector<16xf32>
        %add3A_4138 = arith.constant 15 : i32
        %add3A_4139 = vector.broadcast %add3A_4138 : i32 to vector<16xi32>
        %add3A_4140 = arith.addi %mul3A_7, %add3A_4139 : vector<16xi32>
        %gather3A_4141 = tpu.vector_load_idx %arg12[%add3A_4140] : memref<272xf32, #tpu.memory_space<vmem>>[vector<16xi32>], vector<16xf32>,
        %add3A_4142 = arith.addf %add3A_4137, %gather3A_4141 : vector<16xf32>
        %neg3A_4143 = arith.constant 0.000000e+00 : f32
        %neg3A_4144 = vector.broadcast %neg3A_4143 : f32 to vector<16xf32>
        %neg3A_4145 = arith.subf %neg3A_4144, %add3A_4142 : vector<16xf32>
        %exp3A_4146 = math.exp %neg3A_4145 : vector<16xf32>
        %add3A_4147 = arith.constant 1.000000e+00 : f32
        %add3A_4148 = vector.broadcast %add3A_4147 : f32 to vector<16xf32>
        %add3A_4149 = arith.addf %add3A_4148, %exp3A_4146 : vector<16xf32>
        %div3A_4150 = arith.constant 1.000000e+00 : f32
        %div3A_4151 = vector.broadcast %div3A_4150 : f32 to vector<16xf32>
        %div3A_4152 = arith.divf %div3A_4151, %add3A_4149 : vector<16xf32>
        %shift_right_arithmetic3A_4153 = arith.constant 3 : i32
        %shift_right_arithmetic3A_4154 = arith.shrsi %add3A_3634, %shift_right_arithmetic3A_4153 : i32
        %mul3A_4155 = arith.constant 16 : i32
        %mul3A_4156 = arith.muli %shift_right_arithmetic3A_4154, %mul3A_4155 : i32
        %swap3A_4157 = arith.index_cast %mul3A_4156 : i32 to index
        %swap3A_4158 = tpu.vector_load %arg13[%swap3A_4157] {strides = array<i32>} : memref<512xf32, #tpu.memory_space<vmem>>, vector<16xf32>,
        tpu.vector_store %arg13[%swap3A_4157], %div3A_4152 {strides = array<i32>} : memref<512xf32, #tpu.memory_space<vmem>>, vector<16xf32>,
      } else {
      }
      %add3A_3776 = arith.constant 5 : i32
      %add3A_3777 = arith.addi %mul3A_2323, %add3A_3776 : i32
      %add3A_3778 = arith.constant 5 : i32
      %add3A_3779 = arith.addi %add3A_3777, %add3A_3778 : i32
      %mul3A_3780 = arith.constant 2 : i32
      %mul3A_3781 = arith.muli %add3A_3779, %mul3A_3780 : i32
      %add3A_3782 = arith.constant 0 : i32
      %add3A_3783 = arith.addi %mul3A_3781, %add3A_3782 : i32
      %mul3A_3784 = arith.constant 2 : i32
      %mul3A_3785 = arith.muli %add3A_3783, %mul3A_3784 : i32
      %get3A_3786 = arith.index_cast %mul3A_3785 : i32 to index
      %get3A_3787 = memref.load %arg7[%get3A_3786] : memref<1028xi32, #tpu.memory_space<smem>>
      %mul3A_3788 = arith.constant 2 : i32
      %mul3A_3789 = arith.muli %add3A_3779, %mul3A_3788 : i32
      %add3A_3790 = arith.constant 0 : i32
      %add3A_3791 = arith.addi %mul3A_3789, %add3A_3790 : i32
      %mul3A_3792 = arith.constant 2 : i32
      %mul3A_3793 = arith.muli %add3A_3791, %mul3A_3792 : i32
      %add3A_3794 = arith.constant 1 : i32
      %add3A_3795 = arith.addi %mul3A_3793, %add3A_3794 : i32
      %get3A_3796 = arith.index_cast %add3A_3795 : i32 to index
      %get3A_3797 = memref.load %arg7[%get3A_3796] : memref<1028xi32, #tpu.memory_space<smem>>
      %shift_right_arithmetic3A_3798 = arith.constant 7 : i32
      %shift_right_arithmetic3A_3799 = arith.shrsi %get3A_3787, %shift_right_arithmetic3A_3798 : i32
      %shift_left3A_3800 = arith.constant 7 : i32
      %shift_left3A_3801 = arith.shli %shift_right_arithmetic3A_3799, %shift_left3A_3800 : i32
      %multiple_of3A_3802 = tpu.assume_multiple %shift_left3A_3801, 128 : i32
      %shift_right_arithmetic3A_3803 = arith.constant 7 : i32
      %shift_right_arithmetic3A_3804 = arith.shrsi %get3A_3797, %shift_right_arithmetic3A_3803 : i32
      %shift_left3A_3805 = arith.constant 7 : i32
      %shift_left3A_3806 = arith.shli %shift_right_arithmetic3A_3804, %shift_left3A_3805 : i32
      %multiple_of3A_3807 = tpu.assume_multiple %shift_left3A_3806, 128 : i32
      %dma_start3A_3808 = arith.constant 256 : i32
      %dma_start3A_3809 = arith.constant 0 : i32
      %dma_start3A_3810 = tpu.memref_slice %arg9[%dma_start3A_3808, %dma_start3A_3809] : memref<384x128xf32, #tpu.memory_space<vmem>> -> memref<32x128xf32, #tpu.memory_space<vmem>>
      %dma_start3A_3811 = arith.constant 0 : i32
      %dma_start3A_3812 = tpu.memref_slice %arg3[%dma_start3A_3811, %multiple_of3A_3802] : memref<32x1000000xf32, #tpu.memory_space<hbm>> -> memref<32x128xf32, #tpu.memory_space<hbm>>
      %dma_start3A_3813 = arith.constant 256 : i32
      %dma_start3A_3814 = arith.constant 0 : i32
      %dma_start3A_3815 = tpu.memref_slice %arg9[%dma_start3A_3813, %dma_start3A_3814] : memref<384x128xf32, #tpu.memory_space<vmem>> -> memref<32x128xf32, #tpu.memory_space<vmem>>
      %dma_start3A_3816 = arith.constant 0 : i32
      %dma_start3A_3817 = tpu.memref_slice %arg3[%dma_start3A_3816, %multiple_of3A_3802] : memref<32x1000000xf32, #tpu.memory_space<hbm>> -> memref<32x128xf32, #tpu.memory_space<hbm>>
      tpu.enqueue_dma source(%dma_start3A_3817 : memref<32x128xf32, #tpu.memory_space<hbm>>) target(%dma_start3A_3815 : memref<32x128xf32, #tpu.memory_space<vmem>>) target_semaphore(%arg18 : memref<!tpu.dma_semaphore, #tpu.memory_space<semaphore_mem>>)
      %dma_start3A_3818 = arith.constant 256 : i32
      %dma_start3A_3819 = arith.constant 0 : i32
      %dma_start3A_3820 = tpu.memref_slice %arg10[%dma_start3A_3818, %dma_start3A_3819] : memref<384x128xf32, #tpu.memory_space<vmem>> -> memref<32x128xf32, #tpu.memory_space<vmem>>
      %dma_start3A_3821 = arith.constant 0 : i32
      %dma_start3A_3822 = tpu.memref_slice %arg4[%dma_start3A_3821, %multiple_of3A_3807] : memref<32x1000000xf32, #tpu.memory_space<hbm>> -> memref<32x128xf32, #tpu.memory_space<hbm>>
      %dma_start3A_3823 = arith.constant 256 : i32
      %dma_start3A_3824 = arith.constant 0 : i32
      %dma_start3A_3825 = tpu.memref_slice %arg10[%dma_start3A_3823, %dma_start3A_3824] : memref<384x128xf32, #tpu.memory_space<vmem>> -> memref<32x128xf32, #tpu.memory_space<vmem>>
      %dma_start3A_3826 = arith.constant 0 : i32
      %dma_start3A_3827 = tpu.memref_slice %arg4[%dma_start3A_3826, %multiple_of3A_3807] : memref<32x1000000xf32, #tpu.memory_space<hbm>> -> memref<32x128xf32, #tpu.memory_space<hbm>>
      tpu.enqueue_dma source(%dma_start3A_3827 : memref<32x128xf32, #tpu.memory_space<hbm>>) target(%dma_start3A_3825 : memref<32x128xf32, #tpu.memory_space<vmem>>) target_semaphore(%arg18 : memref<!tpu.dma_semaphore, #tpu.memory_space<semaphore_mem>>)
      %mul3A_3828 = arith.constant 2 : i32
      %mul3A_3829 = arith.muli %add3A_3779, %mul3A_3828 : i32
      %add3A_3830 = arith.constant 1 : i32
      %add3A_3831 = arith.addi %mul3A_3829, %add3A_3830 : i32
      %mul3A_3832 = arith.constant 2 : i32
      %mul3A_3833 = arith.muli %add3A_3831, %mul3A_3832 : i32
      %get3A_3834 = arith.index_cast %mul3A_3833 : i32 to index
      %get3A_3835 = memref.load %arg7[%get3A_3834] : memref<1028xi32, #tpu.memory_space<smem>>
      %mul3A_3836 = arith.constant 2 : i32
      %mul3A_3837 = arith.muli %add3A_3779, %mul3A_3836 : i32
      %add3A_3838 = arith.constant 1 : i32
      %add3A_3839 = arith.addi %mul3A_3837, %add3A_3838 : i32
      %mul3A_3840 = arith.constant 2 : i32
      %mul3A_3841 = arith.muli %add3A_3839, %mul3A_3840 : i32
      %add3A_3842 = arith.constant 1 : i32
      %add3A_3843 = arith.addi %mul3A_3841, %add3A_3842 : i32
      %get3A_3844 = arith.index_cast %add3A_3843 : i32 to index
      %get3A_3845 = memref.load %arg7[%get3A_3844] : memref<1028xi32, #tpu.memory_space<smem>>
      %shift_right_arithmetic3A_3846 = arith.constant 7 : i32
      %shift_right_arithmetic3A_3847 = arith.shrsi %get3A_3835, %shift_right_arithmetic3A_3846 : i32
      %shift_left3A_3848 = arith.constant 7 : i32
      %shift_left3A_3849 = arith.shli %shift_right_arithmetic3A_3847, %shift_left3A_3848 : i32
      %multiple_of3A_3850 = tpu.assume_multiple %shift_left3A_3849, 128 : i32
      %shift_right_arithmetic3A_3851 = arith.constant 7 : i32
      %shift_right_arithmetic3A_3852 = arith.shrsi %get3A_3845, %shift_right_arithmetic3A_3851 : i32
      %shift_left3A_3853 = arith.constant 7 : i32
      %shift_left3A_3854 = arith.shli %shift_right_arithmetic3A_3852, %shift_left3A_3853 : i32
      %multiple_of3A_3855 = tpu.assume_multiple %shift_left3A_3854, 128 : i32
      %dma_start3A_3856 = arith.constant 288 : i32
      %dma_start3A_3857 = arith.constant 0 : i32
      %dma_start3A_3858 = tpu.memref_slice %arg9[%dma_start3A_3856, %dma_start3A_3857] : memref<384x128xf32, #tpu.memory_space<vmem>> -> memref<32x128xf32, #tpu.memory_space<vmem>>
      %dma_start3A_3859 = arith.constant 0 : i32
      %dma_start3A_3860 = tpu.memref_slice %arg3[%dma_start3A_3859, %multiple_of3A_3850] : memref<32x1000000xf32, #tpu.memory_space<hbm>> -> memref<32x128xf32, #tpu.memory_space<hbm>>
      %dma_start3A_3861 = arith.constant 288 : i32
      %dma_start3A_3862 = arith.constant 0 : i32
      %dma_start3A_3863 = tpu.memref_slice %arg9[%dma_start3A_3861, %dma_start3A_3862] : memref<384x128xf32, #tpu.memory_space<vmem>> -> memref<32x128xf32, #tpu.memory_space<vmem>>
      %dma_start3A_3864 = arith.constant 0 : i32
      %dma_start3A_3865 = tpu.memref_slice %arg3[%dma_start3A_3864, %multiple_of3A_3850] : memref<32x1000000xf32, #tpu.memory_space<hbm>> -> memref<32x128xf32, #tpu.memory_space<hbm>>
      tpu.enqueue_dma source(%dma_start3A_3865 : memref<32x128xf32, #tpu.memory_space<hbm>>) target(%dma_start3A_3863 : memref<32x128xf32, #tpu.memory_space<vmem>>) target_semaphore(%arg18 : memref<!tpu.dma_semaphore, #tpu.memory_space<semaphore_mem>>)
      %dma_start3A_3866 = arith.constant 288 : i32
      %dma_start3A_3867 = arith.constant 0 : i32
      %dma_start3A_3868 = tpu.memref_slice %arg10[%dma_start3A_3866, %dma_start3A_3867] : memref<384x128xf32, #tpu.memory_space<vmem>> -> memref<32x128xf32, #tpu.memory_space<vmem>>
      %dma_start3A_3869 = arith.constant 0 : i32
      %dma_start3A_3870 = tpu.memref_slice %arg4[%dma_start3A_3869, %multiple_of3A_3855] : memref<32x1000000xf32, #tpu.memory_space<hbm>> -> memref<32x128xf32, #tpu.memory_space<hbm>>
      %dma_start3A_3871 = arith.constant 288 : i32
      %dma_start3A_3872 = arith.constant 0 : i32
      %dma_start3A_3873 = tpu.memref_slice %arg10[%dma_start3A_3871, %dma_start3A_3872] : memref<384x128xf32, #tpu.memory_space<vmem>> -> memref<32x128xf32, #tpu.memory_space<vmem>>
      %dma_start3A_3874 = arith.constant 0 : i32
      %dma_start3A_3875 = tpu.memref_slice %arg4[%dma_start3A_3874, %multiple_of3A_3855] : memref<32x1000000xf32, #tpu.memory_space<hbm>> -> memref<32x128xf32, #tpu.memory_space<hbm>>
      tpu.enqueue_dma source(%dma_start3A_3875 : memref<32x128xf32, #tpu.memory_space<hbm>>) target(%dma_start3A_3873 : memref<32x128xf32, #tpu.memory_space<vmem>>) target_semaphore(%arg18 : memref<!tpu.dma_semaphore, #tpu.memory_space<semaphore_mem>>)
      %dma_wait3A_3876 = arith.constant 0 : i32
      %dma_wait3A_3877 = arith.constant 0 : i32
      %dma_wait3A_3878 = tpu.memref_slice %arg9[%dma_wait3A_3876, %dma_wait3A_3877] : memref<384x128xf32, #tpu.memory_space<vmem>> -> memref<32x128xf32, #tpu.memory_space<vmem>>
      %dma_wait3A_3879 = arith.constant 0 : i32
      %dma_wait3A_3880 = arith.constant 0 : i32
      %dma_wait3A_3881 = tpu.memref_slice %arg3[%dma_wait3A_3879, %dma_wait3A_3880] : memref<32x1000000xf32, #tpu.memory_space<hbm>> -> memref<32x128xf32, #tpu.memory_space<hbm>>
      %dma_wait3A_3882 = arith.constant 0 : i32
      %dma_wait3A_3883 = arith.constant 0 : i32
      %dma_wait3A_3884 = tpu.memref_slice %arg9[%dma_wait3A_3882, %dma_wait3A_3883] : memref<384x128xf32, #tpu.memory_space<vmem>> -> memref<32x128xf32, #tpu.memory_space<vmem>>
      %dma_wait3A_3885 = arith.constant 0 : i32
      %dma_wait3A_3886 = arith.constant 0 : i32
      %dma_wait3A_3887 = tpu.memref_slice %arg3[%dma_wait3A_3885, %dma_wait3A_3886] : memref<32x1000000xf32, #tpu.memory_space<hbm>> -> memref<32x128xf32, #tpu.memory_space<hbm>>
      tpu.wait_dma2 semaphore(%arg19 : memref<!tpu.dma_semaphore, #tpu.memory_space<semaphore_mem>>) src(%dma_wait3A_3887 : memref<32x128xf32, #tpu.memory_space<hbm>>) dst(%dma_wait3A_3884 : memref<32x128xf32, #tpu.memory_space<vmem>>)
      %dma_wait3A_3888 = arith.constant 0 : i32
      %dma_wait3A_3889 = arith.constant 0 : i32
      %dma_wait3A_3890 = tpu.memref_slice %arg10[%dma_wait3A_3888, %dma_wait3A_3889] : memref<384x128xf32, #tpu.memory_space<vmem>> -> memref<32x128xf32, #tpu.memory_space<vmem>>
      %dma_wait3A_3891 = arith.constant 0 : i32
      %dma_wait3A_3892 = arith.constant 0 : i32
      %dma_wait3A_3893 = tpu.memref_slice %arg4[%dma_wait3A_3891, %dma_wait3A_3892] : memref<32x1000000xf32, #tpu.memory_space<hbm>> -> memref<32x128xf32, #tpu.memory_space<hbm>>
      %dma_wait3A_3894 = arith.constant 0 : i32
      %dma_wait3A_3895 = arith.constant 0 : i32
      %dma_wait3A_3896 = tpu.memref_slice %arg10[%dma_wait3A_3894, %dma_wait3A_3895] : memref<384x128xf32, #tpu.memory_space<vmem>> -> memref<32x128xf32, #tpu.memory_space<vmem>>
      %dma_wait3A_3897 = arith.constant 0 : i32
      %dma_wait3A_3898 = arith.constant 0 : i32
      %dma_wait3A_3899 = tpu.memref_slice %arg4[%dma_wait3A_3897, %dma_wait3A_3898] : memref<32x1000000xf32, #tpu.memory_space<hbm>> -> memref<32x128xf32, #tpu.memory_space<hbm>>
      tpu.wait_dma2 semaphore(%arg19 : memref<!tpu.dma_semaphore, #tpu.memory_space<semaphore_mem>>) src(%dma_wait3A_3899 : memref<32x128xf32, #tpu.memory_space<hbm>>) dst(%dma_wait3A_3896 : memref<32x128xf32, #tpu.memory_space<vmem>>)
      %dma_wait3A_3900 = arith.constant 32 : i32
      %dma_wait3A_3901 = arith.constant 0 : i32
      %dma_wait3A_3902 = tpu.memref_slice %arg9[%dma_wait3A_3900, %dma_wait3A_3901] : memref<384x128xf32, #tpu.memory_space<vmem>> -> memref<32x128xf32, #tpu.memory_space<vmem>>
      %dma_wait3A_3903 = arith.constant 0 : i32
      %dma_wait3A_3904 = arith.constant 0 : i32
      %dma_wait3A_3905 = tpu.memref_slice %arg3[%dma_wait3A_3903, %dma_wait3A_3904] : memref<32x1000000xf32, #tpu.memory_space<hbm>> -> memref<32x128xf32, #tpu.memory_space<hbm>>
      %dma_wait3A_3906 = arith.constant 32 : i32
      %dma_wait3A_3907 = arith.constant 0 : i32
      %dma_wait3A_3908 = tpu.memref_slice %arg9[%dma_wait3A_3906, %dma_wait3A_3907] : memref<384x128xf32, #tpu.memory_space<vmem>> -> memref<32x128xf32, #tpu.memory_space<vmem>>
      %dma_wait3A_3909 = arith.constant 0 : i32
      %dma_wait3A_3910 = arith.constant 0 : i32
      %dma_wait3A_3911 = tpu.memref_slice %arg3[%dma_wait3A_3909, %dma_wait3A_3910] : memref<32x1000000xf32, #tpu.memory_space<hbm>> -> memref<32x128xf32, #tpu.memory_space<hbm>>
      tpu.wait_dma2 semaphore(%arg19 : memref<!tpu.dma_semaphore, #tpu.memory_space<semaphore_mem>>) src(%dma_wait3A_3911 : memref<32x128xf32, #tpu.memory_space<hbm>>) dst(%dma_wait3A_3908 : memref<32x128xf32, #tpu.memory_space<vmem>>)
      %dma_wait3A_3912 = arith.constant 32 : i32
      %dma_wait3A_3913 = arith.constant 0 : i32
      %dma_wait3A_3914 = tpu.memref_slice %arg10[%dma_wait3A_3912, %dma_wait3A_3913] : memref<384x128xf32, #tpu.memory_space<vmem>> -> memref<32x128xf32, #tpu.memory_space<vmem>>
      %dma_wait3A_3915 = arith.constant 0 : i32
      %dma_wait3A_3916 = arith.constant 0 : i32
      %dma_wait3A_3917 = tpu.memref_slice %arg4[%dma_wait3A_3915, %dma_wait3A_3916] : memref<32x1000000xf32, #tpu.memory_space<hbm>> -> memref<32x128xf32, #tpu.memory_space<hbm>>
      %dma_wait3A_3918 = arith.constant 32 : i32
      %dma_wait3A_3919 = arith.constant 0 : i32
      %dma_wait3A_3920 = tpu.memref_slice %arg10[%dma_wait3A_3918, %dma_wait3A_3919] : memref<384x128xf32, #tpu.memory_space<vmem>> -> memref<32x128xf32, #tpu.memory_space<vmem>>
      %dma_wait3A_3921 = arith.constant 0 : i32
      %dma_wait3A_3922 = arith.constant 0 : i32
      %dma_wait3A_3923 = tpu.memref_slice %arg4[%dma_wait3A_3921, %dma_wait3A_3922] : memref<32x1000000xf32, #tpu.memory_space<hbm>> -> memref<32x128xf32, #tpu.memory_space<hbm>>
      tpu.wait_dma2 semaphore(%arg19 : memref<!tpu.dma_semaphore, #tpu.memory_space<semaphore_mem>>) src(%dma_wait3A_3923 : memref<32x128xf32, #tpu.memory_space<hbm>>) dst(%dma_wait3A_3920 : memref<32x128xf32, #tpu.memory_space<vmem>>)
      %add3A_3924 = arith.constant 5 : i32
      %add3A_3925 = arith.addi %mul3A_2323, %add3A_3924 : i32
      %mul3A_3926 = arith.constant 2 : i32
      %mul3A_3927 = arith.muli %add3A_3925, %mul3A_3926 : i32
      %add3A_3928 = arith.constant 0 : i32
      %add3A_3929 = arith.addi %mul3A_3927, %add3A_3928 : i32
      %mul3A_3930 = arith.constant 2 : i32
      %mul3A_3931 = arith.muli %add3A_3929, %mul3A_3930 : i32
      %get3A_3932 = arith.index_cast %mul3A_3931 : i32 to index
      %get3A_3933 = memref.load %arg7[%get3A_3932] : memref<1028xi32, #tpu.memory_space<smem>>
      %and3A_3934 = arith.constant 127 : i32
      %and3A_3935 = arith.andi %get3A_3933, %and3A_3934 : i32
      %mul3A_3936 = arith.constant 2 : i32
      %mul3A_3937 = arith.muli %add3A_3925, %mul3A_3936 : i32
      %add3A_3938 = arith.constant 0 : i32
      %add3A_3939 = arith.addi %mul3A_3937, %add3A_3938 : i32
      %mul3A_3940 = arith.constant 2 : i32
      %mul3A_3941 = arith.muli %add3A_3939, %mul3A_3940 : i32
      %add3A_3942 = arith.constant 1 : i32
      %add3A_3943 = arith.addi %mul3A_3941, %add3A_3942 : i32
      %get3A_3944 = arith.index_cast %add3A_3943 : i32 to index
      %get3A_3945 = memref.load %arg7[%get3A_3944] : memref<1028xi32, #tpu.memory_space<smem>>
      %and3A_3946 = arith.constant 127 : i32
      %and3A_3947 = arith.andi %get3A_3945, %and3A_3946 : i32
      %add3A_3948 = arith.constant 320 : i32
      %add3A_3949 = vector.broadcast %add3A_3948 : i32 to vector<16xi32>
      %add3A_3950 = arith.addi %add3A_3949, %iota3A : vector<16xi32>
      %add3A_3951 = arith.constant 16 : i32
      %add3A_3952 = vector.broadcast %add3A_3951 : i32 to vector<16xi32>
      %add3A_3953 = arith.addi %add3A_3950, %add3A_3952 : vector<16xi32>
      %mul3A_3954 = arith.constant 0 : i32
      %mul3A_3955 = vector.broadcast %mul3A_3954 : i32 to vector<16xi32>
      %mul3A_3956 = arith.muli %iota3A, %mul3A_3955 : vector<16xi32>
      %add3A_3957 = vector.broadcast %and3A_3935 : i32 to vector<16xi32>
      %add3A_3958 = arith.addi %mul3A_3956, %add3A_3957 : vector<16xi32>
      %gather3A_3959 = tpu.vector_load_idx %arg9[%add3A_3950, %add3A_3958] : memref<384x128xf32, #tpu.memory_space<vmem>>[vector<16xi32>, vector<16xi32>], vector<16xf32>,
      %mul3A_3960 = arith.constant 0 : i32
      %mul3A_3961 = vector.broadcast %mul3A_3960 : i32 to vector<16xi32>
      %mul3A_3962 = arith.muli %iota3A, %mul3A_3961 : vector<16xi32>
      %add3A_3963 = vector.broadcast %and3A_3935 : i32 to vector<16xi32>
      %add3A_3964 = arith.addi %mul3A_3962, %add3A_3963 : vector<16xi32>
      %gather3A_3965 = tpu.vector_load_idx %arg9[%add3A_3953, %add3A_3964] : memref<384x128xf32, #tpu.memory_space<vmem>>[vector<16xi32>, vector<16xi32>], vector<16xf32>,
      %mul3A_3966 = arith.constant 0 : i32
      %mul3A_3967 = vector.broadcast %mul3A_3966 : i32 to vector<16xi32>
      %mul3A_3968 = arith.muli %iota3A, %mul3A_3967 : vector<16xi32>
      %add3A_3969 = vector.broadcast %and3A_3947 : i32 to vector<16xi32>
      %add3A_3970 = arith.addi %mul3A_3968, %add3A_3969 : vector<16xi32>
      %gather3A_3971 = tpu.vector_load_idx %arg10[%add3A_3950, %add3A_3970] : memref<384x128xf32, #tpu.memory_space<vmem>>[vector<16xi32>, vector<16xi32>], vector<16xf32>,
      %mul3A_3972 = arith.constant 0 : i32
      %mul3A_3973 = vector.broadcast %mul3A_3972 : i32 to vector<16xi32>
      %mul3A_3974 = arith.muli %iota3A, %mul3A_3973 : vector<16xi32>
      %add3A_3975 = vector.broadcast %and3A_3947 : i32 to vector<16xi32>
      %add3A_3976 = arith.addi %mul3A_3974, %add3A_3975 : vector<16xi32>
      %gather3A_3977 = tpu.vector_load_idx %arg10[%add3A_3953, %add3A_3976] : memref<384x128xf32, #tpu.memory_space<vmem>>[vector<16xi32>, vector<16xi32>], vector<16xf32>,
      %mul3A_3978 = arith.mulf %gather3A_3959, %gather3A_3971 : vector<16xf32>
      %mul3A_3979 = arith.mulf %mul3A_3978, %get3A_8 : vector<16xf32>
      %mul3A_3980 = arith.mulf %gather3A_3965, %gather3A_3977 : vector<16xf32>
      %mul3A_3981 = arith.mulf %mul3A_3980, %get3A_10 : vector<16xf32>
      %add3A_3982 = arith.addf %mul3A_3979, %mul3A_3981 : vector<16xf32>
      %and3A_3983 = arith.constant 7 : i32
      %and3A_3984 = arith.andi %add3A_3925, %and3A_3983 : i32
      %mul3A_3985 = arith.constant 2 : i32
      %mul3A_3986 = arith.muli %and3A_3984, %mul3A_3985 : i32
      %add3A_3987 = arith.constant 0 : i32
      %add3A_3988 = arith.addi %mul3A_3986, %add3A_3987 : i32
      %mul3A_3989 = arith.constant 17 : i32
      %mul3A_3990 = arith.muli %add3A_3988, %mul3A_3989 : i32
      %swap3A_3991 = arith.index_cast %mul3A_3990 : i32 to index
      %swap3A_3992 = tpu.vector_load %arg12[%swap3A_3991] {strides = array<i32>} : memref<272xf32, #tpu.memory_space<vmem>>, vector<16xf32>,
      tpu.vector_store %arg12[%swap3A_3991], %add3A_3982 {strides = array<i32>} : memref<272xf32, #tpu.memory_space<vmem>>, vector<16xf32>,
      %mul3A_3993 = arith.constant 2 : i32
      %mul3A_3994 = arith.muli %add3A_3925, %mul3A_3993 : i32
      %add3A_3995 = arith.constant 1 : i32
      %add3A_3996 = arith.addi %mul3A_3994, %add3A_3995 : i32
      %mul3A_3997 = arith.constant 2 : i32
      %mul3A_3998 = arith.muli %add3A_3996, %mul3A_3997 : i32
      %get3A_3999 = arith.index_cast %mul3A_3998 : i32 to index
      %get3A_4000 = memref.load %arg7[%get3A_3999] : memref<1028xi32, #tpu.memory_space<smem>>
      %and3A_4001 = arith.constant 127 : i32
      %and3A_4002 = arith.andi %get3A_4000, %and3A_4001 : i32
      %mul3A_4003 = arith.constant 2 : i32
      %mul3A_4004 = arith.muli %add3A_3925, %mul3A_4003 : i32
      %add3A_4005 = arith.constant 1 : i32
      %add3A_4006 = arith.addi %mul3A_4004, %add3A_4005 : i32
      %mul3A_4007 = arith.constant 2 : i32
      %mul3A_4008 = arith.muli %add3A_4006, %mul3A_4007 : i32
      %add3A_4009 = arith.constant 1 : i32
      %add3A_4010 = arith.addi %mul3A_4008, %add3A_4009 : i32
      %get3A_4011 = arith.index_cast %add3A_4010 : i32 to index
      %get3A_4012 = memref.load %arg7[%get3A_4011] : memref<1028xi32, #tpu.memory_space<smem>>
      %and3A_4013 = arith.constant 127 : i32
      %and3A_4014 = arith.andi %get3A_4012, %and3A_4013 : i32
      %add3A_4015 = arith.constant 352 : i32
      %add3A_4016 = vector.broadcast %add3A_4015 : i32 to vector<16xi32>
      %add3A_4017 = arith.addi %add3A_4016, %iota3A : vector<16xi32>
      %add3A_4018 = arith.constant 16 : i32
      %add3A_4019 = vector.broadcast %add3A_4018 : i32 to vector<16xi32>
      %add3A_4020 = arith.addi %add3A_4017, %add3A_4019 : vector<16xi32>
      %mul3A_4021 = arith.constant 0 : i32
      %mul3A_4022 = vector.broadcast %mul3A_4021 : i32 to vector<16xi32>
      %mul3A_4023 = arith.muli %iota3A, %mul3A_4022 : vector<16xi32>
      %add3A_4024 = vector.broadcast %and3A_4002 : i32 to vector<16xi32>
      %add3A_4025 = arith.addi %mul3A_4023, %add3A_4024 : vector<16xi32>
      %gather3A_4026 = tpu.vector_load_idx %arg9[%add3A_4017, %add3A_4025] : memref<384x128xf32, #tpu.memory_space<vmem>>[vector<16xi32>, vector<16xi32>], vector<16xf32>,
      %mul3A_4027 = arith.constant 0 : i32
      %mul3A_4028 = vector.broadcast %mul3A_4027 : i32 to vector<16xi32>
      %mul3A_4029 = arith.muli %iota3A, %mul3A_4028 : vector<16xi32>
      %add3A_4030 = vector.broadcast %and3A_4002 : i32 to vector<16xi32>
      %add3A_4031 = arith.addi %mul3A_4029, %add3A_4030 : vector<16xi32>
      %gather3A_4032 = tpu.vector_load_idx %arg9[%add3A_4020, %add3A_4031] : memref<384x128xf32, #tpu.memory_space<vmem>>[vector<16xi32>, vector<16xi32>], vector<16xf32>,
      %mul3A_4033 = arith.constant 0 : i32
      %mul3A_4034 = vector.broadcast %mul3A_4033 : i32 to vector<16xi32>
      %mul3A_4035 = arith.muli %iota3A, %mul3A_4034 : vector<16xi32>
      %add3A_4036 = vector.broadcast %and3A_4014 : i32 to vector<16xi32>
      %add3A_4037 = arith.addi %mul3A_4035, %add3A_4036 : vector<16xi32>
      %gather3A_4038 = tpu.vector_load_idx %arg10[%add3A_4017, %add3A_4037] : memref<384x128xf32, #tpu.memory_space<vmem>>[vector<16xi32>, vector<16xi32>], vector<16xf32>,
      %mul3A_4039 = arith.constant 0 : i32
      %mul3A_4040 = vector.broadcast %mul3A_4039 : i32 to vector<16xi32>
      %mul3A_4041 = arith.muli %iota3A, %mul3A_4040 : vector<16xi32>
      %add3A_4042 = vector.broadcast %and3A_4014 : i32 to vector<16xi32>
      %add3A_4043 = arith.addi %mul3A_4041, %add3A_4042 : vector<16xi32>
      %gather3A_4044 = tpu.vector_load_idx %arg10[%add3A_4020, %add3A_4043] : memref<384x128xf32, #tpu.memory_space<vmem>>[vector<16xi32>, vector<16xi32>], vector<16xf32>,
      %mul3A_4045 = arith.mulf %gather3A_4026, %gather3A_4038 : vector<16xf32>
      %mul3A_4046 = arith.mulf %mul3A_4045, %get3A_8 : vector<16xf32>
      %mul3A_4047 = arith.mulf %gather3A_4032, %gather3A_4044 : vector<16xf32>
      %mul3A_4048 = arith.mulf %mul3A_4047, %get3A_10 : vector<16xf32>
      %add3A_4049 = arith.addf %mul3A_4046, %mul3A_4048 : vector<16xf32>
      %and3A_4050 = arith.constant 7 : i32
      %and3A_4051 = arith.andi %add3A_3925, %and3A_4050 : i32
      %mul3A_4052 = arith.constant 2 : i32
      %mul3A_4053 = arith.muli %and3A_4051, %mul3A_4052 : i32
      %add3A_4054 = arith.constant 1 : i32
      %add3A_4055 = arith.addi %mul3A_4053, %add3A_4054 : i32
      %mul3A_4056 = arith.constant 17 : i32
      %mul3A_4057 = arith.muli %add3A_4055, %mul3A_4056 : i32
      %swap3A_4058 = arith.index_cast %mul3A_4057 : i32 to index
      %swap3A_4059 = tpu.vector_load %arg12[%swap3A_4058] {strides = array<i32>} : memref<272xf32, #tpu.memory_space<vmem>>, vector<16xf32>,
      tpu.vector_store %arg12[%swap3A_4058], %add3A_4049 {strides = array<i32>} : memref<272xf32, #tpu.memory_space<vmem>>, vector<16xf32>,
      %and3A_4060 = arith.constant 7 : i32
      %and3A_4061 = arith.andi %add3A_3925, %and3A_4060 : i32
      %eq3A_4062 = arith.constant 7 : i32
      %eq3A_4063 = arith.cmpi eq, %and3A_4061, %eq3A_4062 : i32
      %convert_element_type3A_4064 = arith.extui %eq3A_4063 : i1 to i32
      %cond3A_4065 = arith.constant 0 : i32
      %cond3A_4066 = arith.cmpi ne, %convert_element_type3A_4064, %cond3A_4065 : i32
      scf.if %cond3A_4066 {
        %gather3A_4067 = tpu.vector_load_idx %arg12[%mul3A_7] : memref<272xf32, #tpu.memory_space<vmem>>[vector<16xi32>], vector<16xf32>,
        %add3A_4068 = arith.constant 1 : i32
        %add3A_4069 = vector.broadcast %add3A_4068 : i32 to vector<16xi32>
        %add3A_4070 = arith.addi %mul3A_7, %add3A_4069 : vector<16xi32>
        %gather3A_4071 = tpu.vector_load_idx %arg12[%add3A_4070] : memref<272xf32, #tpu.memory_space<vmem>>[vector<16xi32>], vector<16xf32>,
        %add3A_4072 = arith.addf %gather3A_4067, %gather3A_4071 : vector<16xf32>
        %add3A_4073 = arith.constant 2 : i32
        %add3A_4074 = vector.broadcast %add3A_4073 : i32 to vector<16xi32>
        %add3A_4075 = arith.addi %mul3A_7, %add3A_4074 : vector<16xi32>
        %gather3A_4076 = tpu.vector_load_idx %arg12[%add3A_4075] : memref<272xf32, #tpu.memory_space<vmem>>[vector<16xi32>], vector<16xf32>,
        %add3A_4077 = arith.addf %add3A_4072, %gather3A_4076 : vector<16xf32>
        %add3A_4078 = arith.constant 3 : i32
        %add3A_4079 = vector.broadcast %add3A_4078 : i32 to vector<16xi32>
        %add3A_4080 = arith.addi %mul3A_7, %add3A_4079 : vector<16xi32>
        %gather3A_4081 = tpu.vector_load_idx %arg12[%add3A_4080] : memref<272xf32, #tpu.memory_space<vmem>>[vector<16xi32>], vector<16xf32>,
        %add3A_4082 = arith.addf %add3A_4077, %gather3A_4081 : vector<16xf32>
        %add3A_4083 = arith.constant 4 : i32
        %add3A_4084 = vector.broadcast %add3A_4083 : i32 to vector<16xi32>
        %add3A_4085 = arith.addi %mul3A_7, %add3A_4084 : vector<16xi32>
        %gather3A_4086 = tpu.vector_load_idx %arg12[%add3A_4085] : memref<272xf32, #tpu.memory_space<vmem>>[vector<16xi32>], vector<16xf32>,
        %add3A_4087 = arith.addf %add3A_4082, %gather3A_4086 : vector<16xf32>
        %add3A_4088 = arith.constant 5 : i32
        %add3A_4089 = vector.broadcast %add3A_4088 : i32 to vector<16xi32>
        %add3A_4090 = arith.addi %mul3A_7, %add3A_4089 : vector<16xi32>
        %gather3A_4091 = tpu.vector_load_idx %arg12[%add3A_4090] : memref<272xf32, #tpu.memory_space<vmem>>[vector<16xi32>], vector<16xf32>,
        %add3A_4092 = arith.addf %add3A_4087, %gather3A_4091 : vector<16xf32>
        %add3A_4093 = arith.constant 6 : i32
        %add3A_4094 = vector.broadcast %add3A_4093 : i32 to vector<16xi32>
        %add3A_4095 = arith.addi %mul3A_7, %add3A_4094 : vector<16xi32>
        %gather3A_4096 = tpu.vector_load_idx %arg12[%add3A_4095] : memref<272xf32, #tpu.memory_space<vmem>>[vector<16xi32>], vector<16xf32>,
        %add3A_4097 = arith.addf %add3A_4092, %gather3A_4096 : vector<16xf32>
        %add3A_4098 = arith.constant 7 : i32
        %add3A_4099 = vector.broadcast %add3A_4098 : i32 to vector<16xi32>
        %add3A_4100 = arith.addi %mul3A_7, %add3A_4099 : vector<16xi32>
        %gather3A_4101 = tpu.vector_load_idx %arg12[%add3A_4100] : memref<272xf32, #tpu.memory_space<vmem>>[vector<16xi32>], vector<16xf32>,
        %add3A_4102 = arith.addf %add3A_4097, %gather3A_4101 : vector<16xf32>
        %add3A_4103 = arith.constant 8 : i32
        %add3A_4104 = vector.broadcast %add3A_4103 : i32 to vector<16xi32>
        %add3A_4105 = arith.addi %mul3A_7, %add3A_4104 : vector<16xi32>
        %gather3A_4106 = tpu.vector_load_idx %arg12[%add3A_4105] : memref<272xf32, #tpu.memory_space<vmem>>[vector<16xi32>], vector<16xf32>,
        %add3A_4107 = arith.addf %add3A_4102, %gather3A_4106 : vector<16xf32>
        %add3A_4108 = arith.constant 9 : i32
        %add3A_4109 = vector.broadcast %add3A_4108 : i32 to vector<16xi32>
        %add3A_4110 = arith.addi %mul3A_7, %add3A_4109 : vector<16xi32>
        %gather3A_4111 = tpu.vector_load_idx %arg12[%add3A_4110] : memref<272xf32, #tpu.memory_space<vmem>>[vector<16xi32>], vector<16xf32>,
        %add3A_4112 = arith.addf %add3A_4107, %gather3A_4111 : vector<16xf32>
        %add3A_4113 = arith.constant 10 : i32
        %add3A_4114 = vector.broadcast %add3A_4113 : i32 to vector<16xi32>
        %add3A_4115 = arith.addi %mul3A_7, %add3A_4114 : vector<16xi32>
        %gather3A_4116 = tpu.vector_load_idx %arg12[%add3A_4115] : memref<272xf32, #tpu.memory_space<vmem>>[vector<16xi32>], vector<16xf32>,
        %add3A_4117 = arith.addf %add3A_4112, %gather3A_4116 : vector<16xf32>
        %add3A_4118 = arith.constant 11 : i32
        %add3A_4119 = vector.broadcast %add3A_4118 : i32 to vector<16xi32>
        %add3A_4120 = arith.addi %mul3A_7, %add3A_4119 : vector<16xi32>
        %gather3A_4121 = tpu.vector_load_idx %arg12[%add3A_4120] : memref<272xf32, #tpu.memory_space<vmem>>[vector<16xi32>], vector<16xf32>,
        %add3A_4122 = arith.addf %add3A_4117, %gather3A_4121 : vector<16xf32>
        %add3A_4123 = arith.constant 12 : i32
        %add3A_4124 = vector.broadcast %add3A_4123 : i32 to vector<16xi32>
        %add3A_4125 = arith.addi %mul3A_7, %add3A_4124 : vector<16xi32>
        %gather3A_4126 = tpu.vector_load_idx %arg12[%add3A_4125] : memref<272xf32, #tpu.memory_space<vmem>>[vector<16xi32>], vector<16xf32>,
        %add3A_4127 = arith.addf %add3A_4122, %gather3A_4126 : vector<16xf32>
        %add3A_4128 = arith.constant 13 : i32
        %add3A_4129 = vector.broadcast %add3A_4128 : i32 to vector<16xi32>
        %add3A_4130 = arith.addi %mul3A_7, %add3A_4129 : vector<16xi32>
        %gather3A_4131 = tpu.vector_load_idx %arg12[%add3A_4130] : memref<272xf32, #tpu.memory_space<vmem>>[vector<16xi32>], vector<16xf32>,
        %add3A_4132 = arith.addf %add3A_4127, %gather3A_4131 : vector<16xf32>
        %add3A_4133 = arith.constant 14 : i32
        %add3A_4134 = vector.broadcast %add3A_4133 : i32 to vector<16xi32>
        %add3A_4135 = arith.addi %mul3A_7, %add3A_4134 : vector<16xi32>
        %gather3A_4136 = tpu.vector_load_idx %arg12[%add3A_4135] : memref<272xf32, #tpu.memory_space<vmem>>[vector<16xi32>], vector<16xf32>,
        %add3A_4137 = arith.addf %add3A_4132, %gather3A_4136 : vector<16xf32>
        %add3A_4138 = arith.constant 15 : i32
        %add3A_4139 = vector.broadcast %add3A_4138 : i32 to vector<16xi32>
        %add3A_4140 = arith.addi %mul3A_7, %add3A_4139 : vector<16xi32>
        %gather3A_4141 = tpu.vector_load_idx %arg12[%add3A_4140] : memref<272xf32, #tpu.memory_space<vmem>>[vector<16xi32>], vector<16xf32>,
        %add3A_4142 = arith.addf %add3A_4137, %gather3A_4141 : vector<16xf32>
        %neg3A_4143 = arith.constant 0.000000e+00 : f32
        %neg3A_4144 = vector.broadcast %neg3A_4143 : f32 to vector<16xf32>
        %neg3A_4145 = arith.subf %neg3A_4144, %add3A_4142 : vector<16xf32>
        %exp3A_4146 = math.exp %neg3A_4145 : vector<16xf32>
        %add3A_4147 = arith.constant 1.000000e+00 : f32
        %add3A_4148 = vector.broadcast %add3A_4147 : f32 to vector<16xf32>
        %add3A_4149 = arith.addf %add3A_4148, %exp3A_4146 : vector<16xf32>
        %div3A_4150 = arith.constant 1.000000e+00 : f32
        %div3A_4151 = vector.broadcast %div3A_4150 : f32 to vector<16xf32>
        %div3A_4152 = arith.divf %div3A_4151, %add3A_4149 : vector<16xf32>
        %shift_right_arithmetic3A_4153 = arith.constant 3 : i32
        %shift_right_arithmetic3A_4154 = arith.shrsi %add3A_3925, %shift_right_arithmetic3A_4153 : i32
        %mul3A_4155 = arith.constant 16 : i32
        %mul3A_4156 = arith.muli %shift_right_arithmetic3A_4154, %mul3A_4155 : i32
        %swap3A_4157 = arith.index_cast %mul3A_4156 : i32 to index
        %swap3A_4158 = tpu.vector_load %arg13[%swap3A_4157] {strides = array<i32>} : memref<512xf32, #tpu.memory_space<vmem>>, vector<16xf32>,
        tpu.vector_store %arg13[%swap3A_4157], %div3A_4152 {strides = array<i32>} : memref<512xf32, #tpu.memory_space<vmem>>, vector<16xf32>,
      } else {
      }
    }
    %scan3A_371 = arith.constant 41 : i32
    %get3A_372 = arith.constant 1004 : i32
    %get3A_373 = arith.index_cast %get3A_372 : i32 to index
    %get3A_374 = memref.load %arg7[%get3A_373] : memref<1028xi32, #tpu.memory_space<smem>>
    %get3A_375 = arith.constant 1005 : i32
    %get3A_376 = arith.index_cast %get3A_375 : i32 to index
    %get3A_377 = memref.load %arg7[%get3A_376] : memref<1028xi32, #tpu.memory_space<smem>>
    %shift_right_arithmetic3A_378 = arith.constant 7 : i32
    %shift_right_arithmetic3A_379 = arith.shrsi %get3A_374, %shift_right_arithmetic3A_378 : i32
    %shift_left3A_380 = arith.constant 7 : i32
    %shift_left3A_381 = arith.shli %shift_right_arithmetic3A_379, %shift_left3A_380 : i32
    %multiple_of3A_382 = tpu.assume_multiple %shift_left3A_381, 128 : i32
    %shift_right_arithmetic3A_383 = arith.constant 7 : i32
    %shift_right_arithmetic3A_384 = arith.shrsi %get3A_377, %shift_right_arithmetic3A_383 : i32
    %shift_left3A_385 = arith.constant 7 : i32
    %shift_left3A_386 = arith.shli %shift_right_arithmetic3A_384, %shift_left3A_385 : i32
    %multiple_of3A_387 = tpu.assume_multiple %shift_left3A_386, 128 : i32
    %dma_start3A_388 = arith.constant 320 : i32
    %dma_start3A_389 = arith.constant 0 : i32
    %dma_start3A_390 = tpu.memref_slice %arg9[%dma_start3A_388, %dma_start3A_389] : memref<384x128xf32, #tpu.memory_space<vmem>> -> memref<32x128xf32, #tpu.memory_space<vmem>>
    %dma_start3A_391 = arith.constant 0 : i32
    %dma_start3A_392 = tpu.memref_slice %arg3[%dma_start3A_391, %multiple_of3A_382] : memref<32x1000000xf32, #tpu.memory_space<hbm>> -> memref<32x128xf32, #tpu.memory_space<hbm>>
    %dma_start3A_393 = arith.constant 320 : i32
    %dma_start3A_394 = arith.constant 0 : i32
    %dma_start3A_395 = tpu.memref_slice %arg9[%dma_start3A_393, %dma_start3A_394] : memref<384x128xf32, #tpu.memory_space<vmem>> -> memref<32x128xf32, #tpu.memory_space<vmem>>
    %dma_start3A_396 = arith.constant 0 : i32
    %dma_start3A_397 = tpu.memref_slice %arg3[%dma_start3A_396, %multiple_of3A_382] : memref<32x1000000xf32, #tpu.memory_space<hbm>> -> memref<32x128xf32, #tpu.memory_space<hbm>>
    tpu.enqueue_dma source(%dma_start3A_397 : memref<32x128xf32, #tpu.memory_space<hbm>>) target(%dma_start3A_395 : memref<32x128xf32, #tpu.memory_space<vmem>>) target_semaphore(%arg19 : memref<!tpu.dma_semaphore, #tpu.memory_space<semaphore_mem>>)
    %dma_start3A_398 = arith.constant 320 : i32
    %dma_start3A_399 = arith.constant 0 : i32
    %dma_start3A_400 = tpu.memref_slice %arg10[%dma_start3A_398, %dma_start3A_399] : memref<384x128xf32, #tpu.memory_space<vmem>> -> memref<32x128xf32, #tpu.memory_space<vmem>>
    %dma_start3A_401 = arith.constant 0 : i32
    %dma_start3A_402 = tpu.memref_slice %arg4[%dma_start3A_401, %multiple_of3A_387] : memref<32x1000000xf32, #tpu.memory_space<hbm>> -> memref<32x128xf32, #tpu.memory_space<hbm>>
    %dma_start3A_403 = arith.constant 320 : i32
    %dma_start3A_404 = arith.constant 0 : i32
    %dma_start3A_405 = tpu.memref_slice %arg10[%dma_start3A_403, %dma_start3A_404] : memref<384x128xf32, #tpu.memory_space<vmem>> -> memref<32x128xf32, #tpu.memory_space<vmem>>
    %dma_start3A_406 = arith.constant 0 : i32
    %dma_start3A_407 = tpu.memref_slice %arg4[%dma_start3A_406, %multiple_of3A_387] : memref<32x1000000xf32, #tpu.memory_space<hbm>> -> memref<32x128xf32, #tpu.memory_space<hbm>>
    tpu.enqueue_dma source(%dma_start3A_407 : memref<32x128xf32, #tpu.memory_space<hbm>>) target(%dma_start3A_405 : memref<32x128xf32, #tpu.memory_space<vmem>>) target_semaphore(%arg19 : memref<!tpu.dma_semaphore, #tpu.memory_space<semaphore_mem>>)
    %get3A_408 = arith.constant 1006 : i32
    %get3A_409 = arith.index_cast %get3A_408 : i32 to index
    %get3A_410 = memref.load %arg7[%get3A_409] : memref<1028xi32, #tpu.memory_space<smem>>
    %get3A_411 = arith.constant 1007 : i32
    %get3A_412 = arith.index_cast %get3A_411 : i32 to index
    %get3A_413 = memref.load %arg7[%get3A_412] : memref<1028xi32, #tpu.memory_space<smem>>
    %shift_right_arithmetic3A_414 = arith.constant 7 : i32
    %shift_right_arithmetic3A_415 = arith.shrsi %get3A_410, %shift_right_arithmetic3A_414 : i32
    %shift_left3A_416 = arith.constant 7 : i32
    %shift_left3A_417 = arith.shli %shift_right_arithmetic3A_415, %shift_left3A_416 : i32
    %multiple_of3A_418 = tpu.assume_multiple %shift_left3A_417, 128 : i32
    %shift_right_arithmetic3A_419 = arith.constant 7 : i32
    %shift_right_arithmetic3A_420 = arith.shrsi %get3A_413, %shift_right_arithmetic3A_419 : i32
    %shift_left3A_421 = arith.constant 7 : i32
    %shift_left3A_422 = arith.shli %shift_right_arithmetic3A_420, %shift_left3A_421 : i32
    %multiple_of3A_423 = tpu.assume_multiple %shift_left3A_422, 128 : i32
    %dma_start3A_424 = arith.constant 352 : i32
    %dma_start3A_425 = arith.constant 0 : i32
    %dma_start3A_426 = tpu.memref_slice %arg9[%dma_start3A_424, %dma_start3A_425] : memref<384x128xf32, #tpu.memory_space<vmem>> -> memref<32x128xf32, #tpu.memory_space<vmem>>
    %dma_start3A_427 = arith.constant 0 : i32
    %dma_start3A_428 = tpu.memref_slice %arg3[%dma_start3A_427, %multiple_of3A_418] : memref<32x1000000xf32, #tpu.memory_space<hbm>> -> memref<32x128xf32, #tpu.memory_space<hbm>>
    %dma_start3A_429 = arith.constant 352 : i32
    %dma_start3A_430 = arith.constant 0 : i32
    %dma_start3A_431 = tpu.memref_slice %arg9[%dma_start3A_429, %dma_start3A_430] : memref<384x128xf32, #tpu.memory_space<vmem>> -> memref<32x128xf32, #tpu.memory_space<vmem>>
    %dma_start3A_432 = arith.constant 0 : i32
    %dma_start3A_433 = tpu.memref_slice %arg3[%dma_start3A_432, %multiple_of3A_418] : memref<32x1000000xf32, #tpu.memory_space<hbm>> -> memref<32x128xf32, #tpu.memory_space<hbm>>
    tpu.enqueue_dma source(%dma_start3A_433 : memref<32x128xf32, #tpu.memory_space<hbm>>) target(%dma_start3A_431 : memref<32x128xf32, #tpu.memory_space<vmem>>) target_semaphore(%arg19 : memref<!tpu.dma_semaphore, #tpu.memory_space<semaphore_mem>>)
    %dma_start3A_434 = arith.constant 352 : i32
    %dma_start3A_435 = arith.constant 0 : i32
    %dma_start3A_436 = tpu.memref_slice %arg10[%dma_start3A_434, %dma_start3A_435] : memref<384x128xf32, #tpu.memory_space<vmem>> -> memref<32x128xf32, #tpu.memory_space<vmem>>
    %dma_start3A_437 = arith.constant 0 : i32
    %dma_start3A_438 = tpu.memref_slice %arg4[%dma_start3A_437, %multiple_of3A_423] : memref<32x1000000xf32, #tpu.memory_space<hbm>> -> memref<32x128xf32, #tpu.memory_space<hbm>>
    %dma_start3A_439 = arith.constant 352 : i32
    %dma_start3A_440 = arith.constant 0 : i32
    %dma_start3A_441 = tpu.memref_slice %arg10[%dma_start3A_439, %dma_start3A_440] : memref<384x128xf32, #tpu.memory_space<vmem>> -> memref<32x128xf32, #tpu.memory_space<vmem>>
    %dma_start3A_442 = arith.constant 0 : i32
    %dma_start3A_443 = tpu.memref_slice %arg4[%dma_start3A_442, %multiple_of3A_423] : memref<32x1000000xf32, #tpu.memory_space<hbm>> -> memref<32x128xf32, #tpu.memory_space<hbm>>
    tpu.enqueue_dma source(%dma_start3A_443 : memref<32x128xf32, #tpu.memory_space<hbm>>) target(%dma_start3A_441 : memref<32x128xf32, #tpu.memory_space<vmem>>) target_semaphore(%arg19 : memref<!tpu.dma_semaphore, #tpu.memory_space<semaphore_mem>>)
    %dma_wait3A = arith.constant 0 : i32
    %dma_wait3A_444 = arith.constant 0 : i32
    %dma_wait3A_445 = tpu.memref_slice %arg9[%dma_wait3A, %dma_wait3A_444] : memref<384x128xf32, #tpu.memory_space<vmem>> -> memref<32x128xf32, #tpu.memory_space<vmem>>
    %dma_wait3A_446 = arith.constant 0 : i32
    %dma_wait3A_447 = arith.constant 0 : i32
    %dma_wait3A_448 = tpu.memref_slice %arg3[%dma_wait3A_446, %dma_wait3A_447] : memref<32x1000000xf32, #tpu.memory_space<hbm>> -> memref<32x128xf32, #tpu.memory_space<hbm>>
    %dma_wait3A_449 = arith.constant 0 : i32
    %dma_wait3A_450 = arith.constant 0 : i32
    %dma_wait3A_451 = tpu.memref_slice %arg9[%dma_wait3A_449, %dma_wait3A_450] : memref<384x128xf32, #tpu.memory_space<vmem>> -> memref<32x128xf32, #tpu.memory_space<vmem>>
    %dma_wait3A_452 = arith.constant 0 : i32
    %dma_wait3A_453 = arith.constant 0 : i32
    %dma_wait3A_454 = tpu.memref_slice %arg3[%dma_wait3A_452, %dma_wait3A_453] : memref<32x1000000xf32, #tpu.memory_space<hbm>> -> memref<32x128xf32, #tpu.memory_space<hbm>>
    tpu.wait_dma2 semaphore(%arg14 : memref<!tpu.dma_semaphore, #tpu.memory_space<semaphore_mem>>) src(%dma_wait3A_454 : memref<32x128xf32, #tpu.memory_space<hbm>>) dst(%dma_wait3A_451 : memref<32x128xf32, #tpu.memory_space<vmem>>)
    %dma_wait3A_455 = arith.constant 0 : i32
    %dma_wait3A_456 = arith.constant 0 : i32
    %dma_wait3A_457 = tpu.memref_slice %arg10[%dma_wait3A_455, %dma_wait3A_456] : memref<384x128xf32, #tpu.memory_space<vmem>> -> memref<32x128xf32, #tpu.memory_space<vmem>>
    %dma_wait3A_458 = arith.constant 0 : i32
    %dma_wait3A_459 = arith.constant 0 : i32
    %dma_wait3A_460 = tpu.memref_slice %arg4[%dma_wait3A_458, %dma_wait3A_459] : memref<32x1000000xf32, #tpu.memory_space<hbm>> -> memref<32x128xf32, #tpu.memory_space<hbm>>
    %dma_wait3A_461 = arith.constant 0 : i32
    %dma_wait3A_462 = arith.constant 0 : i32
    %dma_wait3A_463 = tpu.memref_slice %arg10[%dma_wait3A_461, %dma_wait3A_462] : memref<384x128xf32, #tpu.memory_space<vmem>> -> memref<32x128xf32, #tpu.memory_space<vmem>>
    %dma_wait3A_464 = arith.constant 0 : i32
    %dma_wait3A_465 = arith.constant 0 : i32
    %dma_wait3A_466 = tpu.memref_slice %arg4[%dma_wait3A_464, %dma_wait3A_465] : memref<32x1000000xf32, #tpu.memory_space<hbm>> -> memref<32x128xf32, #tpu.memory_space<hbm>>
    tpu.wait_dma2 semaphore(%arg14 : memref<!tpu.dma_semaphore, #tpu.memory_space<semaphore_mem>>) src(%dma_wait3A_466 : memref<32x128xf32, #tpu.memory_space<hbm>>) dst(%dma_wait3A_463 : memref<32x128xf32, #tpu.memory_space<vmem>>)
    %dma_wait3A_467 = arith.constant 32 : i32
    %dma_wait3A_468 = arith.constant 0 : i32
    %dma_wait3A_469 = tpu.memref_slice %arg9[%dma_wait3A_467, %dma_wait3A_468] : memref<384x128xf32, #tpu.memory_space<vmem>> -> memref<32x128xf32, #tpu.memory_space<vmem>>
    %dma_wait3A_470 = arith.constant 0 : i32
    %dma_wait3A_471 = arith.constant 0 : i32
    %dma_wait3A_472 = tpu.memref_slice %arg3[%dma_wait3A_470, %dma_wait3A_471] : memref<32x1000000xf32, #tpu.memory_space<hbm>> -> memref<32x128xf32, #tpu.memory_space<hbm>>
    %dma_wait3A_473 = arith.constant 32 : i32
    %dma_wait3A_474 = arith.constant 0 : i32
    %dma_wait3A_475 = tpu.memref_slice %arg9[%dma_wait3A_473, %dma_wait3A_474] : memref<384x128xf32, #tpu.memory_space<vmem>> -> memref<32x128xf32, #tpu.memory_space<vmem>>
    %dma_wait3A_476 = arith.constant 0 : i32
    %dma_wait3A_477 = arith.constant 0 : i32
    %dma_wait3A_478 = tpu.memref_slice %arg3[%dma_wait3A_476, %dma_wait3A_477] : memref<32x1000000xf32, #tpu.memory_space<hbm>> -> memref<32x128xf32, #tpu.memory_space<hbm>>
    tpu.wait_dma2 semaphore(%arg14 : memref<!tpu.dma_semaphore, #tpu.memory_space<semaphore_mem>>) src(%dma_wait3A_478 : memref<32x128xf32, #tpu.memory_space<hbm>>) dst(%dma_wait3A_475 : memref<32x128xf32, #tpu.memory_space<vmem>>)
    %dma_wait3A_479 = arith.constant 32 : i32
    %dma_wait3A_480 = arith.constant 0 : i32
    %dma_wait3A_481 = tpu.memref_slice %arg10[%dma_wait3A_479, %dma_wait3A_480] : memref<384x128xf32, #tpu.memory_space<vmem>> -> memref<32x128xf32, #tpu.memory_space<vmem>>
    %dma_wait3A_482 = arith.constant 0 : i32
    %dma_wait3A_483 = arith.constant 0 : i32
    %dma_wait3A_484 = tpu.memref_slice %arg4[%dma_wait3A_482, %dma_wait3A_483] : memref<32x1000000xf32, #tpu.memory_space<hbm>> -> memref<32x128xf32, #tpu.memory_space<hbm>>
    %dma_wait3A_485 = arith.constant 32 : i32
    %dma_wait3A_486 = arith.constant 0 : i32
    %dma_wait3A_487 = tpu.memref_slice %arg10[%dma_wait3A_485, %dma_wait3A_486] : memref<384x128xf32, #tpu.memory_space<vmem>> -> memref<32x128xf32, #tpu.memory_space<vmem>>
    %dma_wait3A_488 = arith.constant 0 : i32
    %dma_wait3A_489 = arith.constant 0 : i32
    %dma_wait3A_490 = tpu.memref_slice %arg4[%dma_wait3A_488, %dma_wait3A_489] : memref<32x1000000xf32, #tpu.memory_space<hbm>> -> memref<32x128xf32, #tpu.memory_space<hbm>>
    tpu.wait_dma2 semaphore(%arg14 : memref<!tpu.dma_semaphore, #tpu.memory_space<semaphore_mem>>) src(%dma_wait3A_490 : memref<32x128xf32, #tpu.memory_space<hbm>>) dst(%dma_wait3A_487 : memref<32x128xf32, #tpu.memory_space<vmem>>)
    %get3A_491 = arith.constant 984 : i32
    %get3A_492 = arith.index_cast %get3A_491 : i32 to index
    %get3A_493 = memref.load %arg7[%get3A_492] : memref<1028xi32, #tpu.memory_space<smem>>
    %and3A = arith.constant 127 : i32
    %and3A_494 = arith.andi %get3A_493, %and3A : i32
    %get3A_495 = arith.constant 985 : i32
    %get3A_496 = arith.index_cast %get3A_495 : i32 to index
    %get3A_497 = memref.load %arg7[%get3A_496] : memref<1028xi32, #tpu.memory_space<smem>>
    %and3A_498 = arith.constant 127 : i32
    %and3A_499 = arith.andi %get3A_497, %and3A_498 : i32
    %add3A_500 = arith.constant 0 : i32
    %add3A_501 = vector.broadcast %add3A_500 : i32 to vector<16xi32>
    %add3A_502 = arith.addi %add3A_501, %iota3A : vector<16xi32>
    %add3A_503 = arith.constant 16 : i32
    %add3A_504 = vector.broadcast %add3A_503 : i32 to vector<16xi32>
    %add3A_505 = arith.addi %add3A_502, %add3A_504 : vector<16xi32>
    %mul3A_506 = arith.constant 0 : i32
    %mul3A_507 = vector.broadcast %mul3A_506 : i32 to vector<16xi32>
    %mul3A_508 = arith.muli %iota3A, %mul3A_507 : vector<16xi32>
    %add3A_509 = vector.broadcast %and3A_494 : i32 to vector<16xi32>
    %add3A_510 = arith.addi %mul3A_508, %add3A_509 : vector<16xi32>
    %gather3A = tpu.vector_load_idx %arg9[%add3A_502, %add3A_510] : memref<384x128xf32, #tpu.memory_space<vmem>>[vector<16xi32>, vector<16xi32>], vector<16xf32>,
    %mul3A_511 = arith.constant 0 : i32
    %mul3A_512 = vector.broadcast %mul3A_511 : i32 to vector<16xi32>
    %mul3A_513 = arith.muli %iota3A, %mul3A_512 : vector<16xi32>
    %add3A_514 = vector.broadcast %and3A_494 : i32 to vector<16xi32>
    %add3A_515 = arith.addi %mul3A_513, %add3A_514 : vector<16xi32>
    %gather3A_516 = tpu.vector_load_idx %arg9[%add3A_505, %add3A_515] : memref<384x128xf32, #tpu.memory_space<vmem>>[vector<16xi32>, vector<16xi32>], vector<16xf32>,
    %mul3A_517 = arith.constant 0 : i32
    %mul3A_518 = vector.broadcast %mul3A_517 : i32 to vector<16xi32>
    %mul3A_519 = arith.muli %iota3A, %mul3A_518 : vector<16xi32>
    %add3A_520 = vector.broadcast %and3A_499 : i32 to vector<16xi32>
    %add3A_521 = arith.addi %mul3A_519, %add3A_520 : vector<16xi32>
    %gather3A_522 = tpu.vector_load_idx %arg10[%add3A_502, %add3A_521] : memref<384x128xf32, #tpu.memory_space<vmem>>[vector<16xi32>, vector<16xi32>], vector<16xf32>,
    %mul3A_523 = arith.constant 0 : i32
    %mul3A_524 = vector.broadcast %mul3A_523 : i32 to vector<16xi32>
    %mul3A_525 = arith.muli %iota3A, %mul3A_524 : vector<16xi32>
    %add3A_526 = vector.broadcast %and3A_499 : i32 to vector<16xi32>
    %add3A_527 = arith.addi %mul3A_525, %add3A_526 : vector<16xi32>
    %gather3A_528 = tpu.vector_load_idx %arg10[%add3A_505, %add3A_527] : memref<384x128xf32, #tpu.memory_space<vmem>>[vector<16xi32>, vector<16xi32>], vector<16xf32>,
    %mul3A_529 = arith.mulf %gather3A, %gather3A_522 : vector<16xf32>
    %mul3A_530 = arith.mulf %mul3A_529, %get3A_8 : vector<16xf32>
    %mul3A_531 = arith.mulf %gather3A_516, %gather3A_528 : vector<16xf32>
    %mul3A_532 = arith.mulf %mul3A_531, %get3A_10 : vector<16xf32>
    %add3A_533 = arith.addf %mul3A_530, %mul3A_532 : vector<16xf32>
    %swap3A = arith.constant 204 : index
    %swap3A_534 = tpu.vector_load %arg12[%swap3A] {strides = array<i32>} : memref<272xf32, #tpu.memory_space<vmem>>, vector<16xf32>,
    tpu.vector_store %arg12[%swap3A], %add3A_533 {strides = array<i32>} : memref<272xf32, #tpu.memory_space<vmem>>, vector<16xf32>,
    %get3A_535 = arith.constant 986 : i32
    %get3A_536 = arith.index_cast %get3A_535 : i32 to index
    %get3A_537 = memref.load %arg7[%get3A_536] : memref<1028xi32, #tpu.memory_space<smem>>
    %and3A_538 = arith.constant 127 : i32
    %and3A_539 = arith.andi %get3A_537, %and3A_538 : i32
    %get3A_540 = arith.constant 987 : i32
    %get3A_541 = arith.index_cast %get3A_540 : i32 to index
    %get3A_542 = memref.load %arg7[%get3A_541] : memref<1028xi32, #tpu.memory_space<smem>>
    %and3A_543 = arith.constant 127 : i32
    %and3A_544 = arith.andi %get3A_542, %and3A_543 : i32
    %add3A_545 = arith.constant 32 : i32
    %add3A_546 = vector.broadcast %add3A_545 : i32 to vector<16xi32>
    %add3A_547 = arith.addi %add3A_546, %iota3A : vector<16xi32>
    %add3A_548 = arith.constant 16 : i32
    %add3A_549 = vector.broadcast %add3A_548 : i32 to vector<16xi32>
    %add3A_550 = arith.addi %add3A_547, %add3A_549 : vector<16xi32>
    %mul3A_551 = arith.constant 0 : i32
    %mul3A_552 = vector.broadcast %mul3A_551 : i32 to vector<16xi32>
    %mul3A_553 = arith.muli %iota3A, %mul3A_552 : vector<16xi32>
    %add3A_554 = vector.broadcast %and3A_539 : i32 to vector<16xi32>
    %add3A_555 = arith.addi %mul3A_553, %add3A_554 : vector<16xi32>
    %gather3A_556 = tpu.vector_load_idx %arg9[%add3A_547, %add3A_555] : memref<384x128xf32, #tpu.memory_space<vmem>>[vector<16xi32>, vector<16xi32>], vector<16xf32>,
    %mul3A_557 = arith.constant 0 : i32
    %mul3A_558 = vector.broadcast %mul3A_557 : i32 to vector<16xi32>
    %mul3A_559 = arith.muli %iota3A, %mul3A_558 : vector<16xi32>
    %add3A_560 = vector.broadcast %and3A_539 : i32 to vector<16xi32>
    %add3A_561 = arith.addi %mul3A_559, %add3A_560 : vector<16xi32>
    %gather3A_562 = tpu.vector_load_idx %arg9[%add3A_550, %add3A_561] : memref<384x128xf32, #tpu.memory_space<vmem>>[vector<16xi32>, vector<16xi32>], vector<16xf32>,
    %mul3A_563 = arith.constant 0 : i32
    %mul3A_564 = vector.broadcast %mul3A_563 : i32 to vector<16xi32>
    %mul3A_565 = arith.muli %iota3A, %mul3A_564 : vector<16xi32>
    %add3A_566 = vector.broadcast %and3A_544 : i32 to vector<16xi32>
    %add3A_567 = arith.addi %mul3A_565, %add3A_566 : vector<16xi32>
    %gather3A_568 = tpu.vector_load_idx %arg10[%add3A_547, %add3A_567] : memref<384x128xf32, #tpu.memory_space<vmem>>[vector<16xi32>, vector<16xi32>], vector<16xf32>,
    %mul3A_569 = arith.constant 0 : i32
    %mul3A_570 = vector.broadcast %mul3A_569 : i32 to vector<16xi32>
    %mul3A_571 = arith.muli %iota3A, %mul3A_570 : vector<16xi32>
    %add3A_572 = vector.broadcast %and3A_544 : i32 to vector<16xi32>
    %add3A_573 = arith.addi %mul3A_571, %add3A_572 : vector<16xi32>
    %gather3A_574 = tpu.vector_load_idx %arg10[%add3A_550, %add3A_573] : memref<384x128xf32, #tpu.memory_space<vmem>>[vector<16xi32>, vector<16xi32>], vector<16xf32>,
    %mul3A_575 = arith.mulf %gather3A_556, %gather3A_568 : vector<16xf32>
    %mul3A_576 = arith.mulf %mul3A_575, %get3A_8 : vector<16xf32>
    %mul3A_577 = arith.mulf %gather3A_562, %gather3A_574 : vector<16xf32>
    %mul3A_578 = arith.mulf %mul3A_577, %get3A_10 : vector<16xf32>
    %add3A_579 = arith.addf %mul3A_576, %mul3A_578 : vector<16xf32>
    %swap3A_580 = arith.constant 221 : index
    %swap3A_581 = tpu.vector_load %arg12[%swap3A_580] {strides = array<i32>} : memref<272xf32, #tpu.memory_space<vmem>>, vector<16xf32>,
    tpu.vector_store %arg12[%swap3A_580], %add3A_579 {strides = array<i32>} : memref<272xf32, #tpu.memory_space<vmem>>, vector<16xf32>,
    %get3A_582 = arith.constant 1008 : i32
    %get3A_583 = arith.index_cast %get3A_582 : i32 to index
    %get3A_584 = memref.load %arg7[%get3A_583] : memref<1028xi32, #tpu.memory_space<smem>>
    %get3A_585 = arith.constant 1009 : i32
    %get3A_586 = arith.index_cast %get3A_585 : i32 to index
    %get3A_587 = memref.load %arg7[%get3A_586] : memref<1028xi32, #tpu.memory_space<smem>>
    %shift_right_arithmetic3A_588 = arith.constant 7 : i32
    %shift_right_arithmetic3A_589 = arith.shrsi %get3A_584, %shift_right_arithmetic3A_588 : i32
    %shift_left3A_590 = arith.constant 7 : i32
    %shift_left3A_591 = arith.shli %shift_right_arithmetic3A_589, %shift_left3A_590 : i32
    %multiple_of3A_592 = tpu.assume_multiple %shift_left3A_591, 128 : i32
    %shift_right_arithmetic3A_593 = arith.constant 7 : i32
    %shift_right_arithmetic3A_594 = arith.shrsi %get3A_587, %shift_right_arithmetic3A_593 : i32
    %shift_left3A_595 = arith.constant 7 : i32
    %shift_left3A_596 = arith.shli %shift_right_arithmetic3A_594, %shift_left3A_595 : i32
    %multiple_of3A_597 = tpu.assume_multiple %shift_left3A_596, 128 : i32
    %dma_start3A_598 = arith.constant 0 : i32
    %dma_start3A_599 = arith.constant 0 : i32
    %dma_start3A_600 = tpu.memref_slice %arg9[%dma_start3A_598, %dma_start3A_599] : memref<384x128xf32, #tpu.memory_space<vmem>> -> memref<32x128xf32, #tpu.memory_space<vmem>>
    %dma_start3A_601 = arith.constant 0 : i32
    %dma_start3A_602 = tpu.memref_slice %arg3[%dma_start3A_601, %multiple_of3A_592] : memref<32x1000000xf32, #tpu.memory_space<hbm>> -> memref<32x128xf32, #tpu.memory_space<hbm>>
    %dma_start3A_603 = arith.constant 0 : i32
    %dma_start3A_604 = arith.constant 0 : i32
    %dma_start3A_605 = tpu.memref_slice %arg9[%dma_start3A_603, %dma_start3A_604] : memref<384x128xf32, #tpu.memory_space<vmem>> -> memref<32x128xf32, #tpu.memory_space<vmem>>
    %dma_start3A_606 = arith.constant 0 : i32
    %dma_start3A_607 = tpu.memref_slice %arg3[%dma_start3A_606, %multiple_of3A_592] : memref<32x1000000xf32, #tpu.memory_space<hbm>> -> memref<32x128xf32, #tpu.memory_space<hbm>>
    tpu.enqueue_dma source(%dma_start3A_607 : memref<32x128xf32, #tpu.memory_space<hbm>>) target(%dma_start3A_605 : memref<32x128xf32, #tpu.memory_space<vmem>>) target_semaphore(%arg14 : memref<!tpu.dma_semaphore, #tpu.memory_space<semaphore_mem>>)
    %dma_start3A_608 = arith.constant 0 : i32
    %dma_start3A_609 = arith.constant 0 : i32
    %dma_start3A_610 = tpu.memref_slice %arg10[%dma_start3A_608, %dma_start3A_609] : memref<384x128xf32, #tpu.memory_space<vmem>> -> memref<32x128xf32, #tpu.memory_space<vmem>>
    %dma_start3A_611 = arith.constant 0 : i32
    %dma_start3A_612 = tpu.memref_slice %arg4[%dma_start3A_611, %multiple_of3A_597] : memref<32x1000000xf32, #tpu.memory_space<hbm>> -> memref<32x128xf32, #tpu.memory_space<hbm>>
    %dma_start3A_613 = arith.constant 0 : i32
    %dma_start3A_614 = arith.constant 0 : i32
    %dma_start3A_615 = tpu.memref_slice %arg10[%dma_start3A_613, %dma_start3A_614] : memref<384x128xf32, #tpu.memory_space<vmem>> -> memref<32x128xf32, #tpu.memory_space<vmem>>
    %dma_start3A_616 = arith.constant 0 : i32
    %dma_start3A_617 = tpu.memref_slice %arg4[%dma_start3A_616, %multiple_of3A_597] : memref<32x1000000xf32, #tpu.memory_space<hbm>> -> memref<32x128xf32, #tpu.memory_space<hbm>>
    tpu.enqueue_dma source(%dma_start3A_617 : memref<32x128xf32, #tpu.memory_space<hbm>>) target(%dma_start3A_615 : memref<32x128xf32, #tpu.memory_space<vmem>>) target_semaphore(%arg14 : memref<!tpu.dma_semaphore, #tpu.memory_space<semaphore_mem>>)
    %get3A_618 = arith.constant 1010 : i32
    %get3A_619 = arith.index_cast %get3A_618 : i32 to index
    %get3A_620 = memref.load %arg7[%get3A_619] : memref<1028xi32, #tpu.memory_space<smem>>
    %get3A_621 = arith.constant 1011 : i32
    %get3A_622 = arith.index_cast %get3A_621 : i32 to index
    %get3A_623 = memref.load %arg7[%get3A_622] : memref<1028xi32, #tpu.memory_space<smem>>
    %shift_right_arithmetic3A_624 = arith.constant 7 : i32
    %shift_right_arithmetic3A_625 = arith.shrsi %get3A_620, %shift_right_arithmetic3A_624 : i32
    %shift_left3A_626 = arith.constant 7 : i32
    %shift_left3A_627 = arith.shli %shift_right_arithmetic3A_625, %shift_left3A_626 : i32
    %multiple_of3A_628 = tpu.assume_multiple %shift_left3A_627, 128 : i32
    %shift_right_arithmetic3A_629 = arith.constant 7 : i32
    %shift_right_arithmetic3A_630 = arith.shrsi %get3A_623, %shift_right_arithmetic3A_629 : i32
    %shift_left3A_631 = arith.constant 7 : i32
    %shift_left3A_632 = arith.shli %shift_right_arithmetic3A_630, %shift_left3A_631 : i32
    %multiple_of3A_633 = tpu.assume_multiple %shift_left3A_632, 128 : i32
    %dma_start3A_634 = arith.constant 32 : i32
    %dma_start3A_635 = arith.constant 0 : i32
    %dma_start3A_636 = tpu.memref_slice %arg9[%dma_start3A_634, %dma_start3A_635] : memref<384x128xf32, #tpu.memory_space<vmem>> -> memref<32x128xf32, #tpu.memory_space<vmem>>
    %dma_start3A_637 = arith.constant 0 : i32
    %dma_start3A_638 = tpu.memref_slice %arg3[%dma_start3A_637, %multiple_of3A_628] : memref<32x1000000xf32, #tpu.memory_space<hbm>> -> memref<32x128xf32, #tpu.memory_space<hbm>>
    %dma_start3A_639 = arith.constant 32 : i32
    %dma_start3A_640 = arith.constant 0 : i32
    %dma_start3A_641 = tpu.memref_slice %arg9[%dma_start3A_639, %dma_start3A_640] : memref<384x128xf32, #tpu.memory_space<vmem>> -> memref<32x128xf32, #tpu.memory_space<vmem>>
    %dma_start3A_642 = arith.constant 0 : i32
    %dma_start3A_643 = tpu.memref_slice %arg3[%dma_start3A_642, %multiple_of3A_628] : memref<32x1000000xf32, #tpu.memory_space<hbm>> -> memref<32x128xf32, #tpu.memory_space<hbm>>
    tpu.enqueue_dma source(%dma_start3A_643 : memref<32x128xf32, #tpu.memory_space<hbm>>) target(%dma_start3A_641 : memref<32x128xf32, #tpu.memory_space<vmem>>) target_semaphore(%arg14 : memref<!tpu.dma_semaphore, #tpu.memory_space<semaphore_mem>>)
    %dma_start3A_644 = arith.constant 32 : i32
    %dma_start3A_645 = arith.constant 0 : i32
    %dma_start3A_646 = tpu.memref_slice %arg10[%dma_start3A_644, %dma_start3A_645] : memref<384x128xf32, #tpu.memory_space<vmem>> -> memref<32x128xf32, #tpu.memory_space<vmem>>
    %dma_start3A_647 = arith.constant 0 : i32
    %dma_start3A_648 = tpu.memref_slice %arg4[%dma_start3A_647, %multiple_of3A_633] : memref<32x1000000xf32, #tpu.memory_space<hbm>> -> memref<32x128xf32, #tpu.memory_space<hbm>>
    %dma_start3A_649 = arith.constant 32 : i32
    %dma_start3A_650 = arith.constant 0 : i32
    %dma_start3A_651 = tpu.memref_slice %arg10[%dma_start3A_649, %dma_start3A_650] : memref<384x128xf32, #tpu.memory_space<vmem>> -> memref<32x128xf32, #tpu.memory_space<vmem>>
    %dma_start3A_652 = arith.constant 0 : i32
    %dma_start3A_653 = tpu.memref_slice %arg4[%dma_start3A_652, %multiple_of3A_633] : memref<32x1000000xf32, #tpu.memory_space<hbm>> -> memref<32x128xf32, #tpu.memory_space<hbm>>
    tpu.enqueue_dma source(%dma_start3A_653 : memref<32x128xf32, #tpu.memory_space<hbm>>) target(%dma_start3A_651 : memref<32x128xf32, #tpu.memory_space<vmem>>) target_semaphore(%arg14 : memref<!tpu.dma_semaphore, #tpu.memory_space<semaphore_mem>>)
    %dma_wait3A_654 = arith.constant 0 : i32
    %dma_wait3A_655 = arith.constant 0 : i32
    %dma_wait3A_656 = tpu.memref_slice %arg9[%dma_wait3A_654, %dma_wait3A_655] : memref<384x128xf32, #tpu.memory_space<vmem>> -> memref<32x128xf32, #tpu.memory_space<vmem>>
    %dma_wait3A_657 = arith.constant 0 : i32
    %dma_wait3A_658 = arith.constant 0 : i32
    %dma_wait3A_659 = tpu.memref_slice %arg3[%dma_wait3A_657, %dma_wait3A_658] : memref<32x1000000xf32, #tpu.memory_space<hbm>> -> memref<32x128xf32, #tpu.memory_space<hbm>>
    %dma_wait3A_660 = arith.constant 0 : i32
    %dma_wait3A_661 = arith.constant 0 : i32
    %dma_wait3A_662 = tpu.memref_slice %arg9[%dma_wait3A_660, %dma_wait3A_661] : memref<384x128xf32, #tpu.memory_space<vmem>> -> memref<32x128xf32, #tpu.memory_space<vmem>>
    %dma_wait3A_663 = arith.constant 0 : i32
    %dma_wait3A_664 = arith.constant 0 : i32
    %dma_wait3A_665 = tpu.memref_slice %arg3[%dma_wait3A_663, %dma_wait3A_664] : memref<32x1000000xf32, #tpu.memory_space<hbm>> -> memref<32x128xf32, #tpu.memory_space<hbm>>
    tpu.wait_dma2 semaphore(%arg15 : memref<!tpu.dma_semaphore, #tpu.memory_space<semaphore_mem>>) src(%dma_wait3A_665 : memref<32x128xf32, #tpu.memory_space<hbm>>) dst(%dma_wait3A_662 : memref<32x128xf32, #tpu.memory_space<vmem>>)
    %dma_wait3A_666 = arith.constant 0 : i32
    %dma_wait3A_667 = arith.constant 0 : i32
    %dma_wait3A_668 = tpu.memref_slice %arg10[%dma_wait3A_666, %dma_wait3A_667] : memref<384x128xf32, #tpu.memory_space<vmem>> -> memref<32x128xf32, #tpu.memory_space<vmem>>
    %dma_wait3A_669 = arith.constant 0 : i32
    %dma_wait3A_670 = arith.constant 0 : i32
    %dma_wait3A_671 = tpu.memref_slice %arg4[%dma_wait3A_669, %dma_wait3A_670] : memref<32x1000000xf32, #tpu.memory_space<hbm>> -> memref<32x128xf32, #tpu.memory_space<hbm>>
    %dma_wait3A_672 = arith.constant 0 : i32
    %dma_wait3A_673 = arith.constant 0 : i32
    %dma_wait3A_674 = tpu.memref_slice %arg10[%dma_wait3A_672, %dma_wait3A_673] : memref<384x128xf32, #tpu.memory_space<vmem>> -> memref<32x128xf32, #tpu.memory_space<vmem>>
    %dma_wait3A_675 = arith.constant 0 : i32
    %dma_wait3A_676 = arith.constant 0 : i32
    %dma_wait3A_677 = tpu.memref_slice %arg4[%dma_wait3A_675, %dma_wait3A_676] : memref<32x1000000xf32, #tpu.memory_space<hbm>> -> memref<32x128xf32, #tpu.memory_space<hbm>>
    tpu.wait_dma2 semaphore(%arg15 : memref<!tpu.dma_semaphore, #tpu.memory_space<semaphore_mem>>) src(%dma_wait3A_677 : memref<32x128xf32, #tpu.memory_space<hbm>>) dst(%dma_wait3A_674 : memref<32x128xf32, #tpu.memory_space<vmem>>)
    %dma_wait3A_678 = arith.constant 32 : i32
    %dma_wait3A_679 = arith.constant 0 : i32
    %dma_wait3A_680 = tpu.memref_slice %arg9[%dma_wait3A_678, %dma_wait3A_679] : memref<384x128xf32, #tpu.memory_space<vmem>> -> memref<32x128xf32, #tpu.memory_space<vmem>>
    %dma_wait3A_681 = arith.constant 0 : i32
    %dma_wait3A_682 = arith.constant 0 : i32
    %dma_wait3A_683 = tpu.memref_slice %arg3[%dma_wait3A_681, %dma_wait3A_682] : memref<32x1000000xf32, #tpu.memory_space<hbm>> -> memref<32x128xf32, #tpu.memory_space<hbm>>
    %dma_wait3A_684 = arith.constant 32 : i32
    %dma_wait3A_685 = arith.constant 0 : i32
    %dma_wait3A_686 = tpu.memref_slice %arg9[%dma_wait3A_684, %dma_wait3A_685] : memref<384x128xf32, #tpu.memory_space<vmem>> -> memref<32x128xf32, #tpu.memory_space<vmem>>
    %dma_wait3A_687 = arith.constant 0 : i32
    %dma_wait3A_688 = arith.constant 0 : i32
    %dma_wait3A_689 = tpu.memref_slice %arg3[%dma_wait3A_687, %dma_wait3A_688] : memref<32x1000000xf32, #tpu.memory_space<hbm>> -> memref<32x128xf32, #tpu.memory_space<hbm>>
    tpu.wait_dma2 semaphore(%arg15 : memref<!tpu.dma_semaphore, #tpu.memory_space<semaphore_mem>>) src(%dma_wait3A_689 : memref<32x128xf32, #tpu.memory_space<hbm>>) dst(%dma_wait3A_686 : memref<32x128xf32, #tpu.memory_space<vmem>>)
    %dma_wait3A_690 = arith.constant 32 : i32
    %dma_wait3A_691 = arith.constant 0 : i32
    %dma_wait3A_692 = tpu.memref_slice %arg10[%dma_wait3A_690, %dma_wait3A_691] : memref<384x128xf32, #tpu.memory_space<vmem>> -> memref<32x128xf32, #tpu.memory_space<vmem>>
    %dma_wait3A_693 = arith.constant 0 : i32
    %dma_wait3A_694 = arith.constant 0 : i32
    %dma_wait3A_695 = tpu.memref_slice %arg4[%dma_wait3A_693, %dma_wait3A_694] : memref<32x1000000xf32, #tpu.memory_space<hbm>> -> memref<32x128xf32, #tpu.memory_space<hbm>>
    %dma_wait3A_696 = arith.constant 32 : i32
    %dma_wait3A_697 = arith.constant 0 : i32
    %dma_wait3A_698 = tpu.memref_slice %arg10[%dma_wait3A_696, %dma_wait3A_697] : memref<384x128xf32, #tpu.memory_space<vmem>> -> memref<32x128xf32, #tpu.memory_space<vmem>>
    %dma_wait3A_699 = arith.constant 0 : i32
    %dma_wait3A_700 = arith.constant 0 : i32
    %dma_wait3A_701 = tpu.memref_slice %arg4[%dma_wait3A_699, %dma_wait3A_700] : memref<32x1000000xf32, #tpu.memory_space<hbm>> -> memref<32x128xf32, #tpu.memory_space<hbm>>
    tpu.wait_dma2 semaphore(%arg15 : memref<!tpu.dma_semaphore, #tpu.memory_space<semaphore_mem>>) src(%dma_wait3A_701 : memref<32x128xf32, #tpu.memory_space<hbm>>) dst(%dma_wait3A_698 : memref<32x128xf32, #tpu.memory_space<vmem>>)
    %get3A_702 = arith.constant 988 : i32
    %get3A_703 = arith.index_cast %get3A_702 : i32 to index
    %get3A_704 = memref.load %arg7[%get3A_703] : memref<1028xi32, #tpu.memory_space<smem>>
    %and3A_705 = arith.constant 127 : i32
    %and3A_706 = arith.andi %get3A_704, %and3A_705 : i32
    %get3A_707 = arith.constant 989 : i32
    %get3A_708 = arith.index_cast %get3A_707 : i32 to index
    %get3A_709 = memref.load %arg7[%get3A_708] : memref<1028xi32, #tpu.memory_space<smem>>
    %and3A_710 = arith.constant 127 : i32
    %and3A_711 = arith.andi %get3A_709, %and3A_710 : i32
    %add3A_712 = arith.constant 64 : i32
    %add3A_713 = vector.broadcast %add3A_712 : i32 to vector<16xi32>
    %add3A_714 = arith.addi %add3A_713, %iota3A : vector<16xi32>
    %add3A_715 = arith.constant 16 : i32
    %add3A_716 = vector.broadcast %add3A_715 : i32 to vector<16xi32>
    %add3A_717 = arith.addi %add3A_714, %add3A_716 : vector<16xi32>
    %mul3A_718 = arith.constant 0 : i32
    %mul3A_719 = vector.broadcast %mul3A_718 : i32 to vector<16xi32>
    %mul3A_720 = arith.muli %iota3A, %mul3A_719 : vector<16xi32>
    %add3A_721 = vector.broadcast %and3A_706 : i32 to vector<16xi32>
    %add3A_722 = arith.addi %mul3A_720, %add3A_721 : vector<16xi32>
    %gather3A_723 = tpu.vector_load_idx %arg9[%add3A_714, %add3A_722] : memref<384x128xf32, #tpu.memory_space<vmem>>[vector<16xi32>, vector<16xi32>], vector<16xf32>,
    %mul3A_724 = arith.constant 0 : i32
    %mul3A_725 = vector.broadcast %mul3A_724 : i32 to vector<16xi32>
    %mul3A_726 = arith.muli %iota3A, %mul3A_725 : vector<16xi32>
    %add3A_727 = vector.broadcast %and3A_706 : i32 to vector<16xi32>
    %add3A_728 = arith.addi %mul3A_726, %add3A_727 : vector<16xi32>
    %gather3A_729 = tpu.vector_load_idx %arg9[%add3A_717, %add3A_728] : memref<384x128xf32, #tpu.memory_space<vmem>>[vector<16xi32>, vector<16xi32>], vector<16xf32>,
    %mul3A_730 = arith.constant 0 : i32
    %mul3A_731 = vector.broadcast %mul3A_730 : i32 to vector<16xi32>
    %mul3A_732 = arith.muli %iota3A, %mul3A_731 : vector<16xi32>
    %add3A_733 = vector.broadcast %and3A_711 : i32 to vector<16xi32>
    %add3A_734 = arith.addi %mul3A_732, %add3A_733 : vector<16xi32>
    %gather3A_735 = tpu.vector_load_idx %arg10[%add3A_714, %add3A_734] : memref<384x128xf32, #tpu.memory_space<vmem>>[vector<16xi32>, vector<16xi32>], vector<16xf32>,
    %mul3A_736 = arith.constant 0 : i32
    %mul3A_737 = vector.broadcast %mul3A_736 : i32 to vector<16xi32>
    %mul3A_738 = arith.muli %iota3A, %mul3A_737 : vector<16xi32>
    %add3A_739 = vector.broadcast %and3A_711 : i32 to vector<16xi32>
    %add3A_740 = arith.addi %mul3A_738, %add3A_739 : vector<16xi32>
    %gather3A_741 = tpu.vector_load_idx %arg10[%add3A_717, %add3A_740] : memref<384x128xf32, #tpu.memory_space<vmem>>[vector<16xi32>, vector<16xi32>], vector<16xf32>,
    %mul3A_742 = arith.mulf %gather3A_723, %gather3A_735 : vector<16xf32>
    %mul3A_743 = arith.mulf %mul3A_742, %get3A_8 : vector<16xf32>
    %mul3A_744 = arith.mulf %gather3A_729, %gather3A_741 : vector<16xf32>
    %mul3A_745 = arith.mulf %mul3A_744, %get3A_10 : vector<16xf32>
    %add3A_746 = arith.addf %mul3A_743, %mul3A_745 : vector<16xf32>
    %swap3A_747 = arith.constant 238 : index
    %swap3A_748 = tpu.vector_load %arg12[%swap3A_747] {strides = array<i32>} : memref<272xf32, #tpu.memory_space<vmem>>, vector<16xf32>,
    tpu.vector_store %arg12[%swap3A_747], %add3A_746 {strides = array<i32>} : memref<272xf32, #tpu.memory_space<vmem>>, vector<16xf32>,
    %get3A_749 = arith.constant 990 : i32
    %get3A_750 = arith.index_cast %get3A_749 : i32 to index
    %get3A_751 = memref.load %arg7[%get3A_750] : memref<1028xi32, #tpu.memory_space<smem>>
    %and3A_752 = arith.constant 127 : i32
    %and3A_753 = arith.andi %get3A_751, %and3A_752 : i32
    %get3A_754 = arith.constant 991 : i32
    %get3A_755 = arith.index_cast %get3A_754 : i32 to index
    %get3A_756 = memref.load %arg7[%get3A_755] : memref<1028xi32, #tpu.memory_space<smem>>
    %and3A_757 = arith.constant 127 : i32
    %and3A_758 = arith.andi %get3A_756, %and3A_757 : i32
    %add3A_759 = arith.constant 96 : i32
    %add3A_760 = vector.broadcast %add3A_759 : i32 to vector<16xi32>
    %add3A_761 = arith.addi %add3A_760, %iota3A : vector<16xi32>
    %add3A_762 = arith.constant 16 : i32
    %add3A_763 = vector.broadcast %add3A_762 : i32 to vector<16xi32>
    %add3A_764 = arith.addi %add3A_761, %add3A_763 : vector<16xi32>
    %mul3A_765 = arith.constant 0 : i32
    %mul3A_766 = vector.broadcast %mul3A_765 : i32 to vector<16xi32>
    %mul3A_767 = arith.muli %iota3A, %mul3A_766 : vector<16xi32>
    %add3A_768 = vector.broadcast %and3A_753 : i32 to vector<16xi32>
    %add3A_769 = arith.addi %mul3A_767, %add3A_768 : vector<16xi32>
    %gather3A_770 = tpu.vector_load_idx %arg9[%add3A_761, %add3A_769] : memref<384x128xf32, #tpu.memory_space<vmem>>[vector<16xi32>, vector<16xi32>], vector<16xf32>,
    %mul3A_771 = arith.constant 0 : i32
    %mul3A_772 = vector.broadcast %mul3A_771 : i32 to vector<16xi32>
    %mul3A_773 = arith.muli %iota3A, %mul3A_772 : vector<16xi32>
    %add3A_774 = vector.broadcast %and3A_753 : i32 to vector<16xi32>
    %add3A_775 = arith.addi %mul3A_773, %add3A_774 : vector<16xi32>
    %gather3A_776 = tpu.vector_load_idx %arg9[%add3A_764, %add3A_775] : memref<384x128xf32, #tpu.memory_space<vmem>>[vector<16xi32>, vector<16xi32>], vector<16xf32>,
    %mul3A_777 = arith.constant 0 : i32
    %mul3A_778 = vector.broadcast %mul3A_777 : i32 to vector<16xi32>
    %mul3A_779 = arith.muli %iota3A, %mul3A_778 : vector<16xi32>
    %add3A_780 = vector.broadcast %and3A_758 : i32 to vector<16xi32>
    %add3A_781 = arith.addi %mul3A_779, %add3A_780 : vector<16xi32>
    %gather3A_782 = tpu.vector_load_idx %arg10[%add3A_761, %add3A_781] : memref<384x128xf32, #tpu.memory_space<vmem>>[vector<16xi32>, vector<16xi32>], vector<16xf32>,
    %mul3A_783 = arith.constant 0 : i32
    %mul3A_784 = vector.broadcast %mul3A_783 : i32 to vector<16xi32>
    %mul3A_785 = arith.muli %iota3A, %mul3A_784 : vector<16xi32>
    %add3A_786 = vector.broadcast %and3A_758 : i32 to vector<16xi32>
    %add3A_787 = arith.addi %mul3A_785, %add3A_786 : vector<16xi32>
    %gather3A_788 = tpu.vector_load_idx %arg10[%add3A_764, %add3A_787] : memref<384x128xf32, #tpu.memory_space<vmem>>[vector<16xi32>, vector<16xi32>], vector<16xf32>,
    %mul3A_789 = arith.mulf %gather3A_770, %gather3A_782 : vector<16xf32>
    %mul3A_790 = arith.mulf %mul3A_789, %get3A_8 : vector<16xf32>
    %mul3A_791 = arith.mulf %gather3A_776, %gather3A_788 : vector<16xf32>
    %mul3A_792 = arith.mulf %mul3A_791, %get3A_10 : vector<16xf32>
    %add3A_793 = arith.addf %mul3A_790, %mul3A_792 : vector<16xf32>
    %swap3A_794 = arith.constant 255 : index
    %swap3A_795 = tpu.vector_load %arg12[%swap3A_794] {strides = array<i32>} : memref<272xf32, #tpu.memory_space<vmem>>, vector<16xf32>,
    tpu.vector_store %arg12[%swap3A_794], %add3A_793 {strides = array<i32>} : memref<272xf32, #tpu.memory_space<vmem>>, vector<16xf32>,
    %gather3A_796 = tpu.vector_load_idx %arg12[%mul3A_7] : memref<272xf32, #tpu.memory_space<vmem>>[vector<16xi32>], vector<16xf32>,
    %add3A_797 = arith.constant 1 : i32
    %add3A_798 = vector.broadcast %add3A_797 : i32 to vector<16xi32>
    %add3A_799 = arith.addi %mul3A_7, %add3A_798 : vector<16xi32>
    %gather3A_800 = tpu.vector_load_idx %arg12[%add3A_799] : memref<272xf32, #tpu.memory_space<vmem>>[vector<16xi32>], vector<16xf32>,
    %add3A_801 = arith.addf %gather3A_796, %gather3A_800 : vector<16xf32>
    %add3A_802 = arith.constant 2 : i32
    %add3A_803 = vector.broadcast %add3A_802 : i32 to vector<16xi32>
    %add3A_804 = arith.addi %mul3A_7, %add3A_803 : vector<16xi32>
    %gather3A_805 = tpu.vector_load_idx %arg12[%add3A_804] : memref<272xf32, #tpu.memory_space<vmem>>[vector<16xi32>], vector<16xf32>,
    %add3A_806 = arith.addf %add3A_801, %gather3A_805 : vector<16xf32>
    %add3A_807 = arith.constant 3 : i32
    %add3A_808 = vector.broadcast %add3A_807 : i32 to vector<16xi32>
    %add3A_809 = arith.addi %mul3A_7, %add3A_808 : vector<16xi32>
    %gather3A_810 = tpu.vector_load_idx %arg12[%add3A_809] : memref<272xf32, #tpu.memory_space<vmem>>[vector<16xi32>], vector<16xf32>,
    %add3A_811 = arith.addf %add3A_806, %gather3A_810 : vector<16xf32>
    %add3A_812 = arith.constant 4 : i32
    %add3A_813 = vector.broadcast %add3A_812 : i32 to vector<16xi32>
    %add3A_814 = arith.addi %mul3A_7, %add3A_813 : vector<16xi32>
    %gather3A_815 = tpu.vector_load_idx %arg12[%add3A_814] : memref<272xf32, #tpu.memory_space<vmem>>[vector<16xi32>], vector<16xf32>,
    %add3A_816 = arith.addf %add3A_811, %gather3A_815 : vector<16xf32>
    %add3A_817 = arith.constant 5 : i32
    %add3A_818 = vector.broadcast %add3A_817 : i32 to vector<16xi32>
    %add3A_819 = arith.addi %mul3A_7, %add3A_818 : vector<16xi32>
    %gather3A_820 = tpu.vector_load_idx %arg12[%add3A_819] : memref<272xf32, #tpu.memory_space<vmem>>[vector<16xi32>], vector<16xf32>,
    %add3A_821 = arith.addf %add3A_816, %gather3A_820 : vector<16xf32>
    %add3A_822 = arith.constant 6 : i32
    %add3A_823 = vector.broadcast %add3A_822 : i32 to vector<16xi32>
    %add3A_824 = arith.addi %mul3A_7, %add3A_823 : vector<16xi32>
    %gather3A_825 = tpu.vector_load_idx %arg12[%add3A_824] : memref<272xf32, #tpu.memory_space<vmem>>[vector<16xi32>], vector<16xf32>,
    %add3A_826 = arith.addf %add3A_821, %gather3A_825 : vector<16xf32>
    %add3A_827 = arith.constant 7 : i32
    %add3A_828 = vector.broadcast %add3A_827 : i32 to vector<16xi32>
    %add3A_829 = arith.addi %mul3A_7, %add3A_828 : vector<16xi32>
    %gather3A_830 = tpu.vector_load_idx %arg12[%add3A_829] : memref<272xf32, #tpu.memory_space<vmem>>[vector<16xi32>], vector<16xf32>,
    %add3A_831 = arith.addf %add3A_826, %gather3A_830 : vector<16xf32>
    %add3A_832 = arith.constant 8 : i32
    %add3A_833 = vector.broadcast %add3A_832 : i32 to vector<16xi32>
    %add3A_834 = arith.addi %mul3A_7, %add3A_833 : vector<16xi32>
    %gather3A_835 = tpu.vector_load_idx %arg12[%add3A_834] : memref<272xf32, #tpu.memory_space<vmem>>[vector<16xi32>], vector<16xf32>,
    %add3A_836 = arith.addf %add3A_831, %gather3A_835 : vector<16xf32>
    %add3A_837 = arith.constant 9 : i32
    %add3A_838 = vector.broadcast %add3A_837 : i32 to vector<16xi32>
    %add3A_839 = arith.addi %mul3A_7, %add3A_838 : vector<16xi32>
    %gather3A_840 = tpu.vector_load_idx %arg12[%add3A_839] : memref<272xf32, #tpu.memory_space<vmem>>[vector<16xi32>], vector<16xf32>,
    %add3A_841 = arith.addf %add3A_836, %gather3A_840 : vector<16xf32>
    %add3A_842 = arith.constant 10 : i32
    %add3A_843 = vector.broadcast %add3A_842 : i32 to vector<16xi32>
    %add3A_844 = arith.addi %mul3A_7, %add3A_843 : vector<16xi32>
    %gather3A_845 = tpu.vector_load_idx %arg12[%add3A_844] : memref<272xf32, #tpu.memory_space<vmem>>[vector<16xi32>], vector<16xf32>,
    %add3A_846 = arith.addf %add3A_841, %gather3A_845 : vector<16xf32>
    %add3A_847 = arith.constant 11 : i32
    %add3A_848 = vector.broadcast %add3A_847 : i32 to vector<16xi32>
    %add3A_849 = arith.addi %mul3A_7, %add3A_848 : vector<16xi32>
    %gather3A_850 = tpu.vector_load_idx %arg12[%add3A_849] : memref<272xf32, #tpu.memory_space<vmem>>[vector<16xi32>], vector<16xf32>,
    %add3A_851 = arith.addf %add3A_846, %gather3A_850 : vector<16xf32>
    %add3A_852 = arith.constant 12 : i32
    %add3A_853 = vector.broadcast %add3A_852 : i32 to vector<16xi32>
    %add3A_854 = arith.addi %mul3A_7, %add3A_853 : vector<16xi32>
    %gather3A_855 = tpu.vector_load_idx %arg12[%add3A_854] : memref<272xf32, #tpu.memory_space<vmem>>[vector<16xi32>], vector<16xf32>,
    %add3A_856 = arith.addf %add3A_851, %gather3A_855 : vector<16xf32>
    %add3A_857 = arith.constant 13 : i32
    %add3A_858 = vector.broadcast %add3A_857 : i32 to vector<16xi32>
    %add3A_859 = arith.addi %mul3A_7, %add3A_858 : vector<16xi32>
    %gather3A_860 = tpu.vector_load_idx %arg12[%add3A_859] : memref<272xf32, #tpu.memory_space<vmem>>[vector<16xi32>], vector<16xf32>,
    %add3A_861 = arith.addf %add3A_856, %gather3A_860 : vector<16xf32>
    %add3A_862 = arith.constant 14 : i32
    %add3A_863 = vector.broadcast %add3A_862 : i32 to vector<16xi32>
    %add3A_864 = arith.addi %mul3A_7, %add3A_863 : vector<16xi32>
    %gather3A_865 = tpu.vector_load_idx %arg12[%add3A_864] : memref<272xf32, #tpu.memory_space<vmem>>[vector<16xi32>], vector<16xf32>,
    %add3A_866 = arith.addf %add3A_861, %gather3A_865 : vector<16xf32>
    %add3A_867 = arith.constant 15 : i32
    %add3A_868 = vector.broadcast %add3A_867 : i32 to vector<16xi32>
    %add3A_869 = arith.addi %mul3A_7, %add3A_868 : vector<16xi32>
    %gather3A_870 = tpu.vector_load_idx %arg12[%add3A_869] : memref<272xf32, #tpu.memory_space<vmem>>[vector<16xi32>], vector<16xf32>,
    %add3A_871 = arith.addf %add3A_866, %gather3A_870 : vector<16xf32>
    %neg3A = arith.constant 0.000000e+00 : f32
    %neg3A_872 = vector.broadcast %neg3A : f32 to vector<16xf32>
    %neg3A_873 = arith.subf %neg3A_872, %add3A_871 : vector<16xf32>
    %exp3A = math.exp %neg3A_873 : vector<16xf32>
    %add3A_874 = arith.constant 1.000000e+00 : f32
    %add3A_875 = vector.broadcast %add3A_874 : f32 to vector<16xf32>
    %add3A_876 = arith.addf %add3A_875, %exp3A : vector<16xf32>
    %div3A = arith.constant 1.000000e+00 : f32
    %div3A_877 = vector.broadcast %div3A : f32 to vector<16xf32>
    %div3A_878 = arith.divf %div3A_877, %add3A_876 : vector<16xf32>
    %swap3A_879 = arith.constant 480 : index
    %swap3A_880 = tpu.vector_load %arg13[%swap3A_879] {strides = array<i32>} : memref<512xf32, #tpu.memory_space<vmem>>, vector<16xf32>,
    tpu.vector_store %arg13[%swap3A_879], %div3A_878 {strides = array<i32>} : memref<512xf32, #tpu.memory_space<vmem>>, vector<16xf32>,
    %get3A_881 = arith.constant 1012 : i32
    %get3A_882 = arith.index_cast %get3A_881 : i32 to index
    %get3A_883 = memref.load %arg7[%get3A_882] : memref<1028xi32, #tpu.memory_space<smem>>
    %get3A_884 = arith.constant 1013 : i32
    %get3A_885 = arith.index_cast %get3A_884 : i32 to index
    %get3A_886 = memref.load %arg7[%get3A_885] : memref<1028xi32, #tpu.memory_space<smem>>
    %shift_right_arithmetic3A_887 = arith.constant 7 : i32
    %shift_right_arithmetic3A_888 = arith.shrsi %get3A_883, %shift_right_arithmetic3A_887 : i32
    %shift_left3A_889 = arith.constant 7 : i32
    %shift_left3A_890 = arith.shli %shift_right_arithmetic3A_888, %shift_left3A_889 : i32
    %multiple_of3A_891 = tpu.assume_multiple %shift_left3A_890, 128 : i32
    %shift_right_arithmetic3A_892 = arith.constant 7 : i32
    %shift_right_arithmetic3A_893 = arith.shrsi %get3A_886, %shift_right_arithmetic3A_892 : i32
    %shift_left3A_894 = arith.constant 7 : i32
    %shift_left3A_895 = arith.shli %shift_right_arithmetic3A_893, %shift_left3A_894 : i32
    %multiple_of3A_896 = tpu.assume_multiple %shift_left3A_895, 128 : i32
    %dma_start3A_897 = arith.constant 64 : i32
    %dma_start3A_898 = arith.constant 0 : i32
    %dma_start3A_899 = tpu.memref_slice %arg9[%dma_start3A_897, %dma_start3A_898] : memref<384x128xf32, #tpu.memory_space<vmem>> -> memref<32x128xf32, #tpu.memory_space<vmem>>
    %dma_start3A_900 = arith.constant 0 : i32
    %dma_start3A_901 = tpu.memref_slice %arg3[%dma_start3A_900, %multiple_of3A_891] : memref<32x1000000xf32, #tpu.memory_space<hbm>> -> memref<32x128xf32, #tpu.memory_space<hbm>>
    %dma_start3A_902 = arith.constant 64 : i32
    %dma_start3A_903 = arith.constant 0 : i32
    %dma_start3A_904 = tpu.memref_slice %arg9[%dma_start3A_902, %dma_start3A_903] : memref<384x128xf32, #tpu.memory_space<vmem>> -> memref<32x128xf32, #tpu.memory_space<vmem>>
    %dma_start3A_905 = arith.constant 0 : i32
    %dma_start3A_906 = tpu.memref_slice %arg3[%dma_start3A_905, %multiple_of3A_891] : memref<32x1000000xf32, #tpu.memory_space<hbm>> -> memref<32x128xf32, #tpu.memory_space<hbm>>
    tpu.enqueue_dma source(%dma_start3A_906 : memref<32x128xf32, #tpu.memory_space<hbm>>) target(%dma_start3A_904 : memref<32x128xf32, #tpu.memory_space<vmem>>) target_semaphore(%arg15 : memref<!tpu.dma_semaphore, #tpu.memory_space<semaphore_mem>>)
    %dma_start3A_907 = arith.constant 64 : i32
    %dma_start3A_908 = arith.constant 0 : i32
    %dma_start3A_909 = tpu.memref_slice %arg10[%dma_start3A_907, %dma_start3A_908] : memref<384x128xf32, #tpu.memory_space<vmem>> -> memref<32x128xf32, #tpu.memory_space<vmem>>
    %dma_start3A_910 = arith.constant 0 : i32
    %dma_start3A_911 = tpu.memref_slice %arg4[%dma_start3A_910, %multiple_of3A_896] : memref<32x1000000xf32, #tpu.memory_space<hbm>> -> memref<32x128xf32, #tpu.memory_space<hbm>>
    %dma_start3A_912 = arith.constant 64 : i32
    %dma_start3A_913 = arith.constant 0 : i32
    %dma_start3A_914 = tpu.memref_slice %arg10[%dma_start3A_912, %dma_start3A_913] : memref<384x128xf32, #tpu.memory_space<vmem>> -> memref<32x128xf32, #tpu.memory_space<vmem>>
    %dma_start3A_915 = arith.constant 0 : i32
    %dma_start3A_916 = tpu.memref_slice %arg4[%dma_start3A_915, %multiple_of3A_896] : memref<32x1000000xf32, #tpu.memory_space<hbm>> -> memref<32x128xf32, #tpu.memory_space<hbm>>
    tpu.enqueue_dma source(%dma_start3A_916 : memref<32x128xf32, #tpu.memory_space<hbm>>) target(%dma_start3A_914 : memref<32x128xf32, #tpu.memory_space<vmem>>) target_semaphore(%arg15 : memref<!tpu.dma_semaphore, #tpu.memory_space<semaphore_mem>>)
    %get3A_917 = arith.constant 1014 : i32
    %get3A_918 = arith.index_cast %get3A_917 : i32 to index
    %get3A_919 = memref.load %arg7[%get3A_918] : memref<1028xi32, #tpu.memory_space<smem>>
    %get3A_920 = arith.constant 1015 : i32
    %get3A_921 = arith.index_cast %get3A_920 : i32 to index
    %get3A_922 = memref.load %arg7[%get3A_921] : memref<1028xi32, #tpu.memory_space<smem>>
    %shift_right_arithmetic3A_923 = arith.constant 7 : i32
    %shift_right_arithmetic3A_924 = arith.shrsi %get3A_919, %shift_right_arithmetic3A_923 : i32
    %shift_left3A_925 = arith.constant 7 : i32
    %shift_left3A_926 = arith.shli %shift_right_arithmetic3A_924, %shift_left3A_925 : i32
    %multiple_of3A_927 = tpu.assume_multiple %shift_left3A_926, 128 : i32
    %shift_right_arithmetic3A_928 = arith.constant 7 : i32
    %shift_right_arithmetic3A_929 = arith.shrsi %get3A_922, %shift_right_arithmetic3A_928 : i32
    %shift_left3A_930 = arith.constant 7 : i32
    %shift_left3A_931 = arith.shli %shift_right_arithmetic3A_929, %shift_left3A_930 : i32
    %multiple_of3A_932 = tpu.assume_multiple %shift_left3A_931, 128 : i32
    %dma_start3A_933 = arith.constant 96 : i32
    %dma_start3A_934 = arith.constant 0 : i32
    %dma_start3A_935 = tpu.memref_slice %arg9[%dma_start3A_933, %dma_start3A_934] : memref<384x128xf32, #tpu.memory_space<vmem>> -> memref<32x128xf32, #tpu.memory_space<vmem>>
    %dma_start3A_936 = arith.constant 0 : i32
    %dma_start3A_937 = tpu.memref_slice %arg3[%dma_start3A_936, %multiple_of3A_927] : memref<32x1000000xf32, #tpu.memory_space<hbm>> -> memref<32x128xf32, #tpu.memory_space<hbm>>
    %dma_start3A_938 = arith.constant 96 : i32
    %dma_start3A_939 = arith.constant 0 : i32
    %dma_start3A_940 = tpu.memref_slice %arg9[%dma_start3A_938, %dma_start3A_939] : memref<384x128xf32, #tpu.memory_space<vmem>> -> memref<32x128xf32, #tpu.memory_space<vmem>>
    %dma_start3A_941 = arith.constant 0 : i32
    %dma_start3A_942 = tpu.memref_slice %arg3[%dma_start3A_941, %multiple_of3A_927] : memref<32x1000000xf32, #tpu.memory_space<hbm>> -> memref<32x128xf32, #tpu.memory_space<hbm>>
    tpu.enqueue_dma source(%dma_start3A_942 : memref<32x128xf32, #tpu.memory_space<hbm>>) target(%dma_start3A_940 : memref<32x128xf32, #tpu.memory_space<vmem>>) target_semaphore(%arg15 : memref<!tpu.dma_semaphore, #tpu.memory_space<semaphore_mem>>)
    %dma_start3A_943 = arith.constant 96 : i32
    %dma_start3A_944 = arith.constant 0 : i32
    %dma_start3A_945 = tpu.memref_slice %arg10[%dma_start3A_943, %dma_start3A_944] : memref<384x128xf32, #tpu.memory_space<vmem>> -> memref<32x128xf32, #tpu.memory_space<vmem>>
    %dma_start3A_946 = arith.constant 0 : i32
    %dma_start3A_947 = tpu.memref_slice %arg4[%dma_start3A_946, %multiple_of3A_932] : memref<32x1000000xf32, #tpu.memory_space<hbm>> -> memref<32x128xf32, #tpu.memory_space<hbm>>
    %dma_start3A_948 = arith.constant 96 : i32
    %dma_start3A_949 = arith.constant 0 : i32
    %dma_start3A_950 = tpu.memref_slice %arg10[%dma_start3A_948, %dma_start3A_949] : memref<384x128xf32, #tpu.memory_space<vmem>> -> memref<32x128xf32, #tpu.memory_space<vmem>>
    %dma_start3A_951 = arith.constant 0 : i32
    %dma_start3A_952 = tpu.memref_slice %arg4[%dma_start3A_951, %multiple_of3A_932] : memref<32x1000000xf32, #tpu.memory_space<hbm>> -> memref<32x128xf32, #tpu.memory_space<hbm>>
    tpu.enqueue_dma source(%dma_start3A_952 : memref<32x128xf32, #tpu.memory_space<hbm>>) target(%dma_start3A_950 : memref<32x128xf32, #tpu.memory_space<vmem>>) target_semaphore(%arg15 : memref<!tpu.dma_semaphore, #tpu.memory_space<semaphore_mem>>)
    %dma_wait3A_953 = arith.constant 0 : i32
    %dma_wait3A_954 = arith.constant 0 : i32
    %dma_wait3A_955 = tpu.memref_slice %arg9[%dma_wait3A_953, %dma_wait3A_954] : memref<384x128xf32, #tpu.memory_space<vmem>> -> memref<32x128xf32, #tpu.memory_space<vmem>>
    %dma_wait3A_956 = arith.constant 0 : i32
    %dma_wait3A_957 = arith.constant 0 : i32
    %dma_wait3A_958 = tpu.memref_slice %arg3[%dma_wait3A_956, %dma_wait3A_957] : memref<32x1000000xf32, #tpu.memory_space<hbm>> -> memref<32x128xf32, #tpu.memory_space<hbm>>
    %dma_wait3A_959 = arith.constant 0 : i32
    %dma_wait3A_960 = arith.constant 0 : i32
    %dma_wait3A_961 = tpu.memref_slice %arg9[%dma_wait3A_959, %dma_wait3A_960] : memref<384x128xf32, #tpu.memory_space<vmem>> -> memref<32x128xf32, #tpu.memory_space<vmem>>
    %dma_wait3A_962 = arith.constant 0 : i32
    %dma_wait3A_963 = arith.constant 0 : i32
    %dma_wait3A_964 = tpu.memref_slice %arg3[%dma_wait3A_962, %dma_wait3A_963] : memref<32x1000000xf32, #tpu.memory_space<hbm>> -> memref<32x128xf32, #tpu.memory_space<hbm>>
    tpu.wait_dma2 semaphore(%arg16 : memref<!tpu.dma_semaphore, #tpu.memory_space<semaphore_mem>>) src(%dma_wait3A_964 : memref<32x128xf32, #tpu.memory_space<hbm>>) dst(%dma_wait3A_961 : memref<32x128xf32, #tpu.memory_space<vmem>>)
    %dma_wait3A_965 = arith.constant 0 : i32
    %dma_wait3A_966 = arith.constant 0 : i32
    %dma_wait3A_967 = tpu.memref_slice %arg10[%dma_wait3A_965, %dma_wait3A_966] : memref<384x128xf32, #tpu.memory_space<vmem>> -> memref<32x128xf32, #tpu.memory_space<vmem>>
    %dma_wait3A_968 = arith.constant 0 : i32
    %dma_wait3A_969 = arith.constant 0 : i32
    %dma_wait3A_970 = tpu.memref_slice %arg4[%dma_wait3A_968, %dma_wait3A_969] : memref<32x1000000xf32, #tpu.memory_space<hbm>> -> memref<32x128xf32, #tpu.memory_space<hbm>>
    %dma_wait3A_971 = arith.constant 0 : i32
    %dma_wait3A_972 = arith.constant 0 : i32
    %dma_wait3A_973 = tpu.memref_slice %arg10[%dma_wait3A_971, %dma_wait3A_972] : memref<384x128xf32, #tpu.memory_space<vmem>> -> memref<32x128xf32, #tpu.memory_space<vmem>>
    %dma_wait3A_974 = arith.constant 0 : i32
    %dma_wait3A_975 = arith.constant 0 : i32
    %dma_wait3A_976 = tpu.memref_slice %arg4[%dma_wait3A_974, %dma_wait3A_975] : memref<32x1000000xf32, #tpu.memory_space<hbm>> -> memref<32x128xf32, #tpu.memory_space<hbm>>
    tpu.wait_dma2 semaphore(%arg16 : memref<!tpu.dma_semaphore, #tpu.memory_space<semaphore_mem>>) src(%dma_wait3A_976 : memref<32x128xf32, #tpu.memory_space<hbm>>) dst(%dma_wait3A_973 : memref<32x128xf32, #tpu.memory_space<vmem>>)
    %dma_wait3A_977 = arith.constant 32 : i32
    %dma_wait3A_978 = arith.constant 0 : i32
    %dma_wait3A_979 = tpu.memref_slice %arg9[%dma_wait3A_977, %dma_wait3A_978] : memref<384x128xf32, #tpu.memory_space<vmem>> -> memref<32x128xf32, #tpu.memory_space<vmem>>
    %dma_wait3A_980 = arith.constant 0 : i32
    %dma_wait3A_981 = arith.constant 0 : i32
    %dma_wait3A_982 = tpu.memref_slice %arg3[%dma_wait3A_980, %dma_wait3A_981] : memref<32x1000000xf32, #tpu.memory_space<hbm>> -> memref<32x128xf32, #tpu.memory_space<hbm>>
    %dma_wait3A_983 = arith.constant 32 : i32
    %dma_wait3A_984 = arith.constant 0 : i32
    %dma_wait3A_985 = tpu.memref_slice %arg9[%dma_wait3A_983, %dma_wait3A_984] : memref<384x128xf32, #tpu.memory_space<vmem>> -> memref<32x128xf32, #tpu.memory_space<vmem>>
    %dma_wait3A_986 = arith.constant 0 : i32
    %dma_wait3A_987 = arith.constant 0 : i32
    %dma_wait3A_988 = tpu.memref_slice %arg3[%dma_wait3A_986, %dma_wait3A_987] : memref<32x1000000xf32, #tpu.memory_space<hbm>> -> memref<32x128xf32, #tpu.memory_space<hbm>>
    tpu.wait_dma2 semaphore(%arg16 : memref<!tpu.dma_semaphore, #tpu.memory_space<semaphore_mem>>) src(%dma_wait3A_988 : memref<32x128xf32, #tpu.memory_space<hbm>>) dst(%dma_wait3A_985 : memref<32x128xf32, #tpu.memory_space<vmem>>)
    %dma_wait3A_989 = arith.constant 32 : i32
    %dma_wait3A_990 = arith.constant 0 : i32
    %dma_wait3A_991 = tpu.memref_slice %arg10[%dma_wait3A_989, %dma_wait3A_990] : memref<384x128xf32, #tpu.memory_space<vmem>> -> memref<32x128xf32, #tpu.memory_space<vmem>>
    %dma_wait3A_992 = arith.constant 0 : i32
    %dma_wait3A_993 = arith.constant 0 : i32
    %dma_wait3A_994 = tpu.memref_slice %arg4[%dma_wait3A_992, %dma_wait3A_993] : memref<32x1000000xf32, #tpu.memory_space<hbm>> -> memref<32x128xf32, #tpu.memory_space<hbm>>
    %dma_wait3A_995 = arith.constant 32 : i32
    %dma_wait3A_996 = arith.constant 0 : i32
    %dma_wait3A_997 = tpu.memref_slice %arg10[%dma_wait3A_995, %dma_wait3A_996] : memref<384x128xf32, #tpu.memory_space<vmem>> -> memref<32x128xf32, #tpu.memory_space<vmem>>
    %dma_wait3A_998 = arith.constant 0 : i32
    %dma_wait3A_999 = arith.constant 0 : i32
    %dma_wait3A_1000 = tpu.memref_slice %arg4[%dma_wait3A_998, %dma_wait3A_999] : memref<32x1000000xf32, #tpu.memory_space<hbm>> -> memref<32x128xf32, #tpu.memory_space<hbm>>
    tpu.wait_dma2 semaphore(%arg16 : memref<!tpu.dma_semaphore, #tpu.memory_space<semaphore_mem>>) src(%dma_wait3A_1000 : memref<32x128xf32, #tpu.memory_space<hbm>>) dst(%dma_wait3A_997 : memref<32x128xf32, #tpu.memory_space<vmem>>)
    %get3A_1001 = arith.constant 992 : i32
    %get3A_1002 = arith.index_cast %get3A_1001 : i32 to index
    %get3A_1003 = memref.load %arg7[%get3A_1002] : memref<1028xi32, #tpu.memory_space<smem>>
    %and3A_1004 = arith.constant 127 : i32
    %and3A_1005 = arith.andi %get3A_1003, %and3A_1004 : i32
    %get3A_1006 = arith.constant 993 : i32
    %get3A_1007 = arith.index_cast %get3A_1006 : i32 to index
    %get3A_1008 = memref.load %arg7[%get3A_1007] : memref<1028xi32, #tpu.memory_space<smem>>
    %and3A_1009 = arith.constant 127 : i32
    %and3A_1010 = arith.andi %get3A_1008, %and3A_1009 : i32
    %add3A_1011 = arith.constant 128 : i32
    %add3A_1012 = vector.broadcast %add3A_1011 : i32 to vector<16xi32>
    %add3A_1013 = arith.addi %add3A_1012, %iota3A : vector<16xi32>
    %add3A_1014 = arith.constant 16 : i32
    %add3A_1015 = vector.broadcast %add3A_1014 : i32 to vector<16xi32>
    %add3A_1016 = arith.addi %add3A_1013, %add3A_1015 : vector<16xi32>
    %mul3A_1017 = arith.constant 0 : i32
    %mul3A_1018 = vector.broadcast %mul3A_1017 : i32 to vector<16xi32>
    %mul3A_1019 = arith.muli %iota3A, %mul3A_1018 : vector<16xi32>
    %add3A_1020 = vector.broadcast %and3A_1005 : i32 to vector<16xi32>
    %add3A_1021 = arith.addi %mul3A_1019, %add3A_1020 : vector<16xi32>
    %gather3A_1022 = tpu.vector_load_idx %arg9[%add3A_1013, %add3A_1021] : memref<384x128xf32, #tpu.memory_space<vmem>>[vector<16xi32>, vector<16xi32>], vector<16xf32>,
    %mul3A_1023 = arith.constant 0 : i32
    %mul3A_1024 = vector.broadcast %mul3A_1023 : i32 to vector<16xi32>
    %mul3A_1025 = arith.muli %iota3A, %mul3A_1024 : vector<16xi32>
    %add3A_1026 = vector.broadcast %and3A_1005 : i32 to vector<16xi32>
    %add3A_1027 = arith.addi %mul3A_1025, %add3A_1026 : vector<16xi32>
    %gather3A_1028 = tpu.vector_load_idx %arg9[%add3A_1016, %add3A_1027] : memref<384x128xf32, #tpu.memory_space<vmem>>[vector<16xi32>, vector<16xi32>], vector<16xf32>,
    %mul3A_1029 = arith.constant 0 : i32
    %mul3A_1030 = vector.broadcast %mul3A_1029 : i32 to vector<16xi32>
    %mul3A_1031 = arith.muli %iota3A, %mul3A_1030 : vector<16xi32>
    %add3A_1032 = vector.broadcast %and3A_1010 : i32 to vector<16xi32>
    %add3A_1033 = arith.addi %mul3A_1031, %add3A_1032 : vector<16xi32>
    %gather3A_1034 = tpu.vector_load_idx %arg10[%add3A_1013, %add3A_1033] : memref<384x128xf32, #tpu.memory_space<vmem>>[vector<16xi32>, vector<16xi32>], vector<16xf32>,
    %mul3A_1035 = arith.constant 0 : i32
    %mul3A_1036 = vector.broadcast %mul3A_1035 : i32 to vector<16xi32>
    %mul3A_1037 = arith.muli %iota3A, %mul3A_1036 : vector<16xi32>
    %add3A_1038 = vector.broadcast %and3A_1010 : i32 to vector<16xi32>
    %add3A_1039 = arith.addi %mul3A_1037, %add3A_1038 : vector<16xi32>
    %gather3A_1040 = tpu.vector_load_idx %arg10[%add3A_1016, %add3A_1039] : memref<384x128xf32, #tpu.memory_space<vmem>>[vector<16xi32>, vector<16xi32>], vector<16xf32>,
    %mul3A_1041 = arith.mulf %gather3A_1022, %gather3A_1034 : vector<16xf32>
    %mul3A_1042 = arith.mulf %mul3A_1041, %get3A_8 : vector<16xf32>
    %mul3A_1043 = arith.mulf %gather3A_1028, %gather3A_1040 : vector<16xf32>
    %mul3A_1044 = arith.mulf %mul3A_1043, %get3A_10 : vector<16xf32>
    %add3A_1045 = arith.addf %mul3A_1042, %mul3A_1044 : vector<16xf32>
    %swap3A_1046 = arith.constant 0 : index
    %swap3A_1047 = tpu.vector_load %arg12[%swap3A_1046] {strides = array<i32>} : memref<272xf32, #tpu.memory_space<vmem>>, vector<16xf32>,
    tpu.vector_store %arg12[%swap3A_1046], %add3A_1045 {strides = array<i32>} : memref<272xf32, #tpu.memory_space<vmem>>, vector<16xf32>,
    %get3A_1048 = arith.constant 994 : i32
    %get3A_1049 = arith.index_cast %get3A_1048 : i32 to index
    %get3A_1050 = memref.load %arg7[%get3A_1049] : memref<1028xi32, #tpu.memory_space<smem>>
    %and3A_1051 = arith.constant 127 : i32
    %and3A_1052 = arith.andi %get3A_1050, %and3A_1051 : i32
    %get3A_1053 = arith.constant 995 : i32
    %get3A_1054 = arith.index_cast %get3A_1053 : i32 to index
    %get3A_1055 = memref.load %arg7[%get3A_1054] : memref<1028xi32, #tpu.memory_space<smem>>
    %and3A_1056 = arith.constant 127 : i32
    %and3A_1057 = arith.andi %get3A_1055, %and3A_1056 : i32
    %add3A_1058 = arith.constant 160 : i32
    %add3A_1059 = vector.broadcast %add3A_1058 : i32 to vector<16xi32>
    %add3A_1060 = arith.addi %add3A_1059, %iota3A : vector<16xi32>
    %add3A_1061 = arith.constant 16 : i32
    %add3A_1062 = vector.broadcast %add3A_1061 : i32 to vector<16xi32>
    %add3A_1063 = arith.addi %add3A_1060, %add3A_1062 : vector<16xi32>
    %mul3A_1064 = arith.constant 0 : i32
    %mul3A_1065 = vector.broadcast %mul3A_1064 : i32 to vector<16xi32>
    %mul3A_1066 = arith.muli %iota3A, %mul3A_1065 : vector<16xi32>
    %add3A_1067 = vector.broadcast %and3A_1052 : i32 to vector<16xi32>
    %add3A_1068 = arith.addi %mul3A_1066, %add3A_1067 : vector<16xi32>
    %gather3A_1069 = tpu.vector_load_idx %arg9[%add3A_1060, %add3A_1068] : memref<384x128xf32, #tpu.memory_space<vmem>>[vector<16xi32>, vector<16xi32>], vector<16xf32>,
    %mul3A_1070 = arith.constant 0 : i32
    %mul3A_1071 = vector.broadcast %mul3A_1070 : i32 to vector<16xi32>
    %mul3A_1072 = arith.muli %iota3A, %mul3A_1071 : vector<16xi32>
    %add3A_1073 = vector.broadcast %and3A_1052 : i32 to vector<16xi32>
    %add3A_1074 = arith.addi %mul3A_1072, %add3A_1073 : vector<16xi32>
    %gather3A_1075 = tpu.vector_load_idx %arg9[%add3A_1063, %add3A_1074] : memref<384x128xf32, #tpu.memory_space<vmem>>[vector<16xi32>, vector<16xi32>], vector<16xf32>,
    %mul3A_1076 = arith.constant 0 : i32
    %mul3A_1077 = vector.broadcast %mul3A_1076 : i32 to vector<16xi32>
    %mul3A_1078 = arith.muli %iota3A, %mul3A_1077 : vector<16xi32>
    %add3A_1079 = vector.broadcast %and3A_1057 : i32 to vector<16xi32>
    %add3A_1080 = arith.addi %mul3A_1078, %add3A_1079 : vector<16xi32>
    %gather3A_1081 = tpu.vector_load_idx %arg10[%add3A_1060, %add3A_1080] : memref<384x128xf32, #tpu.memory_space<vmem>>[vector<16xi32>, vector<16xi32>], vector<16xf32>,
    %mul3A_1082 = arith.constant 0 : i32
    %mul3A_1083 = vector.broadcast %mul3A_1082 : i32 to vector<16xi32>
    %mul3A_1084 = arith.muli %iota3A, %mul3A_1083 : vector<16xi32>
    %add3A_1085 = vector.broadcast %and3A_1057 : i32 to vector<16xi32>
    %add3A_1086 = arith.addi %mul3A_1084, %add3A_1085 : vector<16xi32>
    %gather3A_1087 = tpu.vector_load_idx %arg10[%add3A_1063, %add3A_1086] : memref<384x128xf32, #tpu.memory_space<vmem>>[vector<16xi32>, vector<16xi32>], vector<16xf32>,
    %mul3A_1088 = arith.mulf %gather3A_1069, %gather3A_1081 : vector<16xf32>
    %mul3A_1089 = arith.mulf %mul3A_1088, %get3A_8 : vector<16xf32>
    %mul3A_1090 = arith.mulf %gather3A_1075, %gather3A_1087 : vector<16xf32>
    %mul3A_1091 = arith.mulf %mul3A_1090, %get3A_10 : vector<16xf32>
    %add3A_1092 = arith.addf %mul3A_1089, %mul3A_1091 : vector<16xf32>
    %swap3A_1093 = arith.constant 17 : index
    %swap3A_1094 = tpu.vector_load %arg12[%swap3A_1093] {strides = array<i32>} : memref<272xf32, #tpu.memory_space<vmem>>, vector<16xf32>,
    tpu.vector_store %arg12[%swap3A_1093], %add3A_1092 {strides = array<i32>} : memref<272xf32, #tpu.memory_space<vmem>>, vector<16xf32>,
    %get3A_1095 = arith.constant 1016 : i32
    %get3A_1096 = arith.index_cast %get3A_1095 : i32 to index
    %get3A_1097 = memref.load %arg7[%get3A_1096] : memref<1028xi32, #tpu.memory_space<smem>>
    %get3A_1098 = arith.constant 1017 : i32
    %get3A_1099 = arith.index_cast %get3A_1098 : i32 to index
    %get3A_1100 = memref.load %arg7[%get3A_1099] : memref<1028xi32, #tpu.memory_space<smem>>
    %shift_right_arithmetic3A_1101 = arith.constant 7 : i32
    %shift_right_arithmetic3A_1102 = arith.shrsi %get3A_1097, %shift_right_arithmetic3A_1101 : i32
    %shift_left3A_1103 = arith.constant 7 : i32
    %shift_left3A_1104 = arith.shli %shift_right_arithmetic3A_1102, %shift_left3A_1103 : i32
    %multiple_of3A_1105 = tpu.assume_multiple %shift_left3A_1104, 128 : i32
    %shift_right_arithmetic3A_1106 = arith.constant 7 : i32
    %shift_right_arithmetic3A_1107 = arith.shrsi %get3A_1100, %shift_right_arithmetic3A_1106 : i32
    %shift_left3A_1108 = arith.constant 7 : i32
    %shift_left3A_1109 = arith.shli %shift_right_arithmetic3A_1107, %shift_left3A_1108 : i32
    %multiple_of3A_1110 = tpu.assume_multiple %shift_left3A_1109, 128 : i32
    %dma_start3A_1111 = arith.constant 128 : i32
    %dma_start3A_1112 = arith.constant 0 : i32
    %dma_start3A_1113 = tpu.memref_slice %arg9[%dma_start3A_1111, %dma_start3A_1112] : memref<384x128xf32, #tpu.memory_space<vmem>> -> memref<32x128xf32, #tpu.memory_space<vmem>>
    %dma_start3A_1114 = arith.constant 0 : i32
    %dma_start3A_1115 = tpu.memref_slice %arg3[%dma_start3A_1114, %multiple_of3A_1105] : memref<32x1000000xf32, #tpu.memory_space<hbm>> -> memref<32x128xf32, #tpu.memory_space<hbm>>
    %dma_start3A_1116 = arith.constant 128 : i32
    %dma_start3A_1117 = arith.constant 0 : i32
    %dma_start3A_1118 = tpu.memref_slice %arg9[%dma_start3A_1116, %dma_start3A_1117] : memref<384x128xf32, #tpu.memory_space<vmem>> -> memref<32x128xf32, #tpu.memory_space<vmem>>
    %dma_start3A_1119 = arith.constant 0 : i32
    %dma_start3A_1120 = tpu.memref_slice %arg3[%dma_start3A_1119, %multiple_of3A_1105] : memref<32x1000000xf32, #tpu.memory_space<hbm>> -> memref<32x128xf32, #tpu.memory_space<hbm>>
    tpu.enqueue_dma source(%dma_start3A_1120 : memref<32x128xf32, #tpu.memory_space<hbm>>) target(%dma_start3A_1118 : memref<32x128xf32, #tpu.memory_space<vmem>>) target_semaphore(%arg16 : memref<!tpu.dma_semaphore, #tpu.memory_space<semaphore_mem>>)
    %dma_start3A_1121 = arith.constant 128 : i32
    %dma_start3A_1122 = arith.constant 0 : i32
    %dma_start3A_1123 = tpu.memref_slice %arg10[%dma_start3A_1121, %dma_start3A_1122] : memref<384x128xf32, #tpu.memory_space<vmem>> -> memref<32x128xf32, #tpu.memory_space<vmem>>
    %dma_start3A_1124 = arith.constant 0 : i32
    %dma_start3A_1125 = tpu.memref_slice %arg4[%dma_start3A_1124, %multiple_of3A_1110] : memref<32x1000000xf32, #tpu.memory_space<hbm>> -> memref<32x128xf32, #tpu.memory_space<hbm>>
    %dma_start3A_1126 = arith.constant 128 : i32
    %dma_start3A_1127 = arith.constant 0 : i32
    %dma_start3A_1128 = tpu.memref_slice %arg10[%dma_start3A_1126, %dma_start3A_1127] : memref<384x128xf32, #tpu.memory_space<vmem>> -> memref<32x128xf32, #tpu.memory_space<vmem>>
    %dma_start3A_1129 = arith.constant 0 : i32
    %dma_start3A_1130 = tpu.memref_slice %arg4[%dma_start3A_1129, %multiple_of3A_1110] : memref<32x1000000xf32, #tpu.memory_space<hbm>> -> memref<32x128xf32, #tpu.memory_space<hbm>>
    tpu.enqueue_dma source(%dma_start3A_1130 : memref<32x128xf32, #tpu.memory_space<hbm>>) target(%dma_start3A_1128 : memref<32x128xf32, #tpu.memory_space<vmem>>) target_semaphore(%arg16 : memref<!tpu.dma_semaphore, #tpu.memory_space<semaphore_mem>>)
    %get3A_1131 = arith.constant 1018 : i32
    %get3A_1132 = arith.index_cast %get3A_1131 : i32 to index
    %get3A_1133 = memref.load %arg7[%get3A_1132] : memref<1028xi32, #tpu.memory_space<smem>>
    %get3A_1134 = arith.constant 1019 : i32
    %get3A_1135 = arith.index_cast %get3A_1134 : i32 to index
    %get3A_1136 = memref.load %arg7[%get3A_1135] : memref<1028xi32, #tpu.memory_space<smem>>
    %shift_right_arithmetic3A_1137 = arith.constant 7 : i32
    %shift_right_arithmetic3A_1138 = arith.shrsi %get3A_1133, %shift_right_arithmetic3A_1137 : i32
    %shift_left3A_1139 = arith.constant 7 : i32
    %shift_left3A_1140 = arith.shli %shift_right_arithmetic3A_1138, %shift_left3A_1139 : i32
    %multiple_of3A_1141 = tpu.assume_multiple %shift_left3A_1140, 128 : i32
    %shift_right_arithmetic3A_1142 = arith.constant 7 : i32
    %shift_right_arithmetic3A_1143 = arith.shrsi %get3A_1136, %shift_right_arithmetic3A_1142 : i32
    %shift_left3A_1144 = arith.constant 7 : i32
    %shift_left3A_1145 = arith.shli %shift_right_arithmetic3A_1143, %shift_left3A_1144 : i32
    %multiple_of3A_1146 = tpu.assume_multiple %shift_left3A_1145, 128 : i32
    %dma_start3A_1147 = arith.constant 160 : i32
    %dma_start3A_1148 = arith.constant 0 : i32
    %dma_start3A_1149 = tpu.memref_slice %arg9[%dma_start3A_1147, %dma_start3A_1148] : memref<384x128xf32, #tpu.memory_space<vmem>> -> memref<32x128xf32, #tpu.memory_space<vmem>>
    %dma_start3A_1150 = arith.constant 0 : i32
    %dma_start3A_1151 = tpu.memref_slice %arg3[%dma_start3A_1150, %multiple_of3A_1141] : memref<32x1000000xf32, #tpu.memory_space<hbm>> -> memref<32x128xf32, #tpu.memory_space<hbm>>
    %dma_start3A_1152 = arith.constant 160 : i32
    %dma_start3A_1153 = arith.constant 0 : i32
    %dma_start3A_1154 = tpu.memref_slice %arg9[%dma_start3A_1152, %dma_start3A_1153] : memref<384x128xf32, #tpu.memory_space<vmem>> -> memref<32x128xf32, #tpu.memory_space<vmem>>
    %dma_start3A_1155 = arith.constant 0 : i32
    %dma_start3A_1156 = tpu.memref_slice %arg3[%dma_start3A_1155, %multiple_of3A_1141] : memref<32x1000000xf32, #tpu.memory_space<hbm>> -> memref<32x128xf32, #tpu.memory_space<hbm>>
    tpu.enqueue_dma source(%dma_start3A_1156 : memref<32x128xf32, #tpu.memory_space<hbm>>) target(%dma_start3A_1154 : memref<32x128xf32, #tpu.memory_space<vmem>>) target_semaphore(%arg16 : memref<!tpu.dma_semaphore, #tpu.memory_space<semaphore_mem>>)
    %dma_start3A_1157 = arith.constant 160 : i32
    %dma_start3A_1158 = arith.constant 0 : i32
    %dma_start3A_1159 = tpu.memref_slice %arg10[%dma_start3A_1157, %dma_start3A_1158] : memref<384x128xf32, #tpu.memory_space<vmem>> -> memref<32x128xf32, #tpu.memory_space<vmem>>
    %dma_start3A_1160 = arith.constant 0 : i32
    %dma_start3A_1161 = tpu.memref_slice %arg4[%dma_start3A_1160, %multiple_of3A_1146] : memref<32x1000000xf32, #tpu.memory_space<hbm>> -> memref<32x128xf32, #tpu.memory_space<hbm>>
    %dma_start3A_1162 = arith.constant 160 : i32
    %dma_start3A_1163 = arith.constant 0 : i32
    %dma_start3A_1164 = tpu.memref_slice %arg10[%dma_start3A_1162, %dma_start3A_1163] : memref<384x128xf32, #tpu.memory_space<vmem>> -> memref<32x128xf32, #tpu.memory_space<vmem>>
    %dma_start3A_1165 = arith.constant 0 : i32
    %dma_start3A_1166 = tpu.memref_slice %arg4[%dma_start3A_1165, %multiple_of3A_1146] : memref<32x1000000xf32, #tpu.memory_space<hbm>> -> memref<32x128xf32, #tpu.memory_space<hbm>>
    tpu.enqueue_dma source(%dma_start3A_1166 : memref<32x128xf32, #tpu.memory_space<hbm>>) target(%dma_start3A_1164 : memref<32x128xf32, #tpu.memory_space<vmem>>) target_semaphore(%arg16 : memref<!tpu.dma_semaphore, #tpu.memory_space<semaphore_mem>>)
    %dma_wait3A_1167 = arith.constant 0 : i32
    %dma_wait3A_1168 = arith.constant 0 : i32
    %dma_wait3A_1169 = tpu.memref_slice %arg9[%dma_wait3A_1167, %dma_wait3A_1168] : memref<384x128xf32, #tpu.memory_space<vmem>> -> memref<32x128xf32, #tpu.memory_space<vmem>>
    %dma_wait3A_1170 = arith.constant 0 : i32
    %dma_wait3A_1171 = arith.constant 0 : i32
    %dma_wait3A_1172 = tpu.memref_slice %arg3[%dma_wait3A_1170, %dma_wait3A_1171] : memref<32x1000000xf32, #tpu.memory_space<hbm>> -> memref<32x128xf32, #tpu.memory_space<hbm>>
    %dma_wait3A_1173 = arith.constant 0 : i32
    %dma_wait3A_1174 = arith.constant 0 : i32
    %dma_wait3A_1175 = tpu.memref_slice %arg9[%dma_wait3A_1173, %dma_wait3A_1174] : memref<384x128xf32, #tpu.memory_space<vmem>> -> memref<32x128xf32, #tpu.memory_space<vmem>>
    %dma_wait3A_1176 = arith.constant 0 : i32
    %dma_wait3A_1177 = arith.constant 0 : i32
    %dma_wait3A_1178 = tpu.memref_slice %arg3[%dma_wait3A_1176, %dma_wait3A_1177] : memref<32x1000000xf32, #tpu.memory_space<hbm>> -> memref<32x128xf32, #tpu.memory_space<hbm>>
    tpu.wait_dma2 semaphore(%arg17 : memref<!tpu.dma_semaphore, #tpu.memory_space<semaphore_mem>>) src(%dma_wait3A_1178 : memref<32x128xf32, #tpu.memory_space<hbm>>) dst(%dma_wait3A_1175 : memref<32x128xf32, #tpu.memory_space<vmem>>)
    %dma_wait3A_1179 = arith.constant 0 : i32
    %dma_wait3A_1180 = arith.constant 0 : i32
    %dma_wait3A_1181 = tpu.memref_slice %arg10[%dma_wait3A_1179, %dma_wait3A_1180] : memref<384x128xf32, #tpu.memory_space<vmem>> -> memref<32x128xf32, #tpu.memory_space<vmem>>
    %dma_wait3A_1182 = arith.constant 0 : i32
    %dma_wait3A_1183 = arith.constant 0 : i32
    %dma_wait3A_1184 = tpu.memref_slice %arg4[%dma_wait3A_1182, %dma_wait3A_1183] : memref<32x1000000xf32, #tpu.memory_space<hbm>> -> memref<32x128xf32, #tpu.memory_space<hbm>>
    %dma_wait3A_1185 = arith.constant 0 : i32
    %dma_wait3A_1186 = arith.constant 0 : i32
    %dma_wait3A_1187 = tpu.memref_slice %arg10[%dma_wait3A_1185, %dma_wait3A_1186] : memref<384x128xf32, #tpu.memory_space<vmem>> -> memref<32x128xf32, #tpu.memory_space<vmem>>
    %dma_wait3A_1188 = arith.constant 0 : i32
    %dma_wait3A_1189 = arith.constant 0 : i32
    %dma_wait3A_1190 = tpu.memref_slice %arg4[%dma_wait3A_1188, %dma_wait3A_1189] : memref<32x1000000xf32, #tpu.memory_space<hbm>> -> memref<32x128xf32, #tpu.memory_space<hbm>>
    tpu.wait_dma2 semaphore(%arg17 : memref<!tpu.dma_semaphore, #tpu.memory_space<semaphore_mem>>) src(%dma_wait3A_1190 : memref<32x128xf32, #tpu.memory_space<hbm>>) dst(%dma_wait3A_1187 : memref<32x128xf32, #tpu.memory_space<vmem>>)
    %dma_wait3A_1191 = arith.constant 32 : i32
    %dma_wait3A_1192 = arith.constant 0 : i32
    %dma_wait3A_1193 = tpu.memref_slice %arg9[%dma_wait3A_1191, %dma_wait3A_1192] : memref<384x128xf32, #tpu.memory_space<vmem>> -> memref<32x128xf32, #tpu.memory_space<vmem>>
    %dma_wait3A_1194 = arith.constant 0 : i32
    %dma_wait3A_1195 = arith.constant 0 : i32
    %dma_wait3A_1196 = tpu.memref_slice %arg3[%dma_wait3A_1194, %dma_wait3A_1195] : memref<32x1000000xf32, #tpu.memory_space<hbm>> -> memref<32x128xf32, #tpu.memory_space<hbm>>
    %dma_wait3A_1197 = arith.constant 32 : i32
    %dma_wait3A_1198 = arith.constant 0 : i32
    %dma_wait3A_1199 = tpu.memref_slice %arg9[%dma_wait3A_1197, %dma_wait3A_1198] : memref<384x128xf32, #tpu.memory_space<vmem>> -> memref<32x128xf32, #tpu.memory_space<vmem>>
    %dma_wait3A_1200 = arith.constant 0 : i32
    %dma_wait3A_1201 = arith.constant 0 : i32
    %dma_wait3A_1202 = tpu.memref_slice %arg3[%dma_wait3A_1200, %dma_wait3A_1201] : memref<32x1000000xf32, #tpu.memory_space<hbm>> -> memref<32x128xf32, #tpu.memory_space<hbm>>
    tpu.wait_dma2 semaphore(%arg17 : memref<!tpu.dma_semaphore, #tpu.memory_space<semaphore_mem>>) src(%dma_wait3A_1202 : memref<32x128xf32, #tpu.memory_space<hbm>>) dst(%dma_wait3A_1199 : memref<32x128xf32, #tpu.memory_space<vmem>>)
    %dma_wait3A_1203 = arith.constant 32 : i32
    %dma_wait3A_1204 = arith.constant 0 : i32
    %dma_wait3A_1205 = tpu.memref_slice %arg10[%dma_wait3A_1203, %dma_wait3A_1204] : memref<384x128xf32, #tpu.memory_space<vmem>> -> memref<32x128xf32, #tpu.memory_space<vmem>>
    %dma_wait3A_1206 = arith.constant 0 : i32
    %dma_wait3A_1207 = arith.constant 0 : i32
    %dma_wait3A_1208 = tpu.memref_slice %arg4[%dma_wait3A_1206, %dma_wait3A_1207] : memref<32x1000000xf32, #tpu.memory_space<hbm>> -> memref<32x128xf32, #tpu.memory_space<hbm>>
    %dma_wait3A_1209 = arith.constant 32 : i32
    %dma_wait3A_1210 = arith.constant 0 : i32
    %dma_wait3A_1211 = tpu.memref_slice %arg10[%dma_wait3A_1209, %dma_wait3A_1210] : memref<384x128xf32, #tpu.memory_space<vmem>> -> memref<32x128xf32, #tpu.memory_space<vmem>>
    %dma_wait3A_1212 = arith.constant 0 : i32
    %dma_wait3A_1213 = arith.constant 0 : i32
    %dma_wait3A_1214 = tpu.memref_slice %arg4[%dma_wait3A_1212, %dma_wait3A_1213] : memref<32x1000000xf32, #tpu.memory_space<hbm>> -> memref<32x128xf32, #tpu.memory_space<hbm>>
    tpu.wait_dma2 semaphore(%arg17 : memref<!tpu.dma_semaphore, #tpu.memory_space<semaphore_mem>>) src(%dma_wait3A_1214 : memref<32x128xf32, #tpu.memory_space<hbm>>) dst(%dma_wait3A_1211 : memref<32x128xf32, #tpu.memory_space<vmem>>)
    %get3A_1215 = arith.constant 996 : i32
    %get3A_1216 = arith.index_cast %get3A_1215 : i32 to index
    %get3A_1217 = memref.load %arg7[%get3A_1216] : memref<1028xi32, #tpu.memory_space<smem>>
    %and3A_1218 = arith.constant 127 : i32
    %and3A_1219 = arith.andi %get3A_1217, %and3A_1218 : i32
    %get3A_1220 = arith.constant 997 : i32
    %get3A_1221 = arith.index_cast %get3A_1220 : i32 to index
    %get3A_1222 = memref.load %arg7[%get3A_1221] : memref<1028xi32, #tpu.memory_space<smem>>
    %and3A_1223 = arith.constant 127 : i32
    %and3A_1224 = arith.andi %get3A_1222, %and3A_1223 : i32
    %add3A_1225 = arith.constant 192 : i32
    %add3A_1226 = vector.broadcast %add3A_1225 : i32 to vector<16xi32>
    %add3A_1227 = arith.addi %add3A_1226, %iota3A : vector<16xi32>
    %add3A_1228 = arith.constant 16 : i32
    %add3A_1229 = vector.broadcast %add3A_1228 : i32 to vector<16xi32>
    %add3A_1230 = arith.addi %add3A_1227, %add3A_1229 : vector<16xi32>
    %mul3A_1231 = arith.constant 0 : i32
    %mul3A_1232 = vector.broadcast %mul3A_1231 : i32 to vector<16xi32>
    %mul3A_1233 = arith.muli %iota3A, %mul3A_1232 : vector<16xi32>
    %add3A_1234 = vector.broadcast %and3A_1219 : i32 to vector<16xi32>
    %add3A_1235 = arith.addi %mul3A_1233, %add3A_1234 : vector<16xi32>
    %gather3A_1236 = tpu.vector_load_idx %arg9[%add3A_1227, %add3A_1235] : memref<384x128xf32, #tpu.memory_space<vmem>>[vector<16xi32>, vector<16xi32>], vector<16xf32>,
    %mul3A_1237 = arith.constant 0 : i32
    %mul3A_1238 = vector.broadcast %mul3A_1237 : i32 to vector<16xi32>
    %mul3A_1239 = arith.muli %iota3A, %mul3A_1238 : vector<16xi32>
    %add3A_1240 = vector.broadcast %and3A_1219 : i32 to vector<16xi32>
    %add3A_1241 = arith.addi %mul3A_1239, %add3A_1240 : vector<16xi32>
    %gather3A_1242 = tpu.vector_load_idx %arg9[%add3A_1230, %add3A_1241] : memref<384x128xf32, #tpu.memory_space<vmem>>[vector<16xi32>, vector<16xi32>], vector<16xf32>,
    %mul3A_1243 = arith.constant 0 : i32
    %mul3A_1244 = vector.broadcast %mul3A_1243 : i32 to vector<16xi32>
    %mul3A_1245 = arith.muli %iota3A, %mul3A_1244 : vector<16xi32>
    %add3A_1246 = vector.broadcast %and3A_1224 : i32 to vector<16xi32>
    %add3A_1247 = arith.addi %mul3A_1245, %add3A_1246 : vector<16xi32>
    %gather3A_1248 = tpu.vector_load_idx %arg10[%add3A_1227, %add3A_1247] : memref<384x128xf32, #tpu.memory_space<vmem>>[vector<16xi32>, vector<16xi32>], vector<16xf32>,
    %mul3A_1249 = arith.constant 0 : i32
    %mul3A_1250 = vector.broadcast %mul3A_1249 : i32 to vector<16xi32>
    %mul3A_1251 = arith.muli %iota3A, %mul3A_1250 : vector<16xi32>
    %add3A_1252 = vector.broadcast %and3A_1224 : i32 to vector<16xi32>
    %add3A_1253 = arith.addi %mul3A_1251, %add3A_1252 : vector<16xi32>
    %gather3A_1254 = tpu.vector_load_idx %arg10[%add3A_1230, %add3A_1253] : memref<384x128xf32, #tpu.memory_space<vmem>>[vector<16xi32>, vector<16xi32>], vector<16xf32>,
    %mul3A_1255 = arith.mulf %gather3A_1236, %gather3A_1248 : vector<16xf32>
    %mul3A_1256 = arith.mulf %mul3A_1255, %get3A_8 : vector<16xf32>
    %mul3A_1257 = arith.mulf %gather3A_1242, %gather3A_1254 : vector<16xf32>
    %mul3A_1258 = arith.mulf %mul3A_1257, %get3A_10 : vector<16xf32>
    %add3A_1259 = arith.addf %mul3A_1256, %mul3A_1258 : vector<16xf32>
    %swap3A_1260 = arith.constant 34 : index
    %swap3A_1261 = tpu.vector_load %arg12[%swap3A_1260] {strides = array<i32>} : memref<272xf32, #tpu.memory_space<vmem>>, vector<16xf32>,
    tpu.vector_store %arg12[%swap3A_1260], %add3A_1259 {strides = array<i32>} : memref<272xf32, #tpu.memory_space<vmem>>, vector<16xf32>,
    %get3A_1262 = arith.constant 998 : i32
    %get3A_1263 = arith.index_cast %get3A_1262 : i32 to index
    %get3A_1264 = memref.load %arg7[%get3A_1263] : memref<1028xi32, #tpu.memory_space<smem>>
    %and3A_1265 = arith.constant 127 : i32
    %and3A_1266 = arith.andi %get3A_1264, %and3A_1265 : i32
    %get3A_1267 = arith.constant 999 : i32
    %get3A_1268 = arith.index_cast %get3A_1267 : i32 to index
    %get3A_1269 = memref.load %arg7[%get3A_1268] : memref<1028xi32, #tpu.memory_space<smem>>
    %and3A_1270 = arith.constant 127 : i32
    %and3A_1271 = arith.andi %get3A_1269, %and3A_1270 : i32
    %add3A_1272 = arith.constant 224 : i32
    %add3A_1273 = vector.broadcast %add3A_1272 : i32 to vector<16xi32>
    %add3A_1274 = arith.addi %add3A_1273, %iota3A : vector<16xi32>
    %add3A_1275 = arith.constant 16 : i32
    %add3A_1276 = vector.broadcast %add3A_1275 : i32 to vector<16xi32>
    %add3A_1277 = arith.addi %add3A_1274, %add3A_1276 : vector<16xi32>
    %mul3A_1278 = arith.constant 0 : i32
    %mul3A_1279 = vector.broadcast %mul3A_1278 : i32 to vector<16xi32>
    %mul3A_1280 = arith.muli %iota3A, %mul3A_1279 : vector<16xi32>
    %add3A_1281 = vector.broadcast %and3A_1266 : i32 to vector<16xi32>
    %add3A_1282 = arith.addi %mul3A_1280, %add3A_1281 : vector<16xi32>
    %gather3A_1283 = tpu.vector_load_idx %arg9[%add3A_1274, %add3A_1282] : memref<384x128xf32, #tpu.memory_space<vmem>>[vector<16xi32>, vector<16xi32>], vector<16xf32>,
    %mul3A_1284 = arith.constant 0 : i32
    %mul3A_1285 = vector.broadcast %mul3A_1284 : i32 to vector<16xi32>
    %mul3A_1286 = arith.muli %iota3A, %mul3A_1285 : vector<16xi32>
    %add3A_1287 = vector.broadcast %and3A_1266 : i32 to vector<16xi32>
    %add3A_1288 = arith.addi %mul3A_1286, %add3A_1287 : vector<16xi32>
    %gather3A_1289 = tpu.vector_load_idx %arg9[%add3A_1277, %add3A_1288] : memref<384x128xf32, #tpu.memory_space<vmem>>[vector<16xi32>, vector<16xi32>], vector<16xf32>,
    %mul3A_1290 = arith.constant 0 : i32
    %mul3A_1291 = vector.broadcast %mul3A_1290 : i32 to vector<16xi32>
    %mul3A_1292 = arith.muli %iota3A, %mul3A_1291 : vector<16xi32>
    %add3A_1293 = vector.broadcast %and3A_1271 : i32 to vector<16xi32>
    %add3A_1294 = arith.addi %mul3A_1292, %add3A_1293 : vector<16xi32>
    %gather3A_1295 = tpu.vector_load_idx %arg10[%add3A_1274, %add3A_1294] : memref<384x128xf32, #tpu.memory_space<vmem>>[vector<16xi32>, vector<16xi32>], vector<16xf32>,
    %mul3A_1296 = arith.constant 0 : i32
    %mul3A_1297 = vector.broadcast %mul3A_1296 : i32 to vector<16xi32>
    %mul3A_1298 = arith.muli %iota3A, %mul3A_1297 : vector<16xi32>
    %add3A_1299 = vector.broadcast %and3A_1271 : i32 to vector<16xi32>
    %add3A_1300 = arith.addi %mul3A_1298, %add3A_1299 : vector<16xi32>
    %gather3A_1301 = tpu.vector_load_idx %arg10[%add3A_1277, %add3A_1300] : memref<384x128xf32, #tpu.memory_space<vmem>>[vector<16xi32>, vector<16xi32>], vector<16xf32>,
    %mul3A_1302 = arith.mulf %gather3A_1283, %gather3A_1295 : vector<16xf32>
    %mul3A_1303 = arith.mulf %mul3A_1302, %get3A_8 : vector<16xf32>
    %mul3A_1304 = arith.mulf %gather3A_1289, %gather3A_1301 : vector<16xf32>
    %mul3A_1305 = arith.mulf %mul3A_1304, %get3A_10 : vector<16xf32>
    %add3A_1306 = arith.addf %mul3A_1303, %mul3A_1305 : vector<16xf32>
    %swap3A_1307 = arith.constant 51 : index
    %swap3A_1308 = tpu.vector_load %arg12[%swap3A_1307] {strides = array<i32>} : memref<272xf32, #tpu.memory_space<vmem>>, vector<16xf32>,
    tpu.vector_store %arg12[%swap3A_1307], %add3A_1306 {strides = array<i32>} : memref<272xf32, #tpu.memory_space<vmem>>, vector<16xf32>,
    %get3A_1309 = arith.constant 1020 : i32
    %get3A_1310 = arith.index_cast %get3A_1309 : i32 to index
    %get3A_1311 = memref.load %arg7[%get3A_1310] : memref<1028xi32, #tpu.memory_space<smem>>
    %get3A_1312 = arith.constant 1021 : i32
    %get3A_1313 = arith.index_cast %get3A_1312 : i32 to index
    %get3A_1314 = memref.load %arg7[%get3A_1313] : memref<1028xi32, #tpu.memory_space<smem>>
    %shift_right_arithmetic3A_1315 = arith.constant 7 : i32
    %shift_right_arithmetic3A_1316 = arith.shrsi %get3A_1311, %shift_right_arithmetic3A_1315 : i32
    %shift_left3A_1317 = arith.constant 7 : i32
    %shift_left3A_1318 = arith.shli %shift_right_arithmetic3A_1316, %shift_left3A_1317 : i32
    %multiple_of3A_1319 = tpu.assume_multiple %shift_left3A_1318, 128 : i32
    %shift_right_arithmetic3A_1320 = arith.constant 7 : i32
    %shift_right_arithmetic3A_1321 = arith.shrsi %get3A_1314, %shift_right_arithmetic3A_1320 : i32
    %shift_left3A_1322 = arith.constant 7 : i32
    %shift_left3A_1323 = arith.shli %shift_right_arithmetic3A_1321, %shift_left3A_1322 : i32
    %multiple_of3A_1324 = tpu.assume_multiple %shift_left3A_1323, 128 : i32
    %dma_start3A_1325 = arith.constant 192 : i32
    %dma_start3A_1326 = arith.constant 0 : i32
    %dma_start3A_1327 = tpu.memref_slice %arg9[%dma_start3A_1325, %dma_start3A_1326] : memref<384x128xf32, #tpu.memory_space<vmem>> -> memref<32x128xf32, #tpu.memory_space<vmem>>
    %dma_start3A_1328 = arith.constant 0 : i32
    %dma_start3A_1329 = tpu.memref_slice %arg3[%dma_start3A_1328, %multiple_of3A_1319] : memref<32x1000000xf32, #tpu.memory_space<hbm>> -> memref<32x128xf32, #tpu.memory_space<hbm>>
    %dma_start3A_1330 = arith.constant 192 : i32
    %dma_start3A_1331 = arith.constant 0 : i32
    %dma_start3A_1332 = tpu.memref_slice %arg9[%dma_start3A_1330, %dma_start3A_1331] : memref<384x128xf32, #tpu.memory_space<vmem>> -> memref<32x128xf32, #tpu.memory_space<vmem>>
    %dma_start3A_1333 = arith.constant 0 : i32
    %dma_start3A_1334 = tpu.memref_slice %arg3[%dma_start3A_1333, %multiple_of3A_1319] : memref<32x1000000xf32, #tpu.memory_space<hbm>> -> memref<32x128xf32, #tpu.memory_space<hbm>>
    tpu.enqueue_dma source(%dma_start3A_1334 : memref<32x128xf32, #tpu.memory_space<hbm>>) target(%dma_start3A_1332 : memref<32x128xf32, #tpu.memory_space<vmem>>) target_semaphore(%arg17 : memref<!tpu.dma_semaphore, #tpu.memory_space<semaphore_mem>>)
    %dma_start3A_1335 = arith.constant 192 : i32
    %dma_start3A_1336 = arith.constant 0 : i32
    %dma_start3A_1337 = tpu.memref_slice %arg10[%dma_start3A_1335, %dma_start3A_1336] : memref<384x128xf32, #tpu.memory_space<vmem>> -> memref<32x128xf32, #tpu.memory_space<vmem>>
    %dma_start3A_1338 = arith.constant 0 : i32
    %dma_start3A_1339 = tpu.memref_slice %arg4[%dma_start3A_1338, %multiple_of3A_1324] : memref<32x1000000xf32, #tpu.memory_space<hbm>> -> memref<32x128xf32, #tpu.memory_space<hbm>>
    %dma_start3A_1340 = arith.constant 192 : i32
    %dma_start3A_1341 = arith.constant 0 : i32
    %dma_start3A_1342 = tpu.memref_slice %arg10[%dma_start3A_1340, %dma_start3A_1341] : memref<384x128xf32, #tpu.memory_space<vmem>> -> memref<32x128xf32, #tpu.memory_space<vmem>>
    %dma_start3A_1343 = arith.constant 0 : i32
    %dma_start3A_1344 = tpu.memref_slice %arg4[%dma_start3A_1343, %multiple_of3A_1324] : memref<32x1000000xf32, #tpu.memory_space<hbm>> -> memref<32x128xf32, #tpu.memory_space<hbm>>
    tpu.enqueue_dma source(%dma_start3A_1344 : memref<32x128xf32, #tpu.memory_space<hbm>>) target(%dma_start3A_1342 : memref<32x128xf32, #tpu.memory_space<vmem>>) target_semaphore(%arg17 : memref<!tpu.dma_semaphore, #tpu.memory_space<semaphore_mem>>)
    %get3A_1345 = arith.constant 1022 : i32
    %get3A_1346 = arith.index_cast %get3A_1345 : i32 to index
    %get3A_1347 = memref.load %arg7[%get3A_1346] : memref<1028xi32, #tpu.memory_space<smem>>
    %get3A_1348 = arith.constant 1023 : i32
    %get3A_1349 = arith.index_cast %get3A_1348 : i32 to index
    %get3A_1350 = memref.load %arg7[%get3A_1349] : memref<1028xi32, #tpu.memory_space<smem>>
    %shift_right_arithmetic3A_1351 = arith.constant 7 : i32
    %shift_right_arithmetic3A_1352 = arith.shrsi %get3A_1347, %shift_right_arithmetic3A_1351 : i32
    %shift_left3A_1353 = arith.constant 7 : i32
    %shift_left3A_1354 = arith.shli %shift_right_arithmetic3A_1352, %shift_left3A_1353 : i32
    %multiple_of3A_1355 = tpu.assume_multiple %shift_left3A_1354, 128 : i32
    %shift_right_arithmetic3A_1356 = arith.constant 7 : i32
    %shift_right_arithmetic3A_1357 = arith.shrsi %get3A_1350, %shift_right_arithmetic3A_1356 : i32
    %shift_left3A_1358 = arith.constant 7 : i32
    %shift_left3A_1359 = arith.shli %shift_right_arithmetic3A_1357, %shift_left3A_1358 : i32
    %multiple_of3A_1360 = tpu.assume_multiple %shift_left3A_1359, 128 : i32
    %dma_start3A_1361 = arith.constant 224 : i32
    %dma_start3A_1362 = arith.constant 0 : i32
    %dma_start3A_1363 = tpu.memref_slice %arg9[%dma_start3A_1361, %dma_start3A_1362] : memref<384x128xf32, #tpu.memory_space<vmem>> -> memref<32x128xf32, #tpu.memory_space<vmem>>
    %dma_start3A_1364 = arith.constant 0 : i32
    %dma_start3A_1365 = tpu.memref_slice %arg3[%dma_start3A_1364, %multiple_of3A_1355] : memref<32x1000000xf32, #tpu.memory_space<hbm>> -> memref<32x128xf32, #tpu.memory_space<hbm>>
    %dma_start3A_1366 = arith.constant 224 : i32
    %dma_start3A_1367 = arith.constant 0 : i32
    %dma_start3A_1368 = tpu.memref_slice %arg9[%dma_start3A_1366, %dma_start3A_1367] : memref<384x128xf32, #tpu.memory_space<vmem>> -> memref<32x128xf32, #tpu.memory_space<vmem>>
    %dma_start3A_1369 = arith.constant 0 : i32
    %dma_start3A_1370 = tpu.memref_slice %arg3[%dma_start3A_1369, %multiple_of3A_1355] : memref<32x1000000xf32, #tpu.memory_space<hbm>> -> memref<32x128xf32, #tpu.memory_space<hbm>>
    tpu.enqueue_dma source(%dma_start3A_1370 : memref<32x128xf32, #tpu.memory_space<hbm>>) target(%dma_start3A_1368 : memref<32x128xf32, #tpu.memory_space<vmem>>) target_semaphore(%arg17 : memref<!tpu.dma_semaphore, #tpu.memory_space<semaphore_mem>>)
    %dma_start3A_1371 = arith.constant 224 : i32
    %dma_start3A_1372 = arith.constant 0 : i32
    %dma_start3A_1373 = tpu.memref_slice %arg10[%dma_start3A_1371, %dma_start3A_1372] : memref<384x128xf32, #tpu.memory_space<vmem>> -> memref<32x128xf32, #tpu.memory_space<vmem>>
    %dma_start3A_1374 = arith.constant 0 : i32
    %dma_start3A_1375 = tpu.memref_slice %arg4[%dma_start3A_1374, %multiple_of3A_1360] : memref<32x1000000xf32, #tpu.memory_space<hbm>> -> memref<32x128xf32, #tpu.memory_space<hbm>>
    %dma_start3A_1376 = arith.constant 224 : i32
    %dma_start3A_1377 = arith.constant 0 : i32
    %dma_start3A_1378 = tpu.memref_slice %arg10[%dma_start3A_1376, %dma_start3A_1377] : memref<384x128xf32, #tpu.memory_space<vmem>> -> memref<32x128xf32, #tpu.memory_space<vmem>>
    %dma_start3A_1379 = arith.constant 0 : i32
    %dma_start3A_1380 = tpu.memref_slice %arg4[%dma_start3A_1379, %multiple_of3A_1360] : memref<32x1000000xf32, #tpu.memory_space<hbm>> -> memref<32x128xf32, #tpu.memory_space<hbm>>
    tpu.enqueue_dma source(%dma_start3A_1380 : memref<32x128xf32, #tpu.memory_space<hbm>>) target(%dma_start3A_1378 : memref<32x128xf32, #tpu.memory_space<vmem>>) target_semaphore(%arg17 : memref<!tpu.dma_semaphore, #tpu.memory_space<semaphore_mem>>)
    %dma_wait3A_1381 = arith.constant 0 : i32
    %dma_wait3A_1382 = arith.constant 0 : i32
    %dma_wait3A_1383 = tpu.memref_slice %arg9[%dma_wait3A_1381, %dma_wait3A_1382] : memref<384x128xf32, #tpu.memory_space<vmem>> -> memref<32x128xf32, #tpu.memory_space<vmem>>
    %dma_wait3A_1384 = arith.constant 0 : i32
    %dma_wait3A_1385 = arith.constant 0 : i32
    %dma_wait3A_1386 = tpu.memref_slice %arg3[%dma_wait3A_1384, %dma_wait3A_1385] : memref<32x1000000xf32, #tpu.memory_space<hbm>> -> memref<32x128xf32, #tpu.memory_space<hbm>>
    %dma_wait3A_1387 = arith.constant 0 : i32
    %dma_wait3A_1388 = arith.constant 0 : i32
    %dma_wait3A_1389 = tpu.memref_slice %arg9[%dma_wait3A_1387, %dma_wait3A_1388] : memref<384x128xf32, #tpu.memory_space<vmem>> -> memref<32x128xf32, #tpu.memory_space<vmem>>
    %dma_wait3A_1390 = arith.constant 0 : i32
    %dma_wait3A_1391 = arith.constant 0 : i32
    %dma_wait3A_1392 = tpu.memref_slice %arg3[%dma_wait3A_1390, %dma_wait3A_1391] : memref<32x1000000xf32, #tpu.memory_space<hbm>> -> memref<32x128xf32, #tpu.memory_space<hbm>>
    tpu.wait_dma2 semaphore(%arg18 : memref<!tpu.dma_semaphore, #tpu.memory_space<semaphore_mem>>) src(%dma_wait3A_1392 : memref<32x128xf32, #tpu.memory_space<hbm>>) dst(%dma_wait3A_1389 : memref<32x128xf32, #tpu.memory_space<vmem>>)
    %dma_wait3A_1393 = arith.constant 0 : i32
    %dma_wait3A_1394 = arith.constant 0 : i32
    %dma_wait3A_1395 = tpu.memref_slice %arg10[%dma_wait3A_1393, %dma_wait3A_1394] : memref<384x128xf32, #tpu.memory_space<vmem>> -> memref<32x128xf32, #tpu.memory_space<vmem>>
    %dma_wait3A_1396 = arith.constant 0 : i32
    %dma_wait3A_1397 = arith.constant 0 : i32
    %dma_wait3A_1398 = tpu.memref_slice %arg4[%dma_wait3A_1396, %dma_wait3A_1397] : memref<32x1000000xf32, #tpu.memory_space<hbm>> -> memref<32x128xf32, #tpu.memory_space<hbm>>
    %dma_wait3A_1399 = arith.constant 0 : i32
    %dma_wait3A_1400 = arith.constant 0 : i32
    %dma_wait3A_1401 = tpu.memref_slice %arg10[%dma_wait3A_1399, %dma_wait3A_1400] : memref<384x128xf32, #tpu.memory_space<vmem>> -> memref<32x128xf32, #tpu.memory_space<vmem>>
    %dma_wait3A_1402 = arith.constant 0 : i32
    %dma_wait3A_1403 = arith.constant 0 : i32
    %dma_wait3A_1404 = tpu.memref_slice %arg4[%dma_wait3A_1402, %dma_wait3A_1403] : memref<32x1000000xf32, #tpu.memory_space<hbm>> -> memref<32x128xf32, #tpu.memory_space<hbm>>
    tpu.wait_dma2 semaphore(%arg18 : memref<!tpu.dma_semaphore, #tpu.memory_space<semaphore_mem>>) src(%dma_wait3A_1404 : memref<32x128xf32, #tpu.memory_space<hbm>>) dst(%dma_wait3A_1401 : memref<32x128xf32, #tpu.memory_space<vmem>>)
    %dma_wait3A_1405 = arith.constant 32 : i32
    %dma_wait3A_1406 = arith.constant 0 : i32
    %dma_wait3A_1407 = tpu.memref_slice %arg9[%dma_wait3A_1405, %dma_wait3A_1406] : memref<384x128xf32, #tpu.memory_space<vmem>> -> memref<32x128xf32, #tpu.memory_space<vmem>>
    %dma_wait3A_1408 = arith.constant 0 : i32
    %dma_wait3A_1409 = arith.constant 0 : i32
    %dma_wait3A_1410 = tpu.memref_slice %arg3[%dma_wait3A_1408, %dma_wait3A_1409] : memref<32x1000000xf32, #tpu.memory_space<hbm>> -> memref<32x128xf32, #tpu.memory_space<hbm>>
    %dma_wait3A_1411 = arith.constant 32 : i32
    %dma_wait3A_1412 = arith.constant 0 : i32
    %dma_wait3A_1413 = tpu.memref_slice %arg9[%dma_wait3A_1411, %dma_wait3A_1412] : memref<384x128xf32, #tpu.memory_space<vmem>> -> memref<32x128xf32, #tpu.memory_space<vmem>>
    %dma_wait3A_1414 = arith.constant 0 : i32
    %dma_wait3A_1415 = arith.constant 0 : i32
    %dma_wait3A_1416 = tpu.memref_slice %arg3[%dma_wait3A_1414, %dma_wait3A_1415] : memref<32x1000000xf32, #tpu.memory_space<hbm>> -> memref<32x128xf32, #tpu.memory_space<hbm>>
    tpu.wait_dma2 semaphore(%arg18 : memref<!tpu.dma_semaphore, #tpu.memory_space<semaphore_mem>>) src(%dma_wait3A_1416 : memref<32x128xf32, #tpu.memory_space<hbm>>) dst(%dma_wait3A_1413 : memref<32x128xf32, #tpu.memory_space<vmem>>)
    %dma_wait3A_1417 = arith.constant 32 : i32
    %dma_wait3A_1418 = arith.constant 0 : i32
    %dma_wait3A_1419 = tpu.memref_slice %arg10[%dma_wait3A_1417, %dma_wait3A_1418] : memref<384x128xf32, #tpu.memory_space<vmem>> -> memref<32x128xf32, #tpu.memory_space<vmem>>
    %dma_wait3A_1420 = arith.constant 0 : i32
    %dma_wait3A_1421 = arith.constant 0 : i32
    %dma_wait3A_1422 = tpu.memref_slice %arg4[%dma_wait3A_1420, %dma_wait3A_1421] : memref<32x1000000xf32, #tpu.memory_space<hbm>> -> memref<32x128xf32, #tpu.memory_space<hbm>>
    %dma_wait3A_1423 = arith.constant 32 : i32
    %dma_wait3A_1424 = arith.constant 0 : i32
    %dma_wait3A_1425 = tpu.memref_slice %arg10[%dma_wait3A_1423, %dma_wait3A_1424] : memref<384x128xf32, #tpu.memory_space<vmem>> -> memref<32x128xf32, #tpu.memory_space<vmem>>
    %dma_wait3A_1426 = arith.constant 0 : i32
    %dma_wait3A_1427 = arith.constant 0 : i32
    %dma_wait3A_1428 = tpu.memref_slice %arg4[%dma_wait3A_1426, %dma_wait3A_1427] : memref<32x1000000xf32, #tpu.memory_space<hbm>> -> memref<32x128xf32, #tpu.memory_space<hbm>>
    tpu.wait_dma2 semaphore(%arg18 : memref<!tpu.dma_semaphore, #tpu.memory_space<semaphore_mem>>) src(%dma_wait3A_1428 : memref<32x128xf32, #tpu.memory_space<hbm>>) dst(%dma_wait3A_1425 : memref<32x128xf32, #tpu.memory_space<vmem>>)
    %get3A_1429 = arith.constant 1000 : i32
    %get3A_1430 = arith.index_cast %get3A_1429 : i32 to index
    %get3A_1431 = memref.load %arg7[%get3A_1430] : memref<1028xi32, #tpu.memory_space<smem>>
    %and3A_1432 = arith.constant 127 : i32
    %and3A_1433 = arith.andi %get3A_1431, %and3A_1432 : i32
    %get3A_1434 = arith.constant 1001 : i32
    %get3A_1435 = arith.index_cast %get3A_1434 : i32 to index
    %get3A_1436 = memref.load %arg7[%get3A_1435] : memref<1028xi32, #tpu.memory_space<smem>>
    %and3A_1437 = arith.constant 127 : i32
    %and3A_1438 = arith.andi %get3A_1436, %and3A_1437 : i32
    %add3A_1439 = arith.constant 256 : i32
    %add3A_1440 = vector.broadcast %add3A_1439 : i32 to vector<16xi32>
    %add3A_1441 = arith.addi %add3A_1440, %iota3A : vector<16xi32>
    %add3A_1442 = arith.constant 16 : i32
    %add3A_1443 = vector.broadcast %add3A_1442 : i32 to vector<16xi32>
    %add3A_1444 = arith.addi %add3A_1441, %add3A_1443 : vector<16xi32>
    %mul3A_1445 = arith.constant 0 : i32
    %mul3A_1446 = vector.broadcast %mul3A_1445 : i32 to vector<16xi32>
    %mul3A_1447 = arith.muli %iota3A, %mul3A_1446 : vector<16xi32>
    %add3A_1448 = vector.broadcast %and3A_1433 : i32 to vector<16xi32>
    %add3A_1449 = arith.addi %mul3A_1447, %add3A_1448 : vector<16xi32>
    %gather3A_1450 = tpu.vector_load_idx %arg9[%add3A_1441, %add3A_1449] : memref<384x128xf32, #tpu.memory_space<vmem>>[vector<16xi32>, vector<16xi32>], vector<16xf32>,
    %mul3A_1451 = arith.constant 0 : i32
    %mul3A_1452 = vector.broadcast %mul3A_1451 : i32 to vector<16xi32>
    %mul3A_1453 = arith.muli %iota3A, %mul3A_1452 : vector<16xi32>
    %add3A_1454 = vector.broadcast %and3A_1433 : i32 to vector<16xi32>
    %add3A_1455 = arith.addi %mul3A_1453, %add3A_1454 : vector<16xi32>
    %gather3A_1456 = tpu.vector_load_idx %arg9[%add3A_1444, %add3A_1455] : memref<384x128xf32, #tpu.memory_space<vmem>>[vector<16xi32>, vector<16xi32>], vector<16xf32>,
    %mul3A_1457 = arith.constant 0 : i32
    %mul3A_1458 = vector.broadcast %mul3A_1457 : i32 to vector<16xi32>
    %mul3A_1459 = arith.muli %iota3A, %mul3A_1458 : vector<16xi32>
    %add3A_1460 = vector.broadcast %and3A_1438 : i32 to vector<16xi32>
    %add3A_1461 = arith.addi %mul3A_1459, %add3A_1460 : vector<16xi32>
    %gather3A_1462 = tpu.vector_load_idx %arg10[%add3A_1441, %add3A_1461] : memref<384x128xf32, #tpu.memory_space<vmem>>[vector<16xi32>, vector<16xi32>], vector<16xf32>,
    %mul3A_1463 = arith.constant 0 : i32
    %mul3A_1464 = vector.broadcast %mul3A_1463 : i32 to vector<16xi32>
    %mul3A_1465 = arith.muli %iota3A, %mul3A_1464 : vector<16xi32>
    %add3A_1466 = vector.broadcast %and3A_1438 : i32 to vector<16xi32>
    %add3A_1467 = arith.addi %mul3A_1465, %add3A_1466 : vector<16xi32>
    %gather3A_1468 = tpu.vector_load_idx %arg10[%add3A_1444, %add3A_1467] : memref<384x128xf32, #tpu.memory_space<vmem>>[vector<16xi32>, vector<16xi32>], vector<16xf32>,
    %mul3A_1469 = arith.mulf %gather3A_1450, %gather3A_1462 : vector<16xf32>
    %mul3A_1470 = arith.mulf %mul3A_1469, %get3A_8 : vector<16xf32>
    %mul3A_1471 = arith.mulf %gather3A_1456, %gather3A_1468 : vector<16xf32>
    %mul3A_1472 = arith.mulf %mul3A_1471, %get3A_10 : vector<16xf32>
    %add3A_1473 = arith.addf %mul3A_1470, %mul3A_1472 : vector<16xf32>
    %swap3A_1474 = arith.constant 68 : index
    %swap3A_1475 = tpu.vector_load %arg12[%swap3A_1474] {strides = array<i32>} : memref<272xf32, #tpu.memory_space<vmem>>, vector<16xf32>,
    tpu.vector_store %arg12[%swap3A_1474], %add3A_1473 {strides = array<i32>} : memref<272xf32, #tpu.memory_space<vmem>>, vector<16xf32>,
    %get3A_1476 = arith.constant 1002 : i32
    %get3A_1477 = arith.index_cast %get3A_1476 : i32 to index
    %get3A_1478 = memref.load %arg7[%get3A_1477] : memref<1028xi32, #tpu.memory_space<smem>>
    %and3A_1479 = arith.constant 127 : i32
    %and3A_1480 = arith.andi %get3A_1478, %and3A_1479 : i32
    %get3A_1481 = arith.constant 1003 : i32
    %get3A_1482 = arith.index_cast %get3A_1481 : i32 to index
    %get3A_1483 = memref.load %arg7[%get3A_1482] : memref<1028xi32, #tpu.memory_space<smem>>
    %and3A_1484 = arith.constant 127 : i32
    %and3A_1485 = arith.andi %get3A_1483, %and3A_1484 : i32
    %add3A_1486 = arith.constant 288 : i32
    %add3A_1487 = vector.broadcast %add3A_1486 : i32 to vector<16xi32>
    %add3A_1488 = arith.addi %add3A_1487, %iota3A : vector<16xi32>
    %add3A_1489 = arith.constant 16 : i32
    %add3A_1490 = vector.broadcast %add3A_1489 : i32 to vector<16xi32>
    %add3A_1491 = arith.addi %add3A_1488, %add3A_1490 : vector<16xi32>
    %mul3A_1492 = arith.constant 0 : i32
    %mul3A_1493 = vector.broadcast %mul3A_1492 : i32 to vector<16xi32>
    %mul3A_1494 = arith.muli %iota3A, %mul3A_1493 : vector<16xi32>
    %add3A_1495 = vector.broadcast %and3A_1480 : i32 to vector<16xi32>
    %add3A_1496 = arith.addi %mul3A_1494, %add3A_1495 : vector<16xi32>
    %gather3A_1497 = tpu.vector_load_idx %arg9[%add3A_1488, %add3A_1496] : memref<384x128xf32, #tpu.memory_space<vmem>>[vector<16xi32>, vector<16xi32>], vector<16xf32>,
    %mul3A_1498 = arith.constant 0 : i32
    %mul3A_1499 = vector.broadcast %mul3A_1498 : i32 to vector<16xi32>
    %mul3A_1500 = arith.muli %iota3A, %mul3A_1499 : vector<16xi32>
    %add3A_1501 = vector.broadcast %and3A_1480 : i32 to vector<16xi32>
    %add3A_1502 = arith.addi %mul3A_1500, %add3A_1501 : vector<16xi32>
    %gather3A_1503 = tpu.vector_load_idx %arg9[%add3A_1491, %add3A_1502] : memref<384x128xf32, #tpu.memory_space<vmem>>[vector<16xi32>, vector<16xi32>], vector<16xf32>,
    %mul3A_1504 = arith.constant 0 : i32
    %mul3A_1505 = vector.broadcast %mul3A_1504 : i32 to vector<16xi32>
    %mul3A_1506 = arith.muli %iota3A, %mul3A_1505 : vector<16xi32>
    %add3A_1507 = vector.broadcast %and3A_1485 : i32 to vector<16xi32>
    %add3A_1508 = arith.addi %mul3A_1506, %add3A_1507 : vector<16xi32>
    %gather3A_1509 = tpu.vector_load_idx %arg10[%add3A_1488, %add3A_1508] : memref<384x128xf32, #tpu.memory_space<vmem>>[vector<16xi32>, vector<16xi32>], vector<16xf32>,
    %mul3A_1510 = arith.constant 0 : i32
    %mul3A_1511 = vector.broadcast %mul3A_1510 : i32 to vector<16xi32>
    %mul3A_1512 = arith.muli %iota3A, %mul3A_1511 : vector<16xi32>
    %add3A_1513 = vector.broadcast %and3A_1485 : i32 to vector<16xi32>
    %add3A_1514 = arith.addi %mul3A_1512, %add3A_1513 : vector<16xi32>
    %gather3A_1515 = tpu.vector_load_idx %arg10[%add3A_1491, %add3A_1514] : memref<384x128xf32, #tpu.memory_space<vmem>>[vector<16xi32>, vector<16xi32>], vector<16xf32>,
    %mul3A_1516 = arith.mulf %gather3A_1497, %gather3A_1509 : vector<16xf32>
    %mul3A_1517 = arith.mulf %mul3A_1516, %get3A_8 : vector<16xf32>
    %mul3A_1518 = arith.mulf %gather3A_1503, %gather3A_1515 : vector<16xf32>
    %mul3A_1519 = arith.mulf %mul3A_1518, %get3A_10 : vector<16xf32>
    %add3A_1520 = arith.addf %mul3A_1517, %mul3A_1519 : vector<16xf32>
    %swap3A_1521 = arith.constant 85 : index
    %swap3A_1522 = tpu.vector_load %arg12[%swap3A_1521] {strides = array<i32>} : memref<272xf32, #tpu.memory_space<vmem>>, vector<16xf32>,
    tpu.vector_store %arg12[%swap3A_1521], %add3A_1520 {strides = array<i32>} : memref<272xf32, #tpu.memory_space<vmem>>, vector<16xf32>,
    %dma_wait3A_1523 = arith.constant 0 : i32
    %dma_wait3A_1524 = arith.constant 0 : i32
    %dma_wait3A_1525 = tpu.memref_slice %arg9[%dma_wait3A_1523, %dma_wait3A_1524] : memref<384x128xf32, #tpu.memory_space<vmem>> -> memref<32x128xf32, #tpu.memory_space<vmem>>
    %dma_wait3A_1526 = arith.constant 0 : i32
    %dma_wait3A_1527 = arith.constant 0 : i32
    %dma_wait3A_1528 = tpu.memref_slice %arg3[%dma_wait3A_1526, %dma_wait3A_1527] : memref<32x1000000xf32, #tpu.memory_space<hbm>> -> memref<32x128xf32, #tpu.memory_space<hbm>>
    %dma_wait3A_1529 = arith.constant 0 : i32
    %dma_wait3A_1530 = arith.constant 0 : i32
    %dma_wait3A_1531 = tpu.memref_slice %arg9[%dma_wait3A_1529, %dma_wait3A_1530] : memref<384x128xf32, #tpu.memory_space<vmem>> -> memref<32x128xf32, #tpu.memory_space<vmem>>
    %dma_wait3A_1532 = arith.constant 0 : i32
    %dma_wait3A_1533 = arith.constant 0 : i32
    %dma_wait3A_1534 = tpu.memref_slice %arg3[%dma_wait3A_1532, %dma_wait3A_1533] : memref<32x1000000xf32, #tpu.memory_space<hbm>> -> memref<32x128xf32, #tpu.memory_space<hbm>>
    tpu.wait_dma2 semaphore(%arg19 : memref<!tpu.dma_semaphore, #tpu.memory_space<semaphore_mem>>) src(%dma_wait3A_1534 : memref<32x128xf32, #tpu.memory_space<hbm>>) dst(%dma_wait3A_1531 : memref<32x128xf32, #tpu.memory_space<vmem>>)
    %dma_wait3A_1535 = arith.constant 0 : i32
    %dma_wait3A_1536 = arith.constant 0 : i32
    %dma_wait3A_1537 = tpu.memref_slice %arg10[%dma_wait3A_1535, %dma_wait3A_1536] : memref<384x128xf32, #tpu.memory_space<vmem>> -> memref<32x128xf32, #tpu.memory_space<vmem>>
    %dma_wait3A_1538 = arith.constant 0 : i32
    %dma_wait3A_1539 = arith.constant 0 : i32
    %dma_wait3A_1540 = tpu.memref_slice %arg4[%dma_wait3A_1538, %dma_wait3A_1539] : memref<32x1000000xf32, #tpu.memory_space<hbm>> -> memref<32x128xf32, #tpu.memory_space<hbm>>
    %dma_wait3A_1541 = arith.constant 0 : i32
    %dma_wait3A_1542 = arith.constant 0 : i32
    %dma_wait3A_1543 = tpu.memref_slice %arg10[%dma_wait3A_1541, %dma_wait3A_1542] : memref<384x128xf32, #tpu.memory_space<vmem>> -> memref<32x128xf32, #tpu.memory_space<vmem>>
    %dma_wait3A_1544 = arith.constant 0 : i32
    %dma_wait3A_1545 = arith.constant 0 : i32
    %dma_wait3A_1546 = tpu.memref_slice %arg4[%dma_wait3A_1544, %dma_wait3A_1545] : memref<32x1000000xf32, #tpu.memory_space<hbm>> -> memref<32x128xf32, #tpu.memory_space<hbm>>
    tpu.wait_dma2 semaphore(%arg19 : memref<!tpu.dma_semaphore, #tpu.memory_space<semaphore_mem>>) src(%dma_wait3A_1546 : memref<32x128xf32, #tpu.memory_space<hbm>>) dst(%dma_wait3A_1543 : memref<32x128xf32, #tpu.memory_space<vmem>>)
    %dma_wait3A_1547 = arith.constant 32 : i32
    %dma_wait3A_1548 = arith.constant 0 : i32
    %dma_wait3A_1549 = tpu.memref_slice %arg9[%dma_wait3A_1547, %dma_wait3A_1548] : memref<384x128xf32, #tpu.memory_space<vmem>> -> memref<32x128xf32, #tpu.memory_space<vmem>>
    %dma_wait3A_1550 = arith.constant 0 : i32
    %dma_wait3A_1551 = arith.constant 0 : i32
    %dma_wait3A_1552 = tpu.memref_slice %arg3[%dma_wait3A_1550, %dma_wait3A_1551] : memref<32x1000000xf32, #tpu.memory_space<hbm>> -> memref<32x128xf32, #tpu.memory_space<hbm>>
    %dma_wait3A_1553 = arith.constant 32 : i32
    %dma_wait3A_1554 = arith.constant 0 : i32
    %dma_wait3A_1555 = tpu.memref_slice %arg9[%dma_wait3A_1553, %dma_wait3A_1554] : memref<384x128xf32, #tpu.memory_space<vmem>> -> memref<32x128xf32, #tpu.memory_space<vmem>>
    %dma_wait3A_1556 = arith.constant 0 : i32
    %dma_wait3A_1557 = arith.constant 0 : i32
    %dma_wait3A_1558 = tpu.memref_slice %arg3[%dma_wait3A_1556, %dma_wait3A_1557] : memref<32x1000000xf32, #tpu.memory_space<hbm>> -> memref<32x128xf32, #tpu.memory_space<hbm>>
    tpu.wait_dma2 semaphore(%arg19 : memref<!tpu.dma_semaphore, #tpu.memory_space<semaphore_mem>>) src(%dma_wait3A_1558 : memref<32x128xf32, #tpu.memory_space<hbm>>) dst(%dma_wait3A_1555 : memref<32x128xf32, #tpu.memory_space<vmem>>)
    %dma_wait3A_1559 = arith.constant 32 : i32
    %dma_wait3A_1560 = arith.constant 0 : i32
    %dma_wait3A_1561 = tpu.memref_slice %arg10[%dma_wait3A_1559, %dma_wait3A_1560] : memref<384x128xf32, #tpu.memory_space<vmem>> -> memref<32x128xf32, #tpu.memory_space<vmem>>
    %dma_wait3A_1562 = arith.constant 0 : i32
    %dma_wait3A_1563 = arith.constant 0 : i32
    %dma_wait3A_1564 = tpu.memref_slice %arg4[%dma_wait3A_1562, %dma_wait3A_1563] : memref<32x1000000xf32, #tpu.memory_space<hbm>> -> memref<32x128xf32, #tpu.memory_space<hbm>>
    %dma_wait3A_1565 = arith.constant 32 : i32
    %dma_wait3A_1566 = arith.constant 0 : i32
    %dma_wait3A_1567 = tpu.memref_slice %arg10[%dma_wait3A_1565, %dma_wait3A_1566] : memref<384x128xf32, #tpu.memory_space<vmem>> -> memref<32x128xf32, #tpu.memory_space<vmem>>
    %dma_wait3A_1568 = arith.constant 0 : i32
    %dma_wait3A_1569 = arith.constant 0 : i32
    %dma_wait3A_1570 = tpu.memref_slice %arg4[%dma_wait3A_1568, %dma_wait3A_1569] : memref<32x1000000xf32, #tpu.memory_space<hbm>> -> memref<32x128xf32, #tpu.memory_space<hbm>>
    tpu.wait_dma2 semaphore(%arg19 : memref<!tpu.dma_semaphore, #tpu.memory_space<semaphore_mem>>) src(%dma_wait3A_1570 : memref<32x128xf32, #tpu.memory_space<hbm>>) dst(%dma_wait3A_1567 : memref<32x128xf32, #tpu.memory_space<vmem>>)
    %get3A_1571 = arith.constant 1004 : i32
    %get3A_1572 = arith.index_cast %get3A_1571 : i32 to index
    %get3A_1573 = memref.load %arg7[%get3A_1572] : memref<1028xi32, #tpu.memory_space<smem>>
    %and3A_1574 = arith.constant 127 : i32
    %and3A_1575 = arith.andi %get3A_1573, %and3A_1574 : i32
    %get3A_1576 = arith.constant 1005 : i32
    %get3A_1577 = arith.index_cast %get3A_1576 : i32 to index
    %get3A_1578 = memref.load %arg7[%get3A_1577] : memref<1028xi32, #tpu.memory_space<smem>>
    %and3A_1579 = arith.constant 127 : i32
    %and3A_1580 = arith.andi %get3A_1578, %and3A_1579 : i32
    %add3A_1581 = arith.constant 320 : i32
    %add3A_1582 = vector.broadcast %add3A_1581 : i32 to vector<16xi32>
    %add3A_1583 = arith.addi %add3A_1582, %iota3A : vector<16xi32>
    %add3A_1584 = arith.constant 16 : i32
    %add3A_1585 = vector.broadcast %add3A_1584 : i32 to vector<16xi32>
    %add3A_1586 = arith.addi %add3A_1583, %add3A_1585 : vector<16xi32>
    %mul3A_1587 = arith.constant 0 : i32
    %mul3A_1588 = vector.broadcast %mul3A_1587 : i32 to vector<16xi32>
    %mul3A_1589 = arith.muli %iota3A, %mul3A_1588 : vector<16xi32>
    %add3A_1590 = vector.broadcast %and3A_1575 : i32 to vector<16xi32>
    %add3A_1591 = arith.addi %mul3A_1589, %add3A_1590 : vector<16xi32>
    %gather3A_1592 = tpu.vector_load_idx %arg9[%add3A_1583, %add3A_1591] : memref<384x128xf32, #tpu.memory_space<vmem>>[vector<16xi32>, vector<16xi32>], vector<16xf32>,
    %mul3A_1593 = arith.constant 0 : i32
    %mul3A_1594 = vector.broadcast %mul3A_1593 : i32 to vector<16xi32>
    %mul3A_1595 = arith.muli %iota3A, %mul3A_1594 : vector<16xi32>
    %add3A_1596 = vector.broadcast %and3A_1575 : i32 to vector<16xi32>
    %add3A_1597 = arith.addi %mul3A_1595, %add3A_1596 : vector<16xi32>
    %gather3A_1598 = tpu.vector_load_idx %arg9[%add3A_1586, %add3A_1597] : memref<384x128xf32, #tpu.memory_space<vmem>>[vector<16xi32>, vector<16xi32>], vector<16xf32>,
    %mul3A_1599 = arith.constant 0 : i32
    %mul3A_1600 = vector.broadcast %mul3A_1599 : i32 to vector<16xi32>
    %mul3A_1601 = arith.muli %iota3A, %mul3A_1600 : vector<16xi32>
    %add3A_1602 = vector.broadcast %and3A_1580 : i32 to vector<16xi32>
    %add3A_1603 = arith.addi %mul3A_1601, %add3A_1602 : vector<16xi32>
    %gather3A_1604 = tpu.vector_load_idx %arg10[%add3A_1583, %add3A_1603] : memref<384x128xf32, #tpu.memory_space<vmem>>[vector<16xi32>, vector<16xi32>], vector<16xf32>,
    %mul3A_1605 = arith.constant 0 : i32
    %mul3A_1606 = vector.broadcast %mul3A_1605 : i32 to vector<16xi32>
    %mul3A_1607 = arith.muli %iota3A, %mul3A_1606 : vector<16xi32>
    %add3A_1608 = vector.broadcast %and3A_1580 : i32 to vector<16xi32>
    %add3A_1609 = arith.addi %mul3A_1607, %add3A_1608 : vector<16xi32>
    %gather3A_1610 = tpu.vector_load_idx %arg10[%add3A_1586, %add3A_1609] : memref<384x128xf32, #tpu.memory_space<vmem>>[vector<16xi32>, vector<16xi32>], vector<16xf32>,
    %mul3A_1611 = arith.mulf %gather3A_1592, %gather3A_1604 : vector<16xf32>
    %mul3A_1612 = arith.mulf %mul3A_1611, %get3A_8 : vector<16xf32>
    %mul3A_1613 = arith.mulf %gather3A_1598, %gather3A_1610 : vector<16xf32>
    %mul3A_1614 = arith.mulf %mul3A_1613, %get3A_10 : vector<16xf32>
    %add3A_1615 = arith.addf %mul3A_1612, %mul3A_1614 : vector<16xf32>
    %swap3A_1616 = arith.constant 102 : index
    %swap3A_1617 = tpu.vector_load %arg12[%swap3A_1616] {strides = array<i32>} : memref<272xf32, #tpu.memory_space<vmem>>, vector<16xf32>,
    tpu.vector_store %arg12[%swap3A_1616], %add3A_1615 {strides = array<i32>} : memref<272xf32, #tpu.memory_space<vmem>>, vector<16xf32>,
    %get3A_1618 = arith.constant 1006 : i32
    %get3A_1619 = arith.index_cast %get3A_1618 : i32 to index
    %get3A_1620 = memref.load %arg7[%get3A_1619] : memref<1028xi32, #tpu.memory_space<smem>>
    %and3A_1621 = arith.constant 127 : i32
    %and3A_1622 = arith.andi %get3A_1620, %and3A_1621 : i32
    %get3A_1623 = arith.constant 1007 : i32
    %get3A_1624 = arith.index_cast %get3A_1623 : i32 to index
    %get3A_1625 = memref.load %arg7[%get3A_1624] : memref<1028xi32, #tpu.memory_space<smem>>
    %and3A_1626 = arith.constant 127 : i32
    %and3A_1627 = arith.andi %get3A_1625, %and3A_1626 : i32
    %add3A_1628 = arith.constant 352 : i32
    %add3A_1629 = vector.broadcast %add3A_1628 : i32 to vector<16xi32>
    %add3A_1630 = arith.addi %add3A_1629, %iota3A : vector<16xi32>
    %add3A_1631 = arith.constant 16 : i32
    %add3A_1632 = vector.broadcast %add3A_1631 : i32 to vector<16xi32>
    %add3A_1633 = arith.addi %add3A_1630, %add3A_1632 : vector<16xi32>
    %mul3A_1634 = arith.constant 0 : i32
    %mul3A_1635 = vector.broadcast %mul3A_1634 : i32 to vector<16xi32>
    %mul3A_1636 = arith.muli %iota3A, %mul3A_1635 : vector<16xi32>
    %add3A_1637 = vector.broadcast %and3A_1622 : i32 to vector<16xi32>
    %add3A_1638 = arith.addi %mul3A_1636, %add3A_1637 : vector<16xi32>
    %gather3A_1639 = tpu.vector_load_idx %arg9[%add3A_1630, %add3A_1638] : memref<384x128xf32, #tpu.memory_space<vmem>>[vector<16xi32>, vector<16xi32>], vector<16xf32>,
    %mul3A_1640 = arith.constant 0 : i32
    %mul3A_1641 = vector.broadcast %mul3A_1640 : i32 to vector<16xi32>
    %mul3A_1642 = arith.muli %iota3A, %mul3A_1641 : vector<16xi32>
    %add3A_1643 = vector.broadcast %and3A_1622 : i32 to vector<16xi32>
    %add3A_1644 = arith.addi %mul3A_1642, %add3A_1643 : vector<16xi32>
    %gather3A_1645 = tpu.vector_load_idx %arg9[%add3A_1633, %add3A_1644] : memref<384x128xf32, #tpu.memory_space<vmem>>[vector<16xi32>, vector<16xi32>], vector<16xf32>,
    %mul3A_1646 = arith.constant 0 : i32
    %mul3A_1647 = vector.broadcast %mul3A_1646 : i32 to vector<16xi32>
    %mul3A_1648 = arith.muli %iota3A, %mul3A_1647 : vector<16xi32>
    %add3A_1649 = vector.broadcast %and3A_1627 : i32 to vector<16xi32>
    %add3A_1650 = arith.addi %mul3A_1648, %add3A_1649 : vector<16xi32>
    %gather3A_1651 = tpu.vector_load_idx %arg10[%add3A_1630, %add3A_1650] : memref<384x128xf32, #tpu.memory_space<vmem>>[vector<16xi32>, vector<16xi32>], vector<16xf32>,
    %mul3A_1652 = arith.constant 0 : i32
    %mul3A_1653 = vector.broadcast %mul3A_1652 : i32 to vector<16xi32>
    %mul3A_1654 = arith.muli %iota3A, %mul3A_1653 : vector<16xi32>
    %add3A_1655 = vector.broadcast %and3A_1627 : i32 to vector<16xi32>
    %add3A_1656 = arith.addi %mul3A_1654, %add3A_1655 : vector<16xi32>
    %gather3A_1657 = tpu.vector_load_idx %arg10[%add3A_1633, %add3A_1656] : memref<384x128xf32, #tpu.memory_space<vmem>>[vector<16xi32>, vector<16xi32>], vector<16xf32>,
    %mul3A_1658 = arith.mulf %gather3A_1639, %gather3A_1651 : vector<16xf32>
    %mul3A_1659 = arith.mulf %mul3A_1658, %get3A_8 : vector<16xf32>
    %mul3A_1660 = arith.mulf %gather3A_1645, %gather3A_1657 : vector<16xf32>
    %mul3A_1661 = arith.mulf %mul3A_1660, %get3A_10 : vector<16xf32>
    %add3A_1662 = arith.addf %mul3A_1659, %mul3A_1661 : vector<16xf32>
    %swap3A_1663 = arith.constant 119 : index
    %swap3A_1664 = tpu.vector_load %arg12[%swap3A_1663] {strides = array<i32>} : memref<272xf32, #tpu.memory_space<vmem>>, vector<16xf32>,
    tpu.vector_store %arg12[%swap3A_1663], %add3A_1662 {strides = array<i32>} : memref<272xf32, #tpu.memory_space<vmem>>, vector<16xf32>,
    %dma_wait3A_1665 = arith.constant 0 : i32
    %dma_wait3A_1666 = arith.constant 0 : i32
    %dma_wait3A_1667 = tpu.memref_slice %arg9[%dma_wait3A_1665, %dma_wait3A_1666] : memref<384x128xf32, #tpu.memory_space<vmem>> -> memref<32x128xf32, #tpu.memory_space<vmem>>
    %dma_wait3A_1668 = arith.constant 0 : i32
    %dma_wait3A_1669 = arith.constant 0 : i32
    %dma_wait3A_1670 = tpu.memref_slice %arg3[%dma_wait3A_1668, %dma_wait3A_1669] : memref<32x1000000xf32, #tpu.memory_space<hbm>> -> memref<32x128xf32, #tpu.memory_space<hbm>>
    %dma_wait3A_1671 = arith.constant 0 : i32
    %dma_wait3A_1672 = arith.constant 0 : i32
    %dma_wait3A_1673 = tpu.memref_slice %arg9[%dma_wait3A_1671, %dma_wait3A_1672] : memref<384x128xf32, #tpu.memory_space<vmem>> -> memref<32x128xf32, #tpu.memory_space<vmem>>
    %dma_wait3A_1674 = arith.constant 0 : i32
    %dma_wait3A_1675 = arith.constant 0 : i32
    %dma_wait3A_1676 = tpu.memref_slice %arg3[%dma_wait3A_1674, %dma_wait3A_1675] : memref<32x1000000xf32, #tpu.memory_space<hbm>> -> memref<32x128xf32, #tpu.memory_space<hbm>>
    tpu.wait_dma2 semaphore(%arg14 : memref<!tpu.dma_semaphore, #tpu.memory_space<semaphore_mem>>) src(%dma_wait3A_1676 : memref<32x128xf32, #tpu.memory_space<hbm>>) dst(%dma_wait3A_1673 : memref<32x128xf32, #tpu.memory_space<vmem>>)
    %dma_wait3A_1677 = arith.constant 0 : i32
    %dma_wait3A_1678 = arith.constant 0 : i32
    %dma_wait3A_1679 = tpu.memref_slice %arg10[%dma_wait3A_1677, %dma_wait3A_1678] : memref<384x128xf32, #tpu.memory_space<vmem>> -> memref<32x128xf32, #tpu.memory_space<vmem>>
    %dma_wait3A_1680 = arith.constant 0 : i32
    %dma_wait3A_1681 = arith.constant 0 : i32
    %dma_wait3A_1682 = tpu.memref_slice %arg4[%dma_wait3A_1680, %dma_wait3A_1681] : memref<32x1000000xf32, #tpu.memory_space<hbm>> -> memref<32x128xf32, #tpu.memory_space<hbm>>
    %dma_wait3A_1683 = arith.constant 0 : i32
    %dma_wait3A_1684 = arith.constant 0 : i32
    %dma_wait3A_1685 = tpu.memref_slice %arg10[%dma_wait3A_1683, %dma_wait3A_1684] : memref<384x128xf32, #tpu.memory_space<vmem>> -> memref<32x128xf32, #tpu.memory_space<vmem>>
    %dma_wait3A_1686 = arith.constant 0 : i32
    %dma_wait3A_1687 = arith.constant 0 : i32
    %dma_wait3A_1688 = tpu.memref_slice %arg4[%dma_wait3A_1686, %dma_wait3A_1687] : memref<32x1000000xf32, #tpu.memory_space<hbm>> -> memref<32x128xf32, #tpu.memory_space<hbm>>
    tpu.wait_dma2 semaphore(%arg14 : memref<!tpu.dma_semaphore, #tpu.memory_space<semaphore_mem>>) src(%dma_wait3A_1688 : memref<32x128xf32, #tpu.memory_space<hbm>>) dst(%dma_wait3A_1685 : memref<32x128xf32, #tpu.memory_space<vmem>>)
    %dma_wait3A_1689 = arith.constant 32 : i32
    %dma_wait3A_1690 = arith.constant 0 : i32
    %dma_wait3A_1691 = tpu.memref_slice %arg9[%dma_wait3A_1689, %dma_wait3A_1690] : memref<384x128xf32, #tpu.memory_space<vmem>> -> memref<32x128xf32, #tpu.memory_space<vmem>>
    %dma_wait3A_1692 = arith.constant 0 : i32
    %dma_wait3A_1693 = arith.constant 0 : i32
    %dma_wait3A_1694 = tpu.memref_slice %arg3[%dma_wait3A_1692, %dma_wait3A_1693] : memref<32x1000000xf32, #tpu.memory_space<hbm>> -> memref<32x128xf32, #tpu.memory_space<hbm>>
    %dma_wait3A_1695 = arith.constant 32 : i32
    %dma_wait3A_1696 = arith.constant 0 : i32
    %dma_wait3A_1697 = tpu.memref_slice %arg9[%dma_wait3A_1695, %dma_wait3A_1696] : memref<384x128xf32, #tpu.memory_space<vmem>> -> memref<32x128xf32, #tpu.memory_space<vmem>>
    %dma_wait3A_1698 = arith.constant 0 : i32
    %dma_wait3A_1699 = arith.constant 0 : i32
    %dma_wait3A_1700 = tpu.memref_slice %arg3[%dma_wait3A_1698, %dma_wait3A_1699] : memref<32x1000000xf32, #tpu.memory_space<hbm>> -> memref<32x128xf32, #tpu.memory_space<hbm>>
    tpu.wait_dma2 semaphore(%arg14 : memref<!tpu.dma_semaphore, #tpu.memory_space<semaphore_mem>>) src(%dma_wait3A_1700 : memref<32x128xf32, #tpu.memory_space<hbm>>) dst(%dma_wait3A_1697 : memref<32x128xf32, #tpu.memory_space<vmem>>)
    %dma_wait3A_1701 = arith.constant 32 : i32
    %dma_wait3A_1702 = arith.constant 0 : i32
    %dma_wait3A_1703 = tpu.memref_slice %arg10[%dma_wait3A_1701, %dma_wait3A_1702] : memref<384x128xf32, #tpu.memory_space<vmem>> -> memref<32x128xf32, #tpu.memory_space<vmem>>
    %dma_wait3A_1704 = arith.constant 0 : i32
    %dma_wait3A_1705 = arith.constant 0 : i32
    %dma_wait3A_1706 = tpu.memref_slice %arg4[%dma_wait3A_1704, %dma_wait3A_1705] : memref<32x1000000xf32, #tpu.memory_space<hbm>> -> memref<32x128xf32, #tpu.memory_space<hbm>>
    %dma_wait3A_1707 = arith.constant 32 : i32
    %dma_wait3A_1708 = arith.constant 0 : i32
    %dma_wait3A_1709 = tpu.memref_slice %arg10[%dma_wait3A_1707, %dma_wait3A_1708] : memref<384x128xf32, #tpu.memory_space<vmem>> -> memref<32x128xf32, #tpu.memory_space<vmem>>
    %dma_wait3A_1710 = arith.constant 0 : i32
    %dma_wait3A_1711 = arith.constant 0 : i32
    %dma_wait3A_1712 = tpu.memref_slice %arg4[%dma_wait3A_1710, %dma_wait3A_1711] : memref<32x1000000xf32, #tpu.memory_space<hbm>> -> memref<32x128xf32, #tpu.memory_space<hbm>>
    tpu.wait_dma2 semaphore(%arg14 : memref<!tpu.dma_semaphore, #tpu.memory_space<semaphore_mem>>) src(%dma_wait3A_1712 : memref<32x128xf32, #tpu.memory_space<hbm>>) dst(%dma_wait3A_1709 : memref<32x128xf32, #tpu.memory_space<vmem>>)
    %get3A_1713 = arith.constant 1008 : i32
    %get3A_1714 = arith.index_cast %get3A_1713 : i32 to index
    %get3A_1715 = memref.load %arg7[%get3A_1714] : memref<1028xi32, #tpu.memory_space<smem>>
    %and3A_1716 = arith.constant 127 : i32
    %and3A_1717 = arith.andi %get3A_1715, %and3A_1716 : i32
    %get3A_1718 = arith.constant 1009 : i32
    %get3A_1719 = arith.index_cast %get3A_1718 : i32 to index
    %get3A_1720 = memref.load %arg7[%get3A_1719] : memref<1028xi32, #tpu.memory_space<smem>>
    %and3A_1721 = arith.constant 127 : i32
    %and3A_1722 = arith.andi %get3A_1720, %and3A_1721 : i32
    %add3A_1723 = arith.constant 0 : i32
    %add3A_1724 = vector.broadcast %add3A_1723 : i32 to vector<16xi32>
    %add3A_1725 = arith.addi %add3A_1724, %iota3A : vector<16xi32>
    %add3A_1726 = arith.constant 16 : i32
    %add3A_1727 = vector.broadcast %add3A_1726 : i32 to vector<16xi32>
    %add3A_1728 = arith.addi %add3A_1725, %add3A_1727 : vector<16xi32>
    %mul3A_1729 = arith.constant 0 : i32
    %mul3A_1730 = vector.broadcast %mul3A_1729 : i32 to vector<16xi32>
    %mul3A_1731 = arith.muli %iota3A, %mul3A_1730 : vector<16xi32>
    %add3A_1732 = vector.broadcast %and3A_1717 : i32 to vector<16xi32>
    %add3A_1733 = arith.addi %mul3A_1731, %add3A_1732 : vector<16xi32>
    %gather3A_1734 = tpu.vector_load_idx %arg9[%add3A_1725, %add3A_1733] : memref<384x128xf32, #tpu.memory_space<vmem>>[vector<16xi32>, vector<16xi32>], vector<16xf32>,
    %mul3A_1735 = arith.constant 0 : i32
    %mul3A_1736 = vector.broadcast %mul3A_1735 : i32 to vector<16xi32>
    %mul3A_1737 = arith.muli %iota3A, %mul3A_1736 : vector<16xi32>
    %add3A_1738 = vector.broadcast %and3A_1717 : i32 to vector<16xi32>
    %add3A_1739 = arith.addi %mul3A_1737, %add3A_1738 : vector<16xi32>
    %gather3A_1740 = tpu.vector_load_idx %arg9[%add3A_1728, %add3A_1739] : memref<384x128xf32, #tpu.memory_space<vmem>>[vector<16xi32>, vector<16xi32>], vector<16xf32>,
    %mul3A_1741 = arith.constant 0 : i32
    %mul3A_1742 = vector.broadcast %mul3A_1741 : i32 to vector<16xi32>
    %mul3A_1743 = arith.muli %iota3A, %mul3A_1742 : vector<16xi32>
    %add3A_1744 = vector.broadcast %and3A_1722 : i32 to vector<16xi32>
    %add3A_1745 = arith.addi %mul3A_1743, %add3A_1744 : vector<16xi32>
    %gather3A_1746 = tpu.vector_load_idx %arg10[%add3A_1725, %add3A_1745] : memref<384x128xf32, #tpu.memory_space<vmem>>[vector<16xi32>, vector<16xi32>], vector<16xf32>,
    %mul3A_1747 = arith.constant 0 : i32
    %mul3A_1748 = vector.broadcast %mul3A_1747 : i32 to vector<16xi32>
    %mul3A_1749 = arith.muli %iota3A, %mul3A_1748 : vector<16xi32>
    %add3A_1750 = vector.broadcast %and3A_1722 : i32 to vector<16xi32>
    %add3A_1751 = arith.addi %mul3A_1749, %add3A_1750 : vector<16xi32>
    %gather3A_1752 = tpu.vector_load_idx %arg10[%add3A_1728, %add3A_1751] : memref<384x128xf32, #tpu.memory_space<vmem>>[vector<16xi32>, vector<16xi32>], vector<16xf32>,
    %mul3A_1753 = arith.mulf %gather3A_1734, %gather3A_1746 : vector<16xf32>
    %mul3A_1754 = arith.mulf %mul3A_1753, %get3A_8 : vector<16xf32>
    %mul3A_1755 = arith.mulf %gather3A_1740, %gather3A_1752 : vector<16xf32>
    %mul3A_1756 = arith.mulf %mul3A_1755, %get3A_10 : vector<16xf32>
    %add3A_1757 = arith.addf %mul3A_1754, %mul3A_1756 : vector<16xf32>
    %swap3A_1758 = arith.constant 136 : index
    %swap3A_1759 = tpu.vector_load %arg12[%swap3A_1758] {strides = array<i32>} : memref<272xf32, #tpu.memory_space<vmem>>, vector<16xf32>,
    tpu.vector_store %arg12[%swap3A_1758], %add3A_1757 {strides = array<i32>} : memref<272xf32, #tpu.memory_space<vmem>>, vector<16xf32>,
    %get3A_1760 = arith.constant 1010 : i32
    %get3A_1761 = arith.index_cast %get3A_1760 : i32 to index
    %get3A_1762 = memref.load %arg7[%get3A_1761] : memref<1028xi32, #tpu.memory_space<smem>>
    %and3A_1763 = arith.constant 127 : i32
    %and3A_1764 = arith.andi %get3A_1762, %and3A_1763 : i32
    %get3A_1765 = arith.constant 1011 : i32
    %get3A_1766 = arith.index_cast %get3A_1765 : i32 to index
    %get3A_1767 = memref.load %arg7[%get3A_1766] : memref<1028xi32, #tpu.memory_space<smem>>
    %and3A_1768 = arith.constant 127 : i32
    %and3A_1769 = arith.andi %get3A_1767, %and3A_1768 : i32
    %add3A_1770 = arith.constant 32 : i32
    %add3A_1771 = vector.broadcast %add3A_1770 : i32 to vector<16xi32>
    %add3A_1772 = arith.addi %add3A_1771, %iota3A : vector<16xi32>
    %add3A_1773 = arith.constant 16 : i32
    %add3A_1774 = vector.broadcast %add3A_1773 : i32 to vector<16xi32>
    %add3A_1775 = arith.addi %add3A_1772, %add3A_1774 : vector<16xi32>
    %mul3A_1776 = arith.constant 0 : i32
    %mul3A_1777 = vector.broadcast %mul3A_1776 : i32 to vector<16xi32>
    %mul3A_1778 = arith.muli %iota3A, %mul3A_1777 : vector<16xi32>
    %add3A_1779 = vector.broadcast %and3A_1764 : i32 to vector<16xi32>
    %add3A_1780 = arith.addi %mul3A_1778, %add3A_1779 : vector<16xi32>
    %gather3A_1781 = tpu.vector_load_idx %arg9[%add3A_1772, %add3A_1780] : memref<384x128xf32, #tpu.memory_space<vmem>>[vector<16xi32>, vector<16xi32>], vector<16xf32>,
    %mul3A_1782 = arith.constant 0 : i32
    %mul3A_1783 = vector.broadcast %mul3A_1782 : i32 to vector<16xi32>
    %mul3A_1784 = arith.muli %iota3A, %mul3A_1783 : vector<16xi32>
    %add3A_1785 = vector.broadcast %and3A_1764 : i32 to vector<16xi32>
    %add3A_1786 = arith.addi %mul3A_1784, %add3A_1785 : vector<16xi32>
    %gather3A_1787 = tpu.vector_load_idx %arg9[%add3A_1775, %add3A_1786] : memref<384x128xf32, #tpu.memory_space<vmem>>[vector<16xi32>, vector<16xi32>], vector<16xf32>,
    %mul3A_1788 = arith.constant 0 : i32
    %mul3A_1789 = vector.broadcast %mul3A_1788 : i32 to vector<16xi32>
    %mul3A_1790 = arith.muli %iota3A, %mul3A_1789 : vector<16xi32>
    %add3A_1791 = vector.broadcast %and3A_1769 : i32 to vector<16xi32>
    %add3A_1792 = arith.addi %mul3A_1790, %add3A_1791 : vector<16xi32>
    %gather3A_1793 = tpu.vector_load_idx %arg10[%add3A_1772, %add3A_1792] : memref<384x128xf32, #tpu.memory_space<vmem>>[vector<16xi32>, vector<16xi32>], vector<16xf32>,
    %mul3A_1794 = arith.constant 0 : i32
    %mul3A_1795 = vector.broadcast %mul3A_1794 : i32 to vector<16xi32>
    %mul3A_1796 = arith.muli %iota3A, %mul3A_1795 : vector<16xi32>
    %add3A_1797 = vector.broadcast %and3A_1769 : i32 to vector<16xi32>
    %add3A_1798 = arith.addi %mul3A_1796, %add3A_1797 : vector<16xi32>
    %gather3A_1799 = tpu.vector_load_idx %arg10[%add3A_1775, %add3A_1798] : memref<384x128xf32, #tpu.memory_space<vmem>>[vector<16xi32>, vector<16xi32>], vector<16xf32>,
    %mul3A_1800 = arith.mulf %gather3A_1781, %gather3A_1793 : vector<16xf32>
    %mul3A_1801 = arith.mulf %mul3A_1800, %get3A_8 : vector<16xf32>
    %mul3A_1802 = arith.mulf %gather3A_1787, %gather3A_1799 : vector<16xf32>
    %mul3A_1803 = arith.mulf %mul3A_1802, %get3A_10 : vector<16xf32>
    %add3A_1804 = arith.addf %mul3A_1801, %mul3A_1803 : vector<16xf32>
    %swap3A_1805 = arith.constant 153 : index
    %swap3A_1806 = tpu.vector_load %arg12[%swap3A_1805] {strides = array<i32>} : memref<272xf32, #tpu.memory_space<vmem>>, vector<16xf32>,
    tpu.vector_store %arg12[%swap3A_1805], %add3A_1804 {strides = array<i32>} : memref<272xf32, #tpu.memory_space<vmem>>, vector<16xf32>,
    %dma_wait3A_1807 = arith.constant 0 : i32
    %dma_wait3A_1808 = arith.constant 0 : i32
    %dma_wait3A_1809 = tpu.memref_slice %arg9[%dma_wait3A_1807, %dma_wait3A_1808] : memref<384x128xf32, #tpu.memory_space<vmem>> -> memref<32x128xf32, #tpu.memory_space<vmem>>
    %dma_wait3A_1810 = arith.constant 0 : i32
    %dma_wait3A_1811 = arith.constant 0 : i32
    %dma_wait3A_1812 = tpu.memref_slice %arg3[%dma_wait3A_1810, %dma_wait3A_1811] : memref<32x1000000xf32, #tpu.memory_space<hbm>> -> memref<32x128xf32, #tpu.memory_space<hbm>>
    %dma_wait3A_1813 = arith.constant 0 : i32
    %dma_wait3A_1814 = arith.constant 0 : i32
    %dma_wait3A_1815 = tpu.memref_slice %arg9[%dma_wait3A_1813, %dma_wait3A_1814] : memref<384x128xf32, #tpu.memory_space<vmem>> -> memref<32x128xf32, #tpu.memory_space<vmem>>
    %dma_wait3A_1816 = arith.constant 0 : i32
    %dma_wait3A_1817 = arith.constant 0 : i32
    %dma_wait3A_1818 = tpu.memref_slice %arg3[%dma_wait3A_1816, %dma_wait3A_1817] : memref<32x1000000xf32, #tpu.memory_space<hbm>> -> memref<32x128xf32, #tpu.memory_space<hbm>>
    tpu.wait_dma2 semaphore(%arg15 : memref<!tpu.dma_semaphore, #tpu.memory_space<semaphore_mem>>) src(%dma_wait3A_1818 : memref<32x128xf32, #tpu.memory_space<hbm>>) dst(%dma_wait3A_1815 : memref<32x128xf32, #tpu.memory_space<vmem>>)
    %dma_wait3A_1819 = arith.constant 0 : i32
    %dma_wait3A_1820 = arith.constant 0 : i32
    %dma_wait3A_1821 = tpu.memref_slice %arg10[%dma_wait3A_1819, %dma_wait3A_1820] : memref<384x128xf32, #tpu.memory_space<vmem>> -> memref<32x128xf32, #tpu.memory_space<vmem>>
    %dma_wait3A_1822 = arith.constant 0 : i32
    %dma_wait3A_1823 = arith.constant 0 : i32
    %dma_wait3A_1824 = tpu.memref_slice %arg4[%dma_wait3A_1822, %dma_wait3A_1823] : memref<32x1000000xf32, #tpu.memory_space<hbm>> -> memref<32x128xf32, #tpu.memory_space<hbm>>
    %dma_wait3A_1825 = arith.constant 0 : i32
    %dma_wait3A_1826 = arith.constant 0 : i32
    %dma_wait3A_1827 = tpu.memref_slice %arg10[%dma_wait3A_1825, %dma_wait3A_1826] : memref<384x128xf32, #tpu.memory_space<vmem>> -> memref<32x128xf32, #tpu.memory_space<vmem>>
    %dma_wait3A_1828 = arith.constant 0 : i32
    %dma_wait3A_1829 = arith.constant 0 : i32
    %dma_wait3A_1830 = tpu.memref_slice %arg4[%dma_wait3A_1828, %dma_wait3A_1829] : memref<32x1000000xf32, #tpu.memory_space<hbm>> -> memref<32x128xf32, #tpu.memory_space<hbm>>
    tpu.wait_dma2 semaphore(%arg15 : memref<!tpu.dma_semaphore, #tpu.memory_space<semaphore_mem>>) src(%dma_wait3A_1830 : memref<32x128xf32, #tpu.memory_space<hbm>>) dst(%dma_wait3A_1827 : memref<32x128xf32, #tpu.memory_space<vmem>>)
    %dma_wait3A_1831 = arith.constant 32 : i32
    %dma_wait3A_1832 = arith.constant 0 : i32
    %dma_wait3A_1833 = tpu.memref_slice %arg9[%dma_wait3A_1831, %dma_wait3A_1832] : memref<384x128xf32, #tpu.memory_space<vmem>> -> memref<32x128xf32, #tpu.memory_space<vmem>>
    %dma_wait3A_1834 = arith.constant 0 : i32
    %dma_wait3A_1835 = arith.constant 0 : i32
    %dma_wait3A_1836 = tpu.memref_slice %arg3[%dma_wait3A_1834, %dma_wait3A_1835] : memref<32x1000000xf32, #tpu.memory_space<hbm>> -> memref<32x128xf32, #tpu.memory_space<hbm>>
    %dma_wait3A_1837 = arith.constant 32 : i32
    %dma_wait3A_1838 = arith.constant 0 : i32
    %dma_wait3A_1839 = tpu.memref_slice %arg9[%dma_wait3A_1837, %dma_wait3A_1838] : memref<384x128xf32, #tpu.memory_space<vmem>> -> memref<32x128xf32, #tpu.memory_space<vmem>>
    %dma_wait3A_1840 = arith.constant 0 : i32
    %dma_wait3A_1841 = arith.constant 0 : i32
    %dma_wait3A_1842 = tpu.memref_slice %arg3[%dma_wait3A_1840, %dma_wait3A_1841] : memref<32x1000000xf32, #tpu.memory_space<hbm>> -> memref<32x128xf32, #tpu.memory_space<hbm>>
    tpu.wait_dma2 semaphore(%arg15 : memref<!tpu.dma_semaphore, #tpu.memory_space<semaphore_mem>>) src(%dma_wait3A_1842 : memref<32x128xf32, #tpu.memory_space<hbm>>) dst(%dma_wait3A_1839 : memref<32x128xf32, #tpu.memory_space<vmem>>)
    %dma_wait3A_1843 = arith.constant 32 : i32
    %dma_wait3A_1844 = arith.constant 0 : i32
    %dma_wait3A_1845 = tpu.memref_slice %arg10[%dma_wait3A_1843, %dma_wait3A_1844] : memref<384x128xf32, #tpu.memory_space<vmem>> -> memref<32x128xf32, #tpu.memory_space<vmem>>
    %dma_wait3A_1846 = arith.constant 0 : i32
    %dma_wait3A_1847 = arith.constant 0 : i32
    %dma_wait3A_1848 = tpu.memref_slice %arg4[%dma_wait3A_1846, %dma_wait3A_1847] : memref<32x1000000xf32, #tpu.memory_space<hbm>> -> memref<32x128xf32, #tpu.memory_space<hbm>>
    %dma_wait3A_1849 = arith.constant 32 : i32
    %dma_wait3A_1850 = arith.constant 0 : i32
    %dma_wait3A_1851 = tpu.memref_slice %arg10[%dma_wait3A_1849, %dma_wait3A_1850] : memref<384x128xf32, #tpu.memory_space<vmem>> -> memref<32x128xf32, #tpu.memory_space<vmem>>
    %dma_wait3A_1852 = arith.constant 0 : i32
    %dma_wait3A_1853 = arith.constant 0 : i32
    %dma_wait3A_1854 = tpu.memref_slice %arg4[%dma_wait3A_1852, %dma_wait3A_1853] : memref<32x1000000xf32, #tpu.memory_space<hbm>> -> memref<32x128xf32, #tpu.memory_space<hbm>>
    tpu.wait_dma2 semaphore(%arg15 : memref<!tpu.dma_semaphore, #tpu.memory_space<semaphore_mem>>) src(%dma_wait3A_1854 : memref<32x128xf32, #tpu.memory_space<hbm>>) dst(%dma_wait3A_1851 : memref<32x128xf32, #tpu.memory_space<vmem>>)
    %get3A_1855 = arith.constant 1012 : i32
    %get3A_1856 = arith.index_cast %get3A_1855 : i32 to index
    %get3A_1857 = memref.load %arg7[%get3A_1856] : memref<1028xi32, #tpu.memory_space<smem>>
    %and3A_1858 = arith.constant 127 : i32
    %and3A_1859 = arith.andi %get3A_1857, %and3A_1858 : i32
    %get3A_1860 = arith.constant 1013 : i32
    %get3A_1861 = arith.index_cast %get3A_1860 : i32 to index
    %get3A_1862 = memref.load %arg7[%get3A_1861] : memref<1028xi32, #tpu.memory_space<smem>>
    %and3A_1863 = arith.constant 127 : i32
    %and3A_1864 = arith.andi %get3A_1862, %and3A_1863 : i32
    %add3A_1865 = arith.constant 64 : i32
    %add3A_1866 = vector.broadcast %add3A_1865 : i32 to vector<16xi32>
    %add3A_1867 = arith.addi %add3A_1866, %iota3A : vector<16xi32>
    %add3A_1868 = arith.constant 16 : i32
    %add3A_1869 = vector.broadcast %add3A_1868 : i32 to vector<16xi32>
    %add3A_1870 = arith.addi %add3A_1867, %add3A_1869 : vector<16xi32>
    %mul3A_1871 = arith.constant 0 : i32
    %mul3A_1872 = vector.broadcast %mul3A_1871 : i32 to vector<16xi32>
    %mul3A_1873 = arith.muli %iota3A, %mul3A_1872 : vector<16xi32>
    %add3A_1874 = vector.broadcast %and3A_1859 : i32 to vector<16xi32>
    %add3A_1875 = arith.addi %mul3A_1873, %add3A_1874 : vector<16xi32>
    %gather3A_1876 = tpu.vector_load_idx %arg9[%add3A_1867, %add3A_1875] : memref<384x128xf32, #tpu.memory_space<vmem>>[vector<16xi32>, vector<16xi32>], vector<16xf32>,
    %mul3A_1877 = arith.constant 0 : i32
    %mul3A_1878 = vector.broadcast %mul3A_1877 : i32 to vector<16xi32>
    %mul3A_1879 = arith.muli %iota3A, %mul3A_1878 : vector<16xi32>
    %add3A_1880 = vector.broadcast %and3A_1859 : i32 to vector<16xi32>
    %add3A_1881 = arith.addi %mul3A_1879, %add3A_1880 : vector<16xi32>
    %gather3A_1882 = tpu.vector_load_idx %arg9[%add3A_1870, %add3A_1881] : memref<384x128xf32, #tpu.memory_space<vmem>>[vector<16xi32>, vector<16xi32>], vector<16xf32>,
    %mul3A_1883 = arith.constant 0 : i32
    %mul3A_1884 = vector.broadcast %mul3A_1883 : i32 to vector<16xi32>
    %mul3A_1885 = arith.muli %iota3A, %mul3A_1884 : vector<16xi32>
    %add3A_1886 = vector.broadcast %and3A_1864 : i32 to vector<16xi32>
    %add3A_1887 = arith.addi %mul3A_1885, %add3A_1886 : vector<16xi32>
    %gather3A_1888 = tpu.vector_load_idx %arg10[%add3A_1867, %add3A_1887] : memref<384x128xf32, #tpu.memory_space<vmem>>[vector<16xi32>, vector<16xi32>], vector<16xf32>,
    %mul3A_1889 = arith.constant 0 : i32
    %mul3A_1890 = vector.broadcast %mul3A_1889 : i32 to vector<16xi32>
    %mul3A_1891 = arith.muli %iota3A, %mul3A_1890 : vector<16xi32>
    %add3A_1892 = vector.broadcast %and3A_1864 : i32 to vector<16xi32>
    %add3A_1893 = arith.addi %mul3A_1891, %add3A_1892 : vector<16xi32>
    %gather3A_1894 = tpu.vector_load_idx %arg10[%add3A_1870, %add3A_1893] : memref<384x128xf32, #tpu.memory_space<vmem>>[vector<16xi32>, vector<16xi32>], vector<16xf32>,
    %mul3A_1895 = arith.mulf %gather3A_1876, %gather3A_1888 : vector<16xf32>
    %mul3A_1896 = arith.mulf %mul3A_1895, %get3A_8 : vector<16xf32>
    %mul3A_1897 = arith.mulf %gather3A_1882, %gather3A_1894 : vector<16xf32>
    %mul3A_1898 = arith.mulf %mul3A_1897, %get3A_10 : vector<16xf32>
    %add3A_1899 = arith.addf %mul3A_1896, %mul3A_1898 : vector<16xf32>
    %swap3A_1900 = arith.constant 170 : index
    %swap3A_1901 = tpu.vector_load %arg12[%swap3A_1900] {strides = array<i32>} : memref<272xf32, #tpu.memory_space<vmem>>, vector<16xf32>,
    tpu.vector_store %arg12[%swap3A_1900], %add3A_1899 {strides = array<i32>} : memref<272xf32, #tpu.memory_space<vmem>>, vector<16xf32>,
    %get3A_1902 = arith.constant 1014 : i32
    %get3A_1903 = arith.index_cast %get3A_1902 : i32 to index
    %get3A_1904 = memref.load %arg7[%get3A_1903] : memref<1028xi32, #tpu.memory_space<smem>>
    %and3A_1905 = arith.constant 127 : i32
    %and3A_1906 = arith.andi %get3A_1904, %and3A_1905 : i32
    %get3A_1907 = arith.constant 1015 : i32
    %get3A_1908 = arith.index_cast %get3A_1907 : i32 to index
    %get3A_1909 = memref.load %arg7[%get3A_1908] : memref<1028xi32, #tpu.memory_space<smem>>
    %and3A_1910 = arith.constant 127 : i32
    %and3A_1911 = arith.andi %get3A_1909, %and3A_1910 : i32
    %add3A_1912 = arith.constant 96 : i32
    %add3A_1913 = vector.broadcast %add3A_1912 : i32 to vector<16xi32>
    %add3A_1914 = arith.addi %add3A_1913, %iota3A : vector<16xi32>
    %add3A_1915 = arith.constant 16 : i32
    %add3A_1916 = vector.broadcast %add3A_1915 : i32 to vector<16xi32>
    %add3A_1917 = arith.addi %add3A_1914, %add3A_1916 : vector<16xi32>
    %mul3A_1918 = arith.constant 0 : i32
    %mul3A_1919 = vector.broadcast %mul3A_1918 : i32 to vector<16xi32>
    %mul3A_1920 = arith.muli %iota3A, %mul3A_1919 : vector<16xi32>
    %add3A_1921 = vector.broadcast %and3A_1906 : i32 to vector<16xi32>
    %add3A_1922 = arith.addi %mul3A_1920, %add3A_1921 : vector<16xi32>
    %gather3A_1923 = tpu.vector_load_idx %arg9[%add3A_1914, %add3A_1922] : memref<384x128xf32, #tpu.memory_space<vmem>>[vector<16xi32>, vector<16xi32>], vector<16xf32>,
    %mul3A_1924 = arith.constant 0 : i32
    %mul3A_1925 = vector.broadcast %mul3A_1924 : i32 to vector<16xi32>
    %mul3A_1926 = arith.muli %iota3A, %mul3A_1925 : vector<16xi32>
    %add3A_1927 = vector.broadcast %and3A_1906 : i32 to vector<16xi32>
    %add3A_1928 = arith.addi %mul3A_1926, %add3A_1927 : vector<16xi32>
    %gather3A_1929 = tpu.vector_load_idx %arg9[%add3A_1917, %add3A_1928] : memref<384x128xf32, #tpu.memory_space<vmem>>[vector<16xi32>, vector<16xi32>], vector<16xf32>,
    %mul3A_1930 = arith.constant 0 : i32
    %mul3A_1931 = vector.broadcast %mul3A_1930 : i32 to vector<16xi32>
    %mul3A_1932 = arith.muli %iota3A, %mul3A_1931 : vector<16xi32>
    %add3A_1933 = vector.broadcast %and3A_1911 : i32 to vector<16xi32>
    %add3A_1934 = arith.addi %mul3A_1932, %add3A_1933 : vector<16xi32>
    %gather3A_1935 = tpu.vector_load_idx %arg10[%add3A_1914, %add3A_1934] : memref<384x128xf32, #tpu.memory_space<vmem>>[vector<16xi32>, vector<16xi32>], vector<16xf32>,
    %mul3A_1936 = arith.constant 0 : i32
    %mul3A_1937 = vector.broadcast %mul3A_1936 : i32 to vector<16xi32>
    %mul3A_1938 = arith.muli %iota3A, %mul3A_1937 : vector<16xi32>
    %add3A_1939 = vector.broadcast %and3A_1911 : i32 to vector<16xi32>
    %add3A_1940 = arith.addi %mul3A_1938, %add3A_1939 : vector<16xi32>
    %gather3A_1941 = tpu.vector_load_idx %arg10[%add3A_1917, %add3A_1940] : memref<384x128xf32, #tpu.memory_space<vmem>>[vector<16xi32>, vector<16xi32>], vector<16xf32>,
    %mul3A_1942 = arith.mulf %gather3A_1923, %gather3A_1935 : vector<16xf32>
    %mul3A_1943 = arith.mulf %mul3A_1942, %get3A_8 : vector<16xf32>
    %mul3A_1944 = arith.mulf %gather3A_1929, %gather3A_1941 : vector<16xf32>
    %mul3A_1945 = arith.mulf %mul3A_1944, %get3A_10 : vector<16xf32>
    %add3A_1946 = arith.addf %mul3A_1943, %mul3A_1945 : vector<16xf32>
    %swap3A_1947 = arith.constant 187 : index
    %swap3A_1948 = tpu.vector_load %arg12[%swap3A_1947] {strides = array<i32>} : memref<272xf32, #tpu.memory_space<vmem>>, vector<16xf32>,
    tpu.vector_store %arg12[%swap3A_1947], %add3A_1946 {strides = array<i32>} : memref<272xf32, #tpu.memory_space<vmem>>, vector<16xf32>,
    %dma_wait3A_1949 = arith.constant 0 : i32
    %dma_wait3A_1950 = arith.constant 0 : i32
    %dma_wait3A_1951 = tpu.memref_slice %arg9[%dma_wait3A_1949, %dma_wait3A_1950] : memref<384x128xf32, #tpu.memory_space<vmem>> -> memref<32x128xf32, #tpu.memory_space<vmem>>
    %dma_wait3A_1952 = arith.constant 0 : i32
    %dma_wait3A_1953 = arith.constant 0 : i32
    %dma_wait3A_1954 = tpu.memref_slice %arg3[%dma_wait3A_1952, %dma_wait3A_1953] : memref<32x1000000xf32, #tpu.memory_space<hbm>> -> memref<32x128xf32, #tpu.memory_space<hbm>>
    %dma_wait3A_1955 = arith.constant 0 : i32
    %dma_wait3A_1956 = arith.constant 0 : i32
    %dma_wait3A_1957 = tpu.memref_slice %arg9[%dma_wait3A_1955, %dma_wait3A_1956] : memref<384x128xf32, #tpu.memory_space<vmem>> -> memref<32x128xf32, #tpu.memory_space<vmem>>
    %dma_wait3A_1958 = arith.constant 0 : i32
    %dma_wait3A_1959 = arith.constant 0 : i32
    %dma_wait3A_1960 = tpu.memref_slice %arg3[%dma_wait3A_1958, %dma_wait3A_1959] : memref<32x1000000xf32, #tpu.memory_space<hbm>> -> memref<32x128xf32, #tpu.memory_space<hbm>>
    tpu.wait_dma2 semaphore(%arg16 : memref<!tpu.dma_semaphore, #tpu.memory_space<semaphore_mem>>) src(%dma_wait3A_1960 : memref<32x128xf32, #tpu.memory_space<hbm>>) dst(%dma_wait3A_1957 : memref<32x128xf32, #tpu.memory_space<vmem>>)
    %dma_wait3A_1961 = arith.constant 0 : i32
    %dma_wait3A_1962 = arith.constant 0 : i32
    %dma_wait3A_1963 = tpu.memref_slice %arg10[%dma_wait3A_1961, %dma_wait3A_1962] : memref<384x128xf32, #tpu.memory_space<vmem>> -> memref<32x128xf32, #tpu.memory_space<vmem>>
    %dma_wait3A_1964 = arith.constant 0 : i32
    %dma_wait3A_1965 = arith.constant 0 : i32
    %dma_wait3A_1966 = tpu.memref_slice %arg4[%dma_wait3A_1964, %dma_wait3A_1965] : memref<32x1000000xf32, #tpu.memory_space<hbm>> -> memref<32x128xf32, #tpu.memory_space<hbm>>
    %dma_wait3A_1967 = arith.constant 0 : i32
    %dma_wait3A_1968 = arith.constant 0 : i32
    %dma_wait3A_1969 = tpu.memref_slice %arg10[%dma_wait3A_1967, %dma_wait3A_1968] : memref<384x128xf32, #tpu.memory_space<vmem>> -> memref<32x128xf32, #tpu.memory_space<vmem>>
    %dma_wait3A_1970 = arith.constant 0 : i32
    %dma_wait3A_1971 = arith.constant 0 : i32
    %dma_wait3A_1972 = tpu.memref_slice %arg4[%dma_wait3A_1970, %dma_wait3A_1971] : memref<32x1000000xf32, #tpu.memory_space<hbm>> -> memref<32x128xf32, #tpu.memory_space<hbm>>
    tpu.wait_dma2 semaphore(%arg16 : memref<!tpu.dma_semaphore, #tpu.memory_space<semaphore_mem>>) src(%dma_wait3A_1972 : memref<32x128xf32, #tpu.memory_space<hbm>>) dst(%dma_wait3A_1969 : memref<32x128xf32, #tpu.memory_space<vmem>>)
    %dma_wait3A_1973 = arith.constant 32 : i32
    %dma_wait3A_1974 = arith.constant 0 : i32
    %dma_wait3A_1975 = tpu.memref_slice %arg9[%dma_wait3A_1973, %dma_wait3A_1974] : memref<384x128xf32, #tpu.memory_space<vmem>> -> memref<32x128xf32, #tpu.memory_space<vmem>>
    %dma_wait3A_1976 = arith.constant 0 : i32
    %dma_wait3A_1977 = arith.constant 0 : i32
    %dma_wait3A_1978 = tpu.memref_slice %arg3[%dma_wait3A_1976, %dma_wait3A_1977] : memref<32x1000000xf32, #tpu.memory_space<hbm>> -> memref<32x128xf32, #tpu.memory_space<hbm>>
    %dma_wait3A_1979 = arith.constant 32 : i32
    %dma_wait3A_1980 = arith.constant 0 : i32
    %dma_wait3A_1981 = tpu.memref_slice %arg9[%dma_wait3A_1979, %dma_wait3A_1980] : memref<384x128xf32, #tpu.memory_space<vmem>> -> memref<32x128xf32, #tpu.memory_space<vmem>>
    %dma_wait3A_1982 = arith.constant 0 : i32
    %dma_wait3A_1983 = arith.constant 0 : i32
    %dma_wait3A_1984 = tpu.memref_slice %arg3[%dma_wait3A_1982, %dma_wait3A_1983] : memref<32x1000000xf32, #tpu.memory_space<hbm>> -> memref<32x128xf32, #tpu.memory_space<hbm>>
    tpu.wait_dma2 semaphore(%arg16 : memref<!tpu.dma_semaphore, #tpu.memory_space<semaphore_mem>>) src(%dma_wait3A_1984 : memref<32x128xf32, #tpu.memory_space<hbm>>) dst(%dma_wait3A_1981 : memref<32x128xf32, #tpu.memory_space<vmem>>)
    %dma_wait3A_1985 = arith.constant 32 : i32
    %dma_wait3A_1986 = arith.constant 0 : i32
    %dma_wait3A_1987 = tpu.memref_slice %arg10[%dma_wait3A_1985, %dma_wait3A_1986] : memref<384x128xf32, #tpu.memory_space<vmem>> -> memref<32x128xf32, #tpu.memory_space<vmem>>
    %dma_wait3A_1988 = arith.constant 0 : i32
    %dma_wait3A_1989 = arith.constant 0 : i32
    %dma_wait3A_1990 = tpu.memref_slice %arg4[%dma_wait3A_1988, %dma_wait3A_1989] : memref<32x1000000xf32, #tpu.memory_space<hbm>> -> memref<32x128xf32, #tpu.memory_space<hbm>>
    %dma_wait3A_1991 = arith.constant 32 : i32
    %dma_wait3A_1992 = arith.constant 0 : i32
    %dma_wait3A_1993 = tpu.memref_slice %arg10[%dma_wait3A_1991, %dma_wait3A_1992] : memref<384x128xf32, #tpu.memory_space<vmem>> -> memref<32x128xf32, #tpu.memory_space<vmem>>
    %dma_wait3A_1994 = arith.constant 0 : i32
    %dma_wait3A_1995 = arith.constant 0 : i32
    %dma_wait3A_1996 = tpu.memref_slice %arg4[%dma_wait3A_1994, %dma_wait3A_1995] : memref<32x1000000xf32, #tpu.memory_space<hbm>> -> memref<32x128xf32, #tpu.memory_space<hbm>>
    tpu.wait_dma2 semaphore(%arg16 : memref<!tpu.dma_semaphore, #tpu.memory_space<semaphore_mem>>) src(%dma_wait3A_1996 : memref<32x128xf32, #tpu.memory_space<hbm>>) dst(%dma_wait3A_1993 : memref<32x128xf32, #tpu.memory_space<vmem>>)
    %get3A_1997 = arith.constant 1016 : i32
    %get3A_1998 = arith.index_cast %get3A_1997 : i32 to index
    %get3A_1999 = memref.load %arg7[%get3A_1998] : memref<1028xi32, #tpu.memory_space<smem>>
    %and3A_2000 = arith.constant 127 : i32
    %and3A_2001 = arith.andi %get3A_1999, %and3A_2000 : i32
    %get3A_2002 = arith.constant 1017 : i32
    %get3A_2003 = arith.index_cast %get3A_2002 : i32 to index
    %get3A_2004 = memref.load %arg7[%get3A_2003] : memref<1028xi32, #tpu.memory_space<smem>>
    %and3A_2005 = arith.constant 127 : i32
    %and3A_2006 = arith.andi %get3A_2004, %and3A_2005 : i32
    %add3A_2007 = arith.constant 128 : i32
    %add3A_2008 = vector.broadcast %add3A_2007 : i32 to vector<16xi32>
    %add3A_2009 = arith.addi %add3A_2008, %iota3A : vector<16xi32>
    %add3A_2010 = arith.constant 16 : i32
    %add3A_2011 = vector.broadcast %add3A_2010 : i32 to vector<16xi32>
    %add3A_2012 = arith.addi %add3A_2009, %add3A_2011 : vector<16xi32>
    %mul3A_2013 = arith.constant 0 : i32
    %mul3A_2014 = vector.broadcast %mul3A_2013 : i32 to vector<16xi32>
    %mul3A_2015 = arith.muli %iota3A, %mul3A_2014 : vector<16xi32>
    %add3A_2016 = vector.broadcast %and3A_2001 : i32 to vector<16xi32>
    %add3A_2017 = arith.addi %mul3A_2015, %add3A_2016 : vector<16xi32>
    %gather3A_2018 = tpu.vector_load_idx %arg9[%add3A_2009, %add3A_2017] : memref<384x128xf32, #tpu.memory_space<vmem>>[vector<16xi32>, vector<16xi32>], vector<16xf32>,
    %mul3A_2019 = arith.constant 0 : i32
    %mul3A_2020 = vector.broadcast %mul3A_2019 : i32 to vector<16xi32>
    %mul3A_2021 = arith.muli %iota3A, %mul3A_2020 : vector<16xi32>
    %add3A_2022 = vector.broadcast %and3A_2001 : i32 to vector<16xi32>
    %add3A_2023 = arith.addi %mul3A_2021, %add3A_2022 : vector<16xi32>
    %gather3A_2024 = tpu.vector_load_idx %arg9[%add3A_2012, %add3A_2023] : memref<384x128xf32, #tpu.memory_space<vmem>>[vector<16xi32>, vector<16xi32>], vector<16xf32>,
    %mul3A_2025 = arith.constant 0 : i32
    %mul3A_2026 = vector.broadcast %mul3A_2025 : i32 to vector<16xi32>
    %mul3A_2027 = arith.muli %iota3A, %mul3A_2026 : vector<16xi32>
    %add3A_2028 = vector.broadcast %and3A_2006 : i32 to vector<16xi32>
    %add3A_2029 = arith.addi %mul3A_2027, %add3A_2028 : vector<16xi32>
    %gather3A_2030 = tpu.vector_load_idx %arg10[%add3A_2009, %add3A_2029] : memref<384x128xf32, #tpu.memory_space<vmem>>[vector<16xi32>, vector<16xi32>], vector<16xf32>,
    %mul3A_2031 = arith.constant 0 : i32
    %mul3A_2032 = vector.broadcast %mul3A_2031 : i32 to vector<16xi32>
    %mul3A_2033 = arith.muli %iota3A, %mul3A_2032 : vector<16xi32>
    %add3A_2034 = vector.broadcast %and3A_2006 : i32 to vector<16xi32>
    %add3A_2035 = arith.addi %mul3A_2033, %add3A_2034 : vector<16xi32>
    %gather3A_2036 = tpu.vector_load_idx %arg10[%add3A_2012, %add3A_2035] : memref<384x128xf32, #tpu.memory_space<vmem>>[vector<16xi32>, vector<16xi32>], vector<16xf32>,
    %mul3A_2037 = arith.mulf %gather3A_2018, %gather3A_2030 : vector<16xf32>
    %mul3A_2038 = arith.mulf %mul3A_2037, %get3A_8 : vector<16xf32>
    %mul3A_2039 = arith.mulf %gather3A_2024, %gather3A_2036 : vector<16xf32>
    %mul3A_2040 = arith.mulf %mul3A_2039, %get3A_10 : vector<16xf32>
    %add3A_2041 = arith.addf %mul3A_2038, %mul3A_2040 : vector<16xf32>
    %swap3A_2042 = arith.constant 204 : index
    %swap3A_2043 = tpu.vector_load %arg12[%swap3A_2042] {strides = array<i32>} : memref<272xf32, #tpu.memory_space<vmem>>, vector<16xf32>,
    tpu.vector_store %arg12[%swap3A_2042], %add3A_2041 {strides = array<i32>} : memref<272xf32, #tpu.memory_space<vmem>>, vector<16xf32>,
    %get3A_2044 = arith.constant 1018 : i32
    %get3A_2045 = arith.index_cast %get3A_2044 : i32 to index
    %get3A_2046 = memref.load %arg7[%get3A_2045] : memref<1028xi32, #tpu.memory_space<smem>>
    %and3A_2047 = arith.constant 127 : i32
    %and3A_2048 = arith.andi %get3A_2046, %and3A_2047 : i32
    %get3A_2049 = arith.constant 1019 : i32
    %get3A_2050 = arith.index_cast %get3A_2049 : i32 to index
    %get3A_2051 = memref.load %arg7[%get3A_2050] : memref<1028xi32, #tpu.memory_space<smem>>
    %and3A_2052 = arith.constant 127 : i32
    %and3A_2053 = arith.andi %get3A_2051, %and3A_2052 : i32
    %add3A_2054 = arith.constant 160 : i32
    %add3A_2055 = vector.broadcast %add3A_2054 : i32 to vector<16xi32>
    %add3A_2056 = arith.addi %add3A_2055, %iota3A : vector<16xi32>
    %add3A_2057 = arith.constant 16 : i32
    %add3A_2058 = vector.broadcast %add3A_2057 : i32 to vector<16xi32>
    %add3A_2059 = arith.addi %add3A_2056, %add3A_2058 : vector<16xi32>
    %mul3A_2060 = arith.constant 0 : i32
    %mul3A_2061 = vector.broadcast %mul3A_2060 : i32 to vector<16xi32>
    %mul3A_2062 = arith.muli %iota3A, %mul3A_2061 : vector<16xi32>
    %add3A_2063 = vector.broadcast %and3A_2048 : i32 to vector<16xi32>
    %add3A_2064 = arith.addi %mul3A_2062, %add3A_2063 : vector<16xi32>
    %gather3A_2065 = tpu.vector_load_idx %arg9[%add3A_2056, %add3A_2064] : memref<384x128xf32, #tpu.memory_space<vmem>>[vector<16xi32>, vector<16xi32>], vector<16xf32>,
    %mul3A_2066 = arith.constant 0 : i32
    %mul3A_2067 = vector.broadcast %mul3A_2066 : i32 to vector<16xi32>
    %mul3A_2068 = arith.muli %iota3A, %mul3A_2067 : vector<16xi32>
    %add3A_2069 = vector.broadcast %and3A_2048 : i32 to vector<16xi32>
    %add3A_2070 = arith.addi %mul3A_2068, %add3A_2069 : vector<16xi32>
    %gather3A_2071 = tpu.vector_load_idx %arg9[%add3A_2059, %add3A_2070] : memref<384x128xf32, #tpu.memory_space<vmem>>[vector<16xi32>, vector<16xi32>], vector<16xf32>,
    %mul3A_2072 = arith.constant 0 : i32
    %mul3A_2073 = vector.broadcast %mul3A_2072 : i32 to vector<16xi32>
    %mul3A_2074 = arith.muli %iota3A, %mul3A_2073 : vector<16xi32>
    %add3A_2075 = vector.broadcast %and3A_2053 : i32 to vector<16xi32>
    %add3A_2076 = arith.addi %mul3A_2074, %add3A_2075 : vector<16xi32>
    %gather3A_2077 = tpu.vector_load_idx %arg10[%add3A_2056, %add3A_2076] : memref<384x128xf32, #tpu.memory_space<vmem>>[vector<16xi32>, vector<16xi32>], vector<16xf32>,
    %mul3A_2078 = arith.constant 0 : i32
    %mul3A_2079 = vector.broadcast %mul3A_2078 : i32 to vector<16xi32>
    %mul3A_2080 = arith.muli %iota3A, %mul3A_2079 : vector<16xi32>
    %add3A_2081 = vector.broadcast %and3A_2053 : i32 to vector<16xi32>
    %add3A_2082 = arith.addi %mul3A_2080, %add3A_2081 : vector<16xi32>
    %gather3A_2083 = tpu.vector_load_idx %arg10[%add3A_2059, %add3A_2082] : memref<384x128xf32, #tpu.memory_space<vmem>>[vector<16xi32>, vector<16xi32>], vector<16xf32>,
    %mul3A_2084 = arith.mulf %gather3A_2065, %gather3A_2077 : vector<16xf32>
    %mul3A_2085 = arith.mulf %mul3A_2084, %get3A_8 : vector<16xf32>
    %mul3A_2086 = arith.mulf %gather3A_2071, %gather3A_2083 : vector<16xf32>
    %mul3A_2087 = arith.mulf %mul3A_2086, %get3A_10 : vector<16xf32>
    %add3A_2088 = arith.addf %mul3A_2085, %mul3A_2087 : vector<16xf32>
    %swap3A_2089 = arith.constant 221 : index
    %swap3A_2090 = tpu.vector_load %arg12[%swap3A_2089] {strides = array<i32>} : memref<272xf32, #tpu.memory_space<vmem>>, vector<16xf32>,
    tpu.vector_store %arg12[%swap3A_2089], %add3A_2088 {strides = array<i32>} : memref<272xf32, #tpu.memory_space<vmem>>, vector<16xf32>,
    %dma_wait3A_2091 = arith.constant 0 : i32
    %dma_wait3A_2092 = arith.constant 0 : i32
    %dma_wait3A_2093 = tpu.memref_slice %arg9[%dma_wait3A_2091, %dma_wait3A_2092] : memref<384x128xf32, #tpu.memory_space<vmem>> -> memref<32x128xf32, #tpu.memory_space<vmem>>
    %dma_wait3A_2094 = arith.constant 0 : i32
    %dma_wait3A_2095 = arith.constant 0 : i32
    %dma_wait3A_2096 = tpu.memref_slice %arg3[%dma_wait3A_2094, %dma_wait3A_2095] : memref<32x1000000xf32, #tpu.memory_space<hbm>> -> memref<32x128xf32, #tpu.memory_space<hbm>>
    %dma_wait3A_2097 = arith.constant 0 : i32
    %dma_wait3A_2098 = arith.constant 0 : i32
    %dma_wait3A_2099 = tpu.memref_slice %arg9[%dma_wait3A_2097, %dma_wait3A_2098] : memref<384x128xf32, #tpu.memory_space<vmem>> -> memref<32x128xf32, #tpu.memory_space<vmem>>
    %dma_wait3A_2100 = arith.constant 0 : i32
    %dma_wait3A_2101 = arith.constant 0 : i32
    %dma_wait3A_2102 = tpu.memref_slice %arg3[%dma_wait3A_2100, %dma_wait3A_2101] : memref<32x1000000xf32, #tpu.memory_space<hbm>> -> memref<32x128xf32, #tpu.memory_space<hbm>>
    tpu.wait_dma2 semaphore(%arg17 : memref<!tpu.dma_semaphore, #tpu.memory_space<semaphore_mem>>) src(%dma_wait3A_2102 : memref<32x128xf32, #tpu.memory_space<hbm>>) dst(%dma_wait3A_2099 : memref<32x128xf32, #tpu.memory_space<vmem>>)
    %dma_wait3A_2103 = arith.constant 0 : i32
    %dma_wait3A_2104 = arith.constant 0 : i32
    %dma_wait3A_2105 = tpu.memref_slice %arg10[%dma_wait3A_2103, %dma_wait3A_2104] : memref<384x128xf32, #tpu.memory_space<vmem>> -> memref<32x128xf32, #tpu.memory_space<vmem>>
    %dma_wait3A_2106 = arith.constant 0 : i32
    %dma_wait3A_2107 = arith.constant 0 : i32
    %dma_wait3A_2108 = tpu.memref_slice %arg4[%dma_wait3A_2106, %dma_wait3A_2107] : memref<32x1000000xf32, #tpu.memory_space<hbm>> -> memref<32x128xf32, #tpu.memory_space<hbm>>
    %dma_wait3A_2109 = arith.constant 0 : i32
    %dma_wait3A_2110 = arith.constant 0 : i32
    %dma_wait3A_2111 = tpu.memref_slice %arg10[%dma_wait3A_2109, %dma_wait3A_2110] : memref<384x128xf32, #tpu.memory_space<vmem>> -> memref<32x128xf32, #tpu.memory_space<vmem>>
    %dma_wait3A_2112 = arith.constant 0 : i32
    %dma_wait3A_2113 = arith.constant 0 : i32
    %dma_wait3A_2114 = tpu.memref_slice %arg4[%dma_wait3A_2112, %dma_wait3A_2113] : memref<32x1000000xf32, #tpu.memory_space<hbm>> -> memref<32x128xf32, #tpu.memory_space<hbm>>
    tpu.wait_dma2 semaphore(%arg17 : memref<!tpu.dma_semaphore, #tpu.memory_space<semaphore_mem>>) src(%dma_wait3A_2114 : memref<32x128xf32, #tpu.memory_space<hbm>>) dst(%dma_wait3A_2111 : memref<32x128xf32, #tpu.memory_space<vmem>>)
    %dma_wait3A_2115 = arith.constant 32 : i32
    %dma_wait3A_2116 = arith.constant 0 : i32
    %dma_wait3A_2117 = tpu.memref_slice %arg9[%dma_wait3A_2115, %dma_wait3A_2116] : memref<384x128xf32, #tpu.memory_space<vmem>> -> memref<32x128xf32, #tpu.memory_space<vmem>>
    %dma_wait3A_2118 = arith.constant 0 : i32
    %dma_wait3A_2119 = arith.constant 0 : i32
    %dma_wait3A_2120 = tpu.memref_slice %arg3[%dma_wait3A_2118, %dma_wait3A_2119] : memref<32x1000000xf32, #tpu.memory_space<hbm>> -> memref<32x128xf32, #tpu.memory_space<hbm>>
    %dma_wait3A_2121 = arith.constant 32 : i32
    %dma_wait3A_2122 = arith.constant 0 : i32
    %dma_wait3A_2123 = tpu.memref_slice %arg9[%dma_wait3A_2121, %dma_wait3A_2122] : memref<384x128xf32, #tpu.memory_space<vmem>> -> memref<32x128xf32, #tpu.memory_space<vmem>>
    %dma_wait3A_2124 = arith.constant 0 : i32
    %dma_wait3A_2125 = arith.constant 0 : i32
    %dma_wait3A_2126 = tpu.memref_slice %arg3[%dma_wait3A_2124, %dma_wait3A_2125] : memref<32x1000000xf32, #tpu.memory_space<hbm>> -> memref<32x128xf32, #tpu.memory_space<hbm>>
    tpu.wait_dma2 semaphore(%arg17 : memref<!tpu.dma_semaphore, #tpu.memory_space<semaphore_mem>>) src(%dma_wait3A_2126 : memref<32x128xf32, #tpu.memory_space<hbm>>) dst(%dma_wait3A_2123 : memref<32x128xf32, #tpu.memory_space<vmem>>)
    %dma_wait3A_2127 = arith.constant 32 : i32
    %dma_wait3A_2128 = arith.constant 0 : i32
    %dma_wait3A_2129 = tpu.memref_slice %arg10[%dma_wait3A_2127, %dma_wait3A_2128] : memref<384x128xf32, #tpu.memory_space<vmem>> -> memref<32x128xf32, #tpu.memory_space<vmem>>
    %dma_wait3A_2130 = arith.constant 0 : i32
    %dma_wait3A_2131 = arith.constant 0 : i32
    %dma_wait3A_2132 = tpu.memref_slice %arg4[%dma_wait3A_2130, %dma_wait3A_2131] : memref<32x1000000xf32, #tpu.memory_space<hbm>> -> memref<32x128xf32, #tpu.memory_space<hbm>>
    %dma_wait3A_2133 = arith.constant 32 : i32
    %dma_wait3A_2134 = arith.constant 0 : i32
    %dma_wait3A_2135 = tpu.memref_slice %arg10[%dma_wait3A_2133, %dma_wait3A_2134] : memref<384x128xf32, #tpu.memory_space<vmem>> -> memref<32x128xf32, #tpu.memory_space<vmem>>
    %dma_wait3A_2136 = arith.constant 0 : i32
    %dma_wait3A_2137 = arith.constant 0 : i32
    %dma_wait3A_2138 = tpu.memref_slice %arg4[%dma_wait3A_2136, %dma_wait3A_2137] : memref<32x1000000xf32, #tpu.memory_space<hbm>> -> memref<32x128xf32, #tpu.memory_space<hbm>>
    tpu.wait_dma2 semaphore(%arg17 : memref<!tpu.dma_semaphore, #tpu.memory_space<semaphore_mem>>) src(%dma_wait3A_2138 : memref<32x128xf32, #tpu.memory_space<hbm>>) dst(%dma_wait3A_2135 : memref<32x128xf32, #tpu.memory_space<vmem>>)
    %get3A_2139 = arith.constant 1020 : i32
    %get3A_2140 = arith.index_cast %get3A_2139 : i32 to index
    %get3A_2141 = memref.load %arg7[%get3A_2140] : memref<1028xi32, #tpu.memory_space<smem>>
    %and3A_2142 = arith.constant 127 : i32
    %and3A_2143 = arith.andi %get3A_2141, %and3A_2142 : i32
    %get3A_2144 = arith.constant 1021 : i32
    %get3A_2145 = arith.index_cast %get3A_2144 : i32 to index
    %get3A_2146 = memref.load %arg7[%get3A_2145] : memref<1028xi32, #tpu.memory_space<smem>>
    %and3A_2147 = arith.constant 127 : i32
    %and3A_2148 = arith.andi %get3A_2146, %and3A_2147 : i32
    %add3A_2149 = arith.constant 192 : i32
    %add3A_2150 = vector.broadcast %add3A_2149 : i32 to vector<16xi32>
    %add3A_2151 = arith.addi %add3A_2150, %iota3A : vector<16xi32>
    %add3A_2152 = arith.constant 16 : i32
    %add3A_2153 = vector.broadcast %add3A_2152 : i32 to vector<16xi32>
    %add3A_2154 = arith.addi %add3A_2151, %add3A_2153 : vector<16xi32>
    %mul3A_2155 = arith.constant 0 : i32
    %mul3A_2156 = vector.broadcast %mul3A_2155 : i32 to vector<16xi32>
    %mul3A_2157 = arith.muli %iota3A, %mul3A_2156 : vector<16xi32>
    %add3A_2158 = vector.broadcast %and3A_2143 : i32 to vector<16xi32>
    %add3A_2159 = arith.addi %mul3A_2157, %add3A_2158 : vector<16xi32>
    %gather3A_2160 = tpu.vector_load_idx %arg9[%add3A_2151, %add3A_2159] : memref<384x128xf32, #tpu.memory_space<vmem>>[vector<16xi32>, vector<16xi32>], vector<16xf32>,
    %mul3A_2161 = arith.constant 0 : i32
    %mul3A_2162 = vector.broadcast %mul3A_2161 : i32 to vector<16xi32>
    %mul3A_2163 = arith.muli %iota3A, %mul3A_2162 : vector<16xi32>
    %add3A_2164 = vector.broadcast %and3A_2143 : i32 to vector<16xi32>
    %add3A_2165 = arith.addi %mul3A_2163, %add3A_2164 : vector<16xi32>
    %gather3A_2166 = tpu.vector_load_idx %arg9[%add3A_2154, %add3A_2165] : memref<384x128xf32, #tpu.memory_space<vmem>>[vector<16xi32>, vector<16xi32>], vector<16xf32>,
    %mul3A_2167 = arith.constant 0 : i32
    %mul3A_2168 = vector.broadcast %mul3A_2167 : i32 to vector<16xi32>
    %mul3A_2169 = arith.muli %iota3A, %mul3A_2168 : vector<16xi32>
    %add3A_2170 = vector.broadcast %and3A_2148 : i32 to vector<16xi32>
    %add3A_2171 = arith.addi %mul3A_2169, %add3A_2170 : vector<16xi32>
    %gather3A_2172 = tpu.vector_load_idx %arg10[%add3A_2151, %add3A_2171] : memref<384x128xf32, #tpu.memory_space<vmem>>[vector<16xi32>, vector<16xi32>], vector<16xf32>,
    %mul3A_2173 = arith.constant 0 : i32
    %mul3A_2174 = vector.broadcast %mul3A_2173 : i32 to vector<16xi32>
    %mul3A_2175 = arith.muli %iota3A, %mul3A_2174 : vector<16xi32>
    %add3A_2176 = vector.broadcast %and3A_2148 : i32 to vector<16xi32>
    %add3A_2177 = arith.addi %mul3A_2175, %add3A_2176 : vector<16xi32>
    %gather3A_2178 = tpu.vector_load_idx %arg10[%add3A_2154, %add3A_2177] : memref<384x128xf32, #tpu.memory_space<vmem>>[vector<16xi32>, vector<16xi32>], vector<16xf32>,
    %mul3A_2179 = arith.mulf %gather3A_2160, %gather3A_2172 : vector<16xf32>
    %mul3A_2180 = arith.mulf %mul3A_2179, %get3A_8 : vector<16xf32>
    %mul3A_2181 = arith.mulf %gather3A_2166, %gather3A_2178 : vector<16xf32>
    %mul3A_2182 = arith.mulf %mul3A_2181, %get3A_10 : vector<16xf32>
    %add3A_2183 = arith.addf %mul3A_2180, %mul3A_2182 : vector<16xf32>
    %swap3A_2184 = arith.constant 238 : index
    %swap3A_2185 = tpu.vector_load %arg12[%swap3A_2184] {strides = array<i32>} : memref<272xf32, #tpu.memory_space<vmem>>, vector<16xf32>,
    tpu.vector_store %arg12[%swap3A_2184], %add3A_2183 {strides = array<i32>} : memref<272xf32, #tpu.memory_space<vmem>>, vector<16xf32>,
    %get3A_2186 = arith.constant 1022 : i32
    %get3A_2187 = arith.index_cast %get3A_2186 : i32 to index
    %get3A_2188 = memref.load %arg7[%get3A_2187] : memref<1028xi32, #tpu.memory_space<smem>>
    %and3A_2189 = arith.constant 127 : i32
    %and3A_2190 = arith.andi %get3A_2188, %and3A_2189 : i32
    %get3A_2191 = arith.constant 1023 : i32
    %get3A_2192 = arith.index_cast %get3A_2191 : i32 to index
    %get3A_2193 = memref.load %arg7[%get3A_2192] : memref<1028xi32, #tpu.memory_space<smem>>
    %and3A_2194 = arith.constant 127 : i32
    %and3A_2195 = arith.andi %get3A_2193, %and3A_2194 : i32
    %add3A_2196 = arith.constant 224 : i32
    %add3A_2197 = vector.broadcast %add3A_2196 : i32 to vector<16xi32>
    %add3A_2198 = arith.addi %add3A_2197, %iota3A : vector<16xi32>
    %add3A_2199 = arith.constant 16 : i32
    %add3A_2200 = vector.broadcast %add3A_2199 : i32 to vector<16xi32>
    %add3A_2201 = arith.addi %add3A_2198, %add3A_2200 : vector<16xi32>
    %mul3A_2202 = arith.constant 0 : i32
    %mul3A_2203 = vector.broadcast %mul3A_2202 : i32 to vector<16xi32>
    %mul3A_2204 = arith.muli %iota3A, %mul3A_2203 : vector<16xi32>
    %add3A_2205 = vector.broadcast %and3A_2190 : i32 to vector<16xi32>
    %add3A_2206 = arith.addi %mul3A_2204, %add3A_2205 : vector<16xi32>
    %gather3A_2207 = tpu.vector_load_idx %arg9[%add3A_2198, %add3A_2206] : memref<384x128xf32, #tpu.memory_space<vmem>>[vector<16xi32>, vector<16xi32>], vector<16xf32>,
    %mul3A_2208 = arith.constant 0 : i32
    %mul3A_2209 = vector.broadcast %mul3A_2208 : i32 to vector<16xi32>
    %mul3A_2210 = arith.muli %iota3A, %mul3A_2209 : vector<16xi32>
    %add3A_2211 = vector.broadcast %and3A_2190 : i32 to vector<16xi32>
    %add3A_2212 = arith.addi %mul3A_2210, %add3A_2211 : vector<16xi32>
    %gather3A_2213 = tpu.vector_load_idx %arg9[%add3A_2201, %add3A_2212] : memref<384x128xf32, #tpu.memory_space<vmem>>[vector<16xi32>, vector<16xi32>], vector<16xf32>,
    %mul3A_2214 = arith.constant 0 : i32
    %mul3A_2215 = vector.broadcast %mul3A_2214 : i32 to vector<16xi32>
    %mul3A_2216 = arith.muli %iota3A, %mul3A_2215 : vector<16xi32>
    %add3A_2217 = vector.broadcast %and3A_2195 : i32 to vector<16xi32>
    %add3A_2218 = arith.addi %mul3A_2216, %add3A_2217 : vector<16xi32>
    %gather3A_2219 = tpu.vector_load_idx %arg10[%add3A_2198, %add3A_2218] : memref<384x128xf32, #tpu.memory_space<vmem>>[vector<16xi32>, vector<16xi32>], vector<16xf32>,
    %mul3A_2220 = arith.constant 0 : i32
    %mul3A_2221 = vector.broadcast %mul3A_2220 : i32 to vector<16xi32>
    %mul3A_2222 = arith.muli %iota3A, %mul3A_2221 : vector<16xi32>
    %add3A_2223 = vector.broadcast %and3A_2195 : i32 to vector<16xi32>
    %add3A_2224 = arith.addi %mul3A_2222, %add3A_2223 : vector<16xi32>
    %gather3A_2225 = tpu.vector_load_idx %arg10[%add3A_2201, %add3A_2224] : memref<384x128xf32, #tpu.memory_space<vmem>>[vector<16xi32>, vector<16xi32>], vector<16xf32>,
    %mul3A_2226 = arith.mulf %gather3A_2207, %gather3A_2219 : vector<16xf32>
    %mul3A_2227 = arith.mulf %mul3A_2226, %get3A_8 : vector<16xf32>
    %mul3A_2228 = arith.mulf %gather3A_2213, %gather3A_2225 : vector<16xf32>
    %mul3A_2229 = arith.mulf %mul3A_2228, %get3A_10 : vector<16xf32>
    %add3A_2230 = arith.addf %mul3A_2227, %mul3A_2229 : vector<16xf32>
    %swap3A_2231 = arith.constant 255 : index
    %swap3A_2232 = tpu.vector_load %arg12[%swap3A_2231] {strides = array<i32>} : memref<272xf32, #tpu.memory_space<vmem>>, vector<16xf32>,
    tpu.vector_store %arg12[%swap3A_2231], %add3A_2230 {strides = array<i32>} : memref<272xf32, #tpu.memory_space<vmem>>, vector<16xf32>,
    %gather3A_2233 = tpu.vector_load_idx %arg12[%mul3A_7] : memref<272xf32, #tpu.memory_space<vmem>>[vector<16xi32>], vector<16xf32>,
    %add3A_2234 = arith.constant 1 : i32
    %add3A_2235 = vector.broadcast %add3A_2234 : i32 to vector<16xi32>
    %add3A_2236 = arith.addi %mul3A_7, %add3A_2235 : vector<16xi32>
    %gather3A_2237 = tpu.vector_load_idx %arg12[%add3A_2236] : memref<272xf32, #tpu.memory_space<vmem>>[vector<16xi32>], vector<16xf32>,
    %add3A_2238 = arith.addf %gather3A_2233, %gather3A_2237 : vector<16xf32>
    %add3A_2239 = arith.constant 2 : i32
    %add3A_2240 = vector.broadcast %add3A_2239 : i32 to vector<16xi32>
    %add3A_2241 = arith.addi %mul3A_7, %add3A_2240 : vector<16xi32>
    %gather3A_2242 = tpu.vector_load_idx %arg12[%add3A_2241] : memref<272xf32, #tpu.memory_space<vmem>>[vector<16xi32>], vector<16xf32>,
    %add3A_2243 = arith.addf %add3A_2238, %gather3A_2242 : vector<16xf32>
    %add3A_2244 = arith.constant 3 : i32
    %add3A_2245 = vector.broadcast %add3A_2244 : i32 to vector<16xi32>
    %add3A_2246 = arith.addi %mul3A_7, %add3A_2245 : vector<16xi32>
    %gather3A_2247 = tpu.vector_load_idx %arg12[%add3A_2246] : memref<272xf32, #tpu.memory_space<vmem>>[vector<16xi32>], vector<16xf32>,
    %add3A_2248 = arith.addf %add3A_2243, %gather3A_2247 : vector<16xf32>
    %add3A_2249 = arith.constant 4 : i32
    %add3A_2250 = vector.broadcast %add3A_2249 : i32 to vector<16xi32>
    %add3A_2251 = arith.addi %mul3A_7, %add3A_2250 : vector<16xi32>
    %gather3A_2252 = tpu.vector_load_idx %arg12[%add3A_2251] : memref<272xf32, #tpu.memory_space<vmem>>[vector<16xi32>], vector<16xf32>,
    %add3A_2253 = arith.addf %add3A_2248, %gather3A_2252 : vector<16xf32>
    %add3A_2254 = arith.constant 5 : i32
    %add3A_2255 = vector.broadcast %add3A_2254 : i32 to vector<16xi32>
    %add3A_2256 = arith.addi %mul3A_7, %add3A_2255 : vector<16xi32>
    %gather3A_2257 = tpu.vector_load_idx %arg12[%add3A_2256] : memref<272xf32, #tpu.memory_space<vmem>>[vector<16xi32>], vector<16xf32>,
    %add3A_2258 = arith.addf %add3A_2253, %gather3A_2257 : vector<16xf32>
    %add3A_2259 = arith.constant 6 : i32
    %add3A_2260 = vector.broadcast %add3A_2259 : i32 to vector<16xi32>
    %add3A_2261 = arith.addi %mul3A_7, %add3A_2260 : vector<16xi32>
    %gather3A_2262 = tpu.vector_load_idx %arg12[%add3A_2261] : memref<272xf32, #tpu.memory_space<vmem>>[vector<16xi32>], vector<16xf32>,
    %add3A_2263 = arith.addf %add3A_2258, %gather3A_2262 : vector<16xf32>
    %add3A_2264 = arith.constant 7 : i32
    %add3A_2265 = vector.broadcast %add3A_2264 : i32 to vector<16xi32>
    %add3A_2266 = arith.addi %mul3A_7, %add3A_2265 : vector<16xi32>
    %gather3A_2267 = tpu.vector_load_idx %arg12[%add3A_2266] : memref<272xf32, #tpu.memory_space<vmem>>[vector<16xi32>], vector<16xf32>,
    %add3A_2268 = arith.addf %add3A_2263, %gather3A_2267 : vector<16xf32>
    %add3A_2269 = arith.constant 8 : i32
    %add3A_2270 = vector.broadcast %add3A_2269 : i32 to vector<16xi32>
    %add3A_2271 = arith.addi %mul3A_7, %add3A_2270 : vector<16xi32>
    %gather3A_2272 = tpu.vector_load_idx %arg12[%add3A_2271] : memref<272xf32, #tpu.memory_space<vmem>>[vector<16xi32>], vector<16xf32>,
    %add3A_2273 = arith.addf %add3A_2268, %gather3A_2272 : vector<16xf32>
    %add3A_2274 = arith.constant 9 : i32
    %add3A_2275 = vector.broadcast %add3A_2274 : i32 to vector<16xi32>
    %add3A_2276 = arith.addi %mul3A_7, %add3A_2275 : vector<16xi32>
    %gather3A_2277 = tpu.vector_load_idx %arg12[%add3A_2276] : memref<272xf32, #tpu.memory_space<vmem>>[vector<16xi32>], vector<16xf32>,
    %add3A_2278 = arith.addf %add3A_2273, %gather3A_2277 : vector<16xf32>
    %add3A_2279 = arith.constant 10 : i32
    %add3A_2280 = vector.broadcast %add3A_2279 : i32 to vector<16xi32>
    %add3A_2281 = arith.addi %mul3A_7, %add3A_2280 : vector<16xi32>
    %gather3A_2282 = tpu.vector_load_idx %arg12[%add3A_2281] : memref<272xf32, #tpu.memory_space<vmem>>[vector<16xi32>], vector<16xf32>,
    %add3A_2283 = arith.addf %add3A_2278, %gather3A_2282 : vector<16xf32>
    %add3A_2284 = arith.constant 11 : i32
    %add3A_2285 = vector.broadcast %add3A_2284 : i32 to vector<16xi32>
    %add3A_2286 = arith.addi %mul3A_7, %add3A_2285 : vector<16xi32>
    %gather3A_2287 = tpu.vector_load_idx %arg12[%add3A_2286] : memref<272xf32, #tpu.memory_space<vmem>>[vector<16xi32>], vector<16xf32>,
    %add3A_2288 = arith.addf %add3A_2283, %gather3A_2287 : vector<16xf32>
    %add3A_2289 = arith.constant 12 : i32
    %add3A_2290 = vector.broadcast %add3A_2289 : i32 to vector<16xi32>
    %add3A_2291 = arith.addi %mul3A_7, %add3A_2290 : vector<16xi32>
    %gather3A_2292 = tpu.vector_load_idx %arg12[%add3A_2291] : memref<272xf32, #tpu.memory_space<vmem>>[vector<16xi32>], vector<16xf32>,
    %add3A_2293 = arith.addf %add3A_2288, %gather3A_2292 : vector<16xf32>
    %add3A_2294 = arith.constant 13 : i32
    %add3A_2295 = vector.broadcast %add3A_2294 : i32 to vector<16xi32>
    %add3A_2296 = arith.addi %mul3A_7, %add3A_2295 : vector<16xi32>
    %gather3A_2297 = tpu.vector_load_idx %arg12[%add3A_2296] : memref<272xf32, #tpu.memory_space<vmem>>[vector<16xi32>], vector<16xf32>,
    %add3A_2298 = arith.addf %add3A_2293, %gather3A_2297 : vector<16xf32>
    %add3A_2299 = arith.constant 14 : i32
    %add3A_2300 = vector.broadcast %add3A_2299 : i32 to vector<16xi32>
    %add3A_2301 = arith.addi %mul3A_7, %add3A_2300 : vector<16xi32>
    %gather3A_2302 = tpu.vector_load_idx %arg12[%add3A_2301] : memref<272xf32, #tpu.memory_space<vmem>>[vector<16xi32>], vector<16xf32>,
    %add3A_2303 = arith.addf %add3A_2298, %gather3A_2302 : vector<16xf32>
    %add3A_2304 = arith.constant 15 : i32
    %add3A_2305 = vector.broadcast %add3A_2304 : i32 to vector<16xi32>
    %add3A_2306 = arith.addi %mul3A_7, %add3A_2305 : vector<16xi32>
    %gather3A_2307 = tpu.vector_load_idx %arg12[%add3A_2306] : memref<272xf32, #tpu.memory_space<vmem>>[vector<16xi32>], vector<16xf32>,
    %add3A_2308 = arith.addf %add3A_2303, %gather3A_2307 : vector<16xf32>
    %neg3A_2309 = arith.constant 0.000000e+00 : f32
    %neg3A_2310 = vector.broadcast %neg3A_2309 : f32 to vector<16xf32>
    %neg3A_2311 = arith.subf %neg3A_2310, %add3A_2308 : vector<16xf32>
    %exp3A_2312 = math.exp %neg3A_2311 : vector<16xf32>
    %add3A_2313 = arith.constant 1.000000e+00 : f32
    %add3A_2314 = vector.broadcast %add3A_2313 : f32 to vector<16xf32>
    %add3A_2315 = arith.addf %add3A_2314, %exp3A_2312 : vector<16xf32>
    %div3A_2316 = arith.constant 1.000000e+00 : f32
    %div3A_2317 = vector.broadcast %div3A_2316 : f32 to vector<16xf32>
    %div3A_2318 = arith.divf %div3A_2317, %add3A_2315 : vector<16xf32>
    %swap3A_2319 = arith.constant 496 : index
    %swap3A_2320 = tpu.vector_load %arg13[%swap3A_2319] {strides = array<i32>} : memref<512xf32, #tpu.memory_space<vmem>>, vector<16xf32>,
    tpu.vector_store %arg13[%swap3A_2319], %div3A_2318 {strides = array<i32>} : memref<512xf32, #tpu.memory_space<vmem>>, vector<16xf32>,
    "tpu.region"() ({
      %run_scoped3A_2321 = tpu.sem_alloc : memref<!tpu.dma_semaphore, #tpu.memory_space<semaphore_mem>>
      %dma_start3A_2322 = tpu.memref_slice %arg6[%mul3A_2] : memref<16384xf32, #tpu.memory_space<hbm>> -> memref<512xf32, #tpu.memory_space<hbm>>
      %dma_start3A_2323 = tpu.memref_slice %arg6[%mul3A_2] : memref<16384xf32, #tpu.memory_space<hbm>> -> memref<512xf32, #tpu.memory_space<hbm>>
      tpu.enqueue_dma source(%arg13 : memref<512xf32, #tpu.memory_space<vmem>>) target(%dma_start3A_2323 : memref<512xf32, #tpu.memory_space<hbm>>) target_semaphore(%run_scoped3A_2321 : memref<!tpu.dma_semaphore, #tpu.memory_space<semaphore_mem>>)
      %dma_wait3A_2324 = tpu.memref_slice %arg6[%mul3A_2] : memref<16384xf32, #tpu.memory_space<hbm>> -> memref<512xf32, #tpu.memory_space<hbm>>
      %dma_wait3A_2325 = tpu.memref_slice %arg6[%mul3A_2] : memref<16384xf32, #tpu.memory_space<hbm>> -> memref<512xf32, #tpu.memory_space<hbm>>
      tpu.wait_dma2 semaphore(%run_scoped3A_2321 : memref<!tpu.dma_semaphore, #tpu.memory_space<semaphore_mem>>) src(%arg13 : memref<512xf32, #tpu.memory_space<vmem>>) dst(%dma_wait3A_2325 : memref<512xf32, #tpu.memory_space<hbm>>)
      tpu.yield
    }) : () -> ()
    return
  }
}

</mosaic_0001>

<sc_bundles>
// kernel: _gmf.3.cloned.1.call-start
scs
__scs_entry_jumppad:
0x0: {  	(pc) =	sbr.rel $0x88, $3  }
0x1: {  	(tag) =	ssettag $0x0;
	lr =	simm.s32 $0x1  }
0x2: {  	[smem:$0x3F9D] =	sst lr;
	_ =	strace $0xD0000000  }
0x3: {  	_ = 	snop  }
0x4: {  	_ = 	snop  }
0x5: {  	_ = 	snop  }
0x6: {  	_ = 	snop  }
0x7: {  	_ = 	snop  }
__scs_overlays_trampoline_lowered:
0x8: {  	[smem:$0x3FAC] =	sst s0  }
0x9: {  	[smem:$0x3FAD] =	sst s1  }
0xa: {  	[smem:$0x3FAE] =	sst s2  }
0xb: {  	[smem:$0x3FAF] =	sst s3  }
0xc: {  	[smem:$0x3FB0] =	sst s4  }
0xd: {  	[smem:$0x3FB1] =	sst s5  }
0xe: {  	[smem:$0x3FB2] =	sst s6  }
0xf: {  	[smem:$0x3FB3] =	sst s7  }
0x10: {  	[smem:$0x3FB4] =	sst s8  }
0x11: {  	[smem:$0x3FB5] =	sst s9;
	s0 =	simm.s32 @!p0 $0x0  }
0x12: {  	s1 =	sld [smem:$0x3F9B];
	s0 =	simm.s32 @p0 $0x1  }
0x13: {  	[smem:$0x3FB6] =	sst s0;
	s0 =	simm.s32 @!p1 $0x0  }
0x14: {  	s2 =	sld [smem:$0x3F9A];
	s0 =	simm.s32 @p1 $0x1  }
0x15: {  	[smem:$0x3FB7] =	sst s0;
	s0 =	simm.s32 @!p2 $0x0  }
0x16: {  	s3 =	sld [smem:$0x3FDB];
	s0 =	simm.s32 @p2 $0x1  }
0x17: {  	s4 =	simm.s32 $0x1BF5;
	[smem:$0x3FB9] =	sst s0  }
0x18: {  	s0 =	sld [smem:$0x3F9C];
	_ =	swait.ge [sflag:s4], $0x0  }
0x19: {  	s7 =	sld [smem:$0x3F9D]  }
0x1a: {  	s8 =	sadd.s32 $0xFFFFE003, lr  }
0x1b: {  	s9 =	sadd.s32 $0xFFFFFEF7, lr;
	s5 =	simm.s32 $0xFFFFFFFF;
	p2 =	slt.u32 s8, $0xFFFFF086  }
0x1c: {  	p1 =	slt.u32 s9, $0xF7A;
	s5 =	simm.s32 @!p2 $0x0  }
0x1d: {  	s5 =	simm.s32 @p1 $0x1;
	p0 =	seq.s32 s7, s2  }
0x1e: {  	s7 =	smul.u32 @!p0 $0xF7A, s2;
	p2 =	seq.s32 @!p0 s5, $0x0  }
0x1f: {  	s9 =	smul.u32 $0xF7A, s1;
	s8 =	simm.s32 @!p0 $0x1BF5;
	p2 =	por !p2, p0  }
0x20: {  	[sflag:s8] =	ssyncset.s32 @!p0 $0xFFFFF086;
	s6 =	sadd.s32 @!p0 s3, s7;
	s7 =	simm.s32 @!p0 $0x108  }
0x21: {  	s3 =	sadd.s32 s3, s9;
	s6 =	sadd.s32 @!p0 $0x88, s6;
	s7 =	simm.s32 @p2 $0x1082  }
0x22: {  	[simem:s7], [sflag:s8] =	dma.local @!p0 [hbm:s6], $0xF7A  }
0x23: {  	s9 =	sor.u32 $0xD0000000, s2;
	s6 =	simm.s32 $0x108;
	_ =	swait.ge @!p0 [sflag:s8], $0x0  }
0x24: {  	s3 =	sadd.s32 $0x88, s3;
	s6 =	simm.s32 @!p1 $0x1082;
	[sflag:s4] =	ssyncset.s32 $0xFFFFF086  }
0x25: {  	[simem:s6], [sflag:s4] =	dma.local [hbm:s3], $0xF7A  }
0x26: {  	[smem:$0x3F9D] =	sst s1;
	(tag) =	ssettag s2;
	_ =	strace s9  }
0x27: {  	s1 =	sld [smem:$0x3FAD]  }
0x28: {  	s2 =	sld [smem:$0x3FAE]  }
0x29: {  	s4 =	sld [smem:$0x3FB0]  }
0x2a: {  	p0 =	seq.s32 s5, $0x0;
	s5 =	sld [smem:$0x3FB1]  }
0x2b: {  	s6 =	sld [smem:$0x3FB2]  }
0x2c: {  	s7 =	sld [smem:$0x3FB3]  }
0x2d: {  	s3 =	simm.s32 $0x108;
	s8 =	sld [smem:$0x3FB4]  }
0x2e: {  	s3 =	simm.s32 @!p0 $0x1082;
	s9 =	sld [smem:$0x3FB5]  }
0x2f: {  	lr =	sadd.s32 s0, s3;
	s0 =	sld [smem:$0x3FAC]  }
0x30: {  	s3 =	sld [smem:$0x3FAF]  }
0x31: {  	[smem:$0x3FB8] =	sst s10  }
0x32: {  	s10 =	sld [smem:$0x3FB6];
	_ =	sdelay $0x3  }
0x33: {  	p0 =	seq.s32 s10, $0x1;
	s10 =	sld [smem:$0x3FB8];
	_ =	sdelay $0x3  }
0x34: {  	[smem:$0x3FB8] =	sst s10  }
0x35: {  	s10 =	sld [smem:$0x3FB7];
	_ =	sdelay $0x3  }
0x36: {  	p1 =	seq.s32 s10, $0x1;
	s10 =	sld [smem:$0x3FB8];
	_ =	sdelay $0x3  }
0x37: {  	[smem:$0x3FB8] =	sst s10  }
0x38: {  	s10 =	sld [smem:$0x3FB9]  }
0x39: {  	_ = 	snop;
	(pc) =	sbr.ind lr, $3  }
0x3a: {  	_ = 	snop  }
0x3b: {  	_ = 	snop  }
0x3c: {  	p2 =	seq.s32 s10, $0x1;
	s10 =	sld [smem:$0x3FB8]  }
0x3d: {  	_ =	shalt  }
0x3e: {  	_ =	shalt  }
0x3f: {  	_ =	shalt  }
0x40: {  	_ =	shalt  }
0x41: {  	_ =	shalt  }
0x42: {  	_ =	shalt  }
0x43: {  	_ =	shalt  }
0x44: {  	_ =	shalt  }
0x45: {  	_ =	shalt  }
0x46: {  	_ =	shalt  }
0x47: {  	_ =	shalt  }
0x48: {  	_ =	shalt  }
0x49: {  	_ =	shalt  }
0x4a: {  	_ =	shalt  }
0x4b: {  	_ =	shalt  }
0x4c: {  	_ =	shalt  }
0x4d: {  	_ =	shalt  }
0x4e: {  	_ =	shalt  }
0x4f: {  	_ =	shalt  }
0x50: {  	_ =	shalt  }
0x51: {  	_ =	shalt  }
0x52: {  	_ =	shalt  }
0x53: {  	_ =	shalt  }
0x54: {  	_ =	shalt  }
0x55: {  	_ =	shalt  }
0x56: {  	_ =	shalt  }
0x57: {  	_ =	shalt  }
0x58: {  	_ =	shalt  }
0x59: {  	_ =	shalt  }
0x5a: {  	_ =	shalt  }
0x5b: {  	_ =	shalt  }
0x5c: {  	_ =	shalt  }
0x5d: {  	_ =	shalt  }
0x5e: {  	_ =	shalt  }
0x5f: {  	_ =	shalt  }
0x60: {  	_ =	shalt  }
0x61: {  	_ =	shalt  }
0x62: {  	_ =	shalt  }
0x63: {  	_ =	shalt  }
0x64: {  	_ =	shalt  }
0x65: {  	_ =	shalt  }
0x66: {  	_ =	shalt  }
0x67: {  	_ =	shalt  }
0x68: {  	_ =	shalt  }
0x69: {  	_ =	shalt  }
0x6a: {  	_ =	shalt  }
0x6b: {  	_ =	shalt  }
0x6c: {  	_ =	shalt  }
0x6d: {  	_ =	shalt  }
0x6e: {  	_ =	shalt  }
0x6f: {  	_ =	shalt  }
0x70: {  	_ =	shalt  }
0x71: {  	_ =	shalt  }
0x72: {  	_ =	shalt  }
0x73: {  	_ =	shalt  }
0x74: {  	_ =	shalt  }
0x75: {  	_ =	shalt  }
0x76: {  	_ =	shalt  }
0x77: {  	_ =	shalt  }
0x78: {  	_ =	shalt  }
0x79: {  	_ =	shalt  }
0x7a: {  	_ =	shalt  }
0x7b: {  	_ =	shalt  }
0x7c: {  	_ =	shalt  }
0x7d: {  	_ =	shalt  }
0x7e: {  	_ =	shalt  }
0x7f: {  	_ =	shalt  }
0x80: {  	_ =	shalt  }
0x81: {  	_ =	shalt  }
0x82: {  	_ =	shalt  }
0x83: {  	_ =	shalt  }
0x84: {  	_ =	shalt  }
0x85: {  	_ =	shalt  }
0x86: {  	_ =	shalt  }
0x87: {  	_ =	shalt  }
.Lfunc_end0:
.L_simem_size_0:
called_computation_lowered:
.L_overlay_start_0:
0x88: {  	s2 =	sld [smem:$0x3FD9]  }
0x89: {  	s3 =	sld [smem:$0x3FFE];
	_ =	sdelay $0x1  }
0x8a: {  	s1 =	srdreg.scid  }
0x8b: {  	s0 =	sand.u32 $0x1, s1  }
0x8c: {  	s17 =	sshll.u32 s0, $0xA;
	s2 =	sadd.s32 s3, s2  }
0x8d: {  	s2 =	sadd.s32 s2, s17  }
0x8e: {  	[smem:$0x3FC4] =	sst s2  }
0x8f: {  	_ = 	snop  }
0x90: {  	s2 =	sld [smem:$0x3FC8]  }
0x91: {  	s18 =	sld [smem:$0x3FC7]  }
0x92: {  	s4 =	sld [smem:$0x3FC6]  }
0x93: {  	s5 =	sld [smem:$0x3FD0];
	(tm) =	ssettm $0x1  }
0x94: {  	s6 =	sld [smem:$0x3FFB];
	_ =	sdelay $0x3  }
0x95: {  	_ =	strace s6  }
0x96: {  	s6 =	sld [smem:$0x3FFC];
	_ =	sdelay $0x3  }
0x97: {  	_ =	strace s6  }
0x98: {  	s6 =	sld [smem:$0x3FFD];
	_ =	sdelay $0x3  }
0x99: {  	_ =	strace s6  }
0x9a: {  	_ =	strace $0x8FFFFFFF  }
0x9b: {  	s19 =	sld [smem:$0x3FDB];
	_ =	sdelay $0x1  }
0x9c: {  	s7 =	simm.s32 $_scs_section_size  }
0x9d: {  	s8 =	simm.s32 $_size__tile_overlayer_lowered;
	s9 =	simm.s32 $_tile_overlayer_lowered  }
0x9e: {  	s22 =	simm.s32 $0x1BFF;
	s21 =	sshll.u32 s9, $0x1;
	s6 =	sadd.s32 s7, s19  }
0x9f: {  	s10 =	simm.s32 $0x0;
	s20 =	sshll.u32 s8, $0x1;
	s8 =	sadd.s32 s21, s6  }
0xa0: {  	[timem:s10], [sflag:s22] =	dma.local [hbm:s8], s20  }
0xa1: {  	_ =	swait.ge [sflag:s22], s20  }
0xa2: {  	s7 =	ssub.s32 $0x0, s20;
	[sflag:s22] =	ssyncset.done $0x0  }
0xa3: {  	[sflag:s22] =	ssyncadd.s32 s7;
	_ =	sdelay $0x1  }
0xa4: {  	s23 =	simm.s32 $0x1B8B  }
0xa5: {  	_ =	swait.ge [sflag:s23], $0x1  }
0xa6: {  	[sflag:s23] =	ssyncset.done $0x0  }
0xa7: {  	s25 =	simm.s32 $0x1B8E;
	s24 =	sld [smem:$0x3FFE];
	[sflag:s23] =	ssyncadd.s32 $0xFFFFFFFF  }
0xa8: {  	s26 =	simm.s32 $execute0_lowered;
	[smem:$0x3FD2] =	sst s25  }
0xa9: {  	s8 =	sshll.u32 s26, $0x1;
	_ =	strace $0x80000046;
	[dreg:$0x1] =	wrdreg $0xFFFFFFFF  }
0xaa: {  	s28 =	simm.s32 $_size_execute0_lowered;
	s6 =	sadd.s32 s6, s8;
	[dreg:$0x0] =	wrdreg $0x0  }
0xab: {  	s8 =	sshll.u32 s28, $0x1;
	[dreg:$0x2] =	wrdreg s6  }
0xac: {  	[dreg:$0x3] =	wrdreg s8  }
0xad: {  	[dreg:$0x4] =	wrdreg $0xC0  }
0xae: {  	_ =	task [dreg:s10], $0x5FFFF  }
0xaf: {  	[dreg:$0x1] =	wrdreg $0xFFFFFFFF  }
0xb0: {  	[dreg:$0x0] =	wrdreg $0x60  }
0xb1: {  	[dreg:$0x2] =	wrdreg s24  }
0xb2: {  	[dreg:$0x3] =	wrdreg s2  }
0xb3: {  	[dreg:$0x4] =	wrdreg s18  }
0xb4: {  	[dreg:$0x5] =	wrdreg s4  }
0xb5: {  	[dreg:$0x6] =	wrdreg s5  }
0xb6: {  	[dreg:$0x7] =	wrdreg $0x0  }
0xb7: {  	[dreg:$0x8] =	wrdreg $0x9  }
0xb8: {  	_ =	task.clear_ibuf [dreg:s10], $0x9FFFF;
	_ =	strace $0x90000046  }
0xb9: {  	s29 =	simm.s32 $0x9;
	_ =	strace $0x80000048  }
0xba: {  	_ =	swait.ge [sflag:s29], $0x1  }
0xbb: {  	[sflag:s29] =	ssyncadd.s32 $0xFFFFFFFF  }
0xbc: {  	_ =	strace $0x90000048  }
0xbd: {  	_ =	sfence  }
0xbe: {  	s30 =	sld [smem:$0x0];
	_ =	sdelay $0x2  }
0xbf: {  	s31 =	sshll.u32 s1, $0xD;
	s1 =	sshrl.u32 s1, $0x2  }
0xc0: {  	s3 =	sand.u32 $0x4000, s31;
	s1 =	sadd.s32 s1, s30  }
0xc1: {  	s0 =	sor.u32 s3, s0;
	s1 =	sshll.u32 s1, $0x11  }
0xc2: {  	s0 =	sor.u32 s1, s0  }
0xc3: {  	s0 =	sadd.s32 $0x8F2B, s0  }
0xc4: {  	[sflag:s0] =	ssyncadd.remote.s32 $0x1  }
0xc5: {  	_ =	sfence.sel $0xFFFF  }
0xc6: {  	[dreg:$0x0] =	wrdreg $0xFFFFFFFF;
	(pc) =	sbr.abs _section_cstart, $3  }
0xc7: {  	[dreg:$0x1] =	wrdreg $0xFFFFFFFF  }
0xc8: {  	_ =	task.clear_ibuf [dreg:s10], $0x2FFFF;
	_ =	strace $0x9FFFFFFF  }
0xc9: {  	(tm) =	ssettm $0x7FFFFFFF  }
tec
execute0_lowered:
.L_overlay_start_1:
0x0: {  	(tag) =	ssettag $0x1  }
0x1: {  	s1 =	rddreg [dreg:$0x0]  }
0x2: {  	s0 =	rddreg [dreg:$0x1]  }
0x3: {  	s2 =	rddreg [dreg:$0x2]  }
0x4: {  	s3 =	rddreg [dreg:$0x4]  }
0x5: {  	s4 =	srdreg.scid;
	s10 =	stileid.u32  }
0x6: {  	s5 =	rddreg [dreg:$0x5];
	s13 =	simm.s32 $0x0;
	s31 =	simm.s32 $0x7A1400  }
0x7: {  	s11 =	simm.s32 $0x5;
	s12 =	simm.s32 $0x6;
	s15 =	simm.s32 $0x0  }
0x8: {  	s4 =	sand.u32 $0x1, s4;
	s6 =	sshll.u32 s10, $0x1;
	[smem:$0x7FF] =	sst s13  }
0x9: {  	s17 =	sshll.u32 s10, $0xA;
	s8 =	sshll.u32 s10, $0x7;
	s18 =	sshll.u32 s10, $0x6  }
0xa: {  	v21 =	vlaneseq.u32;
	s6 =	sor.u32 s4, s6;
	_ =	strace $0x80000047;
	s4 =	ssub.s32 $0x2, s4  }
0xb: {  	v0 =	vmul.u32 $0x80, v21;
	s8 =	sand.u32 $0x380, s8;
	s19 =	sor.u32 $0x1C07, s18;
	s7 =	sshll.u32 s6, $0x7  }
0xc: {  	s9 =	sshrl.u32 s4, $0x1;
	[dreg:$0x9] =	wrdreg s19;
	s1 =	sadd.s32 s7, s1  }
0xd: {  	v21 =	vmul.u32 $0x11, v21;
	s20 =	sshll.u32 s6, $0x6;
	v1 =	vor.u32 $0x800, v0;
	v2 =	vor.u32 $0x1000, v0;
	s4 =	ssub.s32 s4, s9;
	s1 =	sadd.s32 $0x400, s1  }
0xe: {  	v3 =	vor.u32 $0x1800, v0;
	v4 =	vor.u32 $0x2000, v0;
	v5 =	vor.u32 $0x2800, v0;
	s7 =	sand.u32 $0x2000, s17;
	s21 =	smax.u32 s4, $0x1;
	[dreg:$0x8] =	wrdreg s1  }
0xf: {  	v6 =	vor.u32 $0x3000, v0;
	v7 =	vor.u32 $0x3800, v0;
	v8 =	vor.u32 $0x4000, v0;
	s5 =	sadd.s32 s7, s5;
	s1 =	sadd.s32 s3, s20;
	[dreg:$0xb] =	wrdreg s21  }
0x10: {  	s10 =	simm.s32 $0x13400;
	v9 =	vor.u32 $0x4800, v0;
	v10 =	vor.u32 $0x5000, v0;
	v11 =	vor.u32 $0x5800, v0;
	s7 =	sadd.s32 s8, s5;
	[dreg:$0xa] =	wrdreg s1  }
0x11: {  	s19 =	simm.s32 $0x1;
	v12 =	vor.u32 $0x6000, v0;
	v13 =	vor.u32 $0x6800, v0;
	v14 =	vor.u32 $0x7000, v0;
	s22 =	sadd.s32 $0x400, s7;
	[dreg:$0x7] =	wrdreg s7  }
0x12: {  	v15 =	vor.u32 $0x7800, v0;
	v16 =	vor.u32 $0x8000, v0;
	v17 =	vor.u32 $0x8800, v0;
	s6 =	simm.s32 $0x2;
	s23 =	sadd.s32 $0x800, s7;
	[dreg:$0xc] =	wrdreg s22  }
0x13: {  	v18 =	vor.u32 $0x9000, v0;
	v19 =	vor.u32 $0x9800, v0;
	v20 =	vor.u32 $0xA000, v0;
	s9 =	simm.s32 $0x7400;
	s24 =	sadd.s32 $0xC00, s7;
	[dreg:$0xd] =	wrdreg s23  }
0x14: {  	v22 =	vor.u32 $0xA800, v0;
	v23 =	vor.u32 $0xB000, v0;
	v24 =	vor.u32 $0xB800, v0;
	s4 =	simm.s32 $0x400;
	s25 =	sadd.s32 $0x1000, s7;
	[dreg:$0xe] =	wrdreg s24  }
0x15: {  	v25 =	vadd.s32 $0x1, v21;
	v26 =	vadd.s32 $0x2, v21;
	v27 =	vadd.s32 $0x3, v21;
	s20 =	simm.s32 $0x11400;
	s26 =	sadd.s32 $0x1400, s7;
	[dreg:$0xf] =	wrdreg s25  }
0x16: {  	v28 =	vadd.s32 $0x4, v21;
	v29 =	vadd.s32 $0x5, v21;
	v30 =	vadd.s32 $0x6, v21;
	s8 =	simm.s32 $0x12400;
	s28 =	sadd.s32 $0x1800, s7;
	[dreg:$0x10] =	wrdreg s26  }
0x17: {  	v31 =	vadd.s32 $0x7, v21;
	v32 =	vadd.s32 $0x8, v21;
	v33 =	vadd.s32 $0x9, v21;
	s5 =	simm.s32 $0x3;
	s29 =	sadd.s32 $0x1C00, s7;
	[dreg:$0x11] =	wrdreg s28  }
0x18: {  	v34 =	vadd.s32 $0xA, v21;
	v35 =	vadd.s32 $0xB, v21;
	v36 =	vadd.s32 $0xC, v21;
	s30 =	sshrl.u32 s7, $0x3;
	s1 =	simm.s32 $0xC400;
	[dreg:$0x12] =	wrdreg s29  }
0x19: {  	v37 =	vadd.s32 $0xD, v21;
	v38 =	vadd.s32 $0xE, v21;
	v39 =	vadd.s32 $0xF, v21;
	s7 =	simm.s32 $0x6400;
	[dreg:$0x13] =	wrdreg s30;
	s22 =	simm.s32 $0x4  }
.LBB2_1:
0x1a: {  	[dreg:$0x14] =	wrdreg s15  }
0x1b: {  	s3 =	rddreg [dreg:$0x8]  }
0x1c: {  	s18 =	simm.s32 $0x7;
	s14 =	rddreg [dreg:$0x9]  }
0x1d: {  	s25 =	rddreg [dreg:$0x13];
	s16 =	simm.s32 $0x80;
	s17 =	simm.s32 $0x10  }
0x1e: {  	[spmem:s25@s16], [sflag:s14] =	dma.strided [hbm:s3@s17], $0x80, s19, $0x10   }
0x1f: {  	_ =	swait.ge [sflag:s18], $0x80  }
0x20: {  	[sflag:s18] =	ssyncset.done $0x0  }
0x21: {  	s17 =	rddreg [dreg:$0x7];
	[sflag:s18] =	ssyncadd.s32 $0xFFFFFF80  }
0x22: {  	[smem:s13], [sflag:$0x7] =	stream.linear.gather [spmem:s17], $0x80, $0x38;
	[tilespmem:$0x18800] =	vst v63  }
0x23: {  	s3 =	rddreg [dreg:$0xc]  }
0x24: {  	[smem:s16], [sflag:$0x7] =	stream.linear.gather [spmem:s3], $0x80, $0x38;
	[tilespmem:$0x18800] =	vst v63  }
0x25: {  	s21 =	simm.s32 $0x100;
	s3 =	rddreg [dreg:$0xd]  }
0x26: {  	[smem:s21], [sflag:$0x7] =	stream.linear.gather [spmem:s3], $0x80, $0x38;
	[tilespmem:$0x18800] =	vst v63  }
0x27: {  	s23 =	simm.s32 $0x180;
	s3 =	rddreg [dreg:$0xe]  }
0x28: {  	[smem:s23], [sflag:$0x7] =	stream.linear.gather [spmem:s3], $0x80, $0x38;
	[tilespmem:$0x18800] =	vst v63  }
0x29: {  	s24 =	simm.s32 $0x200;
	s3 =	rddreg [dreg:$0xf]  }
0x2a: {  	[smem:s24], [sflag:$0x7] =	stream.linear.gather [spmem:s3], $0x80, $0x38;
	[tilespmem:$0x18800] =	vst v63  }
0x2b: {  	s25 =	simm.s32 $0x280;
	s3 =	rddreg [dreg:$0x10]  }
0x2c: {  	[smem:s25], [sflag:$0x7] =	stream.linear.gather [spmem:s3], $0x80, $0x38;
	[tilespmem:$0x18800] =	vst v63  }
0x2d: {  	s15 =	simm.s32 $0x300;
	s3 =	rddreg [dreg:$0x11]  }
0x2e: {  	[smem:s15], [sflag:$0x7] =	stream.linear.gather [spmem:s3], $0x80, $0x38;
	[tilespmem:$0x18800] =	vst v63  }
0x2f: {  	s16 =	simm.s32 $0x380;
	s3 =	rddreg [dreg:$0x12]  }
0x30: {  	[smem:s16], [sflag:$0x7] =	stream.linear.gather [spmem:s3], $0x80, $0x38;
	[tilespmem:$0x18800] =	vst v63  }
0x31: {  	_ =	swait.ge [sflag:s18], $0x400  }
0x32: {  	[sflag:s18] =	ssyncset.done $0x0  }
0x33: {  	[sflag:s18] =	ssyncadd.s32 $0xFFFFFC00  }
0x34: {  	s21 =	simm.s32 $0x18400;
	s17 =	rddreg [dreg:$0x3]  }
0x35: {  	[tilespmem:s21], [sflag:$0x7] =	stream.linear.gather [hbm4b:s17+s13], $0x80, $0x38;
	[tilespmem:$0x18800] =	vst v63  }
0x36: {  	_ =	swait.ge [sflag:s18], $0x80  }
0x37: {  	[sflag:s18] =	ssyncset.done $0x0  }
0x38: {  	[sflag:s18] =	ssyncadd.s32 $0xFFFFFF80  }
0x39: {  	s23 =	sld [smem:$0x0]  }
0x3a: {  	s24 =	sld [smem:$0x1]  }
0x3b: {  	s3 =	sld [smem:$0x2]  }
0x3c: {  	s26 =	simm.s32 $0xA400;
	s16 =	sld [smem:$0x3]  }
0x3d: {  	s28 =	simm.s32 $0x16400;
	s18 =	simm.s32 $0x1400;
	s21 =	sld [smem:$0x4]  }
0x3e: {  	s13 =	sand.u32 $0xFFFFF80, s23;
	s25 =	sand.u32 $0xFFFFF80, s24;
	s15 =	sand.u32 $0xFFFFF80, s3  }
0x3f: {  	v40 =	vld [tilespmem:$0x18400];
	s17 =	sand.u32 $0xFFFFF80, s16;
	s23 =	simm.s32 $0xD400;
	s13 =	sadd.s32 s0, s13  }
0x40: {  	v41 =	vld [tilespmem:$0x18410];
	[tilespmem:s4], [sflag:$0x1] =	stream.strided.gather [hbm4b:s13+s4], $0x1000, s31, s4, $0x38  }
0x41: {  	s24 =	sand.u32 $0xFFFFF80, s21;
	s3 =	sld [smem:$0xD];
	s13 =	sadd.s32 s2, s25  }
0x42: {  	[tilespmem:s1], [sflag:$0x1] =	stream.strided.gather [hbm4b:s13+s4], $0x1000, s31, s4, $0x38;
	[tilespmem:$0x18800] =	vst v63  }
0x43: {  	s21 =	simm.s32 $0xE400;
	s25 =	sld [smem:$0x5];
	s13 =	sadd.s32 s0, s15  }
0x44: {  	[tilespmem:s18], [sflag:$0x1] =	stream.strided.gather [hbm4b:s13+s4], $0x1000, s31, s4, $0x38;
	[tilespmem:$0x18800] =	vst v63  }
0x45: {  	s15 =	simm.s32 $0x2400;
	s13 =	sadd.s32 s2, s17;
	s17 =	sld [smem:$0x6]  }
0x46: {  	[tilespmem:s23], [sflag:$0x1] =	stream.strided.gather [hbm4b:s13+s4], $0x1000, s31, s4, $0x38;
	[tilespmem:$0x18800] =	vst v63  }
0x47: {  	s16 =	sand.u32 $0xFFFFF80, s25;
	s13 =	sadd.s32 s0, s24;
	s24 =	sld [smem:$0x7]  }
0x48: {  	[tilespmem:s15], [sflag:$0x2] =	stream.strided.gather [hbm4b:s13+s4], $0x1000, s31, s4, $0x38;
	[tilespmem:$0x18800] =	vst v63  }
0x49: {  	s25 =	simm.s32 $0x3400;
	s23 =	sand.u32 $0xFFFFF80, s17;
	s13 =	sadd.s32 s2, s16  }
0x4a: {  	s15 =	sld [smem:$0x8];
	s16 =	simm.s32 $0xF400;
	s14 =	sand.u32 $0xFFFFF80, s24  }
0x4b: {  	[tilespmem:s21], [sflag:$0x2] =	stream.strided.gather [hbm4b:s13+s4], $0x1000, s31, s4, $0x38;
	[tilespmem:$0x18800] =	vst v63  }
0x4c: {  	s13 =	sadd.s32 s0, s23;
	s21 =	sld [smem:$0x9];
	s23 =	simm.s32 $0x4400  }
0x4d: {  	[tilespmem:s25], [sflag:$0x2] =	stream.strided.gather [hbm4b:s13+s4], $0x1000, s31, s4, $0x38;
	[tilespmem:$0x18800] =	vst v63  }
0x4e: {  	s17 =	sand.u32 $0xFFFFF80, s15;
	s13 =	sadd.s32 s2, s14;
	s25 =	sld [smem:$0xA]  }
0x4f: {  	[tilespmem:s16], [sflag:$0x2] =	stream.strided.gather [hbm4b:s13+s4], $0x1000, s31, s4, $0x38;
	[tilespmem:$0x18800] =	vst v63  }
0x50: {  	s15 =	simm.s32 $0x10400;
	s13 =	sadd.s32 s0, s17;
	s17 =	sld [smem:$0xB]  }
0x51: {  	s24 =	sand.u32 $0xFFFFF80, s21;
	s21 =	simm.s32 $0x5400;
	s16 =	sand.u32 $0xFFFFF80, s25  }
0x52: {  	[tilespmem:s23], [sflag:$0x3] =	stream.strided.gather [hbm4b:s13+s4], $0x1000, s31, s4, $0x38;
	[tilespmem:$0x18800] =	vst v63  }
0x53: {  	s13 =	sadd.s32 s2, s24;
	s24 =	sld [smem:$0xC];
	s23 =	sand.u32 $0xFFFFF80, s17  }
0x54: {  	[tilespmem:s15], [sflag:$0x3] =	stream.strided.gather [hbm4b:s13+s4], $0x1000, s31, s4, $0x38;
	[tilespmem:$0x18800] =	vst v63  }
0x55: {  	s13 =	sadd.s32 s0, s16;
	s15 =	sand.u32 $0xFFFFF80, s3;
	s16 =	sld [smem:$0xE]  }
0x56: {  	[tilespmem:s21], [sflag:$0x3] =	stream.strided.gather [hbm4b:s13+s4], $0x1000, s31, s4, $0x38;
	[tilespmem:$0x18800] =	vst v63  }
0x57: {  	s3 =	sld [smem:$0x11];
	s25 =	sand.u32 $0xFFFFF80, s24;
	s13 =	sadd.s32 s2, s23  }
0x58: {  	[tilespmem:s20], [sflag:$0x3] =	stream.strided.gather [hbm4b:s13+s4], $0x1000, s31, s4, $0x38;
	[tilespmem:$0x18800] =	vst v63  }
0x59: {  	s29 =	simm.s32 $0xB400;
	s21 =	sld [smem:$0xF];
	s13 =	sadd.s32 s0, s25  }
0x5a: {  	[tilespmem:s7], [sflag:$0x4] =	stream.strided.gather [hbm4b:s13+s4], $0x1000, s31, s4, $0x38;
	[tilespmem:$0x18800] =	vst v63  }
0x5b: {  	s24 =	sld [smem:$0x10];
	s17 =	sand.u32 $0xFFFFF80, s16;
	s13 =	sadd.s32 s2, s15  }
0x5c: {  	[tilespmem:s8], [sflag:$0x4] =	stream.strided.gather [hbm4b:s13+s4], $0x1000, s31, s4, $0x38;
	[tilespmem:$0x18800] =	vst v63  }
0x5d: {  	s14 =	sand.u32 $0xFFFFF80, s3;
	s23 =	sand.u32 $0xFFFFF80, s21;
	s13 =	sadd.s32 s0, s17  }
0x5e: {  	[tilespmem:s9], [sflag:$0x4] =	stream.strided.gather [hbm4b:s13+s4], $0x1000, s31, s4, $0x38;
	[tilespmem:$0x18800] =	vst v63  }
0x5f: {  	s25 =	sand.u32 $0xFFFFF80, s24;
	s15 =	sld [smem:$0x12];
	s13 =	sadd.s32 s2, s23  }
0x60: {  	[tilespmem:s10], [sflag:$0x4] =	stream.strided.gather [hbm4b:s13+s4], $0x1000, s31, s4, $0x38;
	[tilespmem:$0x18800] =	vst v63  }
0x61: {  	s21 =	simm.s32 $0x8400;
	s17 =	sld [smem:$0x13];
	s13 =	sadd.s32 s0, s25  }
0x62: {  	[tilespmem:s21], [sflag:$0x5] =	stream.strided.gather [hbm4b:s13+s4], $0x1000, s31, s4, $0x38;
	[tilespmem:$0x18800] =	vst v63  }
0x63: {  	s16 =	sand.u32 $0xFFFFF80, s15;
	s23 =	simm.s32 $0x14400;
	s13 =	sadd.s32 s2, s14  }
0x64: {  	[tilespmem:s23], [sflag:$0x5] =	stream.strided.gather [hbm4b:s13+s4], $0x1000, s31, s4, $0x38;
	[tilespmem:$0x18800] =	vst v63  }
0x65: {  	s24 =	simm.s32 $0x9400;
	s25 =	sand.u32 $0xFFFFF80, s17;
	s13 =	sadd.s32 s0, s16  }
0x66: {  	[tilespmem:s24], [sflag:$0x5] =	stream.strided.gather [hbm4b:s13+s4], $0x1000, s31, s4, $0x38;
	[tilespmem:$0x18800] =	vst v63  }
0x67: {  	s30 =	simm.s32 $0x17400;
	s13 =	sadd.s32 s2, s25;
	s25 =	simm.s32 $0x15400  }
0x68: {  	[tilespmem:s25], [sflag:$0x5] =	stream.strided.gather [hbm4b:s13+s4], $0x1000, s31, s4, $0x38;
	[tilespmem:$0x18800] =	vst v63  }
0x69: {  	s15 =	simm.s32 $0x0;
	s14 =	simm.s32 $0x0;
	s13 =	simm.s32 $0x16  }
.LBB2_2:
0x6a: {  	s16 =	sld [smem:s13+$0xFFFFFFFE]  }
0x6b: {  	s17 =	sld [smem:s13+$0xFFFFFFFF];
	_ =	sdelay $0x1  }
0x6c: {  	s3 =	sld [smem:s13+$0x0];
	s16 =	sand.u32 $0xFFFFF80, s16  }
0x6d: {  	s17 =	sand.u32 $0xFFFFF80, s17;
	s16 =	sadd.s32 s0, s16  }
0x6e: {  	[tilespmem:s26], [sflag:$0x6] =	stream.strided.gather [hbm4b:s16+s4], $0x1000, s31, s4, $0x38;
	[tilespmem:$0x18800] =	vst v63  }
0x6f: {  	s16 =	sadd.s32 s2, s17;
	s17 =	sand.u32 $0xFFFFF80, s3;
	s3 =	sld [smem:s13+$0x1]  }
0x70: {  	_ = 	snop  }
0x71: {  	[tilespmem:s28], [sflag:$0x6] =	stream.strided.gather [hbm4b:s16+s4], $0x1000, s31, s4, $0x38;
	[tilespmem:$0x18800] =	vst v63  }
0x72: {  	s16 =	sadd.s32 s0, s17;
	s3 =	sand.u32 $0xFFFFF80, s3  }
0x73: {  	[tilespmem:s29], [sflag:$0x6] =	stream.strided.gather [hbm4b:s16+s4], $0x1000, s31, s4, $0x38;
	[tilespmem:$0x18800] =	vst v63  }
0x74: {  	s16 =	sadd.s32 s2, s3  }
0x75: {  	[tilespmem:s30], [sflag:$0x6] =	stream.strided.gather [hbm4b:s16+s4], $0x1000, s31, s4, $0x38;
	[tilespmem:$0x18800] =	vst v63  }
0x76: {  	_ =	swait.ge [sflag:s19], $0x1000  }
0x77: {  	[sflag:s19] =	ssyncset.done $0x0  }
0x78: {  	[sflag:s19] =	ssyncadd.s32 $0xFFFFF000  }
0x79: {  	_ =	swait.ge [sflag:s19], $0x1000  }
0x7a: {  	[sflag:s19] =	ssyncset.done $0x0  }
0x7b: {  	[sflag:s19] =	ssyncadd.s32 $0xFFFFF000  }
0x7c: {  	_ =	swait.ge [sflag:s19], $0x1000  }
0x7d: {  	[sflag:s19] =	ssyncset.done $0x0  }
0x7e: {  	[sflag:s19] =	ssyncadd.s32 $0xFFFFF000  }
0x7f: {  	_ =	swait.ge [sflag:s19], $0x1000  }
0x80: {  	[sflag:s19] =	ssyncset.done $0x0  }
0x81: {  	[sflag:s19] =	ssyncadd.s32 $0xFFFFF000  }
0x82: {  	s17 =	sld [smem:s13+$0xFFFFFFEA];
	_ =	sdelay $0x1  }
0x83: {  	s3 =	sld [smem:s13+$0xFFFFFFEB]  }
0x84: {  	s16 =	sand.u32 $0x7F, s17  }
0x85: {  	v42 =	vor.u32 s16, v0  }
0x86: {  	s17 =	sand.u32 $0x7F, s3;
	v43 =	vor.u32 s16, v1  }
0x87: {  	v44 =	vor.u32 s17, v0  }
0x88: {  	v45 =	vor.u32 s17, v1;
	_ =	sdelay $0x1  }
0x89: {  	v42 =	vld.idx.msk [tilespmem:v42+s4+$0x0], $0xffff  }
0x8a: {  	v43 =	vld.idx.msk [tilespmem:v43+s4+$0x0], $0xffff  }
0x8b: {  	v44 =	vld.idx.msk [tilespmem:v44+s1+$0x0], $0xffff  }
0x8c: {  	v45 =	vld.idx.msk [tilespmem:v45+s1+$0x0], $0xffff;
	_ =	sdelay $0x2  }
0x8d: {  	s3 =	sld [smem:s13+$0xFFFFFFEC];
	_ =	sdelay $0x1  }
0x8e: {  	s17 =	sld [smem:s13+$0xFFFFFFED];
	v42 =	vmul.f32 v44, v42;
	v43 =	vmul.f32 v45, v43  }
0x8f: {  	s16 =	sand.u32 $0x7F, s3  }
0x90: {  	s3 =	sand.u32 $0x6, s15;
	v51 =	vor.u32 s16, v2;
	v42 =	vmul.f32 v42, v40;
	v43 =	vmul.f32 v43, v41  }
0x91: {  	s3 =	smul.u32 $0x88, s3;
	s17 =	sand.u32 $0x7F, s17;
	v52 =	vor.u32 s16, v3  }
0x92: {  	v53 =	vor.u32 s17, v2;
	v42 =	vadd.f32 v43, v42  }
0x93: {  	v46 =	vor.u32 s17, v3;
	s3 =	sshrl.u32 s3, $0x2  }
0x94: {  	[tilespmem:s3+$0x18480] =	vst v42  }
0x95: {  	v42 =	vld.idx.msk [tilespmem:v51+s4+$0x0], $0xffff  }
0x96: {  	v54 =	vld.idx.msk [tilespmem:v52+s4+$0x0], $0xffff  }
0x97: {  	v43 =	vld.idx.msk [tilespmem:v53+s1+$0x0], $0xffff  }
0x98: {  	v55 =	vld.idx.msk [tilespmem:v46+s1+$0x0], $0xffff;
	_ =	sdelay $0x4  }
0x99: {  	v42 =	vmul.f32 v43, v42;
	v56 =	vmul.f32 v55, v54;
	_ =	sdelay $0x1  }
0x9a: {  	s17 =	sld [smem:s13+$0x2];
	v42 =	vmul.f32 v42, v40;
	v43 =	vmul.f32 v56, v41;
	_ =	sdelay $0x1  }
0x9b: {  	v42 =	vadd.f32 v43, v42  }
0x9c: {  	s16 =	sand.u32 $0xFFFFF80, s17;
	s17 =	sld [smem:s13+$0x3]  }
0x9d: {  	s16 =	sadd.s32 s0, s16;
	[tilespmem:s3+$0x18491] =	vst v42  }
0x9e: {  	[tilespmem:s4], [sflag:$0x1] =	stream.strided.gather [hbm4b:s16+s4], $0x1000, s31, s4, $0x38;
	[tilespmem:$0x18800] =	vst v63  }
0x9f: {  	s16 =	sand.u32 $0xFFFFF80, s17;
	s17 =	sld [smem:s13+$0x4]  }
0xa0: {  	s3 =	sadd.s32 s2, s16  }
0xa1: {  	[tilespmem:s1], [sflag:$0x1] =	stream.strided.gather [hbm4b:s3+s4], $0x1000, s31, s4, $0x38;
	[tilespmem:$0x18800] =	vst v63  }
0xa2: {  	s16 =	sand.u32 $0xFFFFF80, s17;
	s17 =	sld [smem:s13+$0x5]  }
0xa3: {  	s3 =	sadd.s32 s0, s16  }
0xa4: {  	[tilespmem:s18], [sflag:$0x1] =	stream.strided.gather [hbm4b:s3+s4], $0x1000, s31, s4, $0x38;
	[tilespmem:$0x18800] =	vst v63  }
0xa5: {  	s16 =	sand.u32 $0xFFFFF80, s17  }
0xa6: {  	s17 =	simm.s32 $0xD400;
	s3 =	sadd.s32 s2, s16  }
0xa7: {  	[tilespmem:s17], [sflag:$0x1] =	stream.strided.gather [hbm4b:s3+s4], $0x1000, s31, s4, $0x38;
	[tilespmem:$0x18800] =	vst v63  }
0xa8: {  	_ =	swait.ge [sflag:s6], $0x1000  }
0xa9: {  	[sflag:s6] =	ssyncset.done $0x0  }
0xaa: {  	[sflag:s6] =	ssyncadd.s32 $0xFFFFF000  }
0xab: {  	_ =	swait.ge [sflag:s6], $0x1000  }
0xac: {  	[sflag:s6] =	ssyncset.done $0x0  }
0xad: {  	[sflag:s6] =	ssyncadd.s32 $0xFFFFF000  }
0xae: {  	_ =	swait.ge [sflag:s6], $0x1000  }
0xaf: {  	[sflag:s6] =	ssyncset.done $0x0  }
0xb0: {  	[sflag:s6] =	ssyncadd.s32 $0xFFFFF000  }
0xb1: {  	_ =	swait.ge [sflag:s6], $0x1000  }
0xb2: {  	[sflag:s6] =	ssyncset.done $0x0  }
0xb3: {  	[sflag:s6] =	ssyncadd.s32 $0xFFFFF000  }
0xb4: {  	s16 =	sld [smem:s13+$0xFFFFFFEE];
	_ =	sdelay $0x1  }
0xb5: {  	s17 =	sld [smem:s13+$0xFFFFFFEF]  }
0xb6: {  	s3 =	sand.u32 $0x7F, s16  }
0xb7: {  	v57 =	vor.u32 s3, v4  }
0xb8: {  	s16 =	sand.u32 $0x7F, s17;
	v58 =	vor.u32 s3, v5  }
0xb9: {  	v59 =	vor.u32 s16, v4  }
0xba: {  	v60 =	vor.u32 s16, v5;
	_ =	sdelay $0x1  }
0xbb: {  	v42 =	vld.idx.msk [tilespmem:v57+s4+$0x0], $0xffff  }
0xbc: {  	v43 =	vld.idx.msk [tilespmem:v58+s4+$0x0], $0xffff  }
0xbd: {  	v44 =	vld.idx.msk [tilespmem:v59+s1+$0x0], $0xffff  }
0xbe: {  	v45 =	vld.idx.msk [tilespmem:v60+s1+$0x0], $0xffff;
	_ =	sdelay $0x2  }
0xbf: {  	s3 =	sld [smem:s13+$0xFFFFFFF0];
	_ =	sdelay $0x1  }
0xc0: {  	s16 =	sld [smem:s13+$0xFFFFFFF1];
	v42 =	vmul.f32 v44, v42;
	v43 =	vmul.f32 v45, v43  }
0xc1: {  	s17 =	sadd.s32 $0x1, s15;
	s3 =	sand.u32 $0x7F, s3  }
0xc2: {  	s17 =	sand.u32 $0x7, s17;
	v61 =	vor.u32 s3, v6;
	v42 =	vmul.f32 v42, v40;
	v43 =	vmul.f32 v43, v41  }
0xc3: {  	s16 =	sand.u32 $0x7F, s16;
	v62 =	vor.u32 s3, v7;
	s3 =	smul.u32 $0x88, s17  }
0xc4: {  	v63 =	vor.u32 s16, v6;
	v42 =	vadd.f32 v43, v42  }
0xc5: {  	v48 =	vor.u32 s16, v7;
	s3 =	sshrl.u32 s3, $0x2  }
0xc6: {  	[tilespmem:s3+$0x18480] =	vst v42  }
0xc7: {  	v42 =	vld.idx.msk [tilespmem:v61+s4+$0x0], $0xffff  }
0xc8: {  	v49 =	vld.idx.msk [tilespmem:v62+s4+$0x0], $0xffff  }
0xc9: {  	v43 =	vld.idx.msk [tilespmem:v63+s1+$0x0], $0xffff  }
0xca: {  	v50 =	vld.idx.msk [tilespmem:v48+s1+$0x0], $0xffff;
	_ =	sdelay $0x3  }
0xcb: {  	p0 =	sne.s32 s17, $0x7  }
0xcc: {  	v44 =	vlaneseq.u32 @!p0;
	v42 =	vmul.f32 v43, v42;
	v51 =	vmul.f32 v50, v49  }
0xcd: {  	v44 =	vmul.u32 @!p0 $0x11, v44  }
0xce: {  	v42 =	vmul.f32 v42, v40;
	v43 =	vmul.f32 v51, v41  }
0xcf: {  	v45 =	vadd.s32 @!p0 $0x1, v44  }
0xd0: {  	v42 =	vadd.f32 v43, v42  }
0xd1: {  	v43 =	vadd.s32 @!p0 $0x2, v44  }
0xd2: {  	[tilespmem:s3+$0x18491] =	vst v42;
	s3 =	simm.s32 @!p0 $0x18480  }
0xd3: {  	v46 =	vadd.s32 @!p0 $0x3, v44;
	v42 =	vld.idx.msk @!p0 [tilespmem:v44+s3+$0x0], $0xffff  }
0xd4: {  	v45 =	vld.idx.msk @!p0 [tilespmem:v45+s3+$0x0], $0xffff  }
0xd5: {  	v47 =	vadd.s32 @!p0 $0x4, v44  }
0xd6: {  	v43 =	vld.idx.msk @!p0 [tilespmem:v43+s3+$0x0], $0xffff  }
0xd7: {  	v48 =	vadd.s32 @!p0 $0x5, v44  }
0xd8: {  	v46 =	vld.idx.msk @!p0 [tilespmem:v46+s3+$0x0], $0xffff  }
0xd9: {  	v42 =	vadd.f32 @!p0 v45, v42;
	v45 =	vadd.s32 @!p0 $0x6, v44  }
0xda: {  	v47 =	vld.idx.msk @!p0 [tilespmem:v47+s3+$0x0], $0xffff  }
0xdb: {  	v42 =	vadd.f32 @!p0 v43, v42;
	v43 =	vadd.s32 @!p0 $0x7, v44  }
0xdc: {  	v48 =	vld.idx.msk @!p0 [tilespmem:v48+s3+$0x0], $0xffff  }
0xdd: {  	v42 =	vadd.f32 @!p0 v46, v42;
	v46 =	vadd.s32 @!p0 $0x8, v44  }
0xde: {  	v45 =	vld.idx.msk @!p0 [tilespmem:v45+s3+$0x0], $0xffff  }
0xdf: {  	v42 =	vadd.f32 @!p0 v47, v42;
	v47 =	vadd.s32 @!p0 $0x9, v44  }
0xe0: {  	v43 =	vld.idx.msk @!p0 [tilespmem:v43+s3+$0x0], $0xffff  }
0xe1: {  	v42 =	vadd.f32 @!p0 v48, v42;
	v48 =	vadd.s32 @!p0 $0xA, v44  }
0xe2: {  	v46 =	vld.idx.msk @!p0 [tilespmem:v46+s3+$0x0], $0xffff  }
0xe3: {  	v42 =	vadd.f32 @!p0 v45, v42;
	v45 =	vadd.s32 @!p0 $0xB, v44  }
0xe4: {  	v47 =	vld.idx.msk @!p0 [tilespmem:v47+s3+$0x0], $0xffff  }
0xe5: {  	v42 =	vadd.f32 @!p0 v43, v42;
	v43 =	vadd.s32 @!p0 $0xC, v44  }
0xe6: {  	v48 =	vld.idx.msk @!p0 [tilespmem:v48+s3+$0x0], $0xffff  }
0xe7: {  	v42 =	vadd.f32 @!p0 v46, v42;
	v46 =	vadd.s32 @!p0 $0xD, v44  }
0xe8: {  	v45 =	vld.idx.msk @!p0 [tilespmem:v45+s3+$0x0], $0xffff  }
0xe9: {  	v42 =	vadd.f32 @!p0 v47, v42;
	v47 =	vadd.s32 @!p0 $0xE, v44  }
0xea: {  	v43 =	vld.idx.msk @!p0 [tilespmem:v43+s3+$0x0], $0xffff  }
0xeb: {  	v44 =	vadd.s32 @!p0 $0xF, v44;
	v42 =	vadd.f32 @!p0 v48, v42  }
0xec: {  	v46 =	vld.idx.msk @!p0 [tilespmem:v46+s3+$0x0], $0xffff  }
0xed: {  	v42 =	vadd.f32 @!p0 v45, v42  }
0xee: {  	v45 =	vld.idx.msk @!p0 [tilespmem:v47+s3+$0x0], $0xffff  }
0xef: {  	v42 =	vadd.f32 @!p0 v43, v42  }
0xf0: {  	v43 =	vld.idx.msk @!p0 [tilespmem:v44+s3+$0x0], $0xffff  }
0xf1: {  	v42 =	vadd.f32 @!p0 v46, v42;
	_ =	sdelay $0x1  }
0xf2: {  	v42 =	vadd.f32 @!p0 v45, v42;
	_ =	sdelay $0x1  }
0xf3: {  	v42 =	vadd.f32 @!p0 v43, v42;
	_ =	sdelay $0x1  }
0xf4: {  	v42 =	vsub.f32 @!p0 $0.0e+00, v42;
	_ =	sdelay $0x1  }
0xf5: {  	v42 =	vmul.f32 @!p0 $1.442695020e+00, v42;
	_ =	sdelay $0x1  }
0xf6: {  	(erf) = vpow2.f32 @!p0 v42;
	_ =	sdelay $0x8  }
0xf7: {  	v42 =	vpop @!p0 (erf)  }
0xf8: {  	v42 =	vadd.f32 @!p0 $1.000000000e+00, v42;
	_ =	sdelay $0x1  }
0xf9: {  	(erf) = vrcp.f32 @!p0 v42;
	_ =	sdelay $0x5  }
0xfa: {  	s17 =	sld [smem:s13+$0x6];
	_ =	sdelay $0x2  }
0xfb: {  	s16 =	sand.u32 @!p0 $0x3F0, s14;
	s3 =	sand.u32 $0xFFFFF80, s17;
	s17 =	sld [smem:s13+$0x7];
	v42 =	vpop @!p0 (erf)  }
0xfc: {  	s3 =	sadd.s32 s0, s3;
	[tilespmem:s16+$0x18600] =	vst @!p0 v42;
	s16 =	simm.s32 $0x2400  }
0xfd: {  	[tilespmem:s16], [sflag:$0x2] =	stream.strided.gather [hbm4b:s3+s4], $0x1000, s31, s4, $0x38;
	[tilespmem:$0x18800] =	vst v63  }
0xfe: {  	s17 =	sand.u32 $0xFFFFF80, s17;
	s16 =	sld [smem:s13+$0x8]  }
0xff: {  	s3 =	sadd.s32 s2, s17;
	s17 =	simm.s32 $0xE400  }
0x100: {  	[tilespmem:s17], [sflag:$0x2] =	stream.strided.gather [hbm4b:s3+s4], $0x1000, s31, s4, $0x38;
	[tilespmem:$0x18800] =	vst v63  }
0x101: {  	s17 =	sand.u32 $0xFFFFF80, s16;
	s16 =	sld [smem:s13+$0x9]  }
0x102: {  	s3 =	sadd.s32 s0, s17;
	s17 =	simm.s32 $0x3400  }
0x103: {  	[tilespmem:s17], [sflag:$0x2] =	stream.strided.gather [hbm4b:s3+s4], $0x1000, s31, s4, $0x38;
	[tilespmem:$0x18800] =	vst v63  }
0x104: {  	s16 =	sand.u32 $0xFFFFF80, s16  }
0x105: {  	s17 =	simm.s32 $0xF400;
	s3 =	sadd.s32 s2, s16  }
0x106: {  	[tilespmem:s17], [sflag:$0x2] =	stream.strided.gather [hbm4b:s3+s4], $0x1000, s31, s4, $0x38;
	[tilespmem:$0x18800] =	vst v63  }
0x107: {  	_ =	swait.ge [sflag:s5], $0x1000  }
0x108: {  	[sflag:s5] =	ssyncset.done $0x0  }
0x109: {  	[sflag:s5] =	ssyncadd.s32 $0xFFFFF000  }
0x10a: {  	_ =	swait.ge [sflag:s5], $0x1000  }
0x10b: {  	[sflag:s5] =	ssyncset.done $0x0  }
0x10c: {  	[sflag:s5] =	ssyncadd.s32 $0xFFFFF000  }
0x10d: {  	_ =	swait.ge [sflag:s5], $0x1000  }
0x10e: {  	[sflag:s5] =	ssyncset.done $0x0  }
0x10f: {  	[sflag:s5] =	ssyncadd.s32 $0xFFFFF000  }
0x110: {  	_ =	swait.ge [sflag:s5], $0x1000  }
0x111: {  	[sflag:s5] =	ssyncset.done $0x0  }
0x112: {  	[sflag:s5] =	ssyncadd.s32 $0xFFFFF000  }
0x113: {  	s16 =	sld [smem:s13+$0xFFFFFFF2];
	_ =	sdelay $0x1  }
0x114: {  	s17 =	sld [smem:s13+$0xFFFFFFF3]  }
0x115: {  	s3 =	sand.u32 $0x7F, s16  }
0x116: {  	v52 =	vor.u32 s3, v8  }
0x117: {  	s16 =	sand.u32 $0x7F, s17;
	v53 =	vor.u32 s3, v9  }
0x118: {  	v54 =	vor.u32 s16, v8  }
0x119: {  	v55 =	vor.u32 s16, v9;
	_ =	sdelay $0x1  }
0x11a: {  	v42 =	vld.idx.msk [tilespmem:v52+s4+$0x0], $0xffff  }
0x11b: {  	v43 =	vld.idx.msk [tilespmem:v53+s4+$0x0], $0xffff  }
0x11c: {  	v44 =	vld.idx.msk [tilespmem:v54+s1+$0x0], $0xffff  }
0x11d: {  	v45 =	vld.idx.msk [tilespmem:v55+s1+$0x0], $0xffff;
	_ =	sdelay $0x2  }
0x11e: {  	s3 =	sld [smem:s13+$0xFFFFFFF4];
	_ =	sdelay $0x1  }
0x11f: {  	s16 =	sld [smem:s13+$0xFFFFFFF5];
	v42 =	vmul.f32 v44, v42;
	v43 =	vmul.f32 v45, v43  }
0x120: {  	s17 =	sadd.s32 $0x2, s15;
	s3 =	sand.u32 $0x7F, s3  }
0x121: {  	s17 =	sand.u32 $0x6, s17;
	v56 =	vor.u32 s3, v10;
	v42 =	vmul.f32 v42, v40;
	v43 =	vmul.f32 v43, v41  }
0x122: {  	s17 =	smul.u32 $0x88, s17;
	s16 =	sand.u32 $0x7F, s16;
	v57 =	vor.u32 s3, v11  }
0x123: {  	v58 =	vor.u32 s16, v10;
	v42 =	vadd.f32 v43, v42  }
0x124: {  	s3 =	sshrl.u32 s17, $0x2;
	v59 =	vor.u32 s16, v11  }
0x125: {  	[tilespmem:s3+$0x18480] =	vst v42  }
0x126: {  	v42 =	vld.idx.msk [tilespmem:v56+s4+$0x0], $0xffff  }
0x127: {  	v60 =	vld.idx.msk [tilespmem:v57+s4+$0x0], $0xffff  }
0x128: {  	v43 =	vld.idx.msk [tilespmem:v58+s1+$0x0], $0xffff  }
0x129: {  	v61 =	vld.idx.msk [tilespmem:v59+s1+$0x0], $0xffff;
	_ =	sdelay $0x4  }
0x12a: {  	v42 =	vmul.f32 v43, v42;
	v62 =	vmul.f32 v61, v60;
	_ =	sdelay $0x1  }
0x12b: {  	s17 =	sld [smem:s13+$0xA];
	v42 =	vmul.f32 v42, v40;
	v43 =	vmul.f32 v62, v41;
	_ =	sdelay $0x1  }
0x12c: {  	v42 =	vadd.f32 v43, v42  }
0x12d: {  	s16 =	sand.u32 $0xFFFFF80, s17;
	s17 =	sld [smem:s13+$0xB]  }
0x12e: {  	[tilespmem:s3+$0x18491] =	vst v42;
	s3 =	sadd.s32 s0, s16;
	s16 =	simm.s32 $0x4400  }
0x12f: {  	[tilespmem:s16], [sflag:$0x3] =	stream.strided.gather [hbm4b:s3+s4], $0x1000, s31, s4, $0x38;
	[tilespmem:$0x18800] =	vst v63  }
0x130: {  	s17 =	sand.u32 $0xFFFFF80, s17;
	s16 =	sld [smem:s13+$0xC]  }
0x131: {  	s3 =	sadd.s32 s2, s17;
	s17 =	simm.s32 $0x10400  }
0x132: {  	[tilespmem:s17], [sflag:$0x3] =	stream.strided.gather [hbm4b:s3+s4], $0x1000, s31, s4, $0x38;
	[tilespmem:$0x18800] =	vst v63  }
0x133: {  	s17 =	sand.u32 $0xFFFFF80, s16;
	s16 =	sld [smem:s13+$0xD]  }
0x134: {  	s3 =	sadd.s32 s0, s17;
	s17 =	simm.s32 $0x5400  }
0x135: {  	[tilespmem:s17], [sflag:$0x3] =	stream.strided.gather [hbm4b:s3+s4], $0x1000, s31, s4, $0x38;
	[tilespmem:$0x18800] =	vst v63  }
0x136: {  	s17 =	sand.u32 $0xFFFFF80, s16  }
0x137: {  	s3 =	sadd.s32 s2, s17  }
0x138: {  	[tilespmem:s20], [sflag:$0x3] =	stream.strided.gather [hbm4b:s3+s4], $0x1000, s31, s4, $0x38;
	[tilespmem:$0x18800] =	vst v63  }
0x139: {  	_ =	swait.ge [sflag:s22], $0x1000  }
0x13a: {  	[sflag:s22] =	ssyncset.done $0x0  }
0x13b: {  	[sflag:s22] =	ssyncadd.s32 $0xFFFFF000  }
0x13c: {  	_ =	swait.ge [sflag:s22], $0x1000  }
0x13d: {  	[sflag:s22] =	ssyncset.done $0x0  }
0x13e: {  	[sflag:s22] =	ssyncadd.s32 $0xFFFFF000  }
0x13f: {  	_ =	swait.ge [sflag:s22], $0x1000  }
0x140: {  	[sflag:s22] =	ssyncset.done $0x0  }
0x141: {  	[sflag:s22] =	ssyncadd.s32 $0xFFFFF000  }
0x142: {  	_ =	swait.ge [sflag:s22], $0x1000  }
0x143: {  	[sflag:s22] =	ssyncset.done $0x0  }
0x144: {  	[sflag:s22] =	ssyncadd.s32 $0xFFFFF000  }
0x145: {  	s16 =	sld [smem:s13+$0xFFFFFFF6];
	_ =	sdelay $0x1  }
0x146: {  	s17 =	sld [smem:s13+$0xFFFFFFF7]  }
0x147: {  	s3 =	sand.u32 $0x7F, s16  }
0x148: {  	v63 =	vor.u32 s3, v12  }
0x149: {  	s16 =	sand.u32 $0x7F, s17;
	v48 =	vor.u32 s3, v13  }
0x14a: {  	v49 =	vor.u32 s16, v12  }
0x14b: {  	v50 =	vor.u32 s16, v13;
	_ =	sdelay $0x1  }
0x14c: {  	v42 =	vld.idx.msk [tilespmem:v63+s4+$0x0], $0xffff  }
0x14d: {  	v43 =	vld.idx.msk [tilespmem:v48+s4+$0x0], $0xffff  }
0x14e: {  	v44 =	vld.idx.msk [tilespmem:v49+s1+$0x0], $0xffff  }
0x14f: {  	v45 =	vld.idx.msk [tilespmem:v50+s1+$0x0], $0xffff;
	_ =	sdelay $0x2  }
0x150: {  	s3 =	sld [smem:s13+$0xFFFFFFF8];
	_ =	sdelay $0x1  }
0x151: {  	s16 =	sld [smem:s13+$0xFFFFFFF9];
	v42 =	vmul.f32 v44, v42;
	v43 =	vmul.f32 v45, v43  }
0x152: {  	s17 =	sadd.s32 $0x3, s15;
	s3 =	sand.u32 $0x7F, s3  }
0x153: {  	s17 =	sand.u32 $0x7, s17;
	v51 =	vor.u32 s3, v14;
	v42 =	vmul.f32 v42, v40;
	v43 =	vmul.f32 v43, v41  }
0x154: {  	s16 =	sand.u32 $0x7F, s16;
	v52 =	vor.u32 s3, v15;
	s3 =	smul.u32 $0x88, s17  }
0x155: {  	v53 =	vor.u32 s16, v14;
	v42 =	vadd.f32 v43, v42  }
0x156: {  	v54 =	vor.u32 s16, v15;
	s3 =	sshrl.u32 s3, $0x2  }
0x157: {  	[tilespmem:s3+$0x18480] =	vst v42  }
0x158: {  	v42 =	vld.idx.msk [tilespmem:v51+s4+$0x0], $0xffff  }
0x159: {  	v55 =	vld.idx.msk [tilespmem:v52+s4+$0x0], $0xffff  }
0x15a: {  	v43 =	vld.idx.msk [tilespmem:v53+s1+$0x0], $0xffff  }
0x15b: {  	v56 =	vld.idx.msk [tilespmem:v54+s1+$0x0], $0xffff;
	_ =	sdelay $0x3  }
0x15c: {  	p0 =	sne.s32 s17, $0x7  }
0x15d: {  	v44 =	vlaneseq.u32 @!p0;
	v42 =	vmul.f32 v43, v42;
	v57 =	vmul.f32 v56, v55  }
0x15e: {  	v44 =	vmul.u32 @!p0 $0x11, v44  }
0x15f: {  	v42 =	vmul.f32 v42, v40;
	v43 =	vmul.f32 v57, v41  }
0x160: {  	v45 =	vadd.s32 @!p0 $0x1, v44  }
0x161: {  	v42 =	vadd.f32 v43, v42  }
0x162: {  	v43 =	vadd.s32 @!p0 $0x2, v44  }
0x163: {  	[tilespmem:s3+$0x18491] =	vst v42;
	s3 =	simm.s32 @!p0 $0x18480  }
0x164: {  	v46 =	vadd.s32 @!p0 $0x3, v44;
	v42 =	vld.idx.msk @!p0 [tilespmem:v44+s3+$0x0], $0xffff  }
0x165: {  	v45 =	vld.idx.msk @!p0 [tilespmem:v45+s3+$0x0], $0xffff  }
0x166: {  	v47 =	vadd.s32 @!p0 $0x4, v44  }
0x167: {  	v43 =	vld.idx.msk @!p0 [tilespmem:v43+s3+$0x0], $0xffff  }
0x168: {  	v48 =	vadd.s32 @!p0 $0x5, v44  }
0x169: {  	v46 =	vld.idx.msk @!p0 [tilespmem:v46+s3+$0x0], $0xffff  }
0x16a: {  	v42 =	vadd.f32 @!p0 v45, v42;
	v45 =	vadd.s32 @!p0 $0x6, v44  }
0x16b: {  	v47 =	vld.idx.msk @!p0 [tilespmem:v47+s3+$0x0], $0xffff  }
0x16c: {  	v42 =	vadd.f32 @!p0 v43, v42;
	v43 =	vadd.s32 @!p0 $0x7, v44  }
0x16d: {  	v48 =	vld.idx.msk @!p0 [tilespmem:v48+s3+$0x0], $0xffff  }
0x16e: {  	v42 =	vadd.f32 @!p0 v46, v42;
	v46 =	vadd.s32 @!p0 $0x8, v44  }
0x16f: {  	v45 =	vld.idx.msk @!p0 [tilespmem:v45+s3+$0x0], $0xffff  }
0x170: {  	v42 =	vadd.f32 @!p0 v47, v42;
	v47 =	vadd.s32 @!p0 $0x9, v44  }
0x171: {  	v43 =	vld.idx.msk @!p0 [tilespmem:v43+s3+$0x0], $0xffff  }
0x172: {  	v42 =	vadd.f32 @!p0 v48, v42;
	v48 =	vadd.s32 @!p0 $0xA, v44  }
0x173: {  	v46 =	vld.idx.msk @!p0 [tilespmem:v46+s3+$0x0], $0xffff  }
0x174: {  	v42 =	vadd.f32 @!p0 v45, v42;
	v45 =	vadd.s32 @!p0 $0xB, v44  }
0x175: {  	v47 =	vld.idx.msk @!p0 [tilespmem:v47+s3+$0x0], $0xffff  }
0x176: {  	v42 =	vadd.f32 @!p0 v43, v42;
	v43 =	vadd.s32 @!p0 $0xC, v44  }
0x177: {  	v48 =	vld.idx.msk @!p0 [tilespmem:v48+s3+$0x0], $0xffff  }
0x178: {  	v42 =	vadd.f32 @!p0 v46, v42;
	v46 =	vadd.s32 @!p0 $0xD, v44  }
0x179: {  	v45 =	vld.idx.msk @!p0 [tilespmem:v45+s3+$0x0], $0xffff  }
0x17a: {  	v42 =	vadd.f32 @!p0 v47, v42;
	v47 =	vadd.s32 @!p0 $0xE, v44  }
0x17b: {  	v43 =	vld.idx.msk @!p0 [tilespmem:v43+s3+$0x0], $0xffff  }
0x17c: {  	v44 =	vadd.s32 @!p0 $0xF, v44;
	v42 =	vadd.f32 @!p0 v48, v42  }
0x17d: {  	v46 =	vld.idx.msk @!p0 [tilespmem:v46+s3+$0x0], $0xffff  }
0x17e: {  	v42 =	vadd.f32 @!p0 v45, v42  }
0x17f: {  	v45 =	vld.idx.msk @!p0 [tilespmem:v47+s3+$0x0], $0xffff  }
0x180: {  	v42 =	vadd.f32 @!p0 v43, v42  }
0x181: {  	v43 =	vld.idx.msk @!p0 [tilespmem:v44+s3+$0x0], $0xffff  }
0x182: {  	v42 =	vadd.f32 @!p0 v46, v42;
	_ =	sdelay $0x1  }
0x183: {  	v42 =	vadd.f32 @!p0 v45, v42;
	_ =	sdelay $0x1  }
0x184: {  	v42 =	vadd.f32 @!p0 v43, v42;
	_ =	sdelay $0x1  }
0x185: {  	v42 =	vsub.f32 @!p0 $0.0e+00, v42;
	_ =	sdelay $0x1  }
0x186: {  	v42 =	vmul.f32 @!p0 $1.442695020e+00, v42;
	_ =	sdelay $0x1  }
0x187: {  	(erf) = vpow2.f32 @!p0 v42;
	_ =	sdelay $0x8  }
0x188: {  	v42 =	vpop @!p0 (erf)  }
0x189: {  	v42 =	vadd.f32 @!p0 $1.000000000e+00, v42;
	_ =	sdelay $0x1  }
0x18a: {  	(erf) = vrcp.f32 @!p0 v42;
	_ =	sdelay $0x3  }
0x18b: {  	s17 =	sld [smem:s13+$0xE];
	_ =	sdelay $0x2  }
0x18c: {  	s3 =	sand.u32 $0xFFFFF80, s17;
	s17 =	sld [smem:s13+$0xF]  }
0x18d: {  	s16 =	sadd.s32 @!p0 $0x6, s14  }
0x18e: {  	s16 =	sand.u32 @!p0 $0x7F0, s16;
	v42 =	vpop @!p0 (erf)  }
0x18f: {  	s3 =	sadd.s32 s0, s3;
	[tilespmem:s16+$0x18600] =	vst @!p0 v42;
	s16 =	sand.u32 $0xFFFFF80, s17;
	s17 =	sld [smem:s13+$0x10]  }
0x190: {  	[tilespmem:s7], [sflag:$0x4] =	stream.strided.gather [hbm4b:s3+s4], $0x1000, s31, s4, $0x38;
	[tilespmem:$0x18800] =	vst v63  }
0x191: {  	s3 =	sadd.s32 s2, s16  }
0x192: {  	[tilespmem:s8], [sflag:$0x4] =	stream.strided.gather [hbm4b:s3+s4], $0x1000, s31, s4, $0x38;
	[tilespmem:$0x18800] =	vst v63  }
0x193: {  	s16 =	sand.u32 $0xFFFFF80, s17;
	s17 =	sld [smem:s13+$0x11]  }
0x194: {  	s3 =	sadd.s32 s0, s16  }
0x195: {  	[tilespmem:s9], [sflag:$0x4] =	stream.strided.gather [hbm4b:s3+s4], $0x1000, s31, s4, $0x38;
	[tilespmem:$0x18800] =	vst v63  }
0x196: {  	s17 =	sand.u32 $0xFFFFF80, s17  }
0x197: {  	s3 =	sadd.s32 s2, s17  }
0x198: {  	[tilespmem:s10], [sflag:$0x4] =	stream.strided.gather [hbm4b:s3+s4], $0x1000, s31, s4, $0x38;
	[tilespmem:$0x18800] =	vst v63  }
0x199: {  	_ =	swait.ge [sflag:s11], $0x1000  }
0x19a: {  	[sflag:s11] =	ssyncset.done $0x0  }
0x19b: {  	[sflag:s11] =	ssyncadd.s32 $0xFFFFF000  }
0x19c: {  	_ =	swait.ge [sflag:s11], $0x1000  }
0x19d: {  	[sflag:s11] =	ssyncset.done $0x0  }
0x19e: {  	[sflag:s11] =	ssyncadd.s32 $0xFFFFF000  }
0x19f: {  	_ =	swait.ge [sflag:s11], $0x1000  }
0x1a0: {  	[sflag:s11] =	ssyncset.done $0x0  }
0x1a1: {  	[sflag:s11] =	ssyncadd.s32 $0xFFFFF000  }
0x1a2: {  	_ =	swait.ge [sflag:s11], $0x1000  }
0x1a3: {  	[sflag:s11] =	ssyncset.done $0x0  }
0x1a4: {  	[sflag:s11] =	ssyncadd.s32 $0xFFFFF000  }
0x1a5: {  	s16 =	sld [smem:s13+$0xFFFFFFFA];
	_ =	sdelay $0x1  }
0x1a6: {  	s17 =	sld [smem:s13+$0xFFFFFFFB]  }
0x1a7: {  	s3 =	sand.u32 $0x7F, s16  }
0x1a8: {  	v58 =	vor.u32 s3, v16  }
0x1a9: {  	s16 =	sand.u32 $0x7F, s17;
	v59 =	vor.u32 s3, v17  }
0x1aa: {  	v60 =	vor.u32 s16, v16  }
0x1ab: {  	v61 =	vor.u32 s16, v17;
	_ =	sdelay $0x1  }
0x1ac: {  	v42 =	vld.idx.msk [tilespmem:v58+s4+$0x0], $0xffff  }
0x1ad: {  	v43 =	vld.idx.msk [tilespmem:v59+s4+$0x0], $0xffff  }
0x1ae: {  	v44 =	vld.idx.msk [tilespmem:v60+s1+$0x0], $0xffff  }
0x1af: {  	v45 =	vld.idx.msk [tilespmem:v61+s1+$0x0], $0xffff;
	_ =	sdelay $0x2  }
0x1b0: {  	s3 =	sld [smem:s13+$0xFFFFFFFC];
	_ =	sdelay $0x1  }
0x1b1: {  	s16 =	sld [smem:s13+$0xFFFFFFFD];
	v42 =	vmul.f32 v44, v42;
	v43 =	vmul.f32 v45, v43  }
0x1b2: {  	s17 =	sadd.s32 $0x4, s15;
	s3 =	sand.u32 $0x7F, s3  }
0x1b3: {  	s17 =	sand.u32 $0x6, s17;
	v62 =	vor.u32 s3, v18;
	v42 =	vmul.f32 v42, v40;
	v43 =	vmul.f32 v43, v41  }
0x1b4: {  	s17 =	smul.u32 $0x88, s17;
	s16 =	sand.u32 $0x7F, s16;
	v63 =	vor.u32 s3, v19  }
0x1b5: {  	v48 =	vor.u32 s16, v18;
	v42 =	vadd.f32 v43, v42  }
0x1b6: {  	s3 =	sshrl.u32 s17, $0x2;
	v49 =	vor.u32 s16, v19  }
0x1b7: {  	[tilespmem:s3+$0x18480] =	vst v42  }
0x1b8: {  	v42 =	vld.idx.msk [tilespmem:v62+s4+$0x0], $0xffff  }
0x1b9: {  	v50 =	vld.idx.msk [tilespmem:v63+s4+$0x0], $0xffff  }
0x1ba: {  	v43 =	vld.idx.msk [tilespmem:v48+s1+$0x0], $0xffff  }
0x1bb: {  	v51 =	vld.idx.msk [tilespmem:v49+s1+$0x0], $0xffff;
	_ =	sdelay $0x4  }
0x1bc: {  	v42 =	vmul.f32 v43, v42;
	v52 =	vmul.f32 v51, v50;
	_ =	sdelay $0x1  }
0x1bd: {  	s17 =	sld [smem:s13+$0x12];
	v42 =	vmul.f32 v42, v40;
	v43 =	vmul.f32 v52, v41;
	_ =	sdelay $0x1  }
0x1be: {  	v42 =	vadd.f32 v43, v42  }
0x1bf: {  	s16 =	sand.u32 $0xFFFFF80, s17;
	s17 =	sld [smem:s13+$0x13]  }
0x1c0: {  	s16 =	sadd.s32 s0, s16;
	[tilespmem:s3+$0x18491] =	vst v42  }
0x1c1: {  	[tilespmem:s21], [sflag:$0x5] =	stream.strided.gather [hbm4b:s16+s4], $0x1000, s31, s4, $0x38;
	[tilespmem:$0x18800] =	vst v63  }
0x1c2: {  	s16 =	sand.u32 $0xFFFFF80, s17;
	s17 =	sld [smem:s13+$0x14]  }
0x1c3: {  	s3 =	sadd.s32 s2, s16  }
0x1c4: {  	[tilespmem:s23], [sflag:$0x5] =	stream.strided.gather [hbm4b:s3+s4], $0x1000, s31, s4, $0x38;
	[tilespmem:$0x18800] =	vst v63  }
0x1c5: {  	s16 =	sand.u32 $0xFFFFF80, s17;
	s17 =	sld [smem:s13+$0x15]  }
0x1c6: {  	s3 =	sadd.s32 s0, s16  }
0x1c7: {  	[tilespmem:s24], [sflag:$0x5] =	stream.strided.gather [hbm4b:s3+s4], $0x1000, s31, s4, $0x38;
	[tilespmem:$0x18800] =	vst v63  }
0x1c8: {  	s17 =	sand.u32 $0xFFFFF80, s17  }
0x1c9: {  	s3 =	sadd.s32 s2, s17  }
0x1ca: {  	[tilespmem:s25], [sflag:$0x5] =	stream.strided.gather [hbm4b:s3+s4], $0x1000, s31, s4, $0x38;
	[tilespmem:$0x18800] =	vst v63  }
0x1cb: {  	_ =	swait.ge [sflag:s12], $0x1000  }
0x1cc: {  	[sflag:s12] =	ssyncset.done $0x0  }
0x1cd: {  	[sflag:s12] =	ssyncadd.s32 $0xFFFFF000  }
0x1ce: {  	_ =	swait.ge [sflag:s12], $0x1000  }
0x1cf: {  	[sflag:s12] =	ssyncset.done $0x0  }
0x1d0: {  	[sflag:s12] =	ssyncadd.s32 $0xFFFFF000  }
0x1d1: {  	_ =	swait.ge [sflag:s12], $0x1000  }
0x1d2: {  	[sflag:s12] =	ssyncset.done $0x0  }
0x1d3: {  	[sflag:s12] =	ssyncadd.s32 $0xFFFFF000  }
0x1d4: {  	_ =	swait.ge [sflag:s12], $0x1000  }
0x1d5: {  	[sflag:s12] =	ssyncset.done $0x0  }
0x1d6: {  	[sflag:s12] =	ssyncadd.s32 $0xFFFFF000  }
0x1d7: {  	s16 =	sld [smem:s13+$0xFFFFFFFE];
	_ =	sdelay $0x1  }
0x1d8: {  	s17 =	sld [smem:s13+$0xFFFFFFFF]  }
0x1d9: {  	s3 =	sand.u32 $0x7F, s16  }
0x1da: {  	v53 =	vor.u32 s3, v20  }
0x1db: {  	s16 =	sand.u32 $0x7F, s17;
	v54 =	vor.u32 s3, v22  }
0x1dc: {  	v55 =	vor.u32 s16, v20  }
0x1dd: {  	v56 =	vor.u32 s16, v22;
	_ =	sdelay $0x1  }
0x1de: {  	v42 =	vld.idx.msk [tilespmem:v53+s4+$0x0], $0xffff  }
0x1df: {  	v43 =	vld.idx.msk [tilespmem:v54+s4+$0x0], $0xffff  }
0x1e0: {  	v44 =	vld.idx.msk [tilespmem:v55+s1+$0x0], $0xffff  }
0x1e1: {  	v45 =	vld.idx.msk [tilespmem:v56+s1+$0x0], $0xffff;
	_ =	sdelay $0x2  }
0x1e2: {  	s3 =	sld [smem:s13+$0x0];
	_ =	sdelay $0x1  }
0x1e3: {  	s16 =	sld [smem:s13+$0x1];
	v42 =	vmul.f32 v44, v42;
	v43 =	vmul.f32 v45, v43  }
0x1e4: {  	s17 =	sadd.s32 $0x5, s15;
	s3 =	sand.u32 $0x7F, s3  }
0x1e5: {  	s17 =	sand.u32 $0x7, s17;
	v57 =	vor.u32 s3, v23;
	v42 =	vmul.f32 v42, v40;
	v43 =	vmul.f32 v43, v41  }
0x1e6: {  	s16 =	sand.u32 $0x7F, s16;
	v58 =	vor.u32 s3, v24;
	s3 =	smul.u32 $0x88, s17  }
0x1e7: {  	v59 =	vor.u32 s16, v23;
	v42 =	vadd.f32 v43, v42  }
0x1e8: {  	v60 =	vor.u32 s16, v24;
	s3 =	sshrl.u32 s3, $0x2  }
0x1e9: {  	[tilespmem:s3+$0x18480] =	vst v42  }
0x1ea: {  	v42 =	vld.idx.msk [tilespmem:v57+s4+$0x0], $0xffff  }
0x1eb: {  	v61 =	vld.idx.msk [tilespmem:v58+s4+$0x0], $0xffff  }
0x1ec: {  	v43 =	vld.idx.msk [tilespmem:v59+s1+$0x0], $0xffff  }
0x1ed: {  	v62 =	vld.idx.msk [tilespmem:v60+s1+$0x0], $0xffff;
	_ =	sdelay $0x3  }
0x1ee: {  	p0 =	sne.s32 s17, $0x7  }
0x1ef: {  	v44 =	vlaneseq.u32 @!p0;
	v42 =	vmul.f32 v43, v42;
	v63 =	vmul.f32 v62, v61  }
0x1f0: {  	v44 =	vmul.u32 @!p0 $0x11, v44  }
0x1f1: {  	v42 =	vmul.f32 v42, v40;
	v43 =	vmul.f32 v63, v41  }
0x1f2: {  	v45 =	vadd.s32 @!p0 $0x1, v44  }
0x1f3: {  	v42 =	vadd.f32 v43, v42  }
0x1f4: {  	v43 =	vadd.s32 @!p0 $0x2, v44  }
0x1f5: {  	[tilespmem:s3+$0x18491] =	vst v42;
	s3 =	simm.s32 @!p0 $0x18480  }
0x1f6: {  	v46 =	vadd.s32 @!p0 $0x3, v44;
	v42 =	vld.idx.msk @!p0 [tilespmem:v44+s3+$0x0], $0xffff  }
0x1f7: {  	v45 =	vld.idx.msk @!p0 [tilespmem:v45+s3+$0x0], $0xffff  }
0x1f8: {  	v47 =	vadd.s32 @!p0 $0x4, v44  }
0x1f9: {  	v43 =	vld.idx.msk @!p0 [tilespmem:v43+s3+$0x0], $0xffff  }
0x1fa: {  	v48 =	vadd.s32 @!p0 $0x5, v44  }
0x1fb: {  	v46 =	vld.idx.msk @!p0 [tilespmem:v46+s3+$0x0], $0xffff  }
0x1fc: {  	v42 =	vadd.f32 @!p0 v45, v42;
	v45 =	vadd.s32 @!p0 $0x6, v44  }
0x1fd: {  	v47 =	vld.idx.msk @!p0 [tilespmem:v47+s3+$0x0], $0xffff  }
0x1fe: {  	v42 =	vadd.f32 @!p0 v43, v42;
	v43 =	vadd.s32 @!p0 $0x7, v44  }
0x1ff: {  	v48 =	vld.idx.msk @!p0 [tilespmem:v48+s3+$0x0], $0xffff  }
0x200: {  	v42 =	vadd.f32 @!p0 v46, v42;
	v46 =	vadd.s32 @!p0 $0x8, v44  }
0x201: {  	v45 =	vld.idx.msk @!p0 [tilespmem:v45+s3+$0x0], $0xffff  }
0x202: {  	v42 =	vadd.f32 @!p0 v47, v42;
	v47 =	vadd.s32 @!p0 $0x9, v44  }
0x203: {  	v43 =	vld.idx.msk @!p0 [tilespmem:v43+s3+$0x0], $0xffff  }
0x204: {  	v42 =	vadd.f32 @!p0 v48, v42;
	v48 =	vadd.s32 @!p0 $0xA, v44  }
0x205: {  	v46 =	vld.idx.msk @!p0 [tilespmem:v46+s3+$0x0], $0xffff  }
0x206: {  	v42 =	vadd.f32 @!p0 v45, v42;
	v45 =	vadd.s32 @!p0 $0xB, v44  }
0x207: {  	v47 =	vld.idx.msk @!p0 [tilespmem:v47+s3+$0x0], $0xffff  }
0x208: {  	v42 =	vadd.f32 @!p0 v43, v42;
	v43 =	vadd.s32 @!p0 $0xC, v44  }
0x209: {  	v48 =	vld.idx.msk @!p0 [tilespmem:v48+s3+$0x0], $0xffff  }
0x20a: {  	v42 =	vadd.f32 @!p0 v46, v42;
	v46 =	vadd.s32 @!p0 $0xD, v44  }
0x20b: {  	v45 =	vld.idx.msk @!p0 [tilespmem:v45+s3+$0x0], $0xffff  }
0x20c: {  	v42 =	vadd.f32 @!p0 v47, v42;
	v47 =	vadd.s32 @!p0 $0xE, v44  }
0x20d: {  	v43 =	vld.idx.msk @!p0 [tilespmem:v43+s3+$0x0], $0xffff  }
0x20e: {  	v44 =	vadd.s32 @!p0 $0xF, v44;
	v42 =	vadd.f32 @!p0 v48, v42  }
0x20f: {  	v46 =	vld.idx.msk @!p0 [tilespmem:v46+s3+$0x0], $0xffff  }
0x210: {  	v42 =	vadd.f32 @!p0 v45, v42  }
0x211: {  	v45 =	vld.idx.msk @!p0 [tilespmem:v47+s3+$0x0], $0xffff  }
0x212: {  	v42 =	vadd.f32 @!p0 v43, v42  }
0x213: {  	v43 =	vld.idx.msk @!p0 [tilespmem:v44+s3+$0x0], $0xffff  }
0x214: {  	v42 =	vadd.f32 @!p0 v46, v42;
	_ =	sdelay $0x1  }
0x215: {  	v42 =	vadd.f32 @!p0 v45, v42;
	_ =	sdelay $0x1  }
0x216: {  	v42 =	vadd.f32 @!p0 v43, v42;
	_ =	sdelay $0x1  }
0x217: {  	v42 =	vsub.f32 @!p0 $0.0e+00, v42;
	_ =	sdelay $0x1  }
0x218: {  	v42 =	vmul.f32 @!p0 $1.442695020e+00, v42;
	_ =	sdelay $0x1  }
0x219: {  	(erf) = vpow2.f32 @!p0 v42;
	_ =	sdelay $0x8  }
0x21a: {  	v42 =	vpop @!p0 (erf)  }
0x21b: {  	v42 =	vadd.f32 @!p0 $1.000000000e+00, v42;
	_ =	sdelay $0x1  }
0x21c: {  	(erf) = vrcp.f32 @!p0 v42;
	_ =	sdelay $0x3  }
0x21d: {  	s15 =	sadd.s32 $0x6, s15  }
0x21e: {  	p1 =	sne.s32 s15, $0xF6  }
.Ltmp0:
0x21f: {  	_ = 	snop;
	(pc) =	sbr.rel @p1 .LBB2_2-.Ltmp0, $4  }
0x220: {  	_ = 	snop  }
0x221: {  	s3 =	sadd.s32 @!p0 $0xA, s14  }
0x222: {  	s3 =	sand.u32 @!p0 $0x7F0, s3;
	v42 =	vpop @!p0 (erf)  }
0x223: {  	s13 =	sadd.s32 $0x18, s13;
	s14 =	sadd.s32 $0xC, s14;
	[tilespmem:s3+$0x18600] =	vst @!p0 v42  }
0x224: {  	s3 =	sld [smem:$0x3EC]  }
0x225: {  	s13 =	sld [smem:$0x3ED];
	_ =	sdelay $0x1  }
0x226: {  	s15 =	sld [smem:$0x3EE];
	s3 =	sand.u32 $0xFFFFF80, s3  }
0x227: {  	s17 =	sld [smem:$0x3EF];
	s14 =	sand.u32 $0xFFFFF80, s13;
	s3 =	sadd.s32 s0, s3  }
0x228: {  	[tilespmem:s26], [sflag:$0x6] =	stream.strided.gather [hbm4b:s3+s4], $0x1000, s31, s4, $0x38;
	[tilespmem:$0x18800] =	vst v63  }
0x229: {  	s16 =	sand.u32 $0xFFFFF80, s15;
	s3 =	sadd.s32 s2, s14  }
0x22a: {  	[tilespmem:s28], [sflag:$0x6] =	stream.strided.gather [hbm4b:s3+s4], $0x1000, s31, s4, $0x38;
	[tilespmem:$0x18800] =	vst v63  }
0x22b: {  	s21 =	sand.u32 $0xFFFFF80, s17;
	s3 =	sadd.s32 s0, s16  }
0x22c: {  	[tilespmem:s29], [sflag:$0x6] =	stream.strided.gather [hbm4b:s3+s4], $0x1000, s31, s4, $0x38;
	[tilespmem:$0x18800] =	vst v63  }
0x22d: {  	s3 =	sadd.s32 s2, s21  }
0x22e: {  	[tilespmem:s30], [sflag:$0x6] =	stream.strided.gather [hbm4b:s3+s4], $0x1000, s31, s4, $0x38;
	[tilespmem:$0x18800] =	vst v63  }
0x22f: {  	_ =	swait.ge [sflag:s19], $0x1000  }
0x230: {  	[sflag:s19] =	ssyncset.done $0x0  }
0x231: {  	[sflag:s19] =	ssyncadd.s32 $0xFFFFF000  }
0x232: {  	_ =	swait.ge [sflag:s19], $0x1000  }
0x233: {  	[sflag:s19] =	ssyncset.done $0x0  }
0x234: {  	[sflag:s19] =	ssyncadd.s32 $0xFFFFF000  }
0x235: {  	_ =	swait.ge [sflag:s19], $0x1000  }
0x236: {  	[sflag:s19] =	ssyncset.done $0x0  }
0x237: {  	[sflag:s19] =	ssyncadd.s32 $0xFFFFF000  }
0x238: {  	_ =	swait.ge [sflag:s19], $0x1000  }
0x239: {  	[sflag:s19] =	ssyncset.done $0x0  }
0x23a: {  	[sflag:s19] =	ssyncadd.s32 $0xFFFFF000  }
0x23b: {  	s23 =	sld [smem:$0x3D8];
	_ =	sdelay $0x1  }
0x23c: {  	s24 =	sld [smem:$0x3D9]  }
0x23d: {  	s3 =	sand.u32 $0x7F, s23  }
0x23e: {  	v42 =	vor.u32 s3, v0  }
0x23f: {  	s13 =	sand.u32 $0x7F, s24;
	v43 =	vor.u32 s3, v1  }
0x240: {  	v44 =	vor.u32 s13, v0  }
0x241: {  	v45 =	vor.u32 s13, v1;
	_ =	sdelay $0x1  }
0x242: {  	v42 =	vld.idx.msk [tilespmem:v42+s4+$0x0], $0xffff  }
0x243: {  	v43 =	vld.idx.msk [tilespmem:v43+s4+$0x0], $0xffff  }
0x244: {  	v44 =	vld.idx.msk [tilespmem:v44+s1+$0x0], $0xffff  }
0x245: {  	v45 =	vld.idx.msk [tilespmem:v45+s1+$0x0], $0xffff;
	_ =	sdelay $0x2  }
0x246: {  	s25 =	sld [smem:$0x3DA];
	_ =	sdelay $0x1  }
0x247: {  	s26 =	sld [smem:$0x3DB];
	v42 =	vmul.f32 v44, v42;
	v43 =	vmul.f32 v45, v43  }
0x248: {  	s3 =	sand.u32 $0x7F, s25  }
0x249: {  	v59 =	vor.u32 s3, v2;
	v42 =	vmul.f32 v42, v40;
	v43 =	vmul.f32 v43, v41  }
0x24a: {  	s13 =	sand.u32 $0x7F, s26;
	v60 =	vor.u32 s3, v3  }
0x24b: {  	v61 =	vor.u32 s13, v2;
	v42 =	vadd.f32 v43, v42  }
0x24c: {  	v46 =	vor.u32 s13, v3  }
0x24d: {  	[tilespmem:$0x1854C] =	vst v42  }
0x24e: {  	v42 =	vld.idx.msk [tilespmem:v59+s4+$0x0], $0xffff  }
0x24f: {  	v62 =	vld.idx.msk [tilespmem:v60+s4+$0x0], $0xffff  }
0x250: {  	v43 =	vld.idx.msk [tilespmem:v61+s1+$0x0], $0xffff  }
0x251: {  	v63 =	vld.idx.msk [tilespmem:v46+s1+$0x0], $0xffff;
	_ =	sdelay $0x4  }
0x252: {  	v42 =	vmul.f32 v43, v42;
	v48 =	vmul.f32 v63, v62;
	_ =	sdelay $0x1  }
0x253: {  	s25 =	sld [smem:$0x3F0];
	v42 =	vmul.f32 v42, v40;
	v43 =	vmul.f32 v48, v41  }
0x254: {  	s24 =	sld [smem:$0x3F1]  }
0x255: {  	v42 =	vadd.f32 v43, v42  }
0x256: {  	s23 =	sld [smem:$0x3F2];
	s28 =	sand.u32 $0xFFFFF80, s25  }
0x257: {  	s21 =	sld [smem:$0x3F3];
	s29 =	sand.u32 $0xFFFFF80, s24;
	s3 =	sadd.s32 s0, s28;
	[tilespmem:$0x1855D] =	vst v42  }
0x258: {  	[tilespmem:s4], [sflag:$0x1] =	stream.strided.gather [hbm4b:s3+s4], $0x1000, s31, s4, $0x38;
	[tilespmem:$0x18800] =	vst v63  }
0x259: {  	s30 =	sand.u32 $0xFFFFF80, s23;
	s3 =	sadd.s32 s2, s29  }
0x25a: {  	[tilespmem:s1], [sflag:$0x1] =	stream.strided.gather [hbm4b:s3+s4], $0x1000, s31, s4, $0x38;
	[tilespmem:$0x18800] =	vst v63  }
0x25b: {  	s13 =	sand.u32 $0xFFFFF80, s21;
	s3 =	sadd.s32 s0, s30  }
0x25c: {  	[tilespmem:s18], [sflag:$0x1] =	stream.strided.gather [hbm4b:s3+s4], $0x1000, s31, s4, $0x38;
	[tilespmem:$0x18800] =	vst v63  }
0x25d: {  	s14 =	simm.s32 $0xD400;
	s3 =	sadd.s32 s2, s13  }
0x25e: {  	[tilespmem:s14], [sflag:$0x1] =	stream.strided.gather [hbm4b:s3+s4], $0x1000, s31, s4, $0x38;
	[tilespmem:$0x18800] =	vst v63  }
0x25f: {  	_ =	swait.ge [sflag:s6], $0x1000  }
0x260: {  	[sflag:s6] =	ssyncset.done $0x0  }
0x261: {  	[sflag:s6] =	ssyncadd.s32 $0xFFFFF000  }
0x262: {  	_ =	swait.ge [sflag:s6], $0x1000  }
0x263: {  	[sflag:s6] =	ssyncset.done $0x0  }
0x264: {  	[sflag:s6] =	ssyncadd.s32 $0xFFFFF000  }
0x265: {  	_ =	swait.ge [sflag:s6], $0x1000  }
0x266: {  	[sflag:s6] =	ssyncset.done $0x0  }
0x267: {  	[sflag:s6] =	ssyncadd.s32 $0xFFFFF000  }
0x268: {  	_ =	swait.ge [sflag:s6], $0x1000  }
0x269: {  	[sflag:s6] =	ssyncset.done $0x0  }
0x26a: {  	[sflag:s6] =	ssyncadd.s32 $0xFFFFF000  }
0x26b: {  	s15 =	sld [smem:$0x3DC];
	_ =	sdelay $0x1  }
0x26c: {  	s16 =	sld [smem:$0x3DD]  }
0x26d: {  	s3 =	sand.u32 $0x7F, s15  }
0x26e: {  	v49 =	vor.u32 s3, v4  }
0x26f: {  	s13 =	sand.u32 $0x7F, s16;
	v50 =	vor.u32 s3, v5  }
0x270: {  	v51 =	vor.u32 s13, v4  }
0x271: {  	v52 =	vor.u32 s13, v5;
	_ =	sdelay $0x1  }
0x272: {  	v42 =	vld.idx.msk [tilespmem:v49+s4+$0x0], $0xffff  }
0x273: {  	v43 =	vld.idx.msk [tilespmem:v50+s4+$0x0], $0xffff  }
0x274: {  	v44 =	vld.idx.msk [tilespmem:v51+s1+$0x0], $0xffff  }
0x275: {  	v45 =	vld.idx.msk [tilespmem:v52+s1+$0x0], $0xffff;
	_ =	sdelay $0x2  }
0x276: {  	s17 =	sld [smem:$0x3DE];
	_ =	sdelay $0x1  }
0x277: {  	s18 =	sld [smem:$0x3DF];
	v42 =	vmul.f32 v44, v42;
	v43 =	vmul.f32 v45, v43  }
0x278: {  	s3 =	sand.u32 $0x7F, s17  }
0x279: {  	v53 =	vor.u32 s3, v6;
	v42 =	vmul.f32 v42, v40;
	v43 =	vmul.f32 v43, v41  }
0x27a: {  	s13 =	sand.u32 $0x7F, s18;
	v54 =	vor.u32 s3, v7  }
0x27b: {  	v55 =	vor.u32 s13, v6;
	v42 =	vadd.f32 v43, v42  }
0x27c: {  	v56 =	vor.u32 s13, v7  }
0x27d: {  	[tilespmem:$0x1856E] =	vst v42  }
0x27e: {  	v42 =	vld.idx.msk [tilespmem:v53+s4+$0x0], $0xffff  }
0x27f: {  	v57 =	vld.idx.msk [tilespmem:v54+s4+$0x0], $0xffff  }
0x280: {  	v43 =	vld.idx.msk [tilespmem:v55+s1+$0x0], $0xffff  }
0x281: {  	v58 =	vld.idx.msk [tilespmem:v56+s1+$0x0], $0xffff;
	_ =	sdelay $0x4  }
0x282: {  	v42 =	vmul.f32 v43, v42;
	v59 =	vmul.f32 v58, v57;
	_ =	sdelay $0x1  }
0x283: {  	v42 =	vmul.f32 v42, v40;
	v43 =	vmul.f32 v59, v41;
	_ =	sdelay $0x1  }
0x284: {  	v42 =	vadd.f32 v43, v42;
	_ =	sdelay $0x1  }
0x285: {  	s17 =	simm.s32 $0x18480;
	[tilespmem:$0x1857F] =	vst v42  }
0x286: {  	v42 =	vld.idx.msk [tilespmem:v21+s17+$0x0], $0xffff  }
0x287: {  	v60 =	vld.idx.msk [tilespmem:v25+s17+$0x0], $0xffff;
	_ =	sdelay $0x1  }
0x288: {  	v61 =	vld.idx.msk [tilespmem:v26+s17+$0x0], $0xffff;
	_ =	sdelay $0x1  }
0x289: {  	v62 =	vld.idx.msk [tilespmem:v27+s17+$0x0], $0xffff  }
0x28a: {  	v42 =	vadd.f32 v60, v42  }
0x28b: {  	v63 =	vld.idx.msk [tilespmem:v28+s17+$0x0], $0xffff  }
0x28c: {  	v42 =	vadd.f32 v61, v42  }
0x28d: {  	v48 =	vld.idx.msk [tilespmem:v29+s17+$0x0], $0xffff  }
0x28e: {  	v42 =	vadd.f32 v62, v42  }
0x28f: {  	v49 =	vld.idx.msk [tilespmem:v30+s17+$0x0], $0xffff  }
0x290: {  	v42 =	vadd.f32 v63, v42  }
0x291: {  	v50 =	vld.idx.msk [tilespmem:v31+s17+$0x0], $0xffff  }
0x292: {  	v42 =	vadd.f32 v48, v42  }
0x293: {  	v51 =	vld.idx.msk [tilespmem:v32+s17+$0x0], $0xffff  }
0x294: {  	v42 =	vadd.f32 v49, v42  }
0x295: {  	v52 =	vld.idx.msk [tilespmem:v33+s17+$0x0], $0xffff  }
0x296: {  	v42 =	vadd.f32 v50, v42  }
0x297: {  	v53 =	vld.idx.msk [tilespmem:v34+s17+$0x0], $0xffff  }
0x298: {  	v42 =	vadd.f32 v51, v42  }
0x299: {  	v54 =	vld.idx.msk [tilespmem:v35+s17+$0x0], $0xffff  }
0x29a: {  	v42 =	vadd.f32 v52, v42  }
0x29b: {  	v55 =	vld.idx.msk [tilespmem:v36+s17+$0x0], $0xffff  }
0x29c: {  	v42 =	vadd.f32 v53, v42  }
0x29d: {  	v56 =	vld.idx.msk [tilespmem:v37+s17+$0x0], $0xffff  }
0x29e: {  	v42 =	vadd.f32 v54, v42  }
0x29f: {  	v57 =	vld.idx.msk [tilespmem:v38+s17+$0x0], $0xffff  }
0x2a0: {  	v42 =	vadd.f32 v55, v42  }
0x2a1: {  	v58 =	vld.idx.msk [tilespmem:v39+s17+$0x0], $0xffff  }
0x2a2: {  	v42 =	vadd.f32 v56, v42;
	_ =	sdelay $0x1  }
0x2a3: {  	v42 =	vadd.f32 v57, v42;
	_ =	sdelay $0x1  }
0x2a4: {  	v42 =	vadd.f32 v58, v42;
	_ =	sdelay $0x1  }
0x2a5: {  	v42 =	vsub.f32 $0.0e+00, v42;
	_ =	sdelay $0x1  }
0x2a6: {  	v42 =	vmul.f32 $1.442695020e+00, v42;
	_ =	sdelay $0x1  }
0x2a7: {  	(erf) = vpow2.f32 v42;
	_ =	sdelay $0x8  }
0x2a8: {  	v42 =	vpop (erf)  }
0x2a9: {  	v42 =	vadd.f32 $1.000000000e+00, v42;
	_ =	sdelay $0x1  }
0x2aa: {  	(erf) = vrcp.f32 v42;
	_ =	sdelay $0x4  }
0x2ab: {  	s29 =	sld [smem:$0x3F4];
	_ =	sdelay $0x1  }
0x2ac: {  	s28 =	sld [smem:$0x3F5]  }
0x2ad: {  	s26 =	sand.u32 $0xFFFFF80, s29  }
0x2ae: {  	s3 =	sadd.s32 s0, s26;
	s26 =	sld [smem:$0x3F6];
	v42 =	vpop (erf)  }
0x2af: {  	s30 =	simm.s32 $0x2400;
	s14 =	sand.u32 $0xFFFFF80, s28;
	s18 =	sld [smem:$0x3F7];
	[tilespmem:$0x187E0] =	vst v42  }
0x2b0: {  	[tilespmem:s30], [sflag:$0x2] =	stream.strided.gather [hbm4b:s3+s4], $0x1000, s31, s4, $0x38;
	[tilespmem:$0x18800] =	vst v63  }
0x2b1: {  	s15 =	simm.s32 $0xE400;
	s16 =	sand.u32 $0xFFFFF80, s26;
	s3 =	sadd.s32 s2, s14  }
0x2b2: {  	[tilespmem:s15], [sflag:$0x2] =	stream.strided.gather [hbm4b:s3+s4], $0x1000, s31, s4, $0x38;
	[tilespmem:$0x18800] =	vst v63  }
0x2b3: {  	s30 =	simm.s32 $0x3400;
	s14 =	sand.u32 $0xFFFFF80, s18;
	s3 =	sadd.s32 s0, s16  }
0x2b4: {  	[tilespmem:s30], [sflag:$0x2] =	stream.strided.gather [hbm4b:s3+s4], $0x1000, s31, s4, $0x38;
	[tilespmem:$0x18800] =	vst v63  }
0x2b5: {  	s15 =	simm.s32 $0xF400;
	s3 =	sadd.s32 s2, s14  }
0x2b6: {  	[tilespmem:s15], [sflag:$0x2] =	stream.strided.gather [hbm4b:s3+s4], $0x1000, s31, s4, $0x38;
	[tilespmem:$0x18800] =	vst v63  }
0x2b7: {  	_ =	swait.ge [sflag:s5], $0x1000  }
0x2b8: {  	[sflag:s5] =	ssyncset.done $0x0  }
0x2b9: {  	[sflag:s5] =	ssyncadd.s32 $0xFFFFF000  }
0x2ba: {  	_ =	swait.ge [sflag:s5], $0x1000  }
0x2bb: {  	[sflag:s5] =	ssyncset.done $0x0  }
0x2bc: {  	[sflag:s5] =	ssyncadd.s32 $0xFFFFF000  }
0x2bd: {  	_ =	swait.ge [sflag:s5], $0x1000  }
0x2be: {  	[sflag:s5] =	ssyncset.done $0x0  }
0x2bf: {  	[sflag:s5] =	ssyncadd.s32 $0xFFFFF000  }
0x2c0: {  	_ =	swait.ge [sflag:s5], $0x1000  }
0x2c1: {  	[sflag:s5] =	ssyncset.done $0x0  }
0x2c2: {  	[sflag:s5] =	ssyncadd.s32 $0xFFFFF000  }
0x2c3: {  	s16 =	sld [smem:$0x3E0];
	_ =	sdelay $0x1  }
0x2c4: {  	s30 =	sld [smem:$0x3E1]  }
0x2c5: {  	s3 =	sand.u32 $0x7F, s16  }
0x2c6: {  	v59 =	vor.u32 s3, v8  }
0x2c7: {  	s13 =	sand.u32 $0x7F, s30;
	v60 =	vor.u32 s3, v9  }
0x2c8: {  	v61 =	vor.u32 s13, v8  }
0x2c9: {  	v62 =	vor.u32 s13, v9;
	_ =	sdelay $0x1  }
0x2ca: {  	v42 =	vld.idx.msk [tilespmem:v59+s4+$0x0], $0xffff  }
0x2cb: {  	v43 =	vld.idx.msk [tilespmem:v60+s4+$0x0], $0xffff  }
0x2cc: {  	v44 =	vld.idx.msk [tilespmem:v61+s1+$0x0], $0xffff  }
0x2cd: {  	v45 =	vld.idx.msk [tilespmem:v62+s1+$0x0], $0xffff;
	_ =	sdelay $0x2  }
0x2ce: {  	s14 =	sld [smem:$0x3E2];
	_ =	sdelay $0x1  }
0x2cf: {  	s15 =	sld [smem:$0x3E3];
	v42 =	vmul.f32 v44, v42;
	v43 =	vmul.f32 v45, v43  }
0x2d0: {  	s3 =	sand.u32 $0x7F, s14  }
0x2d1: {  	v63 =	vor.u32 s3, v10;
	v42 =	vmul.f32 v42, v40;
	v43 =	vmul.f32 v43, v41  }
0x2d2: {  	s13 =	sand.u32 $0x7F, s15;
	v48 =	vor.u32 s3, v11  }
0x2d3: {  	v49 =	vor.u32 s13, v10;
	v42 =	vadd.f32 v43, v42  }
0x2d4: {  	v50 =	vor.u32 s13, v11  }
0x2d5: {  	[tilespmem:$0x18480] =	vst v42  }
0x2d6: {  	v42 =	vld.idx.msk [tilespmem:v63+s4+$0x0], $0xffff  }
0x2d7: {  	v51 =	vld.idx.msk [tilespmem:v48+s4+$0x0], $0xffff  }
0x2d8: {  	v43 =	vld.idx.msk [tilespmem:v49+s1+$0x0], $0xffff  }
0x2d9: {  	v52 =	vld.idx.msk [tilespmem:v50+s1+$0x0], $0xffff;
	_ =	sdelay $0x4  }
0x2da: {  	v42 =	vmul.f32 v43, v42;
	v53 =	vmul.f32 v52, v51;
	_ =	sdelay $0x1  }
0x2db: {  	s16 =	sld [smem:$0x3F8];
	v42 =	vmul.f32 v42, v40;
	v43 =	vmul.f32 v53, v41  }
0x2dc: {  	s14 =	sld [smem:$0x3F9]  }
0x2dd: {  	v42 =	vadd.f32 v43, v42  }
0x2de: {  	s30 =	simm.s32 $0x4400;
	[dreg:$0x17] =	wrdreg s16;
	s3 =	sand.u32 $0xFFFFF80, s16  }
0x2df: {  	s16 =	sld [smem:$0x3FA];
	s3 =	sadd.s32 s0, s3;
	s15 =	sand.u32 $0xFFFFF80, s14;
	[tilespmem:$0x18491] =	vst v42  }
0x2e0: {  	[tilespmem:s30], [sflag:$0x3] =	stream.strided.gather [hbm4b:s3+s4], $0x1000, s31, s4, $0x38;
	[tilespmem:$0x18800] =	vst v63  }
0x2e1: {  	s3 =	sadd.s32 s2, s15;
	s30 =	simm.s32 $0x10400  }
0x2e2: {  	[tilespmem:s30], [sflag:$0x3] =	stream.strided.gather [hbm4b:s3+s4], $0x1000, s31, s4, $0x38;
	[tilespmem:$0x18800] =	vst v63  }
0x2e3: {  	s15 =	sand.u32 $0xFFFFF80, s16;
	s30 =	sld [smem:$0x3FB]  }
0x2e4: {  	[dreg:$0x15] =	wrdreg s16;
	s16 =	simm.s32 $0x5400;
	s3 =	sadd.s32 s0, s15  }
0x2e5: {  	[tilespmem:s16], [sflag:$0x3] =	stream.strided.gather [hbm4b:s3+s4], $0x1000, s31, s4, $0x38;
	[tilespmem:$0x18800] =	vst v63  }
0x2e6: {  	[dreg:$0x16] =	wrdreg s14;
	s14 =	sand.u32 $0xFFFFF80, s30  }
0x2e7: {  	s3 =	sadd.s32 s2, s14  }
0x2e8: {  	[tilespmem:s20], [sflag:$0x3] =	stream.strided.gather [hbm4b:s3+s4], $0x1000, s31, s4, $0x38;
	[tilespmem:$0x18800] =	vst v63  }
0x2e9: {  	_ =	swait.ge [sflag:s22], $0x1000  }
0x2ea: {  	[sflag:s22] =	ssyncset.done $0x0  }
0x2eb: {  	[sflag:s22] =	ssyncadd.s32 $0xFFFFF000  }
0x2ec: {  	_ =	swait.ge [sflag:s22], $0x1000  }
0x2ed: {  	[sflag:s22] =	ssyncset.done $0x0  }
0x2ee: {  	[sflag:s22] =	ssyncadd.s32 $0xFFFFF000  }
0x2ef: {  	_ =	swait.ge [sflag:s22], $0x1000  }
0x2f0: {  	[sflag:s22] =	ssyncset.done $0x0  }
0x2f1: {  	[sflag:s22] =	ssyncadd.s32 $0xFFFFF000  }
0x2f2: {  	_ =	swait.ge [sflag:s22], $0x1000  }
0x2f3: {  	[sflag:s22] =	ssyncset.done $0x0  }
0x2f4: {  	[sflag:s22] =	ssyncadd.s32 $0xFFFFF000  }
0x2f5: {  	s15 =	sld [smem:$0x3E4];
	_ =	sdelay $0x1  }
0x2f6: {  	s16 =	sld [smem:$0x3E5]  }
0x2f7: {  	s3 =	sand.u32 $0x7F, s15  }
0x2f8: {  	v54 =	vor.u32 s3, v12  }
0x2f9: {  	s13 =	sand.u32 $0x7F, s16;
	v55 =	vor.u32 s3, v13  }
0x2fa: {  	v56 =	vor.u32 s13, v12  }
0x2fb: {  	v57 =	vor.u32 s13, v13;
	_ =	sdelay $0x1  }
0x2fc: {  	v42 =	vld.idx.msk [tilespmem:v54+s4+$0x0], $0xffff  }
0x2fd: {  	v43 =	vld.idx.msk [tilespmem:v55+s4+$0x0], $0xffff  }
0x2fe: {  	v44 =	vld.idx.msk [tilespmem:v56+s1+$0x0], $0xffff  }
0x2ff: {  	v45 =	vld.idx.msk [tilespmem:v57+s1+$0x0], $0xffff;
	_ =	sdelay $0x2  }
0x300: {  	s13 =	sld [smem:$0x3E6];
	_ =	sdelay $0x1  }
0x301: {  	s14 =	sld [smem:$0x3E7];
	v42 =	vmul.f32 v44, v42;
	v43 =	vmul.f32 v45, v43  }
0x302: {  	s3 =	sand.u32 $0x7F, s13  }
0x303: {  	v58 =	vor.u32 s3, v14;
	v42 =	vmul.f32 v42, v40;
	v43 =	vmul.f32 v43, v41  }
0x304: {  	s13 =	sand.u32 $0x7F, s14;
	v59 =	vor.u32 s3, v15  }
0x305: {  	v60 =	vor.u32 s13, v14;
	v42 =	vadd.f32 v43, v42  }
0x306: {  	v61 =	vor.u32 s13, v15  }
0x307: {  	[tilespmem:$0x184A2] =	vst v42  }
0x308: {  	v42 =	vld.idx.msk [tilespmem:v58+s4+$0x0], $0xffff  }
0x309: {  	v62 =	vld.idx.msk [tilespmem:v59+s4+$0x0], $0xffff  }
0x30a: {  	v43 =	vld.idx.msk [tilespmem:v60+s1+$0x0], $0xffff  }
0x30b: {  	v63 =	vld.idx.msk [tilespmem:v61+s1+$0x0], $0xffff;
	_ =	sdelay $0x4  }
0x30c: {  	v42 =	vmul.f32 v43, v42;
	v47 =	vmul.f32 v63, v62;
	_ =	sdelay $0x1  }
0x30d: {  	s13 =	sld [smem:$0x3FC];
	v42 =	vmul.f32 v42, v40;
	v43 =	vmul.f32 v47, v41  }
0x30e: {  	s14 =	sld [smem:$0x3FD]  }
0x30f: {  	v42 =	vadd.f32 v43, v42  }
0x310: {  	s15 =	sand.u32 $0xFFFFF80, s13  }
0x311: {  	s16 =	sand.u32 $0xFFFFF80, s14;
	s3 =	sadd.s32 s0, s15;
	s15 =	sld [smem:$0x3FE];
	[tilespmem:$0x184B3] =	vst v42  }
0x312: {  	[tilespmem:s7], [sflag:$0x4] =	stream.strided.gather [hbm4b:s3+s4], $0x1000, s31, s4, $0x38;
	[tilespmem:$0x18800] =	vst v63  }
0x313: {  	s3 =	sadd.s32 s2, s16;
	s16 =	sld [smem:$0x3FF]  }
0x314: {  	[tilespmem:s8], [sflag:$0x4] =	stream.strided.gather [hbm4b:s3+s4], $0x1000, s31, s4, $0x38;
	[tilespmem:$0x18800] =	vst v63  }
0x315: {  	s3 =	sand.u32 $0xFFFFF80, s15  }
0x316: {  	[dreg:$0x18] =	wrdreg s16;
	s3 =	sadd.s32 s0, s3;
	s16 =	sand.u32 $0xFFFFF80, s16  }
0x317: {  	[tilespmem:s9], [sflag:$0x4] =	stream.strided.gather [hbm4b:s3+s4], $0x1000, s31, s4, $0x38;
	[tilespmem:$0x18800] =	vst v63  }
0x318: {  	s3 =	sadd.s32 s2, s16  }
0x319: {  	[tilespmem:s10], [sflag:$0x4] =	stream.strided.gather [hbm4b:s3+s4], $0x1000, s31, s4, $0x38;
	[tilespmem:$0x18800] =	vst v63  }
0x31a: {  	_ =	swait.ge [sflag:s11], $0x1000  }
0x31b: {  	[sflag:s11] =	ssyncset.done $0x0  }
0x31c: {  	[sflag:s11] =	ssyncadd.s32 $0xFFFFF000  }
0x31d: {  	_ =	swait.ge [sflag:s11], $0x1000  }
0x31e: {  	[sflag:s11] =	ssyncset.done $0x0  }
0x31f: {  	[sflag:s11] =	ssyncadd.s32 $0xFFFFF000  }
0x320: {  	_ =	swait.ge [sflag:s11], $0x1000  }
0x321: {  	[sflag:s11] =	ssyncset.done $0x0  }
0x322: {  	[sflag:s11] =	ssyncadd.s32 $0xFFFFF000  }
0x323: {  	_ =	swait.ge [sflag:s11], $0x1000  }
0x324: {  	[sflag:s11] =	ssyncset.done $0x0  }
0x325: {  	[sflag:s11] =	ssyncadd.s32 $0xFFFFF000  }
0x326: {  	s3 =	sld [smem:$0x3E8];
	_ =	sdelay $0x1  }
0x327: {  	s16 =	sld [smem:$0x3E9]  }
0x328: {  	s3 =	sand.u32 $0x7F, s3  }
0x329: {  	v48 =	vor.u32 s3, v16  }
0x32a: {  	s16 =	sand.u32 $0x7F, s16;
	v49 =	vor.u32 s3, v17  }
0x32b: {  	v50 =	vor.u32 s16, v16  }
0x32c: {  	v51 =	vor.u32 s16, v17;
	_ =	sdelay $0x1  }
0x32d: {  	v42 =	vld.idx.msk [tilespmem:v48+s4+$0x0], $0xffff  }
0x32e: {  	v43 =	vld.idx.msk [tilespmem:v49+s4+$0x0], $0xffff  }
0x32f: {  	v44 =	vld.idx.msk [tilespmem:v50+s1+$0x0], $0xffff  }
0x330: {  	v45 =	vld.idx.msk [tilespmem:v51+s1+$0x0], $0xffff;
	_ =	sdelay $0x2  }
0x331: {  	s3 =	sld [smem:$0x3EA];
	_ =	sdelay $0x1  }
0x332: {  	s16 =	sld [smem:$0x3EB];
	v42 =	vmul.f32 v44, v42;
	v43 =	vmul.f32 v45, v43  }
0x333: {  	s3 =	sand.u32 $0x7F, s3  }
0x334: {  	v52 =	vor.u32 s3, v18;
	v42 =	vmul.f32 v42, v40;
	v43 =	vmul.f32 v43, v41  }
0x335: {  	s16 =	sand.u32 $0x7F, s16;
	v53 =	vor.u32 s3, v19  }
0x336: {  	v54 =	vor.u32 s16, v18;
	v42 =	vadd.f32 v43, v42  }
0x337: {  	v55 =	vor.u32 s16, v19  }
0x338: {  	[tilespmem:$0x184C4] =	vst v42  }
0x339: {  	v42 =	vld.idx.msk [tilespmem:v52+s4+$0x0], $0xffff  }
0x33a: {  	v56 =	vld.idx.msk [tilespmem:v53+s4+$0x0], $0xffff  }
0x33b: {  	v43 =	vld.idx.msk [tilespmem:v54+s1+$0x0], $0xffff  }
0x33c: {  	v57 =	vld.idx.msk [tilespmem:v55+s1+$0x0], $0xffff;
	_ =	sdelay $0x4  }
0x33d: {  	v42 =	vmul.f32 v43, v42;
	v58 =	vmul.f32 v57, v56;
	_ =	sdelay $0x1  }
0x33e: {  	v42 =	vmul.f32 v42, v40;
	v43 =	vmul.f32 v58, v41;
	_ =	sdelay $0x1  }
0x33f: {  	v42 =	vadd.f32 v43, v42;
	_ =	sdelay $0x1  }
0x340: {  	[tilespmem:$0x184D5] =	vst v42  }
0x341: {  	_ =	swait.ge [sflag:s12], $0x1000  }
0x342: {  	[sflag:s12] =	ssyncset.done $0x0  }
0x343: {  	[sflag:s12] =	ssyncadd.s32 $0xFFFFF000  }
0x344: {  	_ =	swait.ge [sflag:s12], $0x1000  }
0x345: {  	[sflag:s12] =	ssyncset.done $0x0  }
0x346: {  	[sflag:s12] =	ssyncadd.s32 $0xFFFFF000  }
0x347: {  	_ =	swait.ge [sflag:s12], $0x1000  }
0x348: {  	[sflag:s12] =	ssyncset.done $0x0  }
0x349: {  	[sflag:s12] =	ssyncadd.s32 $0xFFFFF000  }
0x34a: {  	_ =	swait.ge [sflag:s12], $0x1000  }
0x34b: {  	[sflag:s12] =	ssyncset.done $0x0  }
0x34c: {  	[sflag:s12] =	ssyncadd.s32 $0xFFFFF000  }
0x34d: {  	s3 =	sld [smem:$0x3EC];
	_ =	sdelay $0x1  }
0x34e: {  	s16 =	sld [smem:$0x3ED]  }
0x34f: {  	s3 =	sand.u32 $0x7F, s3  }
0x350: {  	v59 =	vor.u32 s3, v20  }
0x351: {  	s16 =	sand.u32 $0x7F, s16;
	v60 =	vor.u32 s3, v22  }
0x352: {  	v61 =	vor.u32 s16, v20  }
0x353: {  	v62 =	vor.u32 s16, v22;
	_ =	sdelay $0x1  }
0x354: {  	v42 =	vld.idx.msk [tilespmem:v59+s4+$0x0], $0xffff  }
0x355: {  	v43 =	vld.idx.msk [tilespmem:v60+s4+$0x0], $0xffff  }
0x356: {  	v44 =	vld.idx.msk [tilespmem:v61+s1+$0x0], $0xffff  }
0x357: {  	v45 =	vld.idx.msk [tilespmem:v62+s1+$0x0], $0xffff;
	_ =	sdelay $0x2  }
0x358: {  	s3 =	sld [smem:$0x3EE];
	_ =	sdelay $0x1  }
0x359: {  	s16 =	sld [smem:$0x3EF];
	v42 =	vmul.f32 v44, v42;
	v43 =	vmul.f32 v45, v43  }
0x35a: {  	s3 =	sand.u32 $0x7F, s3  }
0x35b: {  	v63 =	vor.u32 s3, v23;
	v42 =	vmul.f32 v42, v40;
	v43 =	vmul.f32 v43, v41  }
0x35c: {  	s16 =	sand.u32 $0x7F, s16;
	v48 =	vor.u32 s3, v24  }
0x35d: {  	v49 =	vor.u32 s16, v23;
	v42 =	vadd.f32 v43, v42  }
0x35e: {  	v50 =	vor.u32 s16, v24  }
0x35f: {  	[tilespmem:$0x184E6] =	vst v42  }
0x360: {  	v42 =	vld.idx.msk [tilespmem:v63+s4+$0x0], $0xffff  }
0x361: {  	v51 =	vld.idx.msk [tilespmem:v48+s4+$0x0], $0xffff  }
0x362: {  	v43 =	vld.idx.msk [tilespmem:v49+s1+$0x0], $0xffff  }
0x363: {  	v52 =	vld.idx.msk [tilespmem:v50+s1+$0x0], $0xffff;
	_ =	sdelay $0x4  }
0x364: {  	v42 =	vmul.f32 v43, v42;
	v53 =	vmul.f32 v52, v51;
	_ =	sdelay $0x1  }
0x365: {  	v42 =	vmul.f32 v42, v40;
	v43 =	vmul.f32 v53, v41;
	_ =	sdelay $0x1  }
0x366: {  	v42 =	vadd.f32 v43, v42;
	_ =	sdelay $0x1  }
0x367: {  	[tilespmem:$0x184F7] =	vst v42  }
0x368: {  	_ =	swait.ge [sflag:s19], $0x1000  }
0x369: {  	[sflag:s19] =	ssyncset.done $0x0  }
0x36a: {  	[sflag:s19] =	ssyncadd.s32 $0xFFFFF000  }
0x36b: {  	_ =	swait.ge [sflag:s19], $0x1000  }
0x36c: {  	[sflag:s19] =	ssyncset.done $0x0  }
0x36d: {  	[sflag:s19] =	ssyncadd.s32 $0xFFFFF000  }
0x36e: {  	s16 =	sand.u32 $0x7F, s25;
	_ =	swait.ge [sflag:s19], $0x1000  }
0x36f: {  	v54 =	vor.u32 s16, v0;
	[sflag:s19] =	ssyncset.done $0x0  }
0x370: {  	s24 =	sand.u32 $0x7F, s24;
	v55 =	vor.u32 s16, v1;
	[sflag:s19] =	ssyncadd.s32 $0xFFFFF000  }
0x371: {  	v56 =	vor.u32 s24, v0;
	_ =	swait.ge [sflag:s19], $0x1000  }
0x372: {  	v57 =	vor.u32 s24, v1;
	[sflag:s19] =	ssyncset.done $0x0  }
0x373: {  	[sflag:s19] =	ssyncadd.s32 $0xFFFFF000  }
0x374: {  	v42 =	vld.idx.msk [tilespmem:v54+s4+$0x0], $0xffff  }
0x375: {  	v43 =	vld.idx.msk [tilespmem:v55+s4+$0x0], $0xffff  }
0x376: {  	v44 =	vld.idx.msk [tilespmem:v56+s1+$0x0], $0xffff  }
0x377: {  	v45 =	vld.idx.msk [tilespmem:v57+s1+$0x0], $0xffff;
	_ =	sdelay $0x4  }
0x378: {  	v42 =	vmul.f32 v44, v42;
	v43 =	vmul.f32 v45, v43  }
0x379: {  	s25 =	sand.u32 $0x7F, s23  }
0x37a: {  	v58 =	vor.u32 s25, v2;
	v42 =	vmul.f32 v42, v40;
	v43 =	vmul.f32 v43, v41  }
0x37b: {  	v59 =	vor.u32 s25, v3;
	s16 =	sand.u32 $0x7F, s21  }
0x37c: {  	v60 =	vor.u32 s16, v2;
	v42 =	vadd.f32 v43, v42  }
0x37d: {  	v61 =	vor.u32 s16, v3  }
0x37e: {  	[tilespmem:$0x18508] =	vst v42  }
0x37f: {  	v42 =	vld.idx.msk [tilespmem:v58+s4+$0x0], $0xffff  }
0x380: {  	v62 =	vld.idx.msk [tilespmem:v59+s4+$0x0], $0xffff  }
0x381: {  	v43 =	vld.idx.msk [tilespmem:v60+s1+$0x0], $0xffff  }
0x382: {  	v63 =	vld.idx.msk [tilespmem:v61+s1+$0x0], $0xffff;
	_ =	sdelay $0x4  }
0x383: {  	v42 =	vmul.f32 v43, v42;
	v47 =	vmul.f32 v63, v62;
	_ =	sdelay $0x1  }
0x384: {  	v42 =	vmul.f32 v42, v40;
	v43 =	vmul.f32 v47, v41;
	_ =	sdelay $0x1  }
0x385: {  	v42 =	vadd.f32 v43, v42;
	_ =	sdelay $0x1  }
0x386: {  	[tilespmem:$0x18519] =	vst v42  }
0x387: {  	_ =	swait.ge [sflag:s6], $0x1000  }
0x388: {  	[sflag:s6] =	ssyncset.done $0x0  }
0x389: {  	[sflag:s6] =	ssyncadd.s32 $0xFFFFF000  }
0x38a: {  	_ =	swait.ge [sflag:s6], $0x1000  }
0x38b: {  	[sflag:s6] =	ssyncset.done $0x0  }
0x38c: {  	[sflag:s6] =	ssyncadd.s32 $0xFFFFF000  }
0x38d: {  	s21 =	sand.u32 $0x7F, s29;
	_ =	swait.ge [sflag:s6], $0x1000  }
0x38e: {  	v48 =	vor.u32 s21, v4;
	[sflag:s6] =	ssyncset.done $0x0  }
0x38f: {  	s23 =	sand.u32 $0x7F, s28;
	v49 =	vor.u32 s21, v5;
	[sflag:s6] =	ssyncadd.s32 $0xFFFFF000  }
0x390: {  	v50 =	vor.u32 s23, v4;
	_ =	swait.ge [sflag:s6], $0x1000  }
0x391: {  	v51 =	vor.u32 s23, v5;
	[sflag:s6] =	ssyncset.done $0x0  }
0x392: {  	[sflag:s6] =	ssyncadd.s32 $0xFFFFF000  }
0x393: {  	v42 =	vld.idx.msk [tilespmem:v48+s4+$0x0], $0xffff  }
0x394: {  	v43 =	vld.idx.msk [tilespmem:v49+s4+$0x0], $0xffff  }
0x395: {  	v44 =	vld.idx.msk [tilespmem:v50+s1+$0x0], $0xffff  }
0x396: {  	v45 =	vld.idx.msk [tilespmem:v51+s1+$0x0], $0xffff;
	_ =	sdelay $0x4  }
0x397: {  	v42 =	vmul.f32 v44, v42;
	v43 =	vmul.f32 v45, v43  }
0x398: {  	s24 =	sand.u32 $0x7F, s26  }
0x399: {  	v52 =	vor.u32 s24, v6;
	v42 =	vmul.f32 v42, v40;
	v43 =	vmul.f32 v43, v41  }
0x39a: {  	s25 =	sand.u32 $0x7F, s18;
	v53 =	vor.u32 s24, v7  }
0x39b: {  	v54 =	vor.u32 s25, v6;
	v42 =	vadd.f32 v43, v42  }
0x39c: {  	v55 =	vor.u32 s25, v7  }
0x39d: {  	[tilespmem:$0x1852A] =	vst v42  }
0x39e: {  	v42 =	vld.idx.msk [tilespmem:v52+s4+$0x0], $0xffff  }
0x39f: {  	v56 =	vld.idx.msk [tilespmem:v53+s4+$0x0], $0xffff  }
0x3a0: {  	v43 =	vld.idx.msk [tilespmem:v54+s1+$0x0], $0xffff  }
0x3a1: {  	v57 =	vld.idx.msk [tilespmem:v55+s1+$0x0], $0xffff;
	_ =	sdelay $0x4  }
0x3a2: {  	v42 =	vmul.f32 v43, v42;
	v58 =	vmul.f32 v57, v56;
	_ =	sdelay $0x1  }
0x3a3: {  	v42 =	vmul.f32 v42, v40;
	v43 =	vmul.f32 v58, v41;
	_ =	sdelay $0x1  }
0x3a4: {  	v42 =	vadd.f32 v43, v42;
	_ =	sdelay $0x1  }
0x3a5: {  	[tilespmem:$0x1853B] =	vst v42  }
0x3a6: {  	_ =	swait.ge [sflag:s5], $0x1000  }
0x3a7: {  	[sflag:s5] =	ssyncset.done $0x0  }
0x3a8: {  	[sflag:s5] =	ssyncadd.s32 $0xFFFFF000  }
0x3a9: {  	_ =	swait.ge [sflag:s5], $0x1000  }
0x3aa: {  	[sflag:s5] =	ssyncset.done $0x0  }
0x3ab: {  	[sflag:s5] =	ssyncadd.s32 $0xFFFFF000  }
0x3ac: {  	_ =	swait.ge [sflag:s5], $0x1000  }
0x3ad: {  	s26 =	rddreg [dreg:$0x17]  }
0x3ae: {  	s3 =	sand.u32 $0x7F, s26  }
0x3af: {  	[sflag:s5] =	ssyncset.done $0x0;
	s28 =	rddreg [dreg:$0x16];
	v59 =	vor.u32 s3, v8  }
0x3b0: {  	[sflag:s5] =	ssyncadd.s32 $0xFFFFF000;
	v60 =	vor.u32 s3, v9;
	s3 =	sand.u32 $0x7F, s28  }
0x3b1: {  	_ =	swait.ge [sflag:s5], $0x1000;
	v61 =	vor.u32 s3, v8  }
0x3b2: {  	v62 =	vor.u32 s3, v9;
	[sflag:s5] =	ssyncset.done $0x0  }
0x3b3: {  	[sflag:s5] =	ssyncadd.s32 $0xFFFFF000  }
0x3b4: {  	v42 =	vld.idx.msk [tilespmem:v59+s4+$0x0], $0xffff  }
0x3b5: {  	v43 =	vld.idx.msk [tilespmem:v60+s4+$0x0], $0xffff  }
0x3b6: {  	v44 =	vld.idx.msk [tilespmem:v61+s1+$0x0], $0xffff  }
0x3b7: {  	v45 =	vld.idx.msk [tilespmem:v62+s1+$0x0], $0xffff;
	_ =	sdelay $0x4  }
0x3b8: {  	s29 =	rddreg [dreg:$0x15];
	v42 =	vmul.f32 v44, v42;
	v43 =	vmul.f32 v45, v43  }
0x3b9: {  	s3 =	sand.u32 $0x7F, s29  }
0x3ba: {  	v63 =	vor.u32 s3, v10;
	v42 =	vmul.f32 v42, v40;
	v43 =	vmul.f32 v43, v41  }
0x3bb: {  	s16 =	sand.u32 $0x7F, s30;
	v48 =	vor.u32 s3, v11  }
0x3bc: {  	v49 =	vor.u32 s16, v10;
	v42 =	vadd.f32 v43, v42  }
0x3bd: {  	v50 =	vor.u32 s16, v11  }
0x3be: {  	[tilespmem:$0x1854C] =	vst v42  }
0x3bf: {  	v42 =	vld.idx.msk [tilespmem:v63+s4+$0x0], $0xffff  }
0x3c0: {  	v51 =	vld.idx.msk [tilespmem:v48+s4+$0x0], $0xffff  }
0x3c1: {  	v43 =	vld.idx.msk [tilespmem:v49+s1+$0x0], $0xffff  }
0x3c2: {  	v52 =	vld.idx.msk [tilespmem:v50+s1+$0x0], $0xffff;
	_ =	sdelay $0x4  }
0x3c3: {  	v42 =	vmul.f32 v43, v42;
	v53 =	vmul.f32 v52, v51;
	_ =	sdelay $0x1  }
0x3c4: {  	v42 =	vmul.f32 v42, v40;
	v43 =	vmul.f32 v53, v41;
	_ =	sdelay $0x1  }
0x3c5: {  	v42 =	vadd.f32 v43, v42;
	_ =	sdelay $0x1  }
0x3c6: {  	[tilespmem:$0x1855D] =	vst v42  }
0x3c7: {  	_ =	swait.ge [sflag:s22], $0x1000  }
0x3c8: {  	[sflag:s22] =	ssyncset.done $0x0  }
0x3c9: {  	[sflag:s22] =	ssyncadd.s32 $0xFFFFF000  }
0x3ca: {  	_ =	swait.ge [sflag:s22], $0x1000  }
0x3cb: {  	[sflag:s22] =	ssyncset.done $0x0  }
0x3cc: {  	[sflag:s22] =	ssyncadd.s32 $0xFFFFF000  }
0x3cd: {  	s18 =	sand.u32 $0x7F, s13;
	_ =	swait.ge [sflag:s22], $0x1000  }
0x3ce: {  	v54 =	vor.u32 s18, v12;
	[sflag:s22] =	ssyncset.done $0x0  }
0x3cf: {  	s21 =	sand.u32 $0x7F, s14;
	v55 =	vor.u32 s18, v13;
	[sflag:s22] =	ssyncadd.s32 $0xFFFFF000  }
0x3d0: {  	v56 =	vor.u32 s21, v12;
	_ =	swait.ge [sflag:s22], $0x1000  }
0x3d1: {  	v57 =	vor.u32 s21, v13;
	[sflag:s22] =	ssyncset.done $0x0  }
0x3d2: {  	[sflag:s22] =	ssyncadd.s32 $0xFFFFF000  }
0x3d3: {  	v42 =	vld.idx.msk [tilespmem:v54+s4+$0x0], $0xffff  }
0x3d4: {  	v43 =	vld.idx.msk [tilespmem:v55+s4+$0x0], $0xffff  }
0x3d5: {  	v44 =	vld.idx.msk [tilespmem:v56+s1+$0x0], $0xffff  }
0x3d6: {  	v45 =	vld.idx.msk [tilespmem:v57+s1+$0x0], $0xffff;
	_ =	sdelay $0x4  }
0x3d7: {  	v42 =	vmul.f32 v44, v42;
	v43 =	vmul.f32 v45, v43  }
0x3d8: {  	s23 =	sand.u32 $0x7F, s15  }
0x3d9: {  	v58 =	vor.u32 s23, v14;
	s24 =	rddreg [dreg:$0x18];
	v42 =	vmul.f32 v42, v40;
	v43 =	vmul.f32 v43, v41  }
0x3da: {  	v59 =	vor.u32 s23, v15;
	s3 =	sand.u32 $0x7F, s24  }
0x3db: {  	v60 =	vor.u32 s3, v14;
	v42 =	vadd.f32 v43, v42  }
0x3dc: {  	v61 =	vor.u32 s3, v15  }
0x3dd: {  	[tilespmem:$0x1856E] =	vst v42  }
0x3de: {  	v42 =	vld.idx.msk [tilespmem:v58+s4+$0x0], $0xffff  }
0x3df: {  	v62 =	vld.idx.msk [tilespmem:v59+s4+$0x0], $0xffff  }
0x3e0: {  	v43 =	vld.idx.msk [tilespmem:v60+s1+$0x0], $0xffff  }
0x3e1: {  	v63 =	vld.idx.msk [tilespmem:v61+s1+$0x0], $0xffff;
	_ =	sdelay $0x4  }
0x3e2: {  	v42 =	vmul.f32 v43, v42;
	v46 =	vmul.f32 v63, v62;
	_ =	sdelay $0x1  }
0x3e3: {  	v47 =	vmul.f32 v42, v40;
	v48 =	vmul.f32 v46, v41;
	_ =	sdelay $0x1  }
0x3e4: {  	v40 =	vadd.f32 v48, v47;
	_ =	sdelay $0x1  }
0x3e5: {  	[tilespmem:$0x1857F] =	vst v40  }
0x3e6: {  	v40 =	vld.idx.msk [tilespmem:v21+s17+$0x0], $0xffff  }
0x3e7: {  	v49 =	vld.idx.msk [tilespmem:v25+s17+$0x0], $0xffff;
	_ =	sdelay $0x1  }
0x3e8: {  	v50 =	vld.idx.msk [tilespmem:v26+s17+$0x0], $0xffff;
	_ =	sdelay $0x1  }
0x3e9: {  	v51 =	vld.idx.msk [tilespmem:v27+s17+$0x0], $0xffff  }
0x3ea: {  	v40 =	vadd.f32 v49, v40  }
0x3eb: {  	v52 =	vld.idx.msk [tilespmem:v28+s17+$0x0], $0xffff  }
0x3ec: {  	v40 =	vadd.f32 v50, v40  }
0x3ed: {  	v53 =	vld.idx.msk [tilespmem:v29+s17+$0x0], $0xffff  }
0x3ee: {  	v40 =	vadd.f32 v51, v40  }
0x3ef: {  	v54 =	vld.idx.msk [tilespmem:v30+s17+$0x0], $0xffff  }
0x3f0: {  	v40 =	vadd.f32 v52, v40  }
0x3f1: {  	v55 =	vld.idx.msk [tilespmem:v31+s17+$0x0], $0xffff  }
0x3f2: {  	v40 =	vadd.f32 v53, v40  }
0x3f3: {  	v56 =	vld.idx.msk [tilespmem:v32+s17+$0x0], $0xffff  }
0x3f4: {  	v40 =	vadd.f32 v54, v40  }
0x3f5: {  	v57 =	vld.idx.msk [tilespmem:v33+s17+$0x0], $0xffff  }
0x3f6: {  	v40 =	vadd.f32 v55, v40  }
0x3f7: {  	v58 =	vld.idx.msk [tilespmem:v34+s17+$0x0], $0xffff  }
0x3f8: {  	v40 =	vadd.f32 v56, v40  }
0x3f9: {  	v59 =	vld.idx.msk [tilespmem:v35+s17+$0x0], $0xffff  }
0x3fa: {  	v40 =	vadd.f32 v57, v40  }
0x3fb: {  	v60 =	vld.idx.msk [tilespmem:v36+s17+$0x0], $0xffff  }
0x3fc: {  	v40 =	vadd.f32 v58, v40  }
0x3fd: {  	v61 =	vld.idx.msk [tilespmem:v37+s17+$0x0], $0xffff  }
0x3fe: {  	v40 =	vadd.f32 v59, v40  }
0x3ff: {  	v62 =	vld.idx.msk [tilespmem:v38+s17+$0x0], $0xffff  }
0x400: {  	v40 =	vadd.f32 v60, v40  }
0x401: {  	v63 =	vld.idx.msk [tilespmem:v39+s17+$0x0], $0xffff  }
0x402: {  	v40 =	vadd.f32 v61, v40;
	_ =	sdelay $0x1  }
0x403: {  	v40 =	vadd.f32 v62, v40;
	_ =	sdelay $0x1  }
0x404: {  	v40 =	vadd.f32 v63, v40;
	_ =	sdelay $0x1  }
0x405: {  	v40 =	vsub.f32 $0.0e+00, v40;
	_ =	sdelay $0x1  }
0x406: {  	v40 =	vmul.f32 $1.442695020e+00, v40;
	_ =	sdelay $0x1  }
0x407: {  	(erf) = vpow2.f32 v40;
	_ =	sdelay $0x8  }
0x408: {  	v40 =	vpop (erf)  }
0x409: {  	v40 =	vadd.f32 $1.000000000e+00, v40;
	_ =	sdelay $0x1  }
0x40a: {  	(erf) = vrcp.f32 v40;
	_ =	sdelay $0x8  }
0x40b: {  	s13 =	simm.s32 $0x0;
	v40 =	vpop (erf)  }
0x40c: {  	s26 =	simm.s32 $0x18600;
	s28 =	simm.s32 $0x7;
	s25 =	rddreg [dreg:$0xa];
	[tilespmem:$0x187F0] =	vst v40  }
0x40d: {  	[hbm4b:s25+s13] =	stream.linear.scatter [tilespmem:s26], [sflag:$0x7], $0x200, $0x38;
	[tilespmem:$0x18800] =	vst v63  }
0x40e: {  	_ =	swait.ge [sflag:s28], $0x200  }
0x40f: {  	s29 =	rddreg [dreg:$0x14]  }
0x410: {  	s30 =	rddreg [dreg:$0xb];
	s15 =	sadd.s32 $0x1, s29  }
0x411: {  	p0 =	sne.s32 s15, s30  }
.Ltmp1:
0x412: {  	_ = 	snop;
	(pc) =	sbr.rel @p0 .LBB2_1-.Ltmp1, $3  }
0x413: {  	_ =	sdelay $0x1  }
0x414: {  	[sflag:s28] =	ssyncset.done $0x0  }
0x415: {  	[sflag:s28] =	ssyncadd.s32 $0xFFFFFE00  }
0x416: {  	_ =	sfence.sel $0x180000  }
0x417: {  	[bflag:$0x0] =	sbarrier.arrive $0xFFFF  }
0x418: {  	_ =	strace $0x90000047  }
0x419: {  	s0 =	stileid.u32;
	[bflag:$0x2] =	sbarrier.arrive $0xFFFF  }
0x41a: {  	p0 =	sne.s32 s0, $0x0;
	s0 =	rddreg [dreg:$0x6]  }
0x41b: {  	s0 =	sadd.s32 @!p0 $0x100000, s0  }
0x41c: {  	[sflag:s0] =	ssyncadd.tile.s32 @!p0 $0x1;
	_ =	shalt  }
.Lfunc_end2:
_tile_overlayer_lowered:
.L_overlay_start_2:
0x41d: {  	(tag) =	ssettag $0x2  }
0x41e: {  	s0 =	rddreg [dreg:$0x0];
	s2 =	stileid.u32  }
0x41f: {  	s1 =	rddreg [dreg:$0x1];
	p0 =	sne.s32 s2, $0x0  }
0x420: {  	s3 =	rddreg [dreg:$0x2];
	[bflag:$0x3] =	sbarrier.arrive $0xFFFF;
	s2 =	simm.s32 @!p0 $0x1C07  }
0x421: {  	[timem:s3], [sflag:s2] =	dma.local @!p0 [hbm:s0], s1  }
0x422: {  	s0 =	simm.s32 @!p0 $0x7  }
0x423: {  	_ =	swait.ge @!p0 [sflag:s0], s1  }
0x424: {  	s1 =	ssub.s32 @!p0 $0x0, s1;
	[sflag:s0] =	ssyncset.done @!p0 $0x0  }
0x425: {  	[sflag:s0] =	ssyncadd.s32 @!p0 s1  }
0x426: {  	[bflag:$0x3] =	sbarrier.arrive $0xFFFF  }
0x427: {  	_ =	shalt  }

</sc_bundles>
